<compile_context>
chip_gen: v7x
topology: tpu7x:2x2x1
jax: 0.10.2.dev20260603
libtpu: 0.0.44.dev20260713+nightly
codegen_flags: <defaults>
</compile_context>

<pallas_src>
import functools
import jax
import jax.numpy as jnp
from jax import lax
from jax.experimental import pallas as pl
from jax.experimental.pallas import tpu as pltpu
from jax.experimental.pallas import tpu_sc as plsc

N = 10000
E = 320000
D = 128
DE = 16

NC = 2
NS = 16
NW = NC * NS
EPW = E // NW
KC = 128
NF = EPW // KC
KT = EPW - NF * KC
ROWS = N // NS
ZR = 25

_mesh = plsc.VectorSubcoreMesh(core_axis_name="c", subcore_axis_name="s")
_sc_params = pltpu.CompilerParams(use_tc_tiling_on_sc=False)



def _pre_body(h_ref, wi_ref, wj_ref, wh_ref, hs_ref, hr_ref, hh_ref):
    hb = h_ref[...]
    hs_ref[...] = jnp.dot(hb, wi_ref[...], preferred_element_type=jnp.float32)
    hr_ref[...] = jnp.dot(hb, wj_ref[...], preferred_element_type=jnp.float32)
    hh_ref[...] = jnp.dot(hb, wh_ref[...], preferred_element_type=jnp.float32)


def _precompute(h, w1hi, w1hj, wh1a):
    bn = 2000
    blk = pl.BlockSpec((bn, D), lambda i: (i, 0))
    wblk = pl.BlockSpec((D, D), lambda i: (0, 0))
    outf = jax.ShapeDtypeStruct((N, D), jnp.float32)
    return pl.pallas_call(
        _pre_body,
        grid=(N // bn,),
        in_specs=[blk, wblk, wblk, wblk],
        out_specs=[blk, blk, blk],
        out_shape=[outf, outf, outf],
    )(h, w1hi, w1hj, wh1a)



def _sc_gather_body(hs_hbm, hr_hbm, xp_hbm, s_hbm, r_hbm, w1r_hbm,
                    g_hbm, xd_hbm,
                    sall, rall, w1rv,
                    bufa0, bufb0, bufxs0, bufxr0,
                    bufa1, bufb1, bufxs1, bufxr1,
                    bufa2, bufb2, bufxs2, bufxr2,
                    gsem0, gsem1, gsem2, wsem0, wsem1, wsem2):
    c = lax.axis_index("c")
    s = lax.axis_index("s")
    wid = c * NS + s
    base0 = wid * EPW
    pltpu.sync_copy(w1r_hbm, w1rv)
    pltpu.sync_copy(s_hbm.at[pl.ds(base0, EPW)], sall)
    pltpu.sync_copy(r_hbm.at[pl.ds(base0, EPW)], rall)

    sets = ((bufa0, bufb0, bufxs0, bufxr0, gsem0, wsem0),
            (bufa1, bufb1, bufxs1, bufxr1, gsem1, wsem1),
            (bufa2, bufb2, bufxs2, bufxr2, gsem2, wsem2))

    def start_gathers(i, b):
        ba, bb, bxs, bxr, gs, _ = sets[b]
        off = pl.multiple_of(i * KC, 8)
        si = sall.at[pl.ds(off, KC)]
        ri = rall.at[pl.ds(off, KC)]
        pltpu.async_copy(hs_hbm.at[si], ba, gs)
        pltpu.async_copy(hr_hbm.at[ri], bb, gs)
        pltpu.async_copy(xp_hbm.at[si], bxs, gs)
        pltpu.async_copy(xp_hbm.at[ri], bxr, gs)

    def wait_gathers(b):
        ba, bb, bxs, bxr, gs, _ = sets[b]
        pltpu.make_async_copy(hs_hbm.at[pl.ds(0, KC)], ba, gs).wait()
        pltpu.make_async_copy(hr_hbm.at[pl.ds(0, KC)], bb, gs).wait()
        pltpu.make_async_copy(xp_hbm.at[pl.ds(0, KC)], bxs, gs).wait()
        pltpu.make_async_copy(xp_hbm.at[pl.ds(0, KC)], bxr, gs).wait()

    def compute(b, nrows):
        ba, bb, bxs, bxr, _, _ = sets[b]

        def row(e, cr):
            v = bxs[e, :] - bxr[e, :]
            bxs[e, :] = v
            sq = v * v
            rad = sq[0] + sq[1] + sq[2]
            for j in range(D // 16):
                sl = pl.ds(j * 16, 16)
                ba[e, sl] = ba[e, sl] + bb[e, sl] + rad * w1rv[sl]
            return cr

        lax.fori_loop(0, nrows, row, 0)

    def start_writes(i, b):
        ba, _, bxs, _, _, ws = sets[b]
        base = pl.multiple_of(base0 + i * KC, 8)
        pltpu.async_copy(ba, g_hbm.at[pl.ds(base, KC)], ws)
        pltpu.async_copy(bxs, xd_hbm.at[pl.ds(base, KC)], ws)

    def wait_writes(b):
        ba, _, bxs, _, _, ws = sets[b]
        pltpu.make_async_copy(ba, g_hbm.at[pl.ds(0, KC)], ws).wait()
        pltpu.make_async_copy(bxs, xd_hbm.at[pl.ds(0, KC)], ws).wait()

    start_gathers(0, 0)
    start_gathers(1, 1)

    NT = NF // 3

    def triple(t, carry):
        wait_gathers(0)
        compute(0, KC)
        start_writes(3 * t, 0)

        @pl.when(t > 0)
        def _():
            wait_writes(2)

        start_gathers(3 * t + 2, 2)

        wait_gathers(1)
        compute(1, KC)
        start_writes(3 * t + 1, 1)

        @pl.when(t < NT - 1)
        def _():
            wait_writes(0)
            start_gathers(3 * t + 3, 0)

        wait_gathers(2)
        compute(2, KC)
        start_writes(3 * t + 2, 2)

        @pl.when(t < NT - 1)
        def _():
            wait_writes(1)
            start_gathers(3 * t + 4, 1)

        return carry

    lax.fori_loop(0, NT, triple, 0)

    ba, bb, bxs, bxr, gs, ws = sets[0]
    toff = NF * KC
    sv = sall[pl.ds(toff, KT)]
    rv = rall[pl.ds(toff, KT)]
    wait_writes(0)
    pltpu.async_copy(hs_hbm.at[sv], ba.at[pl.ds(0, KT)], gs)
    pltpu.async_copy(hr_hbm.at[rv], bb.at[pl.ds(0, KT)], gs)
    pltpu.async_copy(xp_hbm.at[sv], bxs.at[pl.ds(0, KT)], gs)
    pltpu.async_copy(xp_hbm.at[rv], bxr.at[pl.ds(0, KT)], gs)
    pltpu.make_async_copy(hs_hbm.at[pl.ds(0, KT)], ba.at[pl.ds(0, KT)], gs).wait()
    pltpu.make_async_copy(hr_hbm.at[pl.ds(0, KT)], bb.at[pl.ds(0, KT)], gs).wait()
    pltpu.make_async_copy(xp_hbm.at[pl.ds(0, KT)], bxs.at[pl.ds(0, KT)], gs).wait()
    pltpu.make_async_copy(xp_hbm.at[pl.ds(0, KT)], bxr.at[pl.ds(0, KT)], gs).wait()
    compute(0, KT)
    tb = pl.multiple_of(base0 + toff, 8)
    pltpu.async_copy(ba.at[pl.ds(0, KT)], g_hbm.at[pl.ds(tb, KT)], ws)
    pltpu.async_copy(bxs.at[pl.ds(0, KT)], xd_hbm.at[pl.ds(tb, KT)], ws)
    wait_writes(1)
    wait_writes(2)
    pltpu.make_async_copy(ba.at[pl.ds(0, KT)], g_hbm.at[pl.ds(0, KT)], ws).wait()
    pltpu.make_async_copy(bxs.at[pl.ds(0, KT)], xd_hbm.at[pl.ds(0, KT)], ws).wait()


_sc_gather = functools.partial(
    pl.kernel,
    mesh=_mesh,
    out_type=[jax.ShapeDtypeStruct((E, D), jnp.float32),
              jax.ShapeDtypeStruct((E, 16), jnp.float32)],
    scratch_types=[pltpu.VMEM((EPW,), jnp.int32),
                   pltpu.VMEM((EPW,), jnp.int32),
                   pltpu.VMEM((D,), jnp.float32)]
    + [pltpu.VMEM((KC, D), jnp.float32),
       pltpu.VMEM((KC, D), jnp.float32),
       pltpu.VMEM((KC, 16), jnp.float32),
       pltpu.VMEM((KC, 16), jnp.float32)] * 3
    + [pltpu.SemaphoreType.DMA] * 6,
    compiler_params=_sc_params,
)(_sc_gather_body)



BE = 2560


def _edge_body(g_ref, ea_ref, em_ref, we2_ref, wx1_ref, wea_ref,
               aux_ref, m_ref, p_ref):
    g = g_ref[...]
    aux = aux_ref[...]
    be1 = aux[1:2, :]
    be2 = aux[2:3, :]
    bx1 = aux[3:4, :]
    watt = aux[5:6, :]
    wx2 = aux[6:7, :]
    batt = aux[4, 0]
    bx2 = aux[4, 1]

    t1 = g + jnp.dot(ea_ref[...], wea_ref[...],
                     preferred_element_type=jnp.float32) + be1
    o1 = t1 * jax.nn.sigmoid(t1)
    t2 = jnp.dot(o1, we2_ref[...], preferred_element_type=jnp.float32) + be2
    o2 = t2 * jax.nn.sigmoid(t2)
    att = jax.nn.sigmoid(jnp.sum(o2 * watt, axis=1, keepdims=True) + batt)
    m = o2 * att * em_ref[...]
    m_ref[...] = m
    t3 = jnp.dot(m, wx1_ref[...], preferred_element_type=jnp.float32) + bx1
    h3 = t3 * jax.nn.sigmoid(t3)
    p = jnp.sum(h3 * wx2, axis=1, keepdims=True) + bx2
    p_ref[...] = p.reshape(1, BE // 128, 128)


def _edge_mlp(g, ea, em, we2, wx1, wea, aux):
    return pl.pallas_call(
        _edge_body,
        grid=(E // BE,),
        in_specs=[pl.BlockSpec((BE, D), lambda i: (i, 0)),
                  pl.BlockSpec((BE, DE), lambda i: (i, 0)),
                  pl.BlockSpec((BE, 1), lambda i: (i, 0)),
                  pl.BlockSpec((D, D), lambda i: (0, 0)),
                  pl.BlockSpec((D, D), lambda i: (0, 0)),
                  pl.BlockSpec((DE, D), lambda i: (0, 0)),
                  pl.BlockSpec((8, D), lambda i: (0, 0))],
        out_specs=[pl.BlockSpec((BE, D), lambda i: (i, 0)),
                   pl.BlockSpec((1, BE // 128, 128), lambda i: (i, 0, 0))],
        out_shape=[jax.ShapeDtypeStruct((E, D), jnp.float32),
                   jax.ShapeDtypeStruct((E // BE, BE // 128, 128), jnp.float32)],
    )(g, ea, em, we2, wx1, wea, aux)



def _sc_scatter_body(s_hbm, m_hbm, xd_hbm, p_hbm, mi_hbm, xa_hbm,
                     zbuf, zbufx,
                     sidx0, mbuf0, xdbuf0, pbuf0, sidx1, mbuf1, xdbuf1, pbuf1,
                     accm, accx,
                     lsem0, lsem1, ssem0, ssem1):
    c = lax.axis_index("c")
    s = lax.axis_index("s")
    wid = c * NS + s
    base0 = wid * EPW

    def zrow(e, cr):
        for j in range(D // 16):
            zbuf[e, pl.ds(j * 16, 16)] = jnp.zeros((16,), jnp.float32)
        zbufx[e, :] = jnp.zeros((16,), jnp.float32)
        return cr

    lax.fori_loop(0, ZR, zrow, 0)

    def zcp(t, cr):
        rb = s * ROWS + t * ZR
        pltpu.sync_copy(zbuf, accm.at[pl.ds(rb, ZR)])
        pltpu.sync_copy(zbufx, accx.at[pl.ds(rb, ZR)])
        return cr

    lax.fori_loop(0, ROWS // ZR, zcp, 0)
    plsc.subcore_barrier()

    iota16 = lax.iota(jnp.int32, 16)
    e3v = jnp.where(iota16 == 3, 1.0, 0.0).astype(jnp.float32)

    sets = ((sidx0, mbuf0, xdbuf0, pbuf0, lsem0, ssem0),
            (sidx1, mbuf1, xdbuf1, pbuf1, lsem1, ssem1))

    def start_loads(i, b):
        si, mb, xb, pb, ls, _ = sets[b]
        base = pl.multiple_of(base0 + i * KC, 8)
        pltpu.async_copy(s_hbm.at[pl.ds(base, KC)], si, ls)
        pltpu.async_copy(m_hbm.at[pl.ds(base, KC)], mb, ls)
        pltpu.async_copy(xd_hbm.at[pl.ds(base, KC)], xb, ls)
        pltpu.async_copy(p_hbm.at[pl.ds(base, KC)], pb, ls)

    def wait_loads(b):
        si, mb, xb, pb, ls, _ = sets[b]
        pltpu.make_async_copy(s_hbm.at[pl.ds(0, KC)], si, ls).wait()
        pltpu.make_async_copy(m_hbm.at[pl.ds(0, KC)], mb, ls).wait()
        pltpu.make_async_copy(xd_hbm.at[pl.ds(0, KC)], xb, ls).wait()
        pltpu.make_async_copy(p_hbm.at[pl.ds(0, KC)], pb, ls).wait()

    def compute(i, b):
        _, _, xb, pb, _, _ = sets[b]

        def grp(g, cr):
            pv = pb[pl.ds(g * 16, 16)]
            for l in range(16):
                e = g * 16 + l
                xb[e, :] = xb[e, :] * pv[l] + e3v
            return cr

        lax.fori_loop(0, KC // 16, grp, 0)

    def start_scatters(b):
        si, mb, xb, _, _, ss = sets[b]
        pltpu.async_copy(mb, accm.at[si], ss, add=True)
        pltpu.async_copy(xb, accx.at[si], ss, add=True)

    def wait_scatters(b):
        si, mb, xb, _, _, ss = sets[b]
        pltpu.make_async_copy(mb, accm.at[si], ss).wait()
        pltpu.make_async_copy(xb, accx.at[si], ss).wait()

    start_loads(0, 0)

    def pair(t, carry):
        wait_loads(0)

        @pl.when(t > 0)
        def _():
            wait_scatters(1)

        start_loads(2 * t + 1, 1)
        compute(2 * t, 0)
        start_scatters(0)

        wait_loads(1)

        @pl.when(t < NF // 2 - 1)
        def _():
            wait_scatters(0)
            start_loads(2 * t + 2, 0)

        compute(2 * t + 1, 1)
        start_scatters(1)
        return carry

    lax.fori_loop(0, NF // 2, pair, 0)

    si, mb, xb, pb, ls, ss = sets[0]
    toff = NF * KC
    tb = pl.multiple_of(base0 + toff, 8)
    wait_scatters(0)
    pltpu.async_copy(s_hbm.at[pl.ds(tb, KT)], si.at[pl.ds(0, KT)], ls)
    pltpu.async_copy(m_hbm.at[pl.ds(tb, KT)], mb.at[pl.ds(0, KT)], ls)
    pltpu.async_copy(xd_hbm.at[pl.ds(tb, KT)], xb.at[pl.ds(0, KT)], ls)
    pltpu.async_copy(p_hbm.at[pl.ds(tb, KT)], pb.at[pl.ds(0, KT)], ls)
    pltpu.make_async_copy(s_hbm.at[pl.ds(0, KT)], si.at[pl.ds(0, KT)], ls).wait()
    pltpu.make_async_copy(m_hbm.at[pl.ds(0, KT)], mb.at[pl.ds(0, KT)], ls).wait()
    pltpu.make_async_copy(xd_hbm.at[pl.ds(0, KT)], xb.at[pl.ds(0, KT)], ls).wait()
    pltpu.make_async_copy(p_hbm.at[pl.ds(0, KT)], pb.at[pl.ds(0, KT)], ls).wait()
    pv = pb[pl.ds(0, KT)]
    for l in range(KT):
        xb[l, :] = xb[l, :] * pv[l] + e3v
    sv = si[pl.ds(0, KT)]
    pltpu.async_copy(mb.at[pl.ds(0, KT)], accm.at[sv], ss, add=True)
    pltpu.async_copy(xb.at[pl.ds(0, KT)], accx.at[sv], ss, add=True)
    wait_scatters(1)
    pltpu.make_async_copy(mb.at[pl.ds(0, KT)], accm.at[sv], ss).wait()
    pltpu.make_async_copy(xb.at[pl.ds(0, KT)], accx.at[sv], ss).wait()
    plsc.subcore_barrier()

    rb = s * ROWS
    pltpu.sync_copy(accm.at[pl.ds(rb, ROWS)], mi_hbm.at[c, pl.ds(rb, ROWS)])
    pltpu.sync_copy(accx.at[pl.ds(rb, ROWS)], xa_hbm.at[c, pl.ds(rb, ROWS)])


_sc_scatter = functools.partial(
    pl.kernel,
    mesh=_mesh,
    out_type=[jax.ShapeDtypeStruct((NC, N, D), jnp.float32),
              jax.ShapeDtypeStruct((NC, N, 16), jnp.float32)],
    scratch_types=[pltpu.VMEM((ZR, D), jnp.float32),
                   pltpu.VMEM((ZR, 16), jnp.float32),
                   pltpu.VMEM((KC,), jnp.int32),
                   pltpu.VMEM((KC, D), jnp.float32),
                   pltpu.VMEM((KC, 16), jnp.float32),
                   pltpu.VMEM((KC,), jnp.float32),
                   pltpu.VMEM((KC,), jnp.int32),
                   pltpu.VMEM((KC, D), jnp.float32),
                   pltpu.VMEM((KC, 16), jnp.float32),
                   pltpu.VMEM((KC,), jnp.float32),
                   pltpu.VMEM_SHARED((N, D), jnp.float32),
                   pltpu.VMEM_SHARED((N, 16), jnp.float32),
                   pltpu.SemaphoreType.DMA,
                   pltpu.SemaphoreType.DMA,
                   pltpu.SemaphoreType.DMA,
                   pltpu.SemaphoreType.DMA],
    compiler_params=_sc_params,
)(_sc_scatter_body)



def _node_body(h_ref, hh_ref, mi_ref, xa_ref, xp_ref, nm_ref, wh1b_ref,
               wh2_ref, aux_ref, hn_ref, co_ref):
    aux = aux_ref[...]
    bh1 = aux[0:1, :]
    bh2 = aux[1:2, :]
    m2 = mi_ref[...]
    mi = m2[0] + m2[1]
    x2 = xa_ref[...]
    xa = x2[0] + x2[1]
    nm = nm_ref[...]
    t = hh_ref[...] + jnp.dot(mi, wh1b_ref[...],
                              preferred_element_type=jnp.float32) + bh1
    u = t * jax.nn.sigmoid(t)
    hn = h_ref[...] + jnp.dot(u, wh2_ref[...],
                              preferred_element_type=jnp.float32) + bh2
    hn_ref[...] = hn * nm
    cnt = xa[:, 3:4]
    mean = xa[:, 0:3] / cnt
    co_ref[...] = (xp_ref[...][:, 0:3] + mean) * nm


def _node_update(h, hh, mi, xa, xp, nm, wh1b, wh2, aux2):
    bn = 2000
    blk = pl.BlockSpec((bn, D), lambda i: (i, 0))
    return pl.pallas_call(
        _node_body,
        grid=(N // bn,),
        in_specs=[blk, blk,
                  pl.BlockSpec((NC, bn, D), lambda i: (0, i, 0)),
                  pl.BlockSpec((NC, bn, 16), lambda i: (0, i, 0)),
                  pl.BlockSpec((bn, 16), lambda i: (i, 0)),
                  pl.BlockSpec((bn, 1), lambda i: (i, 0)),
                  pl.BlockSpec((D, D), lambda i: (0, 0)),
                  pl.BlockSpec((D, D), lambda i: (0, 0)),
                  pl.BlockSpec((2, D), lambda i: (0, 0))],
        out_specs=[blk, pl.BlockSpec((bn, 3), lambda i: (i, 0))],
        out_shape=[jax.ShapeDtypeStruct((N, D), jnp.float32),
                   jax.ShapeDtypeStruct((N, 3), jnp.float32)],
    )(h, hh, mi, xa, xp, nm, wh1b, wh2, aux2)



def kernel(edge_index, h, x, edge_attr, node_mask, edge_mask,
           W_e1, b_e1, W_e2, b_e2, W_att, b_att,
           W_h1, b_h1, W_h2, b_h2, W_x1, b_x1, W_x2, b_x2):
    w1hi = W_e1[:D]
    w1hj = W_e1[D:2 * D]
    w1r = W_e1[2 * D]
    wea = W_e1[2 * D + 1:]
    wh1a = W_h1[:D]
    wh1b = W_h1[D:]
    senders = edge_index[0]
    receivers = edge_index[1]
    xpad = jnp.pad(x, ((0, 0), (0, 13)))

    scal = jnp.zeros((D,), jnp.float32).at[0].set(b_att[0]).at[1].set(b_x2[0])
    aux = jnp.stack([w1r, b_e1, b_e2, b_x1, scal,
                     W_att[:, 0], W_x2[:, 0], jnp.zeros((D,), jnp.float32)])
    aux2 = jnp.stack([b_h1, b_h2])

    hs, hr, hh = _precompute(h, w1hi, w1hj, wh1a)
    g, xd = _sc_gather(hs, hr, xpad, senders, receivers, w1r)
    m, p2d = _edge_mlp(g, edge_attr, edge_mask, W_e2, W_x1, wea, aux)
    pflat = p2d.reshape(E)
    mi, xa = _sc_scatter(senders, m, xd, pflat)
    h_new, coord = _node_update(h, hh, mi, xa, xpad, node_mask, wh1b, W_h2, aux2)
    return (h_new, coord)

# --- scband reference (transcript-rebuilt; emitter-appended) ---
"""Pipeline reference for scband-egnn-layer-28982439313726 (READ-ONLY COPY).

The authoritative reference and input builder live on the scoring server;
editing this copy changes nothing except your own understanding.
"""

import jax, jax.numpy as jnp
import numpy as np

N = 10000
E = 320000
D = 128   # hidden_dim
DE = 16   # edge_attr dim
NORM_CONSTANT = 1.0


def setup_inputs(seed: int = 0) -> dict:
    key = jax.random.key(seed)
    k = jax.random.split(key, 20)
    din_e = 2 * D + 1 + DE  # h_i, h_j, radial, edge_attr
    std_x2 = 0.001 * np.sqrt(2.0 / D)
    inp = {
        "edge_index": jax.random.randint(k[0], (2, E), 0, N, dtype=jnp.int32),
        "h": jax.random.normal(k[1], (N, D), dtype=jnp.float32),
        "x": jax.random.normal(k[2], (N, 3), dtype=jnp.float32),
        "edge_attr": jax.random.normal(k[3], (E, DE), dtype=jnp.float32),
        "node_mask": jnp.ones((N, 1), dtype=jnp.float32),
        "edge_mask": jnp.ones((E, 1), dtype=jnp.float32),
        # phi_e: Dense(din_e->D), act, Dense(D->D), act
        "W_e1": jax.random.normal(k[4], (din_e, D), dtype=jnp.float32) / np.sqrt(din_e),
        "b_e1": jnp.zeros((D,), jnp.float32),
        "W_e2": jax.random.normal(k[5], (D, D), dtype=jnp.float32) / np.sqrt(D),
        "b_e2": jnp.zeros((D,), jnp.float32),
        # attention: Dense(D->1), sigmoid
        "W_att": jax.random.normal(k[6], (D, 1), dtype=jnp.float32) / np.sqrt(D),
        "b_att": jnp.zeros((1,), jnp.float32),
        # phi_h: Dense(2D->D), act, Dense(D->D)
        "W_h1": jax.random.normal(k[7], (2 * D, D), dtype=jnp.float32) / np.sqrt(2 * D),
        "b_h1": jnp.zeros((D,), jnp.float32),
        "W_h2": jax.random.normal(k[8], (D, D), dtype=jnp.float32) / np.sqrt(D),
        "b_h2": jnp.zeros((D,), jnp.float32),
        # phi_x: Dense(D->D), act, Dense(D->1, low-variance init)
        "W_x1": jax.random.normal(k[9], (D, D), dtype=jnp.float32) / np.sqrt(D),
        "b_x1": jnp.zeros((D,), jnp.float32),
        "W_x2": jax.random.uniform(k[10], (D, 1), jnp.float32, -std_x2, std_x2),
        "b_x2": jnp.zeros((1,), jnp.float32),
    }
    return inp


def _segment_mean(data, segment_ids, num_segments):
    s = jax.ops.segment_sum(data, segment_ids, num_segments)
    cnt = jax.ops.segment_sum(jnp.ones_like(data), segment_ids, num_segments)
    return s / cnt


def reference(edge_index, h, x, edge_attr, node_mask, edge_mask,
              W_e1, b_e1, W_e2, b_e2, W_att, b_att,
              W_h1, b_h1, W_h2, b_h2, W_x1, b_x1, W_x2, b_x2):
    act = jax.nn.silu
    senders = edge_index[0]
    receivers = edge_index[1]

    # compute_radial
    x_i = x[senders]
    x_j = x[receivers]
    coord_diff = x_i - x_j
    radial = jnp.sum(coord_diff ** 2, axis=1, keepdims=True)
    norm = jnp.sqrt(radial + 1e-08)
    coord_diff = coord_diff / (norm + NORM_CONSTANT)

    # message_fn: m_ij = phi_e(h_i, h_j, ||x_i - x_j||^2, a_ij)
    h_i = h[senders]
    h_j = h[receivers]
    out = jnp.concatenate([h_i, h_j, radial, edge_attr], axis=1)
    out = act(out @ W_e1 + b_e1)
    out = act(out @ W_e2 + b_e2)
    att_val = jax.nn.sigmoid(out @ W_att + b_att)
    out = out * att_val
    m_ij = out * edge_mask

    # agg_update_fn: h_i^{l+1} = h_i + phi_h(h_i, m_i)
    m_i = jax.ops.segment_sum(m_ij, senders, num_segments=h.shape[0])
    hcat = jnp.concatenate([h, m_i], axis=1)
    h_new = h + (act(hcat @ W_h1 + b_h1) @ W_h2 + b_h2)
    h_new = h_new * node_mask

    # pos_agg_update_fn: x_i^{l+1} = x_i + mean_j (x_i - x_j) phi_x(m_ij)
    phi_x = act(m_ij @ W_x1 + b_x1) @ W_x2 + b_x2
    x_ij = (x_i - x_j) * phi_x
    coord = x + _segment_mean(x_ij, senders, num_segments=x.shape[0])
    coord = coord * node_mask

    h_new = h_new * node_mask
    return (h_new, coord)

if __name__ == "__main__":
    import jax
    _d = setup_inputs()
    print(jax.jit(kernel)(*tuple(_d.values())))

</pallas_src>

<mosaic_0001>
#map = affine_map<(d0, d1) -> (0)>
#map1 = affine_map<(d0, d1) -> (0, 0)>
#map2 = affine_map<(d0, d1) -> (0, 0, 0)>
module attributes {stable_mosaic.version = 14 : i64} {
  func.func @_sc_scatter_body(%arg0: i32, %arg1: i32, %arg2: memref<320000xi32, #tpu.memory_space<hbm>>, %arg3: memref<320000x128xf32, #tpu.memory_space<hbm>>, %arg4: memref<320000x16xf32, #tpu.memory_space<hbm>>, %arg5: memref<320000xf32, #tpu.memory_space<hbm>>, %arg6: memref<2x10000x128xf32, #tpu.memory_space<hbm>>, %arg7: memref<2x10000x16xf32, #tpu.memory_space<hbm>>, %arg8: memref<25x128xf32, #tpu.memory_space<vmem>>, %arg9: memref<25x16xf32, #tpu.memory_space<vmem>>, %arg10: memref<128xi32, #tpu.memory_space<vmem>>, %arg11: memref<128x128xf32, #tpu.memory_space<vmem>>, %arg12: memref<128x16xf32, #tpu.memory_space<vmem>>, %arg13: memref<128xf32, #tpu.memory_space<vmem>>, %arg14: memref<128xi32, #tpu.memory_space<vmem>>, %arg15: memref<128x128xf32, #tpu.memory_space<vmem>>, %arg16: memref<128x16xf32, #tpu.memory_space<vmem>>, %arg17: memref<128xf32, #tpu.memory_space<vmem>>, %arg18: memref<10000x128xf32, #tpu.memory_space<vmem_shared>>, %arg19: memref<10000x16xf32, #tpu.memory_space<vmem_shared>>, %arg20: memref<!tpu.dma_semaphore, #tpu.memory_space<semaphore_mem>>, %arg21: memref<!tpu.dma_semaphore, #tpu.memory_space<semaphore_mem>>, %arg22: memref<!tpu.dma_semaphore, #tpu.memory_space<semaphore_mem>>, %arg23: memref<!tpu.dma_semaphore, #tpu.memory_space<semaphore_mem>>) attributes {dimension_semantics = [#tpu.dimension_semantics<core_parallel>, #tpu.dimension_semantics<subcore_parallel>], iteration_bounds = array<i64: 2, 16>, scalar_prefetch = 0 : i64, scratch_operands = 16 : i64, tpu.core_type = #tpu.core_type<sc_vector_subcore>, window_params = [{transform_indices = #map}, {transform_indices = #map1}, {transform_indices = #map1}, {transform_indices = #map}, {transform_indices = #map2}, {transform_indices = #map2}]} {
    %mul3A = arith.constant 16 : i32
    %mul3A_0 = arith.muli %arg0, %mul3A : i32
    %add3A = arith.addi %mul3A_0, %arg1 : i32
    %mul3A_1 = arith.constant 10000 : i32
    %mul3A_2 = arith.muli %add3A, %mul3A_1 : i32
    %scan3A = arith.constant 0 : i32
    %scan3A_3 = arith.constant 0 : i32
    %scan3A_4 = arith.constant 25 : i32
    %scan3A_5 = arith.addi %scan3A_3, %scan3A_4 : i32
    %scan3A_6 = arith.constant 1 : i32
    scf.for %scan3A_408 = %scan3A_3 to %scan3A_5 step %scan3A_6  : i32 {
      %broadcast_in_dim3A_409 = arith.constant 0.000000e+00 : f32
      %broadcast_in_dim3A_410 = vector.broadcast %broadcast_in_dim3A_409 : f32 to vector<16xf32>
      %swap3A_411 = arith.index_cast %scan3A_408 : i32 to index
      %swap3A_412 = arith.constant 0 : index
      %swap3A_413 = tpu.vector_load %arg8[%swap3A_411, %swap3A_412] {strides = array<i32>} : memref<25x128xf32, #tpu.memory_space<vmem>>, vector<1x16xf32>,
      %swap3A_414 = vector.shape_cast %swap3A_413 : vector<1x16xf32> to vector<16xf32>
      %swap3A_415 = vector.shape_cast %broadcast_in_dim3A_410 : vector<16xf32> to vector<1x16xf32>
      tpu.vector_store %arg8[%swap3A_411, %swap3A_412], %swap3A_415 {strides = array<i32>} : memref<25x128xf32, #tpu.memory_space<vmem>>, vector<1x16xf32>,
      %broadcast_in_dim3A_416 = arith.constant 0.000000e+00 : f32
      %broadcast_in_dim3A_417 = vector.broadcast %broadcast_in_dim3A_416 : f32 to vector<16xf32>
      %swap3A_418 = arith.index_cast %scan3A_408 : i32 to index
      %swap3A_419 = arith.constant 16 : index
      %swap3A_420 = tpu.vector_load %arg8[%swap3A_418, %swap3A_419] {strides = array<i32>} : memref<25x128xf32, #tpu.memory_space<vmem>>, vector<1x16xf32>,
      %swap3A_421 = vector.shape_cast %swap3A_420 : vector<1x16xf32> to vector<16xf32>
      %swap3A_422 = vector.shape_cast %broadcast_in_dim3A_417 : vector<16xf32> to vector<1x16xf32>
      tpu.vector_store %arg8[%swap3A_418, %swap3A_419], %swap3A_422 {strides = array<i32>} : memref<25x128xf32, #tpu.memory_space<vmem>>, vector<1x16xf32>,
      %broadcast_in_dim3A_423 = arith.constant 0.000000e+00 : f32
      %broadcast_in_dim3A_424 = vector.broadcast %broadcast_in_dim3A_423 : f32 to vector<16xf32>
      %swap3A_425 = arith.index_cast %scan3A_408 : i32 to index
      %swap3A_426 = arith.constant 32 : index
      %swap3A_427 = tpu.vector_load %arg8[%swap3A_425, %swap3A_426] {strides = array<i32>} : memref<25x128xf32, #tpu.memory_space<vmem>>, vector<1x16xf32>,
      %swap3A_428 = vector.shape_cast %swap3A_427 : vector<1x16xf32> to vector<16xf32>
      %swap3A_429 = vector.shape_cast %broadcast_in_dim3A_424 : vector<16xf32> to vector<1x16xf32>
      tpu.vector_store %arg8[%swap3A_425, %swap3A_426], %swap3A_429 {strides = array<i32>} : memref<25x128xf32, #tpu.memory_space<vmem>>, vector<1x16xf32>,
      %broadcast_in_dim3A_430 = arith.constant 0.000000e+00 : f32
      %broadcast_in_dim3A_431 = vector.broadcast %broadcast_in_dim3A_430 : f32 to vector<16xf32>
      %swap3A_432 = arith.index_cast %scan3A_408 : i32 to index
      %swap3A_433 = arith.constant 48 : index
      %swap3A_434 = tpu.vector_load %arg8[%swap3A_432, %swap3A_433] {strides = array<i32>} : memref<25x128xf32, #tpu.memory_space<vmem>>, vector<1x16xf32>,
      %swap3A_435 = vector.shape_cast %swap3A_434 : vector<1x16xf32> to vector<16xf32>
      %swap3A_436 = vector.shape_cast %broadcast_in_dim3A_431 : vector<16xf32> to vector<1x16xf32>
      tpu.vector_store %arg8[%swap3A_432, %swap3A_433], %swap3A_436 {strides = array<i32>} : memref<25x128xf32, #tpu.memory_space<vmem>>, vector<1x16xf32>,
      %broadcast_in_dim3A_437 = arith.constant 0.000000e+00 : f32
      %broadcast_in_dim3A_438 = vector.broadcast %broadcast_in_dim3A_437 : f32 to vector<16xf32>
      %swap3A_439 = arith.index_cast %scan3A_408 : i32 to index
      %swap3A_440 = arith.constant 64 : index
      %swap3A_441 = tpu.vector_load %arg8[%swap3A_439, %swap3A_440] {strides = array<i32>} : memref<25x128xf32, #tpu.memory_space<vmem>>, vector<1x16xf32>,
      %swap3A_442 = vector.shape_cast %swap3A_441 : vector<1x16xf32> to vector<16xf32>
      %swap3A_443 = vector.shape_cast %broadcast_in_dim3A_438 : vector<16xf32> to vector<1x16xf32>
      tpu.vector_store %arg8[%swap3A_439, %swap3A_440], %swap3A_443 {strides = array<i32>} : memref<25x128xf32, #tpu.memory_space<vmem>>, vector<1x16xf32>,
      %broadcast_in_dim3A_444 = arith.constant 0.000000e+00 : f32
      %broadcast_in_dim3A_445 = vector.broadcast %broadcast_in_dim3A_444 : f32 to vector<16xf32>
      %swap3A_446 = arith.index_cast %scan3A_408 : i32 to index
      %swap3A_447 = arith.constant 80 : index
      %swap3A_448 = tpu.vector_load %arg8[%swap3A_446, %swap3A_447] {strides = array<i32>} : memref<25x128xf32, #tpu.memory_space<vmem>>, vector<1x16xf32>,
      %swap3A_449 = vector.shape_cast %swap3A_448 : vector<1x16xf32> to vector<16xf32>
      %swap3A_450 = vector.shape_cast %broadcast_in_dim3A_445 : vector<16xf32> to vector<1x16xf32>
      tpu.vector_store %arg8[%swap3A_446, %swap3A_447], %swap3A_450 {strides = array<i32>} : memref<25x128xf32, #tpu.memory_space<vmem>>, vector<1x16xf32>,
      %broadcast_in_dim3A_451 = arith.constant 0.000000e+00 : f32
      %broadcast_in_dim3A_452 = vector.broadcast %broadcast_in_dim3A_451 : f32 to vector<16xf32>
      %swap3A_453 = arith.index_cast %scan3A_408 : i32 to index
      %swap3A_454 = arith.constant 96 : index
      %swap3A_455 = tpu.vector_load %arg8[%swap3A_453, %swap3A_454] {strides = array<i32>} : memref<25x128xf32, #tpu.memory_space<vmem>>, vector<1x16xf32>,
      %swap3A_456 = vector.shape_cast %swap3A_455 : vector<1x16xf32> to vector<16xf32>
      %swap3A_457 = vector.shape_cast %broadcast_in_dim3A_452 : vector<16xf32> to vector<1x16xf32>
      tpu.vector_store %arg8[%swap3A_453, %swap3A_454], %swap3A_457 {strides = array<i32>} : memref<25x128xf32, #tpu.memory_space<vmem>>, vector<1x16xf32>,
      %broadcast_in_dim3A_458 = arith.constant 0.000000e+00 : f32
      %broadcast_in_dim3A_459 = vector.broadcast %broadcast_in_dim3A_458 : f32 to vector<16xf32>
      %swap3A_460 = arith.index_cast %scan3A_408 : i32 to index
      %swap3A_461 = arith.constant 112 : index
      %swap3A_462 = tpu.vector_load %arg8[%swap3A_460, %swap3A_461] {strides = array<i32>} : memref<25x128xf32, #tpu.memory_space<vmem>>, vector<1x16xf32>,
      %swap3A_463 = vector.shape_cast %swap3A_462 : vector<1x16xf32> to vector<16xf32>
      %swap3A_464 = vector.shape_cast %broadcast_in_dim3A_459 : vector<16xf32> to vector<1x16xf32>
      tpu.vector_store %arg8[%swap3A_460, %swap3A_461], %swap3A_464 {strides = array<i32>} : memref<25x128xf32, #tpu.memory_space<vmem>>, vector<1x16xf32>,
      %broadcast_in_dim3A_465 = arith.constant 0.000000e+00 : f32
      %broadcast_in_dim3A_466 = vector.broadcast %broadcast_in_dim3A_465 : f32 to vector<16xf32>
      %swap3A_467 = arith.index_cast %scan3A_408 : i32 to index
      %swap3A_468 = arith.constant 0 : index
      %swap3A_469 = tpu.vector_load %arg9[%swap3A_467, %swap3A_468] {strides = array<i32>} : memref<25x16xf32, #tpu.memory_space<vmem>>, vector<1x16xf32>,
      %swap3A_470 = vector.shape_cast %swap3A_469 : vector<1x16xf32> to vector<16xf32>
      %swap3A_471 = vector.shape_cast %broadcast_in_dim3A_466 : vector<16xf32> to vector<1x16xf32>
      tpu.vector_store %arg9[%swap3A_467, %swap3A_468], %swap3A_471 {strides = array<i32>} : memref<25x16xf32, #tpu.memory_space<vmem>>, vector<1x16xf32>,
    }
    %scan3A_7 = arith.constant 25 : i32
    %scan3A_8 = arith.constant 0 : i32
    %scan3A_9 = arith.constant 0 : i32
    %scan3A_10 = arith.constant 25 : i32
    %scan3A_11 = arith.addi %scan3A_9, %scan3A_10 : i32
    %scan3A_12 = arith.constant 1 : i32
    scf.for %scan3A_408 = %scan3A_9 to %scan3A_11 step %scan3A_12  : i32 {
      %mul3A_409 = arith.constant 625 : i32
      %mul3A_410 = arith.muli %arg1, %mul3A_409 : i32
      %mul3A_411 = arith.constant 25 : i32
      %mul3A_412 = arith.muli %scan3A_408, %mul3A_411 : i32
      %add3A_413 = arith.addi %mul3A_410, %mul3A_412 : i32
      "tpu.region"() ({
        %run_scoped3A = tpu.sem_alloc : memref<!tpu.dma_semaphore, #tpu.memory_space<semaphore_mem>>
        %dma_start3A_414 = arith.constant 0 : i32
        %dma_start3A_415 = tpu.memref_slice %arg18[%add3A_413, %dma_start3A_414] : memref<10000x128xf32, #tpu.memory_space<vmem_shared>> -> memref<25x128xf32, #tpu.memory_space<vmem_shared>>
        %dma_start3A_416 = arith.constant 0 : i32
        %dma_start3A_417 = tpu.memref_slice %arg18[%add3A_413, %dma_start3A_416] : memref<10000x128xf32, #tpu.memory_space<vmem_shared>> -> memref<25x128xf32, #tpu.memory_space<vmem_shared>>
        tpu.enqueue_dma source(%arg8 : memref<25x128xf32, #tpu.memory_space<vmem>>) target(%dma_start3A_417 : memref<25x128xf32, #tpu.memory_space<vmem_shared>>) target_semaphore(%run_scoped3A : memref<!tpu.dma_semaphore, #tpu.memory_space<semaphore_mem>>)
        %dma_wait3A_418 = arith.constant 0 : i32
        %dma_wait3A_419 = tpu.memref_slice %arg18[%add3A_413, %dma_wait3A_418] : memref<10000x128xf32, #tpu.memory_space<vmem_shared>> -> memref<25x128xf32, #tpu.memory_space<vmem_shared>>
        %dma_wait3A_420 = arith.constant 0 : i32
        %dma_wait3A_421 = tpu.memref_slice %arg18[%add3A_413, %dma_wait3A_420] : memref<10000x128xf32, #tpu.memory_space<vmem_shared>> -> memref<25x128xf32, #tpu.memory_space<vmem_shared>>
        tpu.wait_dma2 semaphore(%run_scoped3A : memref<!tpu.dma_semaphore, #tpu.memory_space<semaphore_mem>>) src(%arg8 : memref<25x128xf32, #tpu.memory_space<vmem>>) dst(%dma_wait3A_421 : memref<25x128xf32, #tpu.memory_space<vmem_shared>>)
        tpu.yield
      }) : () -> ()
      "tpu.region"() ({
        %run_scoped3A = tpu.sem_alloc : memref<!tpu.dma_semaphore, #tpu.memory_space<semaphore_mem>>
        %dma_start3A_414 = arith.constant 0 : i32
        %dma_start3A_415 = tpu.memref_slice %arg19[%add3A_413, %dma_start3A_414] : memref<10000x16xf32, #tpu.memory_space<vmem_shared>> -> memref<25x16xf32, #tpu.memory_space<vmem_shared>>
        %dma_start3A_416 = arith.constant 0 : i32
        %dma_start3A_417 = tpu.memref_slice %arg19[%add3A_413, %dma_start3A_416] : memref<10000x16xf32, #tpu.memory_space<vmem_shared>> -> memref<25x16xf32, #tpu.memory_space<vmem_shared>>
        tpu.enqueue_dma source(%arg9 : memref<25x16xf32, #tpu.memory_space<vmem>>) target(%dma_start3A_417 : memref<25x16xf32, #tpu.memory_space<vmem_shared>>) target_semaphore(%run_scoped3A : memref<!tpu.dma_semaphore, #tpu.memory_space<semaphore_mem>>)
        %dma_wait3A_418 = arith.constant 0 : i32
        %dma_wait3A_419 = tpu.memref_slice %arg19[%add3A_413, %dma_wait3A_418] : memref<10000x16xf32, #tpu.memory_space<vmem_shared>> -> memref<25x16xf32, #tpu.memory_space<vmem_shared>>
        %dma_wait3A_420 = arith.constant 0 : i32
        %dma_wait3A_421 = tpu.memref_slice %arg19[%add3A_413, %dma_wait3A_420] : memref<10000x16xf32, #tpu.memory_space<vmem_shared>> -> memref<25x16xf32, #tpu.memory_space<vmem_shared>>
        tpu.wait_dma2 semaphore(%run_scoped3A : memref<!tpu.dma_semaphore, #tpu.memory_space<semaphore_mem>>) src(%arg9 : memref<25x16xf32, #tpu.memory_space<vmem>>) dst(%dma_wait3A_421 : memref<25x16xf32, #tpu.memory_space<vmem_shared>>)
        tpu.yield
      }) : () -> ()
    }
    %scan3A_13 = arith.constant 25 : i32
    %barrier3A = arith.constant 0 : index
    tpu.barrier barrier_id(%barrier3A)
    %iota3A = tpu.iota {dimensions = array<i32: 0>} : vector<16xi32>
    %eq3A = arith.constant 3 : i32
    %eq3A_14 = vector.broadcast %eq3A : i32 to vector<16xi32>
    %eq3A_15 = arith.cmpi eq, %iota3A, %eq3A_14 : vector<16xi32>
    %jit3A = arith.constant 1.000000e+00 : f32
    %jit3A_16 = arith.constant 0.000000e+00 : f32
    %broadcast_in_dim3A = vector.broadcast %jit3A : f32 to vector<16xf32>
    %broadcast_in_dim3A_17 = vector.broadcast %jit3A_16 : f32 to vector<16xf32>
    %select_n3A = arith.select %eq3A_15, %broadcast_in_dim3A, %broadcast_in_dim3A_17 : vector<16xi1>, vector<16xf32>
    %add3A_18 = arith.constant 0 : i32
    %add3A_19 = arith.addi %mul3A_2, %add3A_18 : i32
    %multiple_of3A = tpu.assume_multiple %add3A_19, 8 : i32
    %dma_start3A = tpu.memref_slice %arg2[%multiple_of3A] : memref<320000xi32, #tpu.memory_space<hbm>> -> memref<128xi32, #tpu.memory_space<hbm>>
    %dma_start3A_20 = tpu.memref_slice %arg2[%multiple_of3A] : memref<320000xi32, #tpu.memory_space<hbm>> -> memref<128xi32, #tpu.memory_space<hbm>>
    tpu.enqueue_dma source(%dma_start3A_20 : memref<128xi32, #tpu.memory_space<hbm>>) target(%arg10 : memref<128xi32, #tpu.memory_space<vmem>>) target_semaphore(%arg20 : memref<!tpu.dma_semaphore, #tpu.memory_space<semaphore_mem>>)
    %dma_start3A_21 = arith.constant 0 : i32
    %dma_start3A_22 = tpu.memref_slice %arg3[%multiple_of3A, %dma_start3A_21] : memref<320000x128xf32, #tpu.memory_space<hbm>> -> memref<128x128xf32, #tpu.memory_space<hbm>>
    %dma_start3A_23 = arith.constant 0 : i32
    %dma_start3A_24 = tpu.memref_slice %arg3[%multiple_of3A, %dma_start3A_23] : memref<320000x128xf32, #tpu.memory_space<hbm>> -> memref<128x128xf32, #tpu.memory_space<hbm>>
    tpu.enqueue_dma source(%dma_start3A_24 : memref<128x128xf32, #tpu.memory_space<hbm>>) target(%arg11 : memref<128x128xf32, #tpu.memory_space<vmem>>) target_semaphore(%arg20 : memref<!tpu.dma_semaphore, #tpu.memory_space<semaphore_mem>>)
    %dma_start3A_25 = arith.constant 0 : i32
    %dma_start3A_26 = tpu.memref_slice %arg4[%multiple_of3A, %dma_start3A_25] : memref<320000x16xf32, #tpu.memory_space<hbm>> -> memref<128x16xf32, #tpu.memory_space<hbm>>
    %dma_start3A_27 = arith.constant 0 : i32
    %dma_start3A_28 = tpu.memref_slice %arg4[%multiple_of3A, %dma_start3A_27] : memref<320000x16xf32, #tpu.memory_space<hbm>> -> memref<128x16xf32, #tpu.memory_space<hbm>>
    tpu.enqueue_dma source(%dma_start3A_28 : memref<128x16xf32, #tpu.memory_space<hbm>>) target(%arg12 : memref<128x16xf32, #tpu.memory_space<vmem>>) target_semaphore(%arg20 : memref<!tpu.dma_semaphore, #tpu.memory_space<semaphore_mem>>)
    %dma_start3A_29 = tpu.memref_slice %arg5[%multiple_of3A] : memref<320000xf32, #tpu.memory_space<hbm>> -> memref<128xf32, #tpu.memory_space<hbm>>
    %dma_start3A_30 = tpu.memref_slice %arg5[%multiple_of3A] : memref<320000xf32, #tpu.memory_space<hbm>> -> memref<128xf32, #tpu.memory_space<hbm>>
    tpu.enqueue_dma source(%dma_start3A_30 : memref<128xf32, #tpu.memory_space<hbm>>) target(%arg13 : memref<128xf32, #tpu.memory_space<vmem>>) target_semaphore(%arg20 : memref<!tpu.dma_semaphore, #tpu.memory_space<semaphore_mem>>)
    %scan3A_31 = arith.constant 0 : i32
    %scan3A_32 = arith.constant 0 : i32
    %scan3A_33 = arith.constant 39 : i32
    %scan3A_34 = arith.addi %scan3A_32, %scan3A_33 : i32
    %scan3A_35 = arith.constant 1 : i32
    scf.for %scan3A_408 = %scan3A_32 to %scan3A_34 step %scan3A_35  : i32 {
      %dma_wait3A_409 = arith.constant 0 : i32
      %dma_wait3A_410 = tpu.memref_slice %arg2[%dma_wait3A_409] : memref<320000xi32, #tpu.memory_space<hbm>> -> memref<128xi32, #tpu.memory_space<hbm>>
      %dma_wait3A_411 = arith.constant 0 : i32
      %dma_wait3A_412 = tpu.memref_slice %arg2[%dma_wait3A_411] : memref<320000xi32, #tpu.memory_space<hbm>> -> memref<128xi32, #tpu.memory_space<hbm>>
      tpu.wait_dma2 semaphore(%arg20 : memref<!tpu.dma_semaphore, #tpu.memory_space<semaphore_mem>>) src(%dma_wait3A_412 : memref<128xi32, #tpu.memory_space<hbm>>) dst(%arg10 : memref<128xi32, #tpu.memory_space<vmem>>)
      %dma_wait3A_413 = arith.constant 0 : i32
      %dma_wait3A_414 = arith.constant 0 : i32
      %dma_wait3A_415 = tpu.memref_slice %arg3[%dma_wait3A_413, %dma_wait3A_414] : memref<320000x128xf32, #tpu.memory_space<hbm>> -> memref<128x128xf32, #tpu.memory_space<hbm>>
      %dma_wait3A_416 = arith.constant 0 : i32
      %dma_wait3A_417 = arith.constant 0 : i32
      %dma_wait3A_418 = tpu.memref_slice %arg3[%dma_wait3A_416, %dma_wait3A_417] : memref<320000x128xf32, #tpu.memory_space<hbm>> -> memref<128x128xf32, #tpu.memory_space<hbm>>
      tpu.wait_dma2 semaphore(%arg20 : memref<!tpu.dma_semaphore, #tpu.memory_space<semaphore_mem>>) src(%dma_wait3A_418 : memref<128x128xf32, #tpu.memory_space<hbm>>) dst(%arg11 : memref<128x128xf32, #tpu.memory_space<vmem>>)
      %dma_wait3A_419 = arith.constant 0 : i32
      %dma_wait3A_420 = arith.constant 0 : i32
      %dma_wait3A_421 = tpu.memref_slice %arg4[%dma_wait3A_419, %dma_wait3A_420] : memref<320000x16xf32, #tpu.memory_space<hbm>> -> memref<128x16xf32, #tpu.memory_space<hbm>>
      %dma_wait3A_422 = arith.constant 0 : i32
      %dma_wait3A_423 = arith.constant 0 : i32
      %dma_wait3A_424 = tpu.memref_slice %arg4[%dma_wait3A_422, %dma_wait3A_423] : memref<320000x16xf32, #tpu.memory_space<hbm>> -> memref<128x16xf32, #tpu.memory_space<hbm>>
      tpu.wait_dma2 semaphore(%arg20 : memref<!tpu.dma_semaphore, #tpu.memory_space<semaphore_mem>>) src(%dma_wait3A_424 : memref<128x16xf32, #tpu.memory_space<hbm>>) dst(%arg12 : memref<128x16xf32, #tpu.memory_space<vmem>>)
      %dma_wait3A_425 = arith.constant 0 : i32
      %dma_wait3A_426 = tpu.memref_slice %arg5[%dma_wait3A_425] : memref<320000xf32, #tpu.memory_space<hbm>> -> memref<128xf32, #tpu.memory_space<hbm>>
      %dma_wait3A_427 = arith.constant 0 : i32
      %dma_wait3A_428 = tpu.memref_slice %arg5[%dma_wait3A_427] : memref<320000xf32, #tpu.memory_space<hbm>> -> memref<128xf32, #tpu.memory_space<hbm>>
      tpu.wait_dma2 semaphore(%arg20 : memref<!tpu.dma_semaphore, #tpu.memory_space<semaphore_mem>>) src(%dma_wait3A_428 : memref<128xf32, #tpu.memory_space<hbm>>) dst(%arg13 : memref<128xf32, #tpu.memory_space<vmem>>)
      %gt3A = arith.constant 0 : i32
      %gt3A_429 = arith.cmpi sgt, %scan3A_408, %gt3A : i32
      %convert_element_type3A = arith.extui %gt3A_429 : i1 to i32
      %cond3A = arith.constant 0 : i32
      %cond3A_430 = arith.cmpi ne, %convert_element_type3A, %cond3A : i32
      scf.if %cond3A_430 {
        %dma_wait3A_505 = arith.constant 0 : i32
        %dma_wait3A_506 = arith.constant 0 : i32
        %dma_wait3A_507 = tpu.memref_slice %arg18[%dma_wait3A_505, %dma_wait3A_506] : memref<10000x128xf32, #tpu.memory_space<vmem_shared>> -> memref<10000x128xf32, #tpu.memory_space<vmem_shared>>
        tpu.wait_indirect_dma semaphore(%arg23 : memref<!tpu.dma_semaphore, #tpu.memory_space<semaphore_mem>>) src(%arg15 : memref<128x128xf32, #tpu.memory_space<vmem>>) dst(%dma_wait3A_507 : memref<10000x128xf32, #tpu.memory_space<vmem_shared>>)
        %dma_wait3A_508 = arith.constant 0 : i32
        %dma_wait3A_509 = arith.constant 0 : i32
        %dma_wait3A_510 = tpu.memref_slice %arg19[%dma_wait3A_508, %dma_wait3A_509] : memref<10000x16xf32, #tpu.memory_space<vmem_shared>> -> memref<10000x16xf32, #tpu.memory_space<vmem_shared>>
        tpu.wait_indirect_dma semaphore(%arg23 : memref<!tpu.dma_semaphore, #tpu.memory_space<semaphore_mem>>) src(%arg16 : memref<128x16xf32, #tpu.memory_space<vmem>>) dst(%dma_wait3A_510 : memref<10000x16xf32, #tpu.memory_space<vmem_shared>>)
      } else {
      }
      %mul3A_431 = arith.constant 2 : i32
      %mul3A_432 = arith.muli %mul3A_431, %scan3A_408 : i32
      %add3A_433 = arith.constant 1 : i32
      %add3A_434 = arith.addi %mul3A_432, %add3A_433 : i32
      %mul3A_435 = arith.constant 128 : i32
      %mul3A_436 = arith.muli %add3A_434, %mul3A_435 : i32
      %add3A_437 = arith.addi %mul3A_2, %mul3A_436 : i32
      %multiple_of3A_438 = tpu.assume_multiple %add3A_437, 8 : i32
      %dma_start3A_439 = tpu.memref_slice %arg2[%multiple_of3A_438] : memref<320000xi32, #tpu.memory_space<hbm>> -> memref<128xi32, #tpu.memory_space<hbm>>
      %dma_start3A_440 = tpu.memref_slice %arg2[%multiple_of3A_438] : memref<320000xi32, #tpu.memory_space<hbm>> -> memref<128xi32, #tpu.memory_space<hbm>>
      tpu.enqueue_dma source(%dma_start3A_440 : memref<128xi32, #tpu.memory_space<hbm>>) target(%arg14 : memref<128xi32, #tpu.memory_space<vmem>>) target_semaphore(%arg21 : memref<!tpu.dma_semaphore, #tpu.memory_space<semaphore_mem>>)
      %dma_start3A_441 = arith.constant 0 : i32
      %dma_start3A_442 = tpu.memref_slice %arg3[%multiple_of3A_438, %dma_start3A_441] : memref<320000x128xf32, #tpu.memory_space<hbm>> -> memref<128x128xf32, #tpu.memory_space<hbm>>
      %dma_start3A_443 = arith.constant 0 : i32
      %dma_start3A_444 = tpu.memref_slice %arg3[%multiple_of3A_438, %dma_start3A_443] : memref<320000x128xf32, #tpu.memory_space<hbm>> -> memref<128x128xf32, #tpu.memory_space<hbm>>
      tpu.enqueue_dma source(%dma_start3A_444 : memref<128x128xf32, #tpu.memory_space<hbm>>) target(%arg15 : memref<128x128xf32, #tpu.memory_space<vmem>>) target_semaphore(%arg21 : memref<!tpu.dma_semaphore, #tpu.memory_space<semaphore_mem>>)
      %dma_start3A_445 = arith.constant 0 : i32
      %dma_start3A_446 = tpu.memref_slice %arg4[%multiple_of3A_438, %dma_start3A_445] : memref<320000x16xf32, #tpu.memory_space<hbm>> -> memref<128x16xf32, #tpu.memory_space<hbm>>
      %dma_start3A_447 = arith.constant 0 : i32
      %dma_start3A_448 = tpu.memref_slice %arg4[%multiple_of3A_438, %dma_start3A_447] : memref<320000x16xf32, #tpu.memory_space<hbm>> -> memref<128x16xf32, #tpu.memory_space<hbm>>
      tpu.enqueue_dma source(%dma_start3A_448 : memref<128x16xf32, #tpu.memory_space<hbm>>) target(%arg16 : memref<128x16xf32, #tpu.memory_space<vmem>>) target_semaphore(%arg21 : memref<!tpu.dma_semaphore, #tpu.memory_space<semaphore_mem>>)
      %dma_start3A_449 = tpu.memref_slice %arg5[%multiple_of3A_438] : memref<320000xf32, #tpu.memory_space<hbm>> -> memref<128xf32, #tpu.memory_space<hbm>>
      %dma_start3A_450 = tpu.memref_slice %arg5[%multiple_of3A_438] : memref<320000xf32, #tpu.memory_space<hbm>> -> memref<128xf32, #tpu.memory_space<hbm>>
      tpu.enqueue_dma source(%dma_start3A_450 : memref<128xf32, #tpu.memory_space<hbm>>) target(%arg17 : memref<128xf32, #tpu.memory_space<vmem>>) target_semaphore(%arg21 : memref<!tpu.dma_semaphore, #tpu.memory_space<semaphore_mem>>)
      %mul3A_451 = arith.constant 2 : i32
      %mul3A_452 = arith.muli %mul3A_451, %scan3A_408 : i32
      %scan3A_453 = arith.constant 0 : i32
      %scan3A_454 = arith.constant 0 : i32
      %scan3A_455 = arith.constant 8 : i32
      %scan3A_456 = arith.addi %scan3A_454, %scan3A_455 : i32
      %scan3A_457 = arith.constant 1 : i32
      scf.for %scan3A_505 = %scan3A_454 to %scan3A_456 step %scan3A_457  : i32 {
        %mul3A_506 = arith.constant 16 : i32
        %mul3A_507 = arith.muli %scan3A_505, %mul3A_506 : i32
        %get3A_508 = arith.index_cast %mul3A_507 : i32 to index
        %get3A_509 = tpu.vector_load %arg13[%get3A_508] {strides = array<i32>} : memref<128xf32, #tpu.memory_space<vmem>>, vector<16xf32>,
        %get3A_510 = vector.shape_cast %get3A_509 : vector<16xf32> to vector<16xf32>
        %mul3A_511 = arith.constant 16 : i32
        %mul3A_512 = arith.muli %scan3A_505, %mul3A_511 : i32
        %add3A_513 = arith.constant 0 : i32
        %add3A_514 = arith.addi %mul3A_512, %add3A_513 : i32
        %get3A_515 = arith.index_cast %add3A_514 : i32 to index
        %get3A_516 = arith.constant 0 : index
        %get3A_517 = tpu.vector_load %arg12[%get3A_515, %get3A_516] {strides = array<i32>} : memref<128x16xf32, #tpu.memory_space<vmem>>, vector<1x16xf32>,
        %get3A_518 = vector.shape_cast %get3A_517 : vector<1x16xf32> to vector<16xf32>
        %slice3A_519 = vector.extract_strided_slice %get3A_510 {offsets = [0], sizes = [1], strides = [1]} : vector<16xf32> to vector<1xf32>
        %squeeze3A_520 = vector.extract %slice3A_519[0] : f32 from vector<1xf32>
        %mul3A_521 = vector.broadcast %squeeze3A_520 : f32 to vector<16xf32>
        %mul3A_522 = arith.mulf %get3A_518, %mul3A_521 : vector<16xf32>
        %add3A_523 = arith.addf %mul3A_522, %select_n3A : vector<16xf32>
        %swap3A_524 = arith.index_cast %add3A_514 : i32 to index
        %swap3A_525 = arith.constant 0 : index
        %swap3A_526 = tpu.vector_load %arg12[%swap3A_524, %swap3A_525] {strides = array<i32>} : memref<128x16xf32, #tpu.memory_space<vmem>>, vector<1x16xf32>,
        %swap3A_527 = vector.shape_cast %swap3A_526 : vector<1x16xf32> to vector<16xf32>
        %swap3A_528 = vector.shape_cast %add3A_523 : vector<16xf32> to vector<1x16xf32>
        tpu.vector_store %arg12[%swap3A_524, %swap3A_525], %swap3A_528 {strides = array<i32>} : memref<128x16xf32, #tpu.memory_space<vmem>>, vector<1x16xf32>,
        %mul3A_529 = arith.constant 16 : i32
        %mul3A_530 = arith.muli %scan3A_505, %mul3A_529 : i32
        %add3A_531 = arith.constant 1 : i32
        %add3A_532 = arith.addi %mul3A_530, %add3A_531 : i32
        %get3A_533 = arith.index_cast %add3A_532 : i32 to index
        %get3A_534 = arith.constant 0 : index
        %get3A_535 = tpu.vector_load %arg12[%get3A_533, %get3A_534] {strides = array<i32>} : memref<128x16xf32, #tpu.memory_space<vmem>>, vector<1x16xf32>,
        %get3A_536 = vector.shape_cast %get3A_535 : vector<1x16xf32> to vector<16xf32>
        %slice3A_537 = vector.extract_strided_slice %get3A_510 {offsets = [1], sizes = [1], strides = [1]} : vector<16xf32> to vector<1xf32>
        %squeeze3A_538 = vector.extract %slice3A_537[0] : f32 from vector<1xf32>
        %mul3A_539 = vector.broadcast %squeeze3A_538 : f32 to vector<16xf32>
        %mul3A_540 = arith.mulf %get3A_536, %mul3A_539 : vector<16xf32>
        %add3A_541 = arith.addf %mul3A_540, %select_n3A : vector<16xf32>
        %swap3A_542 = arith.index_cast %add3A_532 : i32 to index
        %swap3A_543 = arith.constant 0 : index
        %swap3A_544 = tpu.vector_load %arg12[%swap3A_542, %swap3A_543] {strides = array<i32>} : memref<128x16xf32, #tpu.memory_space<vmem>>, vector<1x16xf32>,
        %swap3A_545 = vector.shape_cast %swap3A_544 : vector<1x16xf32> to vector<16xf32>
        %swap3A_546 = vector.shape_cast %add3A_541 : vector<16xf32> to vector<1x16xf32>
        tpu.vector_store %arg12[%swap3A_542, %swap3A_543], %swap3A_546 {strides = array<i32>} : memref<128x16xf32, #tpu.memory_space<vmem>>, vector<1x16xf32>,
        %mul3A_547 = arith.constant 16 : i32
        %mul3A_548 = arith.muli %scan3A_505, %mul3A_547 : i32
        %add3A_549 = arith.constant 2 : i32
        %add3A_550 = arith.addi %mul3A_548, %add3A_549 : i32
        %get3A_551 = arith.index_cast %add3A_550 : i32 to index
        %get3A_552 = arith.constant 0 : index
        %get3A_553 = tpu.vector_load %arg12[%get3A_551, %get3A_552] {strides = array<i32>} : memref<128x16xf32, #tpu.memory_space<vmem>>, vector<1x16xf32>,
        %get3A_554 = vector.shape_cast %get3A_553 : vector<1x16xf32> to vector<16xf32>
        %slice3A_555 = vector.extract_strided_slice %get3A_510 {offsets = [2], sizes = [1], strides = [1]} : vector<16xf32> to vector<1xf32>
        %squeeze3A_556 = vector.extract %slice3A_555[0] : f32 from vector<1xf32>
        %mul3A_557 = vector.broadcast %squeeze3A_556 : f32 to vector<16xf32>
        %mul3A_558 = arith.mulf %get3A_554, %mul3A_557 : vector<16xf32>
        %add3A_559 = arith.addf %mul3A_558, %select_n3A : vector<16xf32>
        %swap3A_560 = arith.index_cast %add3A_550 : i32 to index
        %swap3A_561 = arith.constant 0 : index
        %swap3A_562 = tpu.vector_load %arg12[%swap3A_560, %swap3A_561] {strides = array<i32>} : memref<128x16xf32, #tpu.memory_space<vmem>>, vector<1x16xf32>,
        %swap3A_563 = vector.shape_cast %swap3A_562 : vector<1x16xf32> to vector<16xf32>
        %swap3A_564 = vector.shape_cast %add3A_559 : vector<16xf32> to vector<1x16xf32>
        tpu.vector_store %arg12[%swap3A_560, %swap3A_561], %swap3A_564 {strides = array<i32>} : memref<128x16xf32, #tpu.memory_space<vmem>>, vector<1x16xf32>,
        %mul3A_565 = arith.constant 16 : i32
        %mul3A_566 = arith.muli %scan3A_505, %mul3A_565 : i32
        %add3A_567 = arith.constant 3 : i32
        %add3A_568 = arith.addi %mul3A_566, %add3A_567 : i32
        %get3A_569 = arith.index_cast %add3A_568 : i32 to index
        %get3A_570 = arith.constant 0 : index
        %get3A_571 = tpu.vector_load %arg12[%get3A_569, %get3A_570] {strides = array<i32>} : memref<128x16xf32, #tpu.memory_space<vmem>>, vector<1x16xf32>,
        %get3A_572 = vector.shape_cast %get3A_571 : vector<1x16xf32> to vector<16xf32>
        %slice3A_573 = vector.extract_strided_slice %get3A_510 {offsets = [3], sizes = [1], strides = [1]} : vector<16xf32> to vector<1xf32>
        %squeeze3A_574 = vector.extract %slice3A_573[0] : f32 from vector<1xf32>
        %mul3A_575 = vector.broadcast %squeeze3A_574 : f32 to vector<16xf32>
        %mul3A_576 = arith.mulf %get3A_572, %mul3A_575 : vector<16xf32>
        %add3A_577 = arith.addf %mul3A_576, %select_n3A : vector<16xf32>
        %swap3A_578 = arith.index_cast %add3A_568 : i32 to index
        %swap3A_579 = arith.constant 0 : index
        %swap3A_580 = tpu.vector_load %arg12[%swap3A_578, %swap3A_579] {strides = array<i32>} : memref<128x16xf32, #tpu.memory_space<vmem>>, vector<1x16xf32>,
        %swap3A_581 = vector.shape_cast %swap3A_580 : vector<1x16xf32> to vector<16xf32>
        %swap3A_582 = vector.shape_cast %add3A_577 : vector<16xf32> to vector<1x16xf32>
        tpu.vector_store %arg12[%swap3A_578, %swap3A_579], %swap3A_582 {strides = array<i32>} : memref<128x16xf32, #tpu.memory_space<vmem>>, vector<1x16xf32>,
        %mul3A_583 = arith.constant 16 : i32
        %mul3A_584 = arith.muli %scan3A_505, %mul3A_583 : i32
        %add3A_585 = arith.constant 4 : i32
        %add3A_586 = arith.addi %mul3A_584, %add3A_585 : i32
        %get3A_587 = arith.index_cast %add3A_586 : i32 to index
        %get3A_588 = arith.constant 0 : index
        %get3A_589 = tpu.vector_load %arg12[%get3A_587, %get3A_588] {strides = array<i32>} : memref<128x16xf32, #tpu.memory_space<vmem>>, vector<1x16xf32>,
        %get3A_590 = vector.shape_cast %get3A_589 : vector<1x16xf32> to vector<16xf32>
        %slice3A_591 = vector.extract_strided_slice %get3A_510 {offsets = [4], sizes = [1], strides = [1]} : vector<16xf32> to vector<1xf32>
        %squeeze3A_592 = vector.extract %slice3A_591[0] : f32 from vector<1xf32>
        %mul3A_593 = vector.broadcast %squeeze3A_592 : f32 to vector<16xf32>
        %mul3A_594 = arith.mulf %get3A_590, %mul3A_593 : vector<16xf32>
        %add3A_595 = arith.addf %mul3A_594, %select_n3A : vector<16xf32>
        %swap3A_596 = arith.index_cast %add3A_586 : i32 to index
        %swap3A_597 = arith.constant 0 : index
        %swap3A_598 = tpu.vector_load %arg12[%swap3A_596, %swap3A_597] {strides = array<i32>} : memref<128x16xf32, #tpu.memory_space<vmem>>, vector<1x16xf32>,
        %swap3A_599 = vector.shape_cast %swap3A_598 : vector<1x16xf32> to vector<16xf32>
        %swap3A_600 = vector.shape_cast %add3A_595 : vector<16xf32> to vector<1x16xf32>
        tpu.vector_store %arg12[%swap3A_596, %swap3A_597], %swap3A_600 {strides = array<i32>} : memref<128x16xf32, #tpu.memory_space<vmem>>, vector<1x16xf32>,
        %mul3A_601 = arith.constant 16 : i32
        %mul3A_602 = arith.muli %scan3A_505, %mul3A_601 : i32
        %add3A_603 = arith.constant 5 : i32
        %add3A_604 = arith.addi %mul3A_602, %add3A_603 : i32
        %get3A_605 = arith.index_cast %add3A_604 : i32 to index
        %get3A_606 = arith.constant 0 : index
        %get3A_607 = tpu.vector_load %arg12[%get3A_605, %get3A_606] {strides = array<i32>} : memref<128x16xf32, #tpu.memory_space<vmem>>, vector<1x16xf32>,
        %get3A_608 = vector.shape_cast %get3A_607 : vector<1x16xf32> to vector<16xf32>
        %slice3A_609 = vector.extract_strided_slice %get3A_510 {offsets = [5], sizes = [1], strides = [1]} : vector<16xf32> to vector<1xf32>
        %squeeze3A_610 = vector.extract %slice3A_609[0] : f32 from vector<1xf32>
        %mul3A_611 = vector.broadcast %squeeze3A_610 : f32 to vector<16xf32>
        %mul3A_612 = arith.mulf %get3A_608, %mul3A_611 : vector<16xf32>
        %add3A_613 = arith.addf %mul3A_612, %select_n3A : vector<16xf32>
        %swap3A_614 = arith.index_cast %add3A_604 : i32 to index
        %swap3A_615 = arith.constant 0 : index
        %swap3A_616 = tpu.vector_load %arg12[%swap3A_614, %swap3A_615] {strides = array<i32>} : memref<128x16xf32, #tpu.memory_space<vmem>>, vector<1x16xf32>,
        %swap3A_617 = vector.shape_cast %swap3A_616 : vector<1x16xf32> to vector<16xf32>
        %swap3A_618 = vector.shape_cast %add3A_613 : vector<16xf32> to vector<1x16xf32>
        tpu.vector_store %arg12[%swap3A_614, %swap3A_615], %swap3A_618 {strides = array<i32>} : memref<128x16xf32, #tpu.memory_space<vmem>>, vector<1x16xf32>,
        %mul3A_619 = arith.constant 16 : i32
        %mul3A_620 = arith.muli %scan3A_505, %mul3A_619 : i32
        %add3A_621 = arith.constant 6 : i32
        %add3A_622 = arith.addi %mul3A_620, %add3A_621 : i32
        %get3A_623 = arith.index_cast %add3A_622 : i32 to index
        %get3A_624 = arith.constant 0 : index
        %get3A_625 = tpu.vector_load %arg12[%get3A_623, %get3A_624] {strides = array<i32>} : memref<128x16xf32, #tpu.memory_space<vmem>>, vector<1x16xf32>,
        %get3A_626 = vector.shape_cast %get3A_625 : vector<1x16xf32> to vector<16xf32>
        %slice3A_627 = vector.extract_strided_slice %get3A_510 {offsets = [6], sizes = [1], strides = [1]} : vector<16xf32> to vector<1xf32>
        %squeeze3A_628 = vector.extract %slice3A_627[0] : f32 from vector<1xf32>
        %mul3A_629 = vector.broadcast %squeeze3A_628 : f32 to vector<16xf32>
        %mul3A_630 = arith.mulf %get3A_626, %mul3A_629 : vector<16xf32>
        %add3A_631 = arith.addf %mul3A_630, %select_n3A : vector<16xf32>
        %swap3A_632 = arith.index_cast %add3A_622 : i32 to index
        %swap3A_633 = arith.constant 0 : index
        %swap3A_634 = tpu.vector_load %arg12[%swap3A_632, %swap3A_633] {strides = array<i32>} : memref<128x16xf32, #tpu.memory_space<vmem>>, vector<1x16xf32>,
        %swap3A_635 = vector.shape_cast %swap3A_634 : vector<1x16xf32> to vector<16xf32>
        %swap3A_636 = vector.shape_cast %add3A_631 : vector<16xf32> to vector<1x16xf32>
        tpu.vector_store %arg12[%swap3A_632, %swap3A_633], %swap3A_636 {strides = array<i32>} : memref<128x16xf32, #tpu.memory_space<vmem>>, vector<1x16xf32>,
        %mul3A_637 = arith.constant 16 : i32
        %mul3A_638 = arith.muli %scan3A_505, %mul3A_637 : i32
        %add3A_639 = arith.constant 7 : i32
        %add3A_640 = arith.addi %mul3A_638, %add3A_639 : i32
        %get3A_641 = arith.index_cast %add3A_640 : i32 to index
        %get3A_642 = arith.constant 0 : index
        %get3A_643 = tpu.vector_load %arg12[%get3A_641, %get3A_642] {strides = array<i32>} : memref<128x16xf32, #tpu.memory_space<vmem>>, vector<1x16xf32>,
        %get3A_644 = vector.shape_cast %get3A_643 : vector<1x16xf32> to vector<16xf32>
        %slice3A_645 = vector.extract_strided_slice %get3A_510 {offsets = [7], sizes = [1], strides = [1]} : vector<16xf32> to vector<1xf32>
        %squeeze3A_646 = vector.extract %slice3A_645[0] : f32 from vector<1xf32>
        %mul3A_647 = vector.broadcast %squeeze3A_646 : f32 to vector<16xf32>
        %mul3A_648 = arith.mulf %get3A_644, %mul3A_647 : vector<16xf32>
        %add3A_649 = arith.addf %mul3A_648, %select_n3A : vector<16xf32>
        %swap3A_650 = arith.index_cast %add3A_640 : i32 to index
        %swap3A_651 = arith.constant 0 : index
        %swap3A_652 = tpu.vector_load %arg12[%swap3A_650, %swap3A_651] {strides = array<i32>} : memref<128x16xf32, #tpu.memory_space<vmem>>, vector<1x16xf32>,
        %swap3A_653 = vector.shape_cast %swap3A_652 : vector<1x16xf32> to vector<16xf32>
        %swap3A_654 = vector.shape_cast %add3A_649 : vector<16xf32> to vector<1x16xf32>
        tpu.vector_store %arg12[%swap3A_650, %swap3A_651], %swap3A_654 {strides = array<i32>} : memref<128x16xf32, #tpu.memory_space<vmem>>, vector<1x16xf32>,
        %mul3A_655 = arith.constant 16 : i32
        %mul3A_656 = arith.muli %scan3A_505, %mul3A_655 : i32
        %add3A_657 = arith.constant 8 : i32
        %add3A_658 = arith.addi %mul3A_656, %add3A_657 : i32
        %get3A_659 = arith.index_cast %add3A_658 : i32 to index
        %get3A_660 = arith.constant 0 : index
        %get3A_661 = tpu.vector_load %arg12[%get3A_659, %get3A_660] {strides = array<i32>} : memref<128x16xf32, #tpu.memory_space<vmem>>, vector<1x16xf32>,
        %get3A_662 = vector.shape_cast %get3A_661 : vector<1x16xf32> to vector<16xf32>
        %slice3A_663 = vector.extract_strided_slice %get3A_510 {offsets = [8], sizes = [1], strides = [1]} : vector<16xf32> to vector<1xf32>
        %squeeze3A_664 = vector.extract %slice3A_663[0] : f32 from vector<1xf32>
        %mul3A_665 = vector.broadcast %squeeze3A_664 : f32 to vector<16xf32>
        %mul3A_666 = arith.mulf %get3A_662, %mul3A_665 : vector<16xf32>
        %add3A_667 = arith.addf %mul3A_666, %select_n3A : vector<16xf32>
        %swap3A_668 = arith.index_cast %add3A_658 : i32 to index
        %swap3A_669 = arith.constant 0 : index
        %swap3A_670 = tpu.vector_load %arg12[%swap3A_668, %swap3A_669] {strides = array<i32>} : memref<128x16xf32, #tpu.memory_space<vmem>>, vector<1x16xf32>,
        %swap3A_671 = vector.shape_cast %swap3A_670 : vector<1x16xf32> to vector<16xf32>
        %swap3A_672 = vector.shape_cast %add3A_667 : vector<16xf32> to vector<1x16xf32>
        tpu.vector_store %arg12[%swap3A_668, %swap3A_669], %swap3A_672 {strides = array<i32>} : memref<128x16xf32, #tpu.memory_space<vmem>>, vector<1x16xf32>,
        %mul3A_673 = arith.constant 16 : i32
        %mul3A_674 = arith.muli %scan3A_505, %mul3A_673 : i32
        %add3A_675 = arith.constant 9 : i32
        %add3A_676 = arith.addi %mul3A_674, %add3A_675 : i32
        %get3A_677 = arith.index_cast %add3A_676 : i32 to index
        %get3A_678 = arith.constant 0 : index
        %get3A_679 = tpu.vector_load %arg12[%get3A_677, %get3A_678] {strides = array<i32>} : memref<128x16xf32, #tpu.memory_space<vmem>>, vector<1x16xf32>,
        %get3A_680 = vector.shape_cast %get3A_679 : vector<1x16xf32> to vector<16xf32>
        %slice3A_681 = vector.extract_strided_slice %get3A_510 {offsets = [9], sizes = [1], strides = [1]} : vector<16xf32> to vector<1xf32>
        %squeeze3A_682 = vector.extract %slice3A_681[0] : f32 from vector<1xf32>
        %mul3A_683 = vector.broadcast %squeeze3A_682 : f32 to vector<16xf32>
        %mul3A_684 = arith.mulf %get3A_680, %mul3A_683 : vector<16xf32>
        %add3A_685 = arith.addf %mul3A_684, %select_n3A : vector<16xf32>
        %swap3A_686 = arith.index_cast %add3A_676 : i32 to index
        %swap3A_687 = arith.constant 0 : index
        %swap3A_688 = tpu.vector_load %arg12[%swap3A_686, %swap3A_687] {strides = array<i32>} : memref<128x16xf32, #tpu.memory_space<vmem>>, vector<1x16xf32>,
        %swap3A_689 = vector.shape_cast %swap3A_688 : vector<1x16xf32> to vector<16xf32>
        %swap3A_690 = vector.shape_cast %add3A_685 : vector<16xf32> to vector<1x16xf32>
        tpu.vector_store %arg12[%swap3A_686, %swap3A_687], %swap3A_690 {strides = array<i32>} : memref<128x16xf32, #tpu.memory_space<vmem>>, vector<1x16xf32>,
        %mul3A_691 = arith.constant 16 : i32
        %mul3A_692 = arith.muli %scan3A_505, %mul3A_691 : i32
        %add3A_693 = arith.constant 10 : i32
        %add3A_694 = arith.addi %mul3A_692, %add3A_693 : i32
        %get3A_695 = arith.index_cast %add3A_694 : i32 to index
        %get3A_696 = arith.constant 0 : index
        %get3A_697 = tpu.vector_load %arg12[%get3A_695, %get3A_696] {strides = array<i32>} : memref<128x16xf32, #tpu.memory_space<vmem>>, vector<1x16xf32>,
        %get3A_698 = vector.shape_cast %get3A_697 : vector<1x16xf32> to vector<16xf32>
        %slice3A_699 = vector.extract_strided_slice %get3A_510 {offsets = [10], sizes = [1], strides = [1]} : vector<16xf32> to vector<1xf32>
        %squeeze3A_700 = vector.extract %slice3A_699[0] : f32 from vector<1xf32>
        %mul3A_701 = vector.broadcast %squeeze3A_700 : f32 to vector<16xf32>
        %mul3A_702 = arith.mulf %get3A_698, %mul3A_701 : vector<16xf32>
        %add3A_703 = arith.addf %mul3A_702, %select_n3A : vector<16xf32>
        %swap3A_704 = arith.index_cast %add3A_694 : i32 to index
        %swap3A_705 = arith.constant 0 : index
        %swap3A_706 = tpu.vector_load %arg12[%swap3A_704, %swap3A_705] {strides = array<i32>} : memref<128x16xf32, #tpu.memory_space<vmem>>, vector<1x16xf32>,
        %swap3A_707 = vector.shape_cast %swap3A_706 : vector<1x16xf32> to vector<16xf32>
        %swap3A_708 = vector.shape_cast %add3A_703 : vector<16xf32> to vector<1x16xf32>
        tpu.vector_store %arg12[%swap3A_704, %swap3A_705], %swap3A_708 {strides = array<i32>} : memref<128x16xf32, #tpu.memory_space<vmem>>, vector<1x16xf32>,
        %mul3A_709 = arith.constant 16 : i32
        %mul3A_710 = arith.muli %scan3A_505, %mul3A_709 : i32
        %add3A_711 = arith.constant 11 : i32
        %add3A_712 = arith.addi %mul3A_710, %add3A_711 : i32
        %get3A_713 = arith.index_cast %add3A_712 : i32 to index
        %get3A_714 = arith.constant 0 : index
        %get3A_715 = tpu.vector_load %arg12[%get3A_713, %get3A_714] {strides = array<i32>} : memref<128x16xf32, #tpu.memory_space<vmem>>, vector<1x16xf32>,
        %get3A_716 = vector.shape_cast %get3A_715 : vector<1x16xf32> to vector<16xf32>
        %slice3A_717 = vector.extract_strided_slice %get3A_510 {offsets = [11], sizes = [1], strides = [1]} : vector<16xf32> to vector<1xf32>
        %squeeze3A_718 = vector.extract %slice3A_717[0] : f32 from vector<1xf32>
        %mul3A_719 = vector.broadcast %squeeze3A_718 : f32 to vector<16xf32>
        %mul3A_720 = arith.mulf %get3A_716, %mul3A_719 : vector<16xf32>
        %add3A_721 = arith.addf %mul3A_720, %select_n3A : vector<16xf32>
        %swap3A_722 = arith.index_cast %add3A_712 : i32 to index
        %swap3A_723 = arith.constant 0 : index
        %swap3A_724 = tpu.vector_load %arg12[%swap3A_722, %swap3A_723] {strides = array<i32>} : memref<128x16xf32, #tpu.memory_space<vmem>>, vector<1x16xf32>,
        %swap3A_725 = vector.shape_cast %swap3A_724 : vector<1x16xf32> to vector<16xf32>
        %swap3A_726 = vector.shape_cast %add3A_721 : vector<16xf32> to vector<1x16xf32>
        tpu.vector_store %arg12[%swap3A_722, %swap3A_723], %swap3A_726 {strides = array<i32>} : memref<128x16xf32, #tpu.memory_space<vmem>>, vector<1x16xf32>,
        %mul3A_727 = arith.constant 16 : i32
        %mul3A_728 = arith.muli %scan3A_505, %mul3A_727 : i32
        %add3A_729 = arith.constant 12 : i32
        %add3A_730 = arith.addi %mul3A_728, %add3A_729 : i32
        %get3A_731 = arith.index_cast %add3A_730 : i32 to index
        %get3A_732 = arith.constant 0 : index
        %get3A_733 = tpu.vector_load %arg12[%get3A_731, %get3A_732] {strides = array<i32>} : memref<128x16xf32, #tpu.memory_space<vmem>>, vector<1x16xf32>,
        %get3A_734 = vector.shape_cast %get3A_733 : vector<1x16xf32> to vector<16xf32>
        %slice3A_735 = vector.extract_strided_slice %get3A_510 {offsets = [12], sizes = [1], strides = [1]} : vector<16xf32> to vector<1xf32>
        %squeeze3A_736 = vector.extract %slice3A_735[0] : f32 from vector<1xf32>
        %mul3A_737 = vector.broadcast %squeeze3A_736 : f32 to vector<16xf32>
        %mul3A_738 = arith.mulf %get3A_734, %mul3A_737 : vector<16xf32>
        %add3A_739 = arith.addf %mul3A_738, %select_n3A : vector<16xf32>
        %swap3A_740 = arith.index_cast %add3A_730 : i32 to index
        %swap3A_741 = arith.constant 0 : index
        %swap3A_742 = tpu.vector_load %arg12[%swap3A_740, %swap3A_741] {strides = array<i32>} : memref<128x16xf32, #tpu.memory_space<vmem>>, vector<1x16xf32>,
        %swap3A_743 = vector.shape_cast %swap3A_742 : vector<1x16xf32> to vector<16xf32>
        %swap3A_744 = vector.shape_cast %add3A_739 : vector<16xf32> to vector<1x16xf32>
        tpu.vector_store %arg12[%swap3A_740, %swap3A_741], %swap3A_744 {strides = array<i32>} : memref<128x16xf32, #tpu.memory_space<vmem>>, vector<1x16xf32>,
        %mul3A_745 = arith.constant 16 : i32
        %mul3A_746 = arith.muli %scan3A_505, %mul3A_745 : i32
        %add3A_747 = arith.constant 13 : i32
        %add3A_748 = arith.addi %mul3A_746, %add3A_747 : i32
        %get3A_749 = arith.index_cast %add3A_748 : i32 to index
        %get3A_750 = arith.constant 0 : index
        %get3A_751 = tpu.vector_load %arg12[%get3A_749, %get3A_750] {strides = array<i32>} : memref<128x16xf32, #tpu.memory_space<vmem>>, vector<1x16xf32>,
        %get3A_752 = vector.shape_cast %get3A_751 : vector<1x16xf32> to vector<16xf32>
        %slice3A_753 = vector.extract_strided_slice %get3A_510 {offsets = [13], sizes = [1], strides = [1]} : vector<16xf32> to vector<1xf32>
        %squeeze3A_754 = vector.extract %slice3A_753[0] : f32 from vector<1xf32>
        %mul3A_755 = vector.broadcast %squeeze3A_754 : f32 to vector<16xf32>
        %mul3A_756 = arith.mulf %get3A_752, %mul3A_755 : vector<16xf32>
        %add3A_757 = arith.addf %mul3A_756, %select_n3A : vector<16xf32>
        %swap3A_758 = arith.index_cast %add3A_748 : i32 to index
        %swap3A_759 = arith.constant 0 : index
        %swap3A_760 = tpu.vector_load %arg12[%swap3A_758, %swap3A_759] {strides = array<i32>} : memref<128x16xf32, #tpu.memory_space<vmem>>, vector<1x16xf32>,
        %swap3A_761 = vector.shape_cast %swap3A_760 : vector<1x16xf32> to vector<16xf32>
        %swap3A_762 = vector.shape_cast %add3A_757 : vector<16xf32> to vector<1x16xf32>
        tpu.vector_store %arg12[%swap3A_758, %swap3A_759], %swap3A_762 {strides = array<i32>} : memref<128x16xf32, #tpu.memory_space<vmem>>, vector<1x16xf32>,
        %mul3A_763 = arith.constant 16 : i32
        %mul3A_764 = arith.muli %scan3A_505, %mul3A_763 : i32
        %add3A_765 = arith.constant 14 : i32
        %add3A_766 = arith.addi %mul3A_764, %add3A_765 : i32
        %get3A_767 = arith.index_cast %add3A_766 : i32 to index
        %get3A_768 = arith.constant 0 : index
        %get3A_769 = tpu.vector_load %arg12[%get3A_767, %get3A_768] {strides = array<i32>} : memref<128x16xf32, #tpu.memory_space<vmem>>, vector<1x16xf32>,
        %get3A_770 = vector.shape_cast %get3A_769 : vector<1x16xf32> to vector<16xf32>
        %slice3A_771 = vector.extract_strided_slice %get3A_510 {offsets = [14], sizes = [1], strides = [1]} : vector<16xf32> to vector<1xf32>
        %squeeze3A_772 = vector.extract %slice3A_771[0] : f32 from vector<1xf32>
        %mul3A_773 = vector.broadcast %squeeze3A_772 : f32 to vector<16xf32>
        %mul3A_774 = arith.mulf %get3A_770, %mul3A_773 : vector<16xf32>
        %add3A_775 = arith.addf %mul3A_774, %select_n3A : vector<16xf32>
        %swap3A_776 = arith.index_cast %add3A_766 : i32 to index
        %swap3A_777 = arith.constant 0 : index
        %swap3A_778 = tpu.vector_load %arg12[%swap3A_776, %swap3A_777] {strides = array<i32>} : memref<128x16xf32, #tpu.memory_space<vmem>>, vector<1x16xf32>,
        %swap3A_779 = vector.shape_cast %swap3A_778 : vector<1x16xf32> to vector<16xf32>
        %swap3A_780 = vector.shape_cast %add3A_775 : vector<16xf32> to vector<1x16xf32>
        tpu.vector_store %arg12[%swap3A_776, %swap3A_777], %swap3A_780 {strides = array<i32>} : memref<128x16xf32, #tpu.memory_space<vmem>>, vector<1x16xf32>,
        %mul3A_781 = arith.constant 16 : i32
        %mul3A_782 = arith.muli %scan3A_505, %mul3A_781 : i32
        %add3A_783 = arith.constant 15 : i32
        %add3A_784 = arith.addi %mul3A_782, %add3A_783 : i32
        %get3A_785 = arith.index_cast %add3A_784 : i32 to index
        %get3A_786 = arith.constant 0 : index
        %get3A_787 = tpu.vector_load %arg12[%get3A_785, %get3A_786] {strides = array<i32>} : memref<128x16xf32, #tpu.memory_space<vmem>>, vector<1x16xf32>,
        %get3A_788 = vector.shape_cast %get3A_787 : vector<1x16xf32> to vector<16xf32>
        %slice3A_789 = vector.extract_strided_slice %get3A_510 {offsets = [15], sizes = [1], strides = [1]} : vector<16xf32> to vector<1xf32>
        %squeeze3A_790 = vector.extract %slice3A_789[0] : f32 from vector<1xf32>
        %mul3A_791 = vector.broadcast %squeeze3A_790 : f32 to vector<16xf32>
        %mul3A_792 = arith.mulf %get3A_788, %mul3A_791 : vector<16xf32>
        %add3A_793 = arith.addf %mul3A_792, %select_n3A : vector<16xf32>
        %swap3A_794 = arith.index_cast %add3A_784 : i32 to index
        %swap3A_795 = arith.constant 0 : index
        %swap3A_796 = tpu.vector_load %arg12[%swap3A_794, %swap3A_795] {strides = array<i32>} : memref<128x16xf32, #tpu.memory_space<vmem>>, vector<1x16xf32>,
        %swap3A_797 = vector.shape_cast %swap3A_796 : vector<1x16xf32> to vector<16xf32>
        %swap3A_798 = vector.shape_cast %add3A_793 : vector<16xf32> to vector<1x16xf32>
        tpu.vector_store %arg12[%swap3A_794, %swap3A_795], %swap3A_798 {strides = array<i32>} : memref<128x16xf32, #tpu.memory_space<vmem>>, vector<1x16xf32>,
      }
      %scan3A_458 = arith.constant 8 : i32
      %dma_start3A_459 = arith.constant 0 : i32
      %dma_start3A_460 = arith.constant 0 : i32
      %dma_start3A_461 = tpu.memref_slice %arg18[%dma_start3A_459, %dma_start3A_460] : memref<10000x128xf32, #tpu.memory_space<vmem_shared>> -> memref<10000x128xf32, #tpu.memory_space<vmem_shared>>
      tpu.enqueue_indirect_dma source(%arg11 : memref<128x128xf32, #tpu.memory_space<vmem>>) target(%dma_start3A_461 : memref<10000x128xf32, #tpu.memory_space<vmem_shared>>) offsets(%arg10 : memref<128xi32, #tpu.memory_space<vmem>>) semaphore(%arg22 : memref<!tpu.dma_semaphore, #tpu.memory_space<semaphore_mem>>) {add = true}
      %dma_start3A_462 = arith.constant 0 : i32
      %dma_start3A_463 = arith.constant 0 : i32
      %dma_start3A_464 = tpu.memref_slice %arg19[%dma_start3A_462, %dma_start3A_463] : memref<10000x16xf32, #tpu.memory_space<vmem_shared>> -> memref<10000x16xf32, #tpu.memory_space<vmem_shared>>
      tpu.enqueue_indirect_dma source(%arg12 : memref<128x16xf32, #tpu.memory_space<vmem>>) target(%dma_start3A_464 : memref<10000x16xf32, #tpu.memory_space<vmem_shared>>) offsets(%arg10 : memref<128xi32, #tpu.memory_space<vmem>>) semaphore(%arg22 : memref<!tpu.dma_semaphore, #tpu.memory_space<semaphore_mem>>) {add = true}
      %dma_wait3A_465 = arith.constant 0 : i32
      %dma_wait3A_466 = tpu.memref_slice %arg2[%dma_wait3A_465] : memref<320000xi32, #tpu.memory_space<hbm>> -> memref<128xi32, #tpu.memory_space<hbm>>
      %dma_wait3A_467 = arith.constant 0 : i32
      %dma_wait3A_468 = tpu.memref_slice %arg2[%dma_wait3A_467] : memref<320000xi32, #tpu.memory_space<hbm>> -> memref<128xi32, #tpu.memory_space<hbm>>
      tpu.wait_dma2 semaphore(%arg21 : memref<!tpu.dma_semaphore, #tpu.memory_space<semaphore_mem>>) src(%dma_wait3A_468 : memref<128xi32, #tpu.memory_space<hbm>>) dst(%arg14 : memref<128xi32, #tpu.memory_space<vmem>>)
      %dma_wait3A_469 = arith.constant 0 : i32
      %dma_wait3A_470 = arith.constant 0 : i32
      %dma_wait3A_471 = tpu.memref_slice %arg3[%dma_wait3A_469, %dma_wait3A_470] : memref<320000x128xf32, #tpu.memory_space<hbm>> -> memref<128x128xf32, #tpu.memory_space<hbm>>
      %dma_wait3A_472 = arith.constant 0 : i32
      %dma_wait3A_473 = arith.constant 0 : i32
      %dma_wait3A_474 = tpu.memref_slice %arg3[%dma_wait3A_472, %dma_wait3A_473] : memref<320000x128xf32, #tpu.memory_space<hbm>> -> memref<128x128xf32, #tpu.memory_space<hbm>>
      tpu.wait_dma2 semaphore(%arg21 : memref<!tpu.dma_semaphore, #tpu.memory_space<semaphore_mem>>) src(%dma_wait3A_474 : memref<128x128xf32, #tpu.memory_space<hbm>>) dst(%arg15 : memref<128x128xf32, #tpu.memory_space<vmem>>)
      %dma_wait3A_475 = arith.constant 0 : i32
      %dma_wait3A_476 = arith.constant 0 : i32
      %dma_wait3A_477 = tpu.memref_slice %arg4[%dma_wait3A_475, %dma_wait3A_476] : memref<320000x16xf32, #tpu.memory_space<hbm>> -> memref<128x16xf32, #tpu.memory_space<hbm>>
      %dma_wait3A_478 = arith.constant 0 : i32
      %dma_wait3A_479 = arith.constant 0 : i32
      %dma_wait3A_480 = tpu.memref_slice %arg4[%dma_wait3A_478, %dma_wait3A_479] : memref<320000x16xf32, #tpu.memory_space<hbm>> -> memref<128x16xf32, #tpu.memory_space<hbm>>
      tpu.wait_dma2 semaphore(%arg21 : memref<!tpu.dma_semaphore, #tpu.memory_space<semaphore_mem>>) src(%dma_wait3A_480 : memref<128x16xf32, #tpu.memory_space<hbm>>) dst(%arg16 : memref<128x16xf32, #tpu.memory_space<vmem>>)
      %dma_wait3A_481 = arith.constant 0 : i32
      %dma_wait3A_482 = tpu.memref_slice %arg5[%dma_wait3A_481] : memref<320000xf32, #tpu.memory_space<hbm>> -> memref<128xf32, #tpu.memory_space<hbm>>
      %dma_wait3A_483 = arith.constant 0 : i32
      %dma_wait3A_484 = tpu.memref_slice %arg5[%dma_wait3A_483] : memref<320000xf32, #tpu.memory_space<hbm>> -> memref<128xf32, #tpu.memory_space<hbm>>
      tpu.wait_dma2 semaphore(%arg21 : memref<!tpu.dma_semaphore, #tpu.memory_space<semaphore_mem>>) src(%dma_wait3A_484 : memref<128xf32, #tpu.memory_space<hbm>>) dst(%arg17 : memref<128xf32, #tpu.memory_space<vmem>>)
      %lt3A = arith.constant 38 : i32
      %lt3A_485 = arith.cmpi slt, %scan3A_408, %lt3A : i32
      %convert_element_type3A_486 = arith.extui %lt3A_485 : i1 to i32
      %cond3A_487 = arith.constant 0 : i32
      %cond3A_488 = arith.cmpi ne, %convert_element_type3A_486, %cond3A_487 : i32
      scf.if %cond3A_488 {
        %dma_wait3A_505 = arith.constant 0 : i32
        %dma_wait3A_506 = arith.constant 0 : i32
        %dma_wait3A_507 = tpu.memref_slice %arg18[%dma_wait3A_505, %dma_wait3A_506] : memref<10000x128xf32, #tpu.memory_space<vmem_shared>> -> memref<10000x128xf32, #tpu.memory_space<vmem_shared>>
        tpu.wait_indirect_dma semaphore(%arg22 : memref<!tpu.dma_semaphore, #tpu.memory_space<semaphore_mem>>) src(%arg11 : memref<128x128xf32, #tpu.memory_space<vmem>>) dst(%dma_wait3A_507 : memref<10000x128xf32, #tpu.memory_space<vmem_shared>>)
        %dma_wait3A_508 = arith.constant 0 : i32
        %dma_wait3A_509 = arith.constant 0 : i32
        %dma_wait3A_510 = tpu.memref_slice %arg19[%dma_wait3A_508, %dma_wait3A_509] : memref<10000x16xf32, #tpu.memory_space<vmem_shared>> -> memref<10000x16xf32, #tpu.memory_space<vmem_shared>>
        tpu.wait_indirect_dma semaphore(%arg22 : memref<!tpu.dma_semaphore, #tpu.memory_space<semaphore_mem>>) src(%arg12 : memref<128x16xf32, #tpu.memory_space<vmem>>) dst(%dma_wait3A_510 : memref<10000x16xf32, #tpu.memory_space<vmem_shared>>)
        %mul3A_511 = arith.constant 2 : i32
        %mul3A_512 = arith.muli %mul3A_511, %scan3A_408 : i32
        %add3A_513 = arith.constant 2 : i32
        %add3A_514 = arith.addi %mul3A_512, %add3A_513 : i32
        %mul3A_515 = arith.constant 128 : i32
        %mul3A_516 = arith.muli %add3A_514, %mul3A_515 : i32
        %add3A_517 = arith.addi %mul3A_2, %mul3A_516 : i32
        %multiple_of3A_518 = tpu.assume_multiple %add3A_517, 8 : i32
        %dma_start3A_519 = tpu.memref_slice %arg2[%multiple_of3A_518] : memref<320000xi32, #tpu.memory_space<hbm>> -> memref<128xi32, #tpu.memory_space<hbm>>
        %dma_start3A_520 = tpu.memref_slice %arg2[%multiple_of3A_518] : memref<320000xi32, #tpu.memory_space<hbm>> -> memref<128xi32, #tpu.memory_space<hbm>>
        tpu.enqueue_dma source(%dma_start3A_520 : memref<128xi32, #tpu.memory_space<hbm>>) target(%arg10 : memref<128xi32, #tpu.memory_space<vmem>>) target_semaphore(%arg20 : memref<!tpu.dma_semaphore, #tpu.memory_space<semaphore_mem>>)
        %dma_start3A_521 = arith.constant 0 : i32
        %dma_start3A_522 = tpu.memref_slice %arg3[%multiple_of3A_518, %dma_start3A_521] : memref<320000x128xf32, #tpu.memory_space<hbm>> -> memref<128x128xf32, #tpu.memory_space<hbm>>
        %dma_start3A_523 = arith.constant 0 : i32
        %dma_start3A_524 = tpu.memref_slice %arg3[%multiple_of3A_518, %dma_start3A_523] : memref<320000x128xf32, #tpu.memory_space<hbm>> -> memref<128x128xf32, #tpu.memory_space<hbm>>
        tpu.enqueue_dma source(%dma_start3A_524 : memref<128x128xf32, #tpu.memory_space<hbm>>) target(%arg11 : memref<128x128xf32, #tpu.memory_space<vmem>>) target_semaphore(%arg20 : memref<!tpu.dma_semaphore, #tpu.memory_space<semaphore_mem>>)
        %dma_start3A_525 = arith.constant 0 : i32
        %dma_start3A_526 = tpu.memref_slice %arg4[%multiple_of3A_518, %dma_start3A_525] : memref<320000x16xf32, #tpu.memory_space<hbm>> -> memref<128x16xf32, #tpu.memory_space<hbm>>
        %dma_start3A_527 = arith.constant 0 : i32
        %dma_start3A_528 = tpu.memref_slice %arg4[%multiple_of3A_518, %dma_start3A_527] : memref<320000x16xf32, #tpu.memory_space<hbm>> -> memref<128x16xf32, #tpu.memory_space<hbm>>
        tpu.enqueue_dma source(%dma_start3A_528 : memref<128x16xf32, #tpu.memory_space<hbm>>) target(%arg12 : memref<128x16xf32, #tpu.memory_space<vmem>>) target_semaphore(%arg20 : memref<!tpu.dma_semaphore, #tpu.memory_space<semaphore_mem>>)
        %dma_start3A_529 = tpu.memref_slice %arg5[%multiple_of3A_518] : memref<320000xf32, #tpu.memory_space<hbm>> -> memref<128xf32, #tpu.memory_space<hbm>>
        %dma_start3A_530 = tpu.memref_slice %arg5[%multiple_of3A_518] : memref<320000xf32, #tpu.memory_space<hbm>> -> memref<128xf32, #tpu.memory_space<hbm>>
        tpu.enqueue_dma source(%dma_start3A_530 : memref<128xf32, #tpu.memory_space<hbm>>) target(%arg13 : memref<128xf32, #tpu.memory_space<vmem>>) target_semaphore(%arg20 : memref<!tpu.dma_semaphore, #tpu.memory_space<semaphore_mem>>)
      } else {
      }
      %mul3A_489 = arith.constant 2 : i32
      %mul3A_490 = arith.muli %mul3A_489, %scan3A_408 : i32
      %add3A_491 = arith.constant 1 : i32
      %add3A_492 = arith.addi %mul3A_490, %add3A_491 : i32
      %scan3A_493 = arith.constant 0 : i32
      %scan3A_494 = arith.constant 0 : i32
      %scan3A_495 = arith.constant 8 : i32
      %scan3A_496 = arith.addi %scan3A_494, %scan3A_495 : i32
      %scan3A_497 = arith.constant 1 : i32
      scf.for %scan3A_505 = %scan3A_494 to %scan3A_496 step %scan3A_497  : i32 {
        %mul3A_506 = arith.constant 16 : i32
        %mul3A_507 = arith.muli %scan3A_505, %mul3A_506 : i32
        %get3A_508 = arith.index_cast %mul3A_507 : i32 to index
        %get3A_509 = tpu.vector_load %arg17[%get3A_508] {strides = array<i32>} : memref<128xf32, #tpu.memory_space<vmem>>, vector<16xf32>,
        %get3A_510 = vector.shape_cast %get3A_509 : vector<16xf32> to vector<16xf32>
        %mul3A_511 = arith.constant 16 : i32
        %mul3A_512 = arith.muli %scan3A_505, %mul3A_511 : i32
        %add3A_513 = arith.constant 0 : i32
        %add3A_514 = arith.addi %mul3A_512, %add3A_513 : i32
        %get3A_515 = arith.index_cast %add3A_514 : i32 to index
        %get3A_516 = arith.constant 0 : index
        %get3A_517 = tpu.vector_load %arg16[%get3A_515, %get3A_516] {strides = array<i32>} : memref<128x16xf32, #tpu.memory_space<vmem>>, vector<1x16xf32>,
        %get3A_518 = vector.shape_cast %get3A_517 : vector<1x16xf32> to vector<16xf32>
        %slice3A_519 = vector.extract_strided_slice %get3A_510 {offsets = [0], sizes = [1], strides = [1]} : vector<16xf32> to vector<1xf32>
        %squeeze3A_520 = vector.extract %slice3A_519[0] : f32 from vector<1xf32>
        %mul3A_521 = vector.broadcast %squeeze3A_520 : f32 to vector<16xf32>
        %mul3A_522 = arith.mulf %get3A_518, %mul3A_521 : vector<16xf32>
        %add3A_523 = arith.addf %mul3A_522, %select_n3A : vector<16xf32>
        %swap3A_524 = arith.index_cast %add3A_514 : i32 to index
        %swap3A_525 = arith.constant 0 : index
        %swap3A_526 = tpu.vector_load %arg16[%swap3A_524, %swap3A_525] {strides = array<i32>} : memref<128x16xf32, #tpu.memory_space<vmem>>, vector<1x16xf32>,
        %swap3A_527 = vector.shape_cast %swap3A_526 : vector<1x16xf32> to vector<16xf32>
        %swap3A_528 = vector.shape_cast %add3A_523 : vector<16xf32> to vector<1x16xf32>
        tpu.vector_store %arg16[%swap3A_524, %swap3A_525], %swap3A_528 {strides = array<i32>} : memref<128x16xf32, #tpu.memory_space<vmem>>, vector<1x16xf32>,
        %mul3A_529 = arith.constant 16 : i32
        %mul3A_530 = arith.muli %scan3A_505, %mul3A_529 : i32
        %add3A_531 = arith.constant 1 : i32
        %add3A_532 = arith.addi %mul3A_530, %add3A_531 : i32
        %get3A_533 = arith.index_cast %add3A_532 : i32 to index
        %get3A_534 = arith.constant 0 : index
        %get3A_535 = tpu.vector_load %arg16[%get3A_533, %get3A_534] {strides = array<i32>} : memref<128x16xf32, #tpu.memory_space<vmem>>, vector<1x16xf32>,
        %get3A_536 = vector.shape_cast %get3A_535 : vector<1x16xf32> to vector<16xf32>
        %slice3A_537 = vector.extract_strided_slice %get3A_510 {offsets = [1], sizes = [1], strides = [1]} : vector<16xf32> to vector<1xf32>
        %squeeze3A_538 = vector.extract %slice3A_537[0] : f32 from vector<1xf32>
        %mul3A_539 = vector.broadcast %squeeze3A_538 : f32 to vector<16xf32>
        %mul3A_540 = arith.mulf %get3A_536, %mul3A_539 : vector<16xf32>
        %add3A_541 = arith.addf %mul3A_540, %select_n3A : vector<16xf32>
        %swap3A_542 = arith.index_cast %add3A_532 : i32 to index
        %swap3A_543 = arith.constant 0 : index
        %swap3A_544 = tpu.vector_load %arg16[%swap3A_542, %swap3A_543] {strides = array<i32>} : memref<128x16xf32, #tpu.memory_space<vmem>>, vector<1x16xf32>,
        %swap3A_545 = vector.shape_cast %swap3A_544 : vector<1x16xf32> to vector<16xf32>
        %swap3A_546 = vector.shape_cast %add3A_541 : vector<16xf32> to vector<1x16xf32>
        tpu.vector_store %arg16[%swap3A_542, %swap3A_543], %swap3A_546 {strides = array<i32>} : memref<128x16xf32, #tpu.memory_space<vmem>>, vector<1x16xf32>,
        %mul3A_547 = arith.constant 16 : i32
        %mul3A_548 = arith.muli %scan3A_505, %mul3A_547 : i32
        %add3A_549 = arith.constant 2 : i32
        %add3A_550 = arith.addi %mul3A_548, %add3A_549 : i32
        %get3A_551 = arith.index_cast %add3A_550 : i32 to index
        %get3A_552 = arith.constant 0 : index
        %get3A_553 = tpu.vector_load %arg16[%get3A_551, %get3A_552] {strides = array<i32>} : memref<128x16xf32, #tpu.memory_space<vmem>>, vector<1x16xf32>,
        %get3A_554 = vector.shape_cast %get3A_553 : vector<1x16xf32> to vector<16xf32>
        %slice3A_555 = vector.extract_strided_slice %get3A_510 {offsets = [2], sizes = [1], strides = [1]} : vector<16xf32> to vector<1xf32>
        %squeeze3A_556 = vector.extract %slice3A_555[0] : f32 from vector<1xf32>
        %mul3A_557 = vector.broadcast %squeeze3A_556 : f32 to vector<16xf32>
        %mul3A_558 = arith.mulf %get3A_554, %mul3A_557 : vector<16xf32>
        %add3A_559 = arith.addf %mul3A_558, %select_n3A : vector<16xf32>
        %swap3A_560 = arith.index_cast %add3A_550 : i32 to index
        %swap3A_561 = arith.constant 0 : index
        %swap3A_562 = tpu.vector_load %arg16[%swap3A_560, %swap3A_561] {strides = array<i32>} : memref<128x16xf32, #tpu.memory_space<vmem>>, vector<1x16xf32>,
        %swap3A_563 = vector.shape_cast %swap3A_562 : vector<1x16xf32> to vector<16xf32>
        %swap3A_564 = vector.shape_cast %add3A_559 : vector<16xf32> to vector<1x16xf32>
        tpu.vector_store %arg16[%swap3A_560, %swap3A_561], %swap3A_564 {strides = array<i32>} : memref<128x16xf32, #tpu.memory_space<vmem>>, vector<1x16xf32>,
        %mul3A_565 = arith.constant 16 : i32
        %mul3A_566 = arith.muli %scan3A_505, %mul3A_565 : i32
        %add3A_567 = arith.constant 3 : i32
        %add3A_568 = arith.addi %mul3A_566, %add3A_567 : i32
        %get3A_569 = arith.index_cast %add3A_568 : i32 to index
        %get3A_570 = arith.constant 0 : index
        %get3A_571 = tpu.vector_load %arg16[%get3A_569, %get3A_570] {strides = array<i32>} : memref<128x16xf32, #tpu.memory_space<vmem>>, vector<1x16xf32>,
        %get3A_572 = vector.shape_cast %get3A_571 : vector<1x16xf32> to vector<16xf32>
        %slice3A_573 = vector.extract_strided_slice %get3A_510 {offsets = [3], sizes = [1], strides = [1]} : vector<16xf32> to vector<1xf32>
        %squeeze3A_574 = vector.extract %slice3A_573[0] : f32 from vector<1xf32>
        %mul3A_575 = vector.broadcast %squeeze3A_574 : f32 to vector<16xf32>
        %mul3A_576 = arith.mulf %get3A_572, %mul3A_575 : vector<16xf32>
        %add3A_577 = arith.addf %mul3A_576, %select_n3A : vector<16xf32>
        %swap3A_578 = arith.index_cast %add3A_568 : i32 to index
        %swap3A_579 = arith.constant 0 : index
        %swap3A_580 = tpu.vector_load %arg16[%swap3A_578, %swap3A_579] {strides = array<i32>} : memref<128x16xf32, #tpu.memory_space<vmem>>, vector<1x16xf32>,
        %swap3A_581 = vector.shape_cast %swap3A_580 : vector<1x16xf32> to vector<16xf32>
        %swap3A_582 = vector.shape_cast %add3A_577 : vector<16xf32> to vector<1x16xf32>
        tpu.vector_store %arg16[%swap3A_578, %swap3A_579], %swap3A_582 {strides = array<i32>} : memref<128x16xf32, #tpu.memory_space<vmem>>, vector<1x16xf32>,
        %mul3A_583 = arith.constant 16 : i32
        %mul3A_584 = arith.muli %scan3A_505, %mul3A_583 : i32
        %add3A_585 = arith.constant 4 : i32
        %add3A_586 = arith.addi %mul3A_584, %add3A_585 : i32
        %get3A_587 = arith.index_cast %add3A_586 : i32 to index
        %get3A_588 = arith.constant 0 : index
        %get3A_589 = tpu.vector_load %arg16[%get3A_587, %get3A_588] {strides = array<i32>} : memref<128x16xf32, #tpu.memory_space<vmem>>, vector<1x16xf32>,
        %get3A_590 = vector.shape_cast %get3A_589 : vector<1x16xf32> to vector<16xf32>
        %slice3A_591 = vector.extract_strided_slice %get3A_510 {offsets = [4], sizes = [1], strides = [1]} : vector<16xf32> to vector<1xf32>
        %squeeze3A_592 = vector.extract %slice3A_591[0] : f32 from vector<1xf32>
        %mul3A_593 = vector.broadcast %squeeze3A_592 : f32 to vector<16xf32>
        %mul3A_594 = arith.mulf %get3A_590, %mul3A_593 : vector<16xf32>
        %add3A_595 = arith.addf %mul3A_594, %select_n3A : vector<16xf32>
        %swap3A_596 = arith.index_cast %add3A_586 : i32 to index
        %swap3A_597 = arith.constant 0 : index
        %swap3A_598 = tpu.vector_load %arg16[%swap3A_596, %swap3A_597] {strides = array<i32>} : memref<128x16xf32, #tpu.memory_space<vmem>>, vector<1x16xf32>,
        %swap3A_599 = vector.shape_cast %swap3A_598 : vector<1x16xf32> to vector<16xf32>
        %swap3A_600 = vector.shape_cast %add3A_595 : vector<16xf32> to vector<1x16xf32>
        tpu.vector_store %arg16[%swap3A_596, %swap3A_597], %swap3A_600 {strides = array<i32>} : memref<128x16xf32, #tpu.memory_space<vmem>>, vector<1x16xf32>,
        %mul3A_601 = arith.constant 16 : i32
        %mul3A_602 = arith.muli %scan3A_505, %mul3A_601 : i32
        %add3A_603 = arith.constant 5 : i32
        %add3A_604 = arith.addi %mul3A_602, %add3A_603 : i32
        %get3A_605 = arith.index_cast %add3A_604 : i32 to index
        %get3A_606 = arith.constant 0 : index
        %get3A_607 = tpu.vector_load %arg16[%get3A_605, %get3A_606] {strides = array<i32>} : memref<128x16xf32, #tpu.memory_space<vmem>>, vector<1x16xf32>,
        %get3A_608 = vector.shape_cast %get3A_607 : vector<1x16xf32> to vector<16xf32>
        %slice3A_609 = vector.extract_strided_slice %get3A_510 {offsets = [5], sizes = [1], strides = [1]} : vector<16xf32> to vector<1xf32>
        %squeeze3A_610 = vector.extract %slice3A_609[0] : f32 from vector<1xf32>
        %mul3A_611 = vector.broadcast %squeeze3A_610 : f32 to vector<16xf32>
        %mul3A_612 = arith.mulf %get3A_608, %mul3A_611 : vector<16xf32>
        %add3A_613 = arith.addf %mul3A_612, %select_n3A : vector<16xf32>
        %swap3A_614 = arith.index_cast %add3A_604 : i32 to index
        %swap3A_615 = arith.constant 0 : index
        %swap3A_616 = tpu.vector_load %arg16[%swap3A_614, %swap3A_615] {strides = array<i32>} : memref<128x16xf32, #tpu.memory_space<vmem>>, vector<1x16xf32>,
        %swap3A_617 = vector.shape_cast %swap3A_616 : vector<1x16xf32> to vector<16xf32>
        %swap3A_618 = vector.shape_cast %add3A_613 : vector<16xf32> to vector<1x16xf32>
        tpu.vector_store %arg16[%swap3A_614, %swap3A_615], %swap3A_618 {strides = array<i32>} : memref<128x16xf32, #tpu.memory_space<vmem>>, vector<1x16xf32>,
        %mul3A_619 = arith.constant 16 : i32
        %mul3A_620 = arith.muli %scan3A_505, %mul3A_619 : i32
        %add3A_621 = arith.constant 6 : i32
        %add3A_622 = arith.addi %mul3A_620, %add3A_621 : i32
        %get3A_623 = arith.index_cast %add3A_622 : i32 to index
        %get3A_624 = arith.constant 0 : index
        %get3A_625 = tpu.vector_load %arg16[%get3A_623, %get3A_624] {strides = array<i32>} : memref<128x16xf32, #tpu.memory_space<vmem>>, vector<1x16xf32>,
        %get3A_626 = vector.shape_cast %get3A_625 : vector<1x16xf32> to vector<16xf32>
        %slice3A_627 = vector.extract_strided_slice %get3A_510 {offsets = [6], sizes = [1], strides = [1]} : vector<16xf32> to vector<1xf32>
        %squeeze3A_628 = vector.extract %slice3A_627[0] : f32 from vector<1xf32>
        %mul3A_629 = vector.broadcast %squeeze3A_628 : f32 to vector<16xf32>
        %mul3A_630 = arith.mulf %get3A_626, %mul3A_629 : vector<16xf32>
        %add3A_631 = arith.addf %mul3A_630, %select_n3A : vector<16xf32>
        %swap3A_632 = arith.index_cast %add3A_622 : i32 to index
        %swap3A_633 = arith.constant 0 : index
        %swap3A_634 = tpu.vector_load %arg16[%swap3A_632, %swap3A_633] {strides = array<i32>} : memref<128x16xf32, #tpu.memory_space<vmem>>, vector<1x16xf32>,
        %swap3A_635 = vector.shape_cast %swap3A_634 : vector<1x16xf32> to vector<16xf32>
        %swap3A_636 = vector.shape_cast %add3A_631 : vector<16xf32> to vector<1x16xf32>
        tpu.vector_store %arg16[%swap3A_632, %swap3A_633], %swap3A_636 {strides = array<i32>} : memref<128x16xf32, #tpu.memory_space<vmem>>, vector<1x16xf32>,
        %mul3A_637 = arith.constant 16 : i32
        %mul3A_638 = arith.muli %scan3A_505, %mul3A_637 : i32
        %add3A_639 = arith.constant 7 : i32
        %add3A_640 = arith.addi %mul3A_638, %add3A_639 : i32
        %get3A_641 = arith.index_cast %add3A_640 : i32 to index
        %get3A_642 = arith.constant 0 : index
        %get3A_643 = tpu.vector_load %arg16[%get3A_641, %get3A_642] {strides = array<i32>} : memref<128x16xf32, #tpu.memory_space<vmem>>, vector<1x16xf32>,
        %get3A_644 = vector.shape_cast %get3A_643 : vector<1x16xf32> to vector<16xf32>
        %slice3A_645 = vector.extract_strided_slice %get3A_510 {offsets = [7], sizes = [1], strides = [1]} : vector<16xf32> to vector<1xf32>
        %squeeze3A_646 = vector.extract %slice3A_645[0] : f32 from vector<1xf32>
        %mul3A_647 = vector.broadcast %squeeze3A_646 : f32 to vector<16xf32>
        %mul3A_648 = arith.mulf %get3A_644, %mul3A_647 : vector<16xf32>
        %add3A_649 = arith.addf %mul3A_648, %select_n3A : vector<16xf32>
        %swap3A_650 = arith.index_cast %add3A_640 : i32 to index
        %swap3A_651 = arith.constant 0 : index
        %swap3A_652 = tpu.vector_load %arg16[%swap3A_650, %swap3A_651] {strides = array<i32>} : memref<128x16xf32, #tpu.memory_space<vmem>>, vector<1x16xf32>,
        %swap3A_653 = vector.shape_cast %swap3A_652 : vector<1x16xf32> to vector<16xf32>
        %swap3A_654 = vector.shape_cast %add3A_649 : vector<16xf32> to vector<1x16xf32>
        tpu.vector_store %arg16[%swap3A_650, %swap3A_651], %swap3A_654 {strides = array<i32>} : memref<128x16xf32, #tpu.memory_space<vmem>>, vector<1x16xf32>,
        %mul3A_655 = arith.constant 16 : i32
        %mul3A_656 = arith.muli %scan3A_505, %mul3A_655 : i32
        %add3A_657 = arith.constant 8 : i32
        %add3A_658 = arith.addi %mul3A_656, %add3A_657 : i32
        %get3A_659 = arith.index_cast %add3A_658 : i32 to index
        %get3A_660 = arith.constant 0 : index
        %get3A_661 = tpu.vector_load %arg16[%get3A_659, %get3A_660] {strides = array<i32>} : memref<128x16xf32, #tpu.memory_space<vmem>>, vector<1x16xf32>,
        %get3A_662 = vector.shape_cast %get3A_661 : vector<1x16xf32> to vector<16xf32>
        %slice3A_663 = vector.extract_strided_slice %get3A_510 {offsets = [8], sizes = [1], strides = [1]} : vector<16xf32> to vector<1xf32>
        %squeeze3A_664 = vector.extract %slice3A_663[0] : f32 from vector<1xf32>
        %mul3A_665 = vector.broadcast %squeeze3A_664 : f32 to vector<16xf32>
        %mul3A_666 = arith.mulf %get3A_662, %mul3A_665 : vector<16xf32>
        %add3A_667 = arith.addf %mul3A_666, %select_n3A : vector<16xf32>
        %swap3A_668 = arith.index_cast %add3A_658 : i32 to index
        %swap3A_669 = arith.constant 0 : index
        %swap3A_670 = tpu.vector_load %arg16[%swap3A_668, %swap3A_669] {strides = array<i32>} : memref<128x16xf32, #tpu.memory_space<vmem>>, vector<1x16xf32>,
        %swap3A_671 = vector.shape_cast %swap3A_670 : vector<1x16xf32> to vector<16xf32>
        %swap3A_672 = vector.shape_cast %add3A_667 : vector<16xf32> to vector<1x16xf32>
        tpu.vector_store %arg16[%swap3A_668, %swap3A_669], %swap3A_672 {strides = array<i32>} : memref<128x16xf32, #tpu.memory_space<vmem>>, vector<1x16xf32>,
        %mul3A_673 = arith.constant 16 : i32
        %mul3A_674 = arith.muli %scan3A_505, %mul3A_673 : i32
        %add3A_675 = arith.constant 9 : i32
        %add3A_676 = arith.addi %mul3A_674, %add3A_675 : i32
        %get3A_677 = arith.index_cast %add3A_676 : i32 to index
        %get3A_678 = arith.constant 0 : index
        %get3A_679 = tpu.vector_load %arg16[%get3A_677, %get3A_678] {strides = array<i32>} : memref<128x16xf32, #tpu.memory_space<vmem>>, vector<1x16xf32>,
        %get3A_680 = vector.shape_cast %get3A_679 : vector<1x16xf32> to vector<16xf32>
        %slice3A_681 = vector.extract_strided_slice %get3A_510 {offsets = [9], sizes = [1], strides = [1]} : vector<16xf32> to vector<1xf32>
        %squeeze3A_682 = vector.extract %slice3A_681[0] : f32 from vector<1xf32>
        %mul3A_683 = vector.broadcast %squeeze3A_682 : f32 to vector<16xf32>
        %mul3A_684 = arith.mulf %get3A_680, %mul3A_683 : vector<16xf32>
        %add3A_685 = arith.addf %mul3A_684, %select_n3A : vector<16xf32>
        %swap3A_686 = arith.index_cast %add3A_676 : i32 to index
        %swap3A_687 = arith.constant 0 : index
        %swap3A_688 = tpu.vector_load %arg16[%swap3A_686, %swap3A_687] {strides = array<i32>} : memref<128x16xf32, #tpu.memory_space<vmem>>, vector<1x16xf32>,
        %swap3A_689 = vector.shape_cast %swap3A_688 : vector<1x16xf32> to vector<16xf32>
        %swap3A_690 = vector.shape_cast %add3A_685 : vector<16xf32> to vector<1x16xf32>
        tpu.vector_store %arg16[%swap3A_686, %swap3A_687], %swap3A_690 {strides = array<i32>} : memref<128x16xf32, #tpu.memory_space<vmem>>, vector<1x16xf32>,
        %mul3A_691 = arith.constant 16 : i32
        %mul3A_692 = arith.muli %scan3A_505, %mul3A_691 : i32
        %add3A_693 = arith.constant 10 : i32
        %add3A_694 = arith.addi %mul3A_692, %add3A_693 : i32
        %get3A_695 = arith.index_cast %add3A_694 : i32 to index
        %get3A_696 = arith.constant 0 : index
        %get3A_697 = tpu.vector_load %arg16[%get3A_695, %get3A_696] {strides = array<i32>} : memref<128x16xf32, #tpu.memory_space<vmem>>, vector<1x16xf32>,
        %get3A_698 = vector.shape_cast %get3A_697 : vector<1x16xf32> to vector<16xf32>
        %slice3A_699 = vector.extract_strided_slice %get3A_510 {offsets = [10], sizes = [1], strides = [1]} : vector<16xf32> to vector<1xf32>
        %squeeze3A_700 = vector.extract %slice3A_699[0] : f32 from vector<1xf32>
        %mul3A_701 = vector.broadcast %squeeze3A_700 : f32 to vector<16xf32>
        %mul3A_702 = arith.mulf %get3A_698, %mul3A_701 : vector<16xf32>
        %add3A_703 = arith.addf %mul3A_702, %select_n3A : vector<16xf32>
        %swap3A_704 = arith.index_cast %add3A_694 : i32 to index
        %swap3A_705 = arith.constant 0 : index
        %swap3A_706 = tpu.vector_load %arg16[%swap3A_704, %swap3A_705] {strides = array<i32>} : memref<128x16xf32, #tpu.memory_space<vmem>>, vector<1x16xf32>,
        %swap3A_707 = vector.shape_cast %swap3A_706 : vector<1x16xf32> to vector<16xf32>
        %swap3A_708 = vector.shape_cast %add3A_703 : vector<16xf32> to vector<1x16xf32>
        tpu.vector_store %arg16[%swap3A_704, %swap3A_705], %swap3A_708 {strides = array<i32>} : memref<128x16xf32, #tpu.memory_space<vmem>>, vector<1x16xf32>,
        %mul3A_709 = arith.constant 16 : i32
        %mul3A_710 = arith.muli %scan3A_505, %mul3A_709 : i32
        %add3A_711 = arith.constant 11 : i32
        %add3A_712 = arith.addi %mul3A_710, %add3A_711 : i32
        %get3A_713 = arith.index_cast %add3A_712 : i32 to index
        %get3A_714 = arith.constant 0 : index
        %get3A_715 = tpu.vector_load %arg16[%get3A_713, %get3A_714] {strides = array<i32>} : memref<128x16xf32, #tpu.memory_space<vmem>>, vector<1x16xf32>,
        %get3A_716 = vector.shape_cast %get3A_715 : vector<1x16xf32> to vector<16xf32>
        %slice3A_717 = vector.extract_strided_slice %get3A_510 {offsets = [11], sizes = [1], strides = [1]} : vector<16xf32> to vector<1xf32>
        %squeeze3A_718 = vector.extract %slice3A_717[0] : f32 from vector<1xf32>
        %mul3A_719 = vector.broadcast %squeeze3A_718 : f32 to vector<16xf32>
        %mul3A_720 = arith.mulf %get3A_716, %mul3A_719 : vector<16xf32>
        %add3A_721 = arith.addf %mul3A_720, %select_n3A : vector<16xf32>
        %swap3A_722 = arith.index_cast %add3A_712 : i32 to index
        %swap3A_723 = arith.constant 0 : index
        %swap3A_724 = tpu.vector_load %arg16[%swap3A_722, %swap3A_723] {strides = array<i32>} : memref<128x16xf32, #tpu.memory_space<vmem>>, vector<1x16xf32>,
        %swap3A_725 = vector.shape_cast %swap3A_724 : vector<1x16xf32> to vector<16xf32>
        %swap3A_726 = vector.shape_cast %add3A_721 : vector<16xf32> to vector<1x16xf32>
        tpu.vector_store %arg16[%swap3A_722, %swap3A_723], %swap3A_726 {strides = array<i32>} : memref<128x16xf32, #tpu.memory_space<vmem>>, vector<1x16xf32>,
        %mul3A_727 = arith.constant 16 : i32
        %mul3A_728 = arith.muli %scan3A_505, %mul3A_727 : i32
        %add3A_729 = arith.constant 12 : i32
        %add3A_730 = arith.addi %mul3A_728, %add3A_729 : i32
        %get3A_731 = arith.index_cast %add3A_730 : i32 to index
        %get3A_732 = arith.constant 0 : index
        %get3A_733 = tpu.vector_load %arg16[%get3A_731, %get3A_732] {strides = array<i32>} : memref<128x16xf32, #tpu.memory_space<vmem>>, vector<1x16xf32>,
        %get3A_734 = vector.shape_cast %get3A_733 : vector<1x16xf32> to vector<16xf32>
        %slice3A_735 = vector.extract_strided_slice %get3A_510 {offsets = [12], sizes = [1], strides = [1]} : vector<16xf32> to vector<1xf32>
        %squeeze3A_736 = vector.extract %slice3A_735[0] : f32 from vector<1xf32>
        %mul3A_737 = vector.broadcast %squeeze3A_736 : f32 to vector<16xf32>
        %mul3A_738 = arith.mulf %get3A_734, %mul3A_737 : vector<16xf32>
        %add3A_739 = arith.addf %mul3A_738, %select_n3A : vector<16xf32>
        %swap3A_740 = arith.index_cast %add3A_730 : i32 to index
        %swap3A_741 = arith.constant 0 : index
        %swap3A_742 = tpu.vector_load %arg16[%swap3A_740, %swap3A_741] {strides = array<i32>} : memref<128x16xf32, #tpu.memory_space<vmem>>, vector<1x16xf32>,
        %swap3A_743 = vector.shape_cast %swap3A_742 : vector<1x16xf32> to vector<16xf32>
        %swap3A_744 = vector.shape_cast %add3A_739 : vector<16xf32> to vector<1x16xf32>
        tpu.vector_store %arg16[%swap3A_740, %swap3A_741], %swap3A_744 {strides = array<i32>} : memref<128x16xf32, #tpu.memory_space<vmem>>, vector<1x16xf32>,
        %mul3A_745 = arith.constant 16 : i32
        %mul3A_746 = arith.muli %scan3A_505, %mul3A_745 : i32
        %add3A_747 = arith.constant 13 : i32
        %add3A_748 = arith.addi %mul3A_746, %add3A_747 : i32
        %get3A_749 = arith.index_cast %add3A_748 : i32 to index
        %get3A_750 = arith.constant 0 : index
        %get3A_751 = tpu.vector_load %arg16[%get3A_749, %get3A_750] {strides = array<i32>} : memref<128x16xf32, #tpu.memory_space<vmem>>, vector<1x16xf32>,
        %get3A_752 = vector.shape_cast %get3A_751 : vector<1x16xf32> to vector<16xf32>
        %slice3A_753 = vector.extract_strided_slice %get3A_510 {offsets = [13], sizes = [1], strides = [1]} : vector<16xf32> to vector<1xf32>
        %squeeze3A_754 = vector.extract %slice3A_753[0] : f32 from vector<1xf32>
        %mul3A_755 = vector.broadcast %squeeze3A_754 : f32 to vector<16xf32>
        %mul3A_756 = arith.mulf %get3A_752, %mul3A_755 : vector<16xf32>
        %add3A_757 = arith.addf %mul3A_756, %select_n3A : vector<16xf32>
        %swap3A_758 = arith.index_cast %add3A_748 : i32 to index
        %swap3A_759 = arith.constant 0 : index
        %swap3A_760 = tpu.vector_load %arg16[%swap3A_758, %swap3A_759] {strides = array<i32>} : memref<128x16xf32, #tpu.memory_space<vmem>>, vector<1x16xf32>,
        %swap3A_761 = vector.shape_cast %swap3A_760 : vector<1x16xf32> to vector<16xf32>
        %swap3A_762 = vector.shape_cast %add3A_757 : vector<16xf32> to vector<1x16xf32>
        tpu.vector_store %arg16[%swap3A_758, %swap3A_759], %swap3A_762 {strides = array<i32>} : memref<128x16xf32, #tpu.memory_space<vmem>>, vector<1x16xf32>,
        %mul3A_763 = arith.constant 16 : i32
        %mul3A_764 = arith.muli %scan3A_505, %mul3A_763 : i32
        %add3A_765 = arith.constant 14 : i32
        %add3A_766 = arith.addi %mul3A_764, %add3A_765 : i32
        %get3A_767 = arith.index_cast %add3A_766 : i32 to index
        %get3A_768 = arith.constant 0 : index
        %get3A_769 = tpu.vector_load %arg16[%get3A_767, %get3A_768] {strides = array<i32>} : memref<128x16xf32, #tpu.memory_space<vmem>>, vector<1x16xf32>,
        %get3A_770 = vector.shape_cast %get3A_769 : vector<1x16xf32> to vector<16xf32>
        %slice3A_771 = vector.extract_strided_slice %get3A_510 {offsets = [14], sizes = [1], strides = [1]} : vector<16xf32> to vector<1xf32>
        %squeeze3A_772 = vector.extract %slice3A_771[0] : f32 from vector<1xf32>
        %mul3A_773 = vector.broadcast %squeeze3A_772 : f32 to vector<16xf32>
        %mul3A_774 = arith.mulf %get3A_770, %mul3A_773 : vector<16xf32>
        %add3A_775 = arith.addf %mul3A_774, %select_n3A : vector<16xf32>
        %swap3A_776 = arith.index_cast %add3A_766 : i32 to index
        %swap3A_777 = arith.constant 0 : index
        %swap3A_778 = tpu.vector_load %arg16[%swap3A_776, %swap3A_777] {strides = array<i32>} : memref<128x16xf32, #tpu.memory_space<vmem>>, vector<1x16xf32>,
        %swap3A_779 = vector.shape_cast %swap3A_778 : vector<1x16xf32> to vector<16xf32>
        %swap3A_780 = vector.shape_cast %add3A_775 : vector<16xf32> to vector<1x16xf32>
        tpu.vector_store %arg16[%swap3A_776, %swap3A_777], %swap3A_780 {strides = array<i32>} : memref<128x16xf32, #tpu.memory_space<vmem>>, vector<1x16xf32>,
        %mul3A_781 = arith.constant 16 : i32
        %mul3A_782 = arith.muli %scan3A_505, %mul3A_781 : i32
        %add3A_783 = arith.constant 15 : i32
        %add3A_784 = arith.addi %mul3A_782, %add3A_783 : i32
        %get3A_785 = arith.index_cast %add3A_784 : i32 to index
        %get3A_786 = arith.constant 0 : index
        %get3A_787 = tpu.vector_load %arg16[%get3A_785, %get3A_786] {strides = array<i32>} : memref<128x16xf32, #tpu.memory_space<vmem>>, vector<1x16xf32>,
        %get3A_788 = vector.shape_cast %get3A_787 : vector<1x16xf32> to vector<16xf32>
        %slice3A_789 = vector.extract_strided_slice %get3A_510 {offsets = [15], sizes = [1], strides = [1]} : vector<16xf32> to vector<1xf32>
        %squeeze3A_790 = vector.extract %slice3A_789[0] : f32 from vector<1xf32>
        %mul3A_791 = vector.broadcast %squeeze3A_790 : f32 to vector<16xf32>
        %mul3A_792 = arith.mulf %get3A_788, %mul3A_791 : vector<16xf32>
        %add3A_793 = arith.addf %mul3A_792, %select_n3A : vector<16xf32>
        %swap3A_794 = arith.index_cast %add3A_784 : i32 to index
        %swap3A_795 = arith.constant 0 : index
        %swap3A_796 = tpu.vector_load %arg16[%swap3A_794, %swap3A_795] {strides = array<i32>} : memref<128x16xf32, #tpu.memory_space<vmem>>, vector<1x16xf32>,
        %swap3A_797 = vector.shape_cast %swap3A_796 : vector<1x16xf32> to vector<16xf32>
        %swap3A_798 = vector.shape_cast %add3A_793 : vector<16xf32> to vector<1x16xf32>
        tpu.vector_store %arg16[%swap3A_794, %swap3A_795], %swap3A_798 {strides = array<i32>} : memref<128x16xf32, #tpu.memory_space<vmem>>, vector<1x16xf32>,
      }
      %scan3A_498 = arith.constant 8 : i32
      %dma_start3A_499 = arith.constant 0 : i32
      %dma_start3A_500 = arith.constant 0 : i32
      %dma_start3A_501 = tpu.memref_slice %arg18[%dma_start3A_499, %dma_start3A_500] : memref<10000x128xf32, #tpu.memory_space<vmem_shared>> -> memref<10000x128xf32, #tpu.memory_space<vmem_shared>>
      tpu.enqueue_indirect_dma source(%arg15 : memref<128x128xf32, #tpu.memory_space<vmem>>) target(%dma_start3A_501 : memref<10000x128xf32, #tpu.memory_space<vmem_shared>>) offsets(%arg14 : memref<128xi32, #tpu.memory_space<vmem>>) semaphore(%arg23 : memref<!tpu.dma_semaphore, #tpu.memory_space<semaphore_mem>>) {add = true}
      %dma_start3A_502 = arith.constant 0 : i32
      %dma_start3A_503 = arith.constant 0 : i32
      %dma_start3A_504 = tpu.memref_slice %arg19[%dma_start3A_502, %dma_start3A_503] : memref<10000x16xf32, #tpu.memory_space<vmem_shared>> -> memref<10000x16xf32, #tpu.memory_space<vmem_shared>>
      tpu.enqueue_indirect_dma source(%arg16 : memref<128x16xf32, #tpu.memory_space<vmem>>) target(%dma_start3A_504 : memref<10000x16xf32, #tpu.memory_space<vmem_shared>>) offsets(%arg14 : memref<128xi32, #tpu.memory_space<vmem>>) semaphore(%arg23 : memref<!tpu.dma_semaphore, #tpu.memory_space<semaphore_mem>>) {add = true}
    }
    %scan3A_36 = arith.constant 39 : i32
    %add3A_37 = arith.constant 9984 : i32
    %add3A_38 = arith.addi %mul3A_2, %add3A_37 : i32
    %multiple_of3A_39 = tpu.assume_multiple %add3A_38, 8 : i32
    %dma_wait3A = arith.constant 0 : i32
    %dma_wait3A_40 = arith.constant 0 : i32
    %dma_wait3A_41 = tpu.memref_slice %arg18[%dma_wait3A, %dma_wait3A_40] : memref<10000x128xf32, #tpu.memory_space<vmem_shared>> -> memref<10000x128xf32, #tpu.memory_space<vmem_shared>>
    tpu.wait_indirect_dma semaphore(%arg22 : memref<!tpu.dma_semaphore, #tpu.memory_space<semaphore_mem>>) src(%arg11 : memref<128x128xf32, #tpu.memory_space<vmem>>) dst(%dma_wait3A_41 : memref<10000x128xf32, #tpu.memory_space<vmem_shared>>)
    %dma_wait3A_42 = arith.constant 0 : i32
    %dma_wait3A_43 = arith.constant 0 : i32
    %dma_wait3A_44 = tpu.memref_slice %arg19[%dma_wait3A_42, %dma_wait3A_43] : memref<10000x16xf32, #tpu.memory_space<vmem_shared>> -> memref<10000x16xf32, #tpu.memory_space<vmem_shared>>
    tpu.wait_indirect_dma semaphore(%arg22 : memref<!tpu.dma_semaphore, #tpu.memory_space<semaphore_mem>>) src(%arg12 : memref<128x16xf32, #tpu.memory_space<vmem>>) dst(%dma_wait3A_44 : memref<10000x16xf32, #tpu.memory_space<vmem_shared>>)
    %dma_start3A_45 = arith.constant 0 : i32
    %dma_start3A_46 = tpu.memref_slice %arg10[%dma_start3A_45] : memref<128xi32, #tpu.memory_space<vmem>> -> memref<16xi32, #tpu.memory_space<vmem>>
    %dma_start3A_47 = tpu.memref_slice %arg2[%multiple_of3A_39] : memref<320000xi32, #tpu.memory_space<hbm>> -> memref<16xi32, #tpu.memory_space<hbm>>
    %dma_start3A_48 = arith.constant 0 : i32
    %dma_start3A_49 = tpu.memref_slice %arg10[%dma_start3A_48] : memref<128xi32, #tpu.memory_space<vmem>> -> memref<16xi32, #tpu.memory_space<vmem>>
    %dma_start3A_50 = tpu.memref_slice %arg2[%multiple_of3A_39] : memref<320000xi32, #tpu.memory_space<hbm>> -> memref<16xi32, #tpu.memory_space<hbm>>
    tpu.enqueue_dma source(%dma_start3A_50 : memref<16xi32, #tpu.memory_space<hbm>>) target(%dma_start3A_49 : memref<16xi32, #tpu.memory_space<vmem>>) target_semaphore(%arg20 : memref<!tpu.dma_semaphore, #tpu.memory_space<semaphore_mem>>)
    %dma_start3A_51 = arith.constant 0 : i32
    %dma_start3A_52 = arith.constant 0 : i32
    %dma_start3A_53 = tpu.memref_slice %arg11[%dma_start3A_51, %dma_start3A_52] : memref<128x128xf32, #tpu.memory_space<vmem>> -> memref<16x128xf32, #tpu.memory_space<vmem>>
    %dma_start3A_54 = arith.constant 0 : i32
    %dma_start3A_55 = tpu.memref_slice %arg3[%multiple_of3A_39, %dma_start3A_54] : memref<320000x128xf32, #tpu.memory_space<hbm>> -> memref<16x128xf32, #tpu.memory_space<hbm>>
    %dma_start3A_56 = arith.constant 0 : i32
    %dma_start3A_57 = arith.constant 0 : i32
    %dma_start3A_58 = tpu.memref_slice %arg11[%dma_start3A_56, %dma_start3A_57] : memref<128x128xf32, #tpu.memory_space<vmem>> -> memref<16x128xf32, #tpu.memory_space<vmem>>
    %dma_start3A_59 = arith.constant 0 : i32
    %dma_start3A_60 = tpu.memref_slice %arg3[%multiple_of3A_39, %dma_start3A_59] : memref<320000x128xf32, #tpu.memory_space<hbm>> -> memref<16x128xf32, #tpu.memory_space<hbm>>
    tpu.enqueue_dma source(%dma_start3A_60 : memref<16x128xf32, #tpu.memory_space<hbm>>) target(%dma_start3A_58 : memref<16x128xf32, #tpu.memory_space<vmem>>) target_semaphore(%arg20 : memref<!tpu.dma_semaphore, #tpu.memory_space<semaphore_mem>>)
    %dma_start3A_61 = arith.constant 0 : i32
    %dma_start3A_62 = arith.constant 0 : i32
    %dma_start3A_63 = tpu.memref_slice %arg12[%dma_start3A_61, %dma_start3A_62] : memref<128x16xf32, #tpu.memory_space<vmem>> -> memref<16x16xf32, #tpu.memory_space<vmem>>
    %dma_start3A_64 = arith.constant 0 : i32
    %dma_start3A_65 = tpu.memref_slice %arg4[%multiple_of3A_39, %dma_start3A_64] : memref<320000x16xf32, #tpu.memory_space<hbm>> -> memref<16x16xf32, #tpu.memory_space<hbm>>
    %dma_start3A_66 = arith.constant 0 : i32
    %dma_start3A_67 = arith.constant 0 : i32
    %dma_start3A_68 = tpu.memref_slice %arg12[%dma_start3A_66, %dma_start3A_67] : memref<128x16xf32, #tpu.memory_space<vmem>> -> memref<16x16xf32, #tpu.memory_space<vmem>>
    %dma_start3A_69 = arith.constant 0 : i32
    %dma_start3A_70 = tpu.memref_slice %arg4[%multiple_of3A_39, %dma_start3A_69] : memref<320000x16xf32, #tpu.memory_space<hbm>> -> memref<16x16xf32, #tpu.memory_space<hbm>>
    tpu.enqueue_dma source(%dma_start3A_70 : memref<16x16xf32, #tpu.memory_space<hbm>>) target(%dma_start3A_68 : memref<16x16xf32, #tpu.memory_space<vmem>>) target_semaphore(%arg20 : memref<!tpu.dma_semaphore, #tpu.memory_space<semaphore_mem>>)
    %dma_start3A_71 = arith.constant 0 : i32
    %dma_start3A_72 = tpu.memref_slice %arg13[%dma_start3A_71] : memref<128xf32, #tpu.memory_space<vmem>> -> memref<16xf32, #tpu.memory_space<vmem>>
    %dma_start3A_73 = tpu.memref_slice %arg5[%multiple_of3A_39] : memref<320000xf32, #tpu.memory_space<hbm>> -> memref<16xf32, #tpu.memory_space<hbm>>
    %dma_start3A_74 = arith.constant 0 : i32
    %dma_start3A_75 = tpu.memref_slice %arg13[%dma_start3A_74] : memref<128xf32, #tpu.memory_space<vmem>> -> memref<16xf32, #tpu.memory_space<vmem>>
    %dma_start3A_76 = tpu.memref_slice %arg5[%multiple_of3A_39] : memref<320000xf32, #tpu.memory_space<hbm>> -> memref<16xf32, #tpu.memory_space<hbm>>
    tpu.enqueue_dma source(%dma_start3A_76 : memref<16xf32, #tpu.memory_space<hbm>>) target(%dma_start3A_75 : memref<16xf32, #tpu.memory_space<vmem>>) target_semaphore(%arg20 : memref<!tpu.dma_semaphore, #tpu.memory_space<semaphore_mem>>)
    %dma_wait3A_77 = arith.constant 0 : i32
    %dma_wait3A_78 = tpu.memref_slice %arg10[%dma_wait3A_77] : memref<128xi32, #tpu.memory_space<vmem>> -> memref<16xi32, #tpu.memory_space<vmem>>
    %dma_wait3A_79 = arith.constant 0 : i32
    %dma_wait3A_80 = tpu.memref_slice %arg2[%dma_wait3A_79] : memref<320000xi32, #tpu.memory_space<hbm>> -> memref<16xi32, #tpu.memory_space<hbm>>
    %dma_wait3A_81 = arith.constant 0 : i32
    %dma_wait3A_82 = tpu.memref_slice %arg10[%dma_wait3A_81] : memref<128xi32, #tpu.memory_space<vmem>> -> memref<16xi32, #tpu.memory_space<vmem>>
    %dma_wait3A_83 = arith.constant 0 : i32
    %dma_wait3A_84 = tpu.memref_slice %arg2[%dma_wait3A_83] : memref<320000xi32, #tpu.memory_space<hbm>> -> memref<16xi32, #tpu.memory_space<hbm>>
    tpu.wait_dma2 semaphore(%arg20 : memref<!tpu.dma_semaphore, #tpu.memory_space<semaphore_mem>>) src(%dma_wait3A_84 : memref<16xi32, #tpu.memory_space<hbm>>) dst(%dma_wait3A_82 : memref<16xi32, #tpu.memory_space<vmem>>)
    %dma_wait3A_85 = arith.constant 0 : i32
    %dma_wait3A_86 = arith.constant 0 : i32
    %dma_wait3A_87 = tpu.memref_slice %arg11[%dma_wait3A_85, %dma_wait3A_86] : memref<128x128xf32, #tpu.memory_space<vmem>> -> memref<16x128xf32, #tpu.memory_space<vmem>>
    %dma_wait3A_88 = arith.constant 0 : i32
    %dma_wait3A_89 = arith.constant 0 : i32
    %dma_wait3A_90 = tpu.memref_slice %arg3[%dma_wait3A_88, %dma_wait3A_89] : memref<320000x128xf32, #tpu.memory_space<hbm>> -> memref<16x128xf32, #tpu.memory_space<hbm>>
    %dma_wait3A_91 = arith.constant 0 : i32
    %dma_wait3A_92 = arith.constant 0 : i32
    %dma_wait3A_93 = tpu.memref_slice %arg11[%dma_wait3A_91, %dma_wait3A_92] : memref<128x128xf32, #tpu.memory_space<vmem>> -> memref<16x128xf32, #tpu.memory_space<vmem>>
    %dma_wait3A_94 = arith.constant 0 : i32
    %dma_wait3A_95 = arith.constant 0 : i32
    %dma_wait3A_96 = tpu.memref_slice %arg3[%dma_wait3A_94, %dma_wait3A_95] : memref<320000x128xf32, #tpu.memory_space<hbm>> -> memref<16x128xf32, #tpu.memory_space<hbm>>
    tpu.wait_dma2 semaphore(%arg20 : memref<!tpu.dma_semaphore, #tpu.memory_space<semaphore_mem>>) src(%dma_wait3A_96 : memref<16x128xf32, #tpu.memory_space<hbm>>) dst(%dma_wait3A_93 : memref<16x128xf32, #tpu.memory_space<vmem>>)
    %dma_wait3A_97 = arith.constant 0 : i32
    %dma_wait3A_98 = arith.constant 0 : i32
    %dma_wait3A_99 = tpu.memref_slice %arg12[%dma_wait3A_97, %dma_wait3A_98] : memref<128x16xf32, #tpu.memory_space<vmem>> -> memref<16x16xf32, #tpu.memory_space<vmem>>
    %dma_wait3A_100 = arith.constant 0 : i32
    %dma_wait3A_101 = arith.constant 0 : i32
    %dma_wait3A_102 = tpu.memref_slice %arg4[%dma_wait3A_100, %dma_wait3A_101] : memref<320000x16xf32, #tpu.memory_space<hbm>> -> memref<16x16xf32, #tpu.memory_space<hbm>>
    %dma_wait3A_103 = arith.constant 0 : i32
    %dma_wait3A_104 = arith.constant 0 : i32
    %dma_wait3A_105 = tpu.memref_slice %arg12[%dma_wait3A_103, %dma_wait3A_104] : memref<128x16xf32, #tpu.memory_space<vmem>> -> memref<16x16xf32, #tpu.memory_space<vmem>>
    %dma_wait3A_106 = arith.constant 0 : i32
    %dma_wait3A_107 = arith.constant 0 : i32
    %dma_wait3A_108 = tpu.memref_slice %arg4[%dma_wait3A_106, %dma_wait3A_107] : memref<320000x16xf32, #tpu.memory_space<hbm>> -> memref<16x16xf32, #tpu.memory_space<hbm>>
    tpu.wait_dma2 semaphore(%arg20 : memref<!tpu.dma_semaphore, #tpu.memory_space<semaphore_mem>>) src(%dma_wait3A_108 : memref<16x16xf32, #tpu.memory_space<hbm>>) dst(%dma_wait3A_105 : memref<16x16xf32, #tpu.memory_space<vmem>>)
    %dma_wait3A_109 = arith.constant 0 : i32
    %dma_wait3A_110 = tpu.memref_slice %arg13[%dma_wait3A_109] : memref<128xf32, #tpu.memory_space<vmem>> -> memref<16xf32, #tpu.memory_space<vmem>>
    %dma_wait3A_111 = arith.constant 0 : i32
    %dma_wait3A_112 = tpu.memref_slice %arg5[%dma_wait3A_111] : memref<320000xf32, #tpu.memory_space<hbm>> -> memref<16xf32, #tpu.memory_space<hbm>>
    %dma_wait3A_113 = arith.constant 0 : i32
    %dma_wait3A_114 = tpu.memref_slice %arg13[%dma_wait3A_113] : memref<128xf32, #tpu.memory_space<vmem>> -> memref<16xf32, #tpu.memory_space<vmem>>
    %dma_wait3A_115 = arith.constant 0 : i32
    %dma_wait3A_116 = tpu.memref_slice %arg5[%dma_wait3A_115] : memref<320000xf32, #tpu.memory_space<hbm>> -> memref<16xf32, #tpu.memory_space<hbm>>
    tpu.wait_dma2 semaphore(%arg20 : memref<!tpu.dma_semaphore, #tpu.memory_space<semaphore_mem>>) src(%dma_wait3A_116 : memref<16xf32, #tpu.memory_space<hbm>>) dst(%dma_wait3A_114 : memref<16xf32, #tpu.memory_space<vmem>>)
    %get3A = arith.constant 0 : index
    %get3A_117 = tpu.vector_load %arg13[%get3A] {strides = array<i32>} : memref<128xf32, #tpu.memory_space<vmem>>, vector<16xf32>,
    %get3A_118 = vector.shape_cast %get3A_117 : vector<16xf32> to vector<16xf32>
    %get3A_119 = arith.constant 0 : i32
    %get3A_120 = arith.index_cast %get3A_119 : i32 to index
    %get3A_121 = arith.constant 0 : index
    %get3A_122 = tpu.vector_load %arg12[%get3A_120, %get3A_121] {strides = array<i32>} : memref<128x16xf32, #tpu.memory_space<vmem>>, vector<1x16xf32>,
    %get3A_123 = vector.shape_cast %get3A_122 : vector<1x16xf32> to vector<16xf32>
    %slice3A = vector.extract_strided_slice %get3A_118 {offsets = [0], sizes = [1], strides = [1]} : vector<16xf32> to vector<1xf32>
    %squeeze3A = vector.extract %slice3A[0] : f32 from vector<1xf32>
    %mul3A_124 = vector.broadcast %squeeze3A : f32 to vector<16xf32>
    %mul3A_125 = arith.mulf %get3A_123, %mul3A_124 : vector<16xf32>
    %add3A_126 = arith.addf %mul3A_125, %select_n3A : vector<16xf32>
    %swap3A = arith.constant 0 : i32
    %swap3A_127 = arith.index_cast %swap3A : i32 to index
    %swap3A_128 = arith.constant 0 : index
    %swap3A_129 = tpu.vector_load %arg12[%swap3A_127, %swap3A_128] {strides = array<i32>} : memref<128x16xf32, #tpu.memory_space<vmem>>, vector<1x16xf32>,
    %swap3A_130 = vector.shape_cast %swap3A_129 : vector<1x16xf32> to vector<16xf32>
    %swap3A_131 = vector.shape_cast %add3A_126 : vector<16xf32> to vector<1x16xf32>
    tpu.vector_store %arg12[%swap3A_127, %swap3A_128], %swap3A_131 {strides = array<i32>} : memref<128x16xf32, #tpu.memory_space<vmem>>, vector<1x16xf32>,
    %get3A_132 = arith.constant 1 : i32
    %get3A_133 = arith.index_cast %get3A_132 : i32 to index
    %get3A_134 = arith.constant 0 : index
    %get3A_135 = tpu.vector_load %arg12[%get3A_133, %get3A_134] {strides = array<i32>} : memref<128x16xf32, #tpu.memory_space<vmem>>, vector<1x16xf32>,
    %get3A_136 = vector.shape_cast %get3A_135 : vector<1x16xf32> to vector<16xf32>
    %slice3A_137 = vector.extract_strided_slice %get3A_118 {offsets = [1], sizes = [1], strides = [1]} : vector<16xf32> to vector<1xf32>
    %squeeze3A_138 = vector.extract %slice3A_137[0] : f32 from vector<1xf32>
    %mul3A_139 = vector.broadcast %squeeze3A_138 : f32 to vector<16xf32>
    %mul3A_140 = arith.mulf %get3A_136, %mul3A_139 : vector<16xf32>
    %add3A_141 = arith.addf %mul3A_140, %select_n3A : vector<16xf32>
    %swap3A_142 = arith.constant 1 : i32
    %swap3A_143 = arith.index_cast %swap3A_142 : i32 to index
    %swap3A_144 = arith.constant 0 : index
    %swap3A_145 = tpu.vector_load %arg12[%swap3A_143, %swap3A_144] {strides = array<i32>} : memref<128x16xf32, #tpu.memory_space<vmem>>, vector<1x16xf32>,
    %swap3A_146 = vector.shape_cast %swap3A_145 : vector<1x16xf32> to vector<16xf32>
    %swap3A_147 = vector.shape_cast %add3A_141 : vector<16xf32> to vector<1x16xf32>
    tpu.vector_store %arg12[%swap3A_143, %swap3A_144], %swap3A_147 {strides = array<i32>} : memref<128x16xf32, #tpu.memory_space<vmem>>, vector<1x16xf32>,
    %get3A_148 = arith.constant 2 : i32
    %get3A_149 = arith.index_cast %get3A_148 : i32 to index
    %get3A_150 = arith.constant 0 : index
    %get3A_151 = tpu.vector_load %arg12[%get3A_149, %get3A_150] {strides = array<i32>} : memref<128x16xf32, #tpu.memory_space<vmem>>, vector<1x16xf32>,
    %get3A_152 = vector.shape_cast %get3A_151 : vector<1x16xf32> to vector<16xf32>
    %slice3A_153 = vector.extract_strided_slice %get3A_118 {offsets = [2], sizes = [1], strides = [1]} : vector<16xf32> to vector<1xf32>
    %squeeze3A_154 = vector.extract %slice3A_153[0] : f32 from vector<1xf32>
    %mul3A_155 = vector.broadcast %squeeze3A_154 : f32 to vector<16xf32>
    %mul3A_156 = arith.mulf %get3A_152, %mul3A_155 : vector<16xf32>
    %add3A_157 = arith.addf %mul3A_156, %select_n3A : vector<16xf32>
    %swap3A_158 = arith.constant 2 : i32
    %swap3A_159 = arith.index_cast %swap3A_158 : i32 to index
    %swap3A_160 = arith.constant 0 : index
    %swap3A_161 = tpu.vector_load %arg12[%swap3A_159, %swap3A_160] {strides = array<i32>} : memref<128x16xf32, #tpu.memory_space<vmem>>, vector<1x16xf32>,
    %swap3A_162 = vector.shape_cast %swap3A_161 : vector<1x16xf32> to vector<16xf32>
    %swap3A_163 = vector.shape_cast %add3A_157 : vector<16xf32> to vector<1x16xf32>
    tpu.vector_store %arg12[%swap3A_159, %swap3A_160], %swap3A_163 {strides = array<i32>} : memref<128x16xf32, #tpu.memory_space<vmem>>, vector<1x16xf32>,
    %get3A_164 = arith.constant 3 : i32
    %get3A_165 = arith.index_cast %get3A_164 : i32 to index
    %get3A_166 = arith.constant 0 : index
    %get3A_167 = tpu.vector_load %arg12[%get3A_165, %get3A_166] {strides = array<i32>} : memref<128x16xf32, #tpu.memory_space<vmem>>, vector<1x16xf32>,
    %get3A_168 = vector.shape_cast %get3A_167 : vector<1x16xf32> to vector<16xf32>
    %slice3A_169 = vector.extract_strided_slice %get3A_118 {offsets = [3], sizes = [1], strides = [1]} : vector<16xf32> to vector<1xf32>
    %squeeze3A_170 = vector.extract %slice3A_169[0] : f32 from vector<1xf32>
    %mul3A_171 = vector.broadcast %squeeze3A_170 : f32 to vector<16xf32>
    %mul3A_172 = arith.mulf %get3A_168, %mul3A_171 : vector<16xf32>
    %add3A_173 = arith.addf %mul3A_172, %select_n3A : vector<16xf32>
    %swap3A_174 = arith.constant 3 : i32
    %swap3A_175 = arith.index_cast %swap3A_174 : i32 to index
    %swap3A_176 = arith.constant 0 : index
    %swap3A_177 = tpu.vector_load %arg12[%swap3A_175, %swap3A_176] {strides = array<i32>} : memref<128x16xf32, #tpu.memory_space<vmem>>, vector<1x16xf32>,
    %swap3A_178 = vector.shape_cast %swap3A_177 : vector<1x16xf32> to vector<16xf32>
    %swap3A_179 = vector.shape_cast %add3A_173 : vector<16xf32> to vector<1x16xf32>
    tpu.vector_store %arg12[%swap3A_175, %swap3A_176], %swap3A_179 {strides = array<i32>} : memref<128x16xf32, #tpu.memory_space<vmem>>, vector<1x16xf32>,
    %get3A_180 = arith.constant 4 : i32
    %get3A_181 = arith.index_cast %get3A_180 : i32 to index
    %get3A_182 = arith.constant 0 : index
    %get3A_183 = tpu.vector_load %arg12[%get3A_181, %get3A_182] {strides = array<i32>} : memref<128x16xf32, #tpu.memory_space<vmem>>, vector<1x16xf32>,
    %get3A_184 = vector.shape_cast %get3A_183 : vector<1x16xf32> to vector<16xf32>
    %slice3A_185 = vector.extract_strided_slice %get3A_118 {offsets = [4], sizes = [1], strides = [1]} : vector<16xf32> to vector<1xf32>
    %squeeze3A_186 = vector.extract %slice3A_185[0] : f32 from vector<1xf32>
    %mul3A_187 = vector.broadcast %squeeze3A_186 : f32 to vector<16xf32>
    %mul3A_188 = arith.mulf %get3A_184, %mul3A_187 : vector<16xf32>
    %add3A_189 = arith.addf %mul3A_188, %select_n3A : vector<16xf32>
    %swap3A_190 = arith.constant 4 : i32
    %swap3A_191 = arith.index_cast %swap3A_190 : i32 to index
    %swap3A_192 = arith.constant 0 : index
    %swap3A_193 = tpu.vector_load %arg12[%swap3A_191, %swap3A_192] {strides = array<i32>} : memref<128x16xf32, #tpu.memory_space<vmem>>, vector<1x16xf32>,
    %swap3A_194 = vector.shape_cast %swap3A_193 : vector<1x16xf32> to vector<16xf32>
    %swap3A_195 = vector.shape_cast %add3A_189 : vector<16xf32> to vector<1x16xf32>
    tpu.vector_store %arg12[%swap3A_191, %swap3A_192], %swap3A_195 {strides = array<i32>} : memref<128x16xf32, #tpu.memory_space<vmem>>, vector<1x16xf32>,
    %get3A_196 = arith.constant 5 : i32
    %get3A_197 = arith.index_cast %get3A_196 : i32 to index
    %get3A_198 = arith.constant 0 : index
    %get3A_199 = tpu.vector_load %arg12[%get3A_197, %get3A_198] {strides = array<i32>} : memref<128x16xf32, #tpu.memory_space<vmem>>, vector<1x16xf32>,
    %get3A_200 = vector.shape_cast %get3A_199 : vector<1x16xf32> to vector<16xf32>
    %slice3A_201 = vector.extract_strided_slice %get3A_118 {offsets = [5], sizes = [1], strides = [1]} : vector<16xf32> to vector<1xf32>
    %squeeze3A_202 = vector.extract %slice3A_201[0] : f32 from vector<1xf32>
    %mul3A_203 = vector.broadcast %squeeze3A_202 : f32 to vector<16xf32>
    %mul3A_204 = arith.mulf %get3A_200, %mul3A_203 : vector<16xf32>
    %add3A_205 = arith.addf %mul3A_204, %select_n3A : vector<16xf32>
    %swap3A_206 = arith.constant 5 : i32
    %swap3A_207 = arith.index_cast %swap3A_206 : i32 to index
    %swap3A_208 = arith.constant 0 : index
    %swap3A_209 = tpu.vector_load %arg12[%swap3A_207, %swap3A_208] {strides = array<i32>} : memref<128x16xf32, #tpu.memory_space<vmem>>, vector<1x16xf32>,
    %swap3A_210 = vector.shape_cast %swap3A_209 : vector<1x16xf32> to vector<16xf32>
    %swap3A_211 = vector.shape_cast %add3A_205 : vector<16xf32> to vector<1x16xf32>
    tpu.vector_store %arg12[%swap3A_207, %swap3A_208], %swap3A_211 {strides = array<i32>} : memref<128x16xf32, #tpu.memory_space<vmem>>, vector<1x16xf32>,
    %get3A_212 = arith.constant 6 : i32
    %get3A_213 = arith.index_cast %get3A_212 : i32 to index
    %get3A_214 = arith.constant 0 : index
    %get3A_215 = tpu.vector_load %arg12[%get3A_213, %get3A_214] {strides = array<i32>} : memref<128x16xf32, #tpu.memory_space<vmem>>, vector<1x16xf32>,
    %get3A_216 = vector.shape_cast %get3A_215 : vector<1x16xf32> to vector<16xf32>
    %slice3A_217 = vector.extract_strided_slice %get3A_118 {offsets = [6], sizes = [1], strides = [1]} : vector<16xf32> to vector<1xf32>
    %squeeze3A_218 = vector.extract %slice3A_217[0] : f32 from vector<1xf32>
    %mul3A_219 = vector.broadcast %squeeze3A_218 : f32 to vector<16xf32>
    %mul3A_220 = arith.mulf %get3A_216, %mul3A_219 : vector<16xf32>
    %add3A_221 = arith.addf %mul3A_220, %select_n3A : vector<16xf32>
    %swap3A_222 = arith.constant 6 : i32
    %swap3A_223 = arith.index_cast %swap3A_222 : i32 to index
    %swap3A_224 = arith.constant 0 : index
    %swap3A_225 = tpu.vector_load %arg12[%swap3A_223, %swap3A_224] {strides = array<i32>} : memref<128x16xf32, #tpu.memory_space<vmem>>, vector<1x16xf32>,
    %swap3A_226 = vector.shape_cast %swap3A_225 : vector<1x16xf32> to vector<16xf32>
    %swap3A_227 = vector.shape_cast %add3A_221 : vector<16xf32> to vector<1x16xf32>
    tpu.vector_store %arg12[%swap3A_223, %swap3A_224], %swap3A_227 {strides = array<i32>} : memref<128x16xf32, #tpu.memory_space<vmem>>, vector<1x16xf32>,
    %get3A_228 = arith.constant 7 : i32
    %get3A_229 = arith.index_cast %get3A_228 : i32 to index
    %get3A_230 = arith.constant 0 : index
    %get3A_231 = tpu.vector_load %arg12[%get3A_229, %get3A_230] {strides = array<i32>} : memref<128x16xf32, #tpu.memory_space<vmem>>, vector<1x16xf32>,
    %get3A_232 = vector.shape_cast %get3A_231 : vector<1x16xf32> to vector<16xf32>
    %slice3A_233 = vector.extract_strided_slice %get3A_118 {offsets = [7], sizes = [1], strides = [1]} : vector<16xf32> to vector<1xf32>
    %squeeze3A_234 = vector.extract %slice3A_233[0] : f32 from vector<1xf32>
    %mul3A_235 = vector.broadcast %squeeze3A_234 : f32 to vector<16xf32>
    %mul3A_236 = arith.mulf %get3A_232, %mul3A_235 : vector<16xf32>
    %add3A_237 = arith.addf %mul3A_236, %select_n3A : vector<16xf32>
    %swap3A_238 = arith.constant 7 : i32
    %swap3A_239 = arith.index_cast %swap3A_238 : i32 to index
    %swap3A_240 = arith.constant 0 : index
    %swap3A_241 = tpu.vector_load %arg12[%swap3A_239, %swap3A_240] {strides = array<i32>} : memref<128x16xf32, #tpu.memory_space<vmem>>, vector<1x16xf32>,
    %swap3A_242 = vector.shape_cast %swap3A_241 : vector<1x16xf32> to vector<16xf32>
    %swap3A_243 = vector.shape_cast %add3A_237 : vector<16xf32> to vector<1x16xf32>
    tpu.vector_store %arg12[%swap3A_239, %swap3A_240], %swap3A_243 {strides = array<i32>} : memref<128x16xf32, #tpu.memory_space<vmem>>, vector<1x16xf32>,
    %get3A_244 = arith.constant 8 : i32
    %get3A_245 = arith.index_cast %get3A_244 : i32 to index
    %get3A_246 = arith.constant 0 : index
    %get3A_247 = tpu.vector_load %arg12[%get3A_245, %get3A_246] {strides = array<i32>} : memref<128x16xf32, #tpu.memory_space<vmem>>, vector<1x16xf32>,
    %get3A_248 = vector.shape_cast %get3A_247 : vector<1x16xf32> to vector<16xf32>
    %slice3A_249 = vector.extract_strided_slice %get3A_118 {offsets = [8], sizes = [1], strides = [1]} : vector<16xf32> to vector<1xf32>
    %squeeze3A_250 = vector.extract %slice3A_249[0] : f32 from vector<1xf32>
    %mul3A_251 = vector.broadcast %squeeze3A_250 : f32 to vector<16xf32>
    %mul3A_252 = arith.mulf %get3A_248, %mul3A_251 : vector<16xf32>
    %add3A_253 = arith.addf %mul3A_252, %select_n3A : vector<16xf32>
    %swap3A_254 = arith.constant 8 : i32
    %swap3A_255 = arith.index_cast %swap3A_254 : i32 to index
    %swap3A_256 = arith.constant 0 : index
    %swap3A_257 = tpu.vector_load %arg12[%swap3A_255, %swap3A_256] {strides = array<i32>} : memref<128x16xf32, #tpu.memory_space<vmem>>, vector<1x16xf32>,
    %swap3A_258 = vector.shape_cast %swap3A_257 : vector<1x16xf32> to vector<16xf32>
    %swap3A_259 = vector.shape_cast %add3A_253 : vector<16xf32> to vector<1x16xf32>
    tpu.vector_store %arg12[%swap3A_255, %swap3A_256], %swap3A_259 {strides = array<i32>} : memref<128x16xf32, #tpu.memory_space<vmem>>, vector<1x16xf32>,
    %get3A_260 = arith.constant 9 : i32
    %get3A_261 = arith.index_cast %get3A_260 : i32 to index
    %get3A_262 = arith.constant 0 : index
    %get3A_263 = tpu.vector_load %arg12[%get3A_261, %get3A_262] {strides = array<i32>} : memref<128x16xf32, #tpu.memory_space<vmem>>, vector<1x16xf32>,
    %get3A_264 = vector.shape_cast %get3A_263 : vector<1x16xf32> to vector<16xf32>
    %slice3A_265 = vector.extract_strided_slice %get3A_118 {offsets = [9], sizes = [1], strides = [1]} : vector<16xf32> to vector<1xf32>
    %squeeze3A_266 = vector.extract %slice3A_265[0] : f32 from vector<1xf32>
    %mul3A_267 = vector.broadcast %squeeze3A_266 : f32 to vector<16xf32>
    %mul3A_268 = arith.mulf %get3A_264, %mul3A_267 : vector<16xf32>
    %add3A_269 = arith.addf %mul3A_268, %select_n3A : vector<16xf32>
    %swap3A_270 = arith.constant 9 : i32
    %swap3A_271 = arith.index_cast %swap3A_270 : i32 to index
    %swap3A_272 = arith.constant 0 : index
    %swap3A_273 = tpu.vector_load %arg12[%swap3A_271, %swap3A_272] {strides = array<i32>} : memref<128x16xf32, #tpu.memory_space<vmem>>, vector<1x16xf32>,
    %swap3A_274 = vector.shape_cast %swap3A_273 : vector<1x16xf32> to vector<16xf32>
    %swap3A_275 = vector.shape_cast %add3A_269 : vector<16xf32> to vector<1x16xf32>
    tpu.vector_store %arg12[%swap3A_271, %swap3A_272], %swap3A_275 {strides = array<i32>} : memref<128x16xf32, #tpu.memory_space<vmem>>, vector<1x16xf32>,
    %get3A_276 = arith.constant 10 : i32
    %get3A_277 = arith.index_cast %get3A_276 : i32 to index
    %get3A_278 = arith.constant 0 : index
    %get3A_279 = tpu.vector_load %arg12[%get3A_277, %get3A_278] {strides = array<i32>} : memref<128x16xf32, #tpu.memory_space<vmem>>, vector<1x16xf32>,
    %get3A_280 = vector.shape_cast %get3A_279 : vector<1x16xf32> to vector<16xf32>
    %slice3A_281 = vector.extract_strided_slice %get3A_118 {offsets = [10], sizes = [1], strides = [1]} : vector<16xf32> to vector<1xf32>
    %squeeze3A_282 = vector.extract %slice3A_281[0] : f32 from vector<1xf32>
    %mul3A_283 = vector.broadcast %squeeze3A_282 : f32 to vector<16xf32>
    %mul3A_284 = arith.mulf %get3A_280, %mul3A_283 : vector<16xf32>
    %add3A_285 = arith.addf %mul3A_284, %select_n3A : vector<16xf32>
    %swap3A_286 = arith.constant 10 : i32
    %swap3A_287 = arith.index_cast %swap3A_286 : i32 to index
    %swap3A_288 = arith.constant 0 : index
    %swap3A_289 = tpu.vector_load %arg12[%swap3A_287, %swap3A_288] {strides = array<i32>} : memref<128x16xf32, #tpu.memory_space<vmem>>, vector<1x16xf32>,
    %swap3A_290 = vector.shape_cast %swap3A_289 : vector<1x16xf32> to vector<16xf32>
    %swap3A_291 = vector.shape_cast %add3A_285 : vector<16xf32> to vector<1x16xf32>
    tpu.vector_store %arg12[%swap3A_287, %swap3A_288], %swap3A_291 {strides = array<i32>} : memref<128x16xf32, #tpu.memory_space<vmem>>, vector<1x16xf32>,
    %get3A_292 = arith.constant 11 : i32
    %get3A_293 = arith.index_cast %get3A_292 : i32 to index
    %get3A_294 = arith.constant 0 : index
    %get3A_295 = tpu.vector_load %arg12[%get3A_293, %get3A_294] {strides = array<i32>} : memref<128x16xf32, #tpu.memory_space<vmem>>, vector<1x16xf32>,
    %get3A_296 = vector.shape_cast %get3A_295 : vector<1x16xf32> to vector<16xf32>
    %slice3A_297 = vector.extract_strided_slice %get3A_118 {offsets = [11], sizes = [1], strides = [1]} : vector<16xf32> to vector<1xf32>
    %squeeze3A_298 = vector.extract %slice3A_297[0] : f32 from vector<1xf32>
    %mul3A_299 = vector.broadcast %squeeze3A_298 : f32 to vector<16xf32>
    %mul3A_300 = arith.mulf %get3A_296, %mul3A_299 : vector<16xf32>
    %add3A_301 = arith.addf %mul3A_300, %select_n3A : vector<16xf32>
    %swap3A_302 = arith.constant 11 : i32
    %swap3A_303 = arith.index_cast %swap3A_302 : i32 to index
    %swap3A_304 = arith.constant 0 : index
    %swap3A_305 = tpu.vector_load %arg12[%swap3A_303, %swap3A_304] {strides = array<i32>} : memref<128x16xf32, #tpu.memory_space<vmem>>, vector<1x16xf32>,
    %swap3A_306 = vector.shape_cast %swap3A_305 : vector<1x16xf32> to vector<16xf32>
    %swap3A_307 = vector.shape_cast %add3A_301 : vector<16xf32> to vector<1x16xf32>
    tpu.vector_store %arg12[%swap3A_303, %swap3A_304], %swap3A_307 {strides = array<i32>} : memref<128x16xf32, #tpu.memory_space<vmem>>, vector<1x16xf32>,
    %get3A_308 = arith.constant 12 : i32
    %get3A_309 = arith.index_cast %get3A_308 : i32 to index
    %get3A_310 = arith.constant 0 : index
    %get3A_311 = tpu.vector_load %arg12[%get3A_309, %get3A_310] {strides = array<i32>} : memref<128x16xf32, #tpu.memory_space<vmem>>, vector<1x16xf32>,
    %get3A_312 = vector.shape_cast %get3A_311 : vector<1x16xf32> to vector<16xf32>
    %slice3A_313 = vector.extract_strided_slice %get3A_118 {offsets = [12], sizes = [1], strides = [1]} : vector<16xf32> to vector<1xf32>
    %squeeze3A_314 = vector.extract %slice3A_313[0] : f32 from vector<1xf32>
    %mul3A_315 = vector.broadcast %squeeze3A_314 : f32 to vector<16xf32>
    %mul3A_316 = arith.mulf %get3A_312, %mul3A_315 : vector<16xf32>
    %add3A_317 = arith.addf %mul3A_316, %select_n3A : vector<16xf32>
    %swap3A_318 = arith.constant 12 : i32
    %swap3A_319 = arith.index_cast %swap3A_318 : i32 to index
    %swap3A_320 = arith.constant 0 : index
    %swap3A_321 = tpu.vector_load %arg12[%swap3A_319, %swap3A_320] {strides = array<i32>} : memref<128x16xf32, #tpu.memory_space<vmem>>, vector<1x16xf32>,
    %swap3A_322 = vector.shape_cast %swap3A_321 : vector<1x16xf32> to vector<16xf32>
    %swap3A_323 = vector.shape_cast %add3A_317 : vector<16xf32> to vector<1x16xf32>
    tpu.vector_store %arg12[%swap3A_319, %swap3A_320], %swap3A_323 {strides = array<i32>} : memref<128x16xf32, #tpu.memory_space<vmem>>, vector<1x16xf32>,
    %get3A_324 = arith.constant 13 : i32
    %get3A_325 = arith.index_cast %get3A_324 : i32 to index
    %get3A_326 = arith.constant 0 : index
    %get3A_327 = tpu.vector_load %arg12[%get3A_325, %get3A_326] {strides = array<i32>} : memref<128x16xf32, #tpu.memory_space<vmem>>, vector<1x16xf32>,
    %get3A_328 = vector.shape_cast %get3A_327 : vector<1x16xf32> to vector<16xf32>
    %slice3A_329 = vector.extract_strided_slice %get3A_118 {offsets = [13], sizes = [1], strides = [1]} : vector<16xf32> to vector<1xf32>
    %squeeze3A_330 = vector.extract %slice3A_329[0] : f32 from vector<1xf32>
    %mul3A_331 = vector.broadcast %squeeze3A_330 : f32 to vector<16xf32>
    %mul3A_332 = arith.mulf %get3A_328, %mul3A_331 : vector<16xf32>
    %add3A_333 = arith.addf %mul3A_332, %select_n3A : vector<16xf32>
    %swap3A_334 = arith.constant 13 : i32
    %swap3A_335 = arith.index_cast %swap3A_334 : i32 to index
    %swap3A_336 = arith.constant 0 : index
    %swap3A_337 = tpu.vector_load %arg12[%swap3A_335, %swap3A_336] {strides = array<i32>} : memref<128x16xf32, #tpu.memory_space<vmem>>, vector<1x16xf32>,
    %swap3A_338 = vector.shape_cast %swap3A_337 : vector<1x16xf32> to vector<16xf32>
    %swap3A_339 = vector.shape_cast %add3A_333 : vector<16xf32> to vector<1x16xf32>
    tpu.vector_store %arg12[%swap3A_335, %swap3A_336], %swap3A_339 {strides = array<i32>} : memref<128x16xf32, #tpu.memory_space<vmem>>, vector<1x16xf32>,
    %get3A_340 = arith.constant 14 : i32
    %get3A_341 = arith.index_cast %get3A_340 : i32 to index
    %get3A_342 = arith.constant 0 : index
    %get3A_343 = tpu.vector_load %arg12[%get3A_341, %get3A_342] {strides = array<i32>} : memref<128x16xf32, #tpu.memory_space<vmem>>, vector<1x16xf32>,
    %get3A_344 = vector.shape_cast %get3A_343 : vector<1x16xf32> to vector<16xf32>
    %slice3A_345 = vector.extract_strided_slice %get3A_118 {offsets = [14], sizes = [1], strides = [1]} : vector<16xf32> to vector<1xf32>
    %squeeze3A_346 = vector.extract %slice3A_345[0] : f32 from vector<1xf32>
    %mul3A_347 = vector.broadcast %squeeze3A_346 : f32 to vector<16xf32>
    %mul3A_348 = arith.mulf %get3A_344, %mul3A_347 : vector<16xf32>
    %add3A_349 = arith.addf %mul3A_348, %select_n3A : vector<16xf32>
    %swap3A_350 = arith.constant 14 : i32
    %swap3A_351 = arith.index_cast %swap3A_350 : i32 to index
    %swap3A_352 = arith.constant 0 : index
    %swap3A_353 = tpu.vector_load %arg12[%swap3A_351, %swap3A_352] {strides = array<i32>} : memref<128x16xf32, #tpu.memory_space<vmem>>, vector<1x16xf32>,
    %swap3A_354 = vector.shape_cast %swap3A_353 : vector<1x16xf32> to vector<16xf32>
    %swap3A_355 = vector.shape_cast %add3A_349 : vector<16xf32> to vector<1x16xf32>
    tpu.vector_store %arg12[%swap3A_351, %swap3A_352], %swap3A_355 {strides = array<i32>} : memref<128x16xf32, #tpu.memory_space<vmem>>, vector<1x16xf32>,
    %get3A_356 = arith.constant 15 : i32
    %get3A_357 = arith.index_cast %get3A_356 : i32 to index
    %get3A_358 = arith.constant 0 : index
    %get3A_359 = tpu.vector_load %arg12[%get3A_357, %get3A_358] {strides = array<i32>} : memref<128x16xf32, #tpu.memory_space<vmem>>, vector<1x16xf32>,
    %get3A_360 = vector.shape_cast %get3A_359 : vector<1x16xf32> to vector<16xf32>
    %slice3A_361 = vector.extract_strided_slice %get3A_118 {offsets = [15], sizes = [1], strides = [1]} : vector<16xf32> to vector<1xf32>
    %squeeze3A_362 = vector.extract %slice3A_361[0] : f32 from vector<1xf32>
    %mul3A_363 = vector.broadcast %squeeze3A_362 : f32 to vector<16xf32>
    %mul3A_364 = arith.mulf %get3A_360, %mul3A_363 : vector<16xf32>
    %add3A_365 = arith.addf %mul3A_364, %select_n3A : vector<16xf32>
    %swap3A_366 = arith.constant 15 : i32
    %swap3A_367 = arith.index_cast %swap3A_366 : i32 to index
    %swap3A_368 = arith.constant 0 : index
    %swap3A_369 = tpu.vector_load %arg12[%swap3A_367, %swap3A_368] {strides = array<i32>} : memref<128x16xf32, #tpu.memory_space<vmem>>, vector<1x16xf32>,
    %swap3A_370 = vector.shape_cast %swap3A_369 : vector<1x16xf32> to vector<16xf32>
    %swap3A_371 = vector.shape_cast %add3A_365 : vector<16xf32> to vector<1x16xf32>
    tpu.vector_store %arg12[%swap3A_367, %swap3A_368], %swap3A_371 {strides = array<i32>} : memref<128x16xf32, #tpu.memory_space<vmem>>, vector<1x16xf32>,
    %get3A_372 = arith.constant 0 : index
    %get3A_373 = tpu.vector_load %arg10[%get3A_372] {strides = array<i32>} : memref<128xi32, #tpu.memory_space<vmem>>, vector<16xi32>,
    %get3A_374 = vector.shape_cast %get3A_373 : vector<16xi32> to vector<16xi32>
    %dma_start3A_375 = arith.constant 0 : i32
    %dma_start3A_376 = arith.constant 0 : i32
    %dma_start3A_377 = tpu.memref_slice %arg11[%dma_start3A_375, %dma_start3A_376] : memref<128x128xf32, #tpu.memory_space<vmem>> -> memref<16x128xf32, #tpu.memory_space<vmem>>
    %dma_start3A_378 = arith.constant 0 : i32
    %dma_start3A_379 = arith.constant 0 : i32
    %dma_start3A_380 = tpu.memref_slice %arg18[%dma_start3A_378, %dma_start3A_379] : memref<10000x128xf32, #tpu.memory_space<vmem_shared>> -> memref<10000x128xf32, #tpu.memory_space<vmem_shared>>
    tpu.enqueue_indirect_dma source(%dma_start3A_377 : memref<16x128xf32, #tpu.memory_space<vmem>>) target(%dma_start3A_380 : memref<10000x128xf32, #tpu.memory_space<vmem_shared>>) offsets(%get3A_374 : vector<16xi32>) semaphore(%arg22 : memref<!tpu.dma_semaphore, #tpu.memory_space<semaphore_mem>>) {add = true}
    %dma_start3A_381 = arith.constant 0 : i32
    %dma_start3A_382 = arith.constant 0 : i32
    %dma_start3A_383 = tpu.memref_slice %arg12[%dma_start3A_381, %dma_start3A_382] : memref<128x16xf32, #tpu.memory_space<vmem>> -> memref<16x16xf32, #tpu.memory_space<vmem>>
    %dma_start3A_384 = arith.constant 0 : i32
    %dma_start3A_385 = arith.constant 0 : i32
    %dma_start3A_386 = tpu.memref_slice %arg19[%dma_start3A_384, %dma_start3A_385] : memref<10000x16xf32, #tpu.memory_space<vmem_shared>> -> memref<10000x16xf32, #tpu.memory_space<vmem_shared>>
    tpu.enqueue_indirect_dma source(%dma_start3A_383 : memref<16x16xf32, #tpu.memory_space<vmem>>) target(%dma_start3A_386 : memref<10000x16xf32, #tpu.memory_space<vmem_shared>>) offsets(%get3A_374 : vector<16xi32>) semaphore(%arg22 : memref<!tpu.dma_semaphore, #tpu.memory_space<semaphore_mem>>) {add = true}
    %dma_wait3A_387 = arith.constant 0 : i32
    %dma_wait3A_388 = arith.constant 0 : i32
    %dma_wait3A_389 = tpu.memref_slice %arg18[%dma_wait3A_387, %dma_wait3A_388] : memref<10000x128xf32, #tpu.memory_space<vmem_shared>> -> memref<10000x128xf32, #tpu.memory_space<vmem_shared>>
    tpu.wait_indirect_dma semaphore(%arg23 : memref<!tpu.dma_semaphore, #tpu.memory_space<semaphore_mem>>) src(%arg15 : memref<128x128xf32, #tpu.memory_space<vmem>>) dst(%dma_wait3A_389 : memref<10000x128xf32, #tpu.memory_space<vmem_shared>>)
    %dma_wait3A_390 = arith.constant 0 : i32
    %dma_wait3A_391 = arith.constant 0 : i32
    %dma_wait3A_392 = tpu.memref_slice %arg19[%dma_wait3A_390, %dma_wait3A_391] : memref<10000x16xf32, #tpu.memory_space<vmem_shared>> -> memref<10000x16xf32, #tpu.memory_space<vmem_shared>>
    tpu.wait_indirect_dma semaphore(%arg23 : memref<!tpu.dma_semaphore, #tpu.memory_space<semaphore_mem>>) src(%arg16 : memref<128x16xf32, #tpu.memory_space<vmem>>) dst(%dma_wait3A_392 : memref<10000x16xf32, #tpu.memory_space<vmem_shared>>)
    %dma_wait3A_393 = arith.constant 0 : i32
    %dma_wait3A_394 = arith.constant 0 : i32
    %dma_wait3A_395 = tpu.memref_slice %arg11[%dma_wait3A_393, %dma_wait3A_394] : memref<128x128xf32, #tpu.memory_space<vmem>> -> memref<16x128xf32, #tpu.memory_space<vmem>>
    %dma_wait3A_396 = arith.constant 0 : i32
    %dma_wait3A_397 = arith.constant 0 : i32
    %dma_wait3A_398 = tpu.memref_slice %arg18[%dma_wait3A_396, %dma_wait3A_397] : memref<10000x128xf32, #tpu.memory_space<vmem_shared>> -> memref<10000x128xf32, #tpu.memory_space<vmem_shared>>
    tpu.wait_indirect_dma semaphore(%arg22 : memref<!tpu.dma_semaphore, #tpu.memory_space<semaphore_mem>>) src(%dma_wait3A_395 : memref<16x128xf32, #tpu.memory_space<vmem>>) dst(%dma_wait3A_398 : memref<10000x128xf32, #tpu.memory_space<vmem_shared>>)
    %dma_wait3A_399 = arith.constant 0 : i32
    %dma_wait3A_400 = arith.constant 0 : i32
    %dma_wait3A_401 = tpu.memref_slice %arg12[%dma_wait3A_399, %dma_wait3A_400] : memref<128x16xf32, #tpu.memory_space<vmem>> -> memref<16x16xf32, #tpu.memory_space<vmem>>
    %dma_wait3A_402 = arith.constant 0 : i32
    %dma_wait3A_403 = arith.constant 0 : i32
    %dma_wait3A_404 = tpu.memref_slice %arg19[%dma_wait3A_402, %dma_wait3A_403] : memref<10000x16xf32, #tpu.memory_space<vmem_shared>> -> memref<10000x16xf32, #tpu.memory_space<vmem_shared>>
    tpu.wait_indirect_dma semaphore(%arg22 : memref<!tpu.dma_semaphore, #tpu.memory_space<semaphore_mem>>) src(%dma_wait3A_401 : memref<16x16xf32, #tpu.memory_space<vmem>>) dst(%dma_wait3A_404 : memref<10000x16xf32, #tpu.memory_space<vmem_shared>>)
    %barrier3A_405 = arith.constant 0 : index
    tpu.barrier barrier_id(%barrier3A_405)
    %mul3A_406 = arith.constant 625 : i32
    %mul3A_407 = arith.muli %arg1, %mul3A_406 : i32
    "tpu.region"() ({
      %run_scoped3A = tpu.sem_alloc : memref<!tpu.dma_semaphore, #tpu.memory_space<semaphore_mem>>
      %dma_start3A_408 = arith.constant 0 : i32
      %dma_start3A_409 = tpu.memref_slice %arg6[%arg0, %mul3A_407, %dma_start3A_408] : memref<2x10000x128xf32, #tpu.memory_space<hbm>> -> memref<1x625x128xf32, #tpu.memory_space<hbm>>
      %dma_start3A_410 = tpu.memref_squeeze %dma_start3A_409 : memref<1x625x128xf32, #tpu.memory_space<hbm>> -> memref<625x128xf32, #tpu.memory_space<hbm>>
      %dma_start3A_411 = arith.constant 0 : i32
      %dma_start3A_412 = tpu.memref_slice %arg18[%mul3A_407, %dma_start3A_411] : memref<10000x128xf32, #tpu.memory_space<vmem_shared>> -> memref<625x128xf32, #tpu.memory_space<vmem_shared>>
      tpu.enqueue_dma source(%dma_start3A_412 : memref<625x128xf32, #tpu.memory_space<vmem_shared>>) target(%dma_start3A_410 : memref<625x128xf32, #tpu.memory_space<hbm>>) target_semaphore(%run_scoped3A : memref<!tpu.dma_semaphore, #tpu.memory_space<semaphore_mem>>)
      %dma_wait3A_413 = arith.constant 0 : i32
      %dma_wait3A_414 = tpu.memref_slice %arg6[%arg0, %mul3A_407, %dma_wait3A_413] : memref<2x10000x128xf32, #tpu.memory_space<hbm>> -> memref<1x625x128xf32, #tpu.memory_space<hbm>>
      %dma_wait3A_415 = tpu.memref_squeeze %dma_wait3A_414 : memref<1x625x128xf32, #tpu.memory_space<hbm>> -> memref<625x128xf32, #tpu.memory_space<hbm>>
      %dma_wait3A_416 = arith.constant 0 : i32
      %dma_wait3A_417 = tpu.memref_slice %arg18[%mul3A_407, %dma_wait3A_416] : memref<10000x128xf32, #tpu.memory_space<vmem_shared>> -> memref<625x128xf32, #tpu.memory_space<vmem_shared>>
      tpu.wait_dma2 semaphore(%run_scoped3A : memref<!tpu.dma_semaphore, #tpu.memory_space<semaphore_mem>>) src(%dma_wait3A_417 : memref<625x128xf32, #tpu.memory_space<vmem_shared>>) dst(%dma_wait3A_415 : memref<625x128xf32, #tpu.memory_space<hbm>>)
      tpu.yield
    }) : () -> ()
    "tpu.region"() ({
      %run_scoped3A = tpu.sem_alloc : memref<!tpu.dma_semaphore, #tpu.memory_space<semaphore_mem>>
      %dma_start3A_408 = arith.constant 0 : i32
      %dma_start3A_409 = tpu.memref_slice %arg7[%arg0, %mul3A_407, %dma_start3A_408] : memref<2x10000x16xf32, #tpu.memory_space<hbm>> -> memref<1x625x16xf32, #tpu.memory_space<hbm>>
      %dma_start3A_410 = tpu.memref_squeeze %dma_start3A_409 : memref<1x625x16xf32, #tpu.memory_space<hbm>> -> memref<625x16xf32, #tpu.memory_space<hbm>>
      %dma_start3A_411 = arith.constant 0 : i32
      %dma_start3A_412 = tpu.memref_slice %arg19[%mul3A_407, %dma_start3A_411] : memref<10000x16xf32, #tpu.memory_space<vmem_shared>> -> memref<625x16xf32, #tpu.memory_space<vmem_shared>>
      tpu.enqueue_dma source(%dma_start3A_412 : memref<625x16xf32, #tpu.memory_space<vmem_shared>>) target(%dma_start3A_410 : memref<625x16xf32, #tpu.memory_space<hbm>>) target_semaphore(%run_scoped3A : memref<!tpu.dma_semaphore, #tpu.memory_space<semaphore_mem>>)
      %dma_wait3A_413 = arith.constant 0 : i32
      %dma_wait3A_414 = tpu.memref_slice %arg7[%arg0, %mul3A_407, %dma_wait3A_413] : memref<2x10000x16xf32, #tpu.memory_space<hbm>> -> memref<1x625x16xf32, #tpu.memory_space<hbm>>
      %dma_wait3A_415 = tpu.memref_squeeze %dma_wait3A_414 : memref<1x625x16xf32, #tpu.memory_space<hbm>> -> memref<625x16xf32, #tpu.memory_space<hbm>>
      %dma_wait3A_416 = arith.constant 0 : i32
      %dma_wait3A_417 = tpu.memref_slice %arg19[%mul3A_407, %dma_wait3A_416] : memref<10000x16xf32, #tpu.memory_space<vmem_shared>> -> memref<625x16xf32, #tpu.memory_space<vmem_shared>>
      tpu.wait_dma2 semaphore(%run_scoped3A : memref<!tpu.dma_semaphore, #tpu.memory_space<semaphore_mem>>) src(%dma_wait3A_417 : memref<625x16xf32, #tpu.memory_space<vmem_shared>>) dst(%dma_wait3A_415 : memref<625x16xf32, #tpu.memory_space<hbm>>)
      tpu.yield
    }) : () -> ()
    return
  }
}

#map = affine_map<(d0, d1) -> (0, 0)>
#map1 = affine_map<(d0, d1) -> (0)>
module attributes {stable_mosaic.version = 14 : i64} {
  func.func @_sc_gather_body(%arg0: i32, %arg1: i32, %arg2: memref<10000x128xf32, #tpu.memory_space<hbm>>, %arg3: memref<10000x128xf32, #tpu.memory_space<hbm>>, %arg4: memref<10000x16xf32, #tpu.memory_space<hbm>>, %arg5: memref<320000xi32, #tpu.memory_space<hbm>>, %arg6: memref<320000xi32, #tpu.memory_space<hbm>>, %arg7: memref<128xf32, #tpu.memory_space<hbm>>, %arg8: memref<320000x128xf32, #tpu.memory_space<hbm>>, %arg9: memref<320000x16xf32, #tpu.memory_space<hbm>>, %arg10: memref<10000xi32, #tpu.memory_space<vmem>>, %arg11: memref<10000xi32, #tpu.memory_space<vmem>>, %arg12: memref<128xf32, #tpu.memory_space<vmem>>, %arg13: memref<128x128xf32, #tpu.memory_space<vmem>>, %arg14: memref<128x128xf32, #tpu.memory_space<vmem>>, %arg15: memref<128x16xf32, #tpu.memory_space<vmem>>, %arg16: memref<128x16xf32, #tpu.memory_space<vmem>>, %arg17: memref<128x128xf32, #tpu.memory_space<vmem>>, %arg18: memref<128x128xf32, #tpu.memory_space<vmem>>, %arg19: memref<128x16xf32, #tpu.memory_space<vmem>>, %arg20: memref<128x16xf32, #tpu.memory_space<vmem>>, %arg21: memref<128x128xf32, #tpu.memory_space<vmem>>, %arg22: memref<128x128xf32, #tpu.memory_space<vmem>>, %arg23: memref<128x16xf32, #tpu.memory_space<vmem>>, %arg24: memref<128x16xf32, #tpu.memory_space<vmem>>, %arg25: memref<!tpu.dma_semaphore, #tpu.memory_space<semaphore_mem>>, %arg26: memref<!tpu.dma_semaphore, #tpu.memory_space<semaphore_mem>>, %arg27: memref<!tpu.dma_semaphore, #tpu.memory_space<semaphore_mem>>, %arg28: memref<!tpu.dma_semaphore, #tpu.memory_space<semaphore_mem>>, %arg29: memref<!tpu.dma_semaphore, #tpu.memory_space<semaphore_mem>>, %arg30: memref<!tpu.dma_semaphore, #tpu.memory_space<semaphore_mem>>) attributes {dimension_semantics = [#tpu.dimension_semantics<core_parallel>, #tpu.dimension_semantics<subcore_parallel>], iteration_bounds = array<i64: 2, 16>, scalar_prefetch = 0 : i64, scratch_operands = 21 : i64, tpu.core_type = #tpu.core_type<sc_vector_subcore>, window_params = [{transform_indices = #map}, {transform_indices = #map}, {transform_indices = #map}, {transform_indices = #map1}, {transform_indices = #map1}, {transform_indices = #map1}, {transform_indices = #map}, {transform_indices = #map}]} {
    %mul3A = arith.constant 16 : i32
    %mul3A_0 = arith.muli %arg0, %mul3A : i32
    %add3A = arith.addi %mul3A_0, %arg1 : i32
    %mul3A_1 = arith.constant 10000 : i32
    %mul3A_2 = arith.muli %add3A, %mul3A_1 : i32
    "tpu.region"() ({
      %run_scoped3A = tpu.sem_alloc : memref<!tpu.dma_semaphore, #tpu.memory_space<semaphore_mem>>
      tpu.enqueue_dma source(%arg7 : memref<128xf32, #tpu.memory_space<hbm>>) target(%arg12 : memref<128xf32, #tpu.memory_space<vmem>>) target_semaphore(%run_scoped3A : memref<!tpu.dma_semaphore, #tpu.memory_space<semaphore_mem>>)
      tpu.wait_dma2 semaphore(%run_scoped3A : memref<!tpu.dma_semaphore, #tpu.memory_space<semaphore_mem>>) src(%arg7 : memref<128xf32, #tpu.memory_space<hbm>>) dst(%arg12 : memref<128xf32, #tpu.memory_space<vmem>>)
      tpu.yield
    }) : () -> ()
    "tpu.region"() ({
      %run_scoped3A = tpu.sem_alloc : memref<!tpu.dma_semaphore, #tpu.memory_space<semaphore_mem>>
      %dma_start3A_207 = tpu.memref_slice %arg5[%mul3A_2] : memref<320000xi32, #tpu.memory_space<hbm>> -> memref<10000xi32, #tpu.memory_space<hbm>>
      %dma_start3A_208 = tpu.memref_slice %arg5[%mul3A_2] : memref<320000xi32, #tpu.memory_space<hbm>> -> memref<10000xi32, #tpu.memory_space<hbm>>
      tpu.enqueue_dma source(%dma_start3A_208 : memref<10000xi32, #tpu.memory_space<hbm>>) target(%arg10 : memref<10000xi32, #tpu.memory_space<vmem>>) target_semaphore(%run_scoped3A : memref<!tpu.dma_semaphore, #tpu.memory_space<semaphore_mem>>)
      %dma_wait3A_209 = tpu.memref_slice %arg5[%mul3A_2] : memref<320000xi32, #tpu.memory_space<hbm>> -> memref<10000xi32, #tpu.memory_space<hbm>>
      %dma_wait3A_210 = tpu.memref_slice %arg5[%mul3A_2] : memref<320000xi32, #tpu.memory_space<hbm>> -> memref<10000xi32, #tpu.memory_space<hbm>>
      tpu.wait_dma2 semaphore(%run_scoped3A : memref<!tpu.dma_semaphore, #tpu.memory_space<semaphore_mem>>) src(%dma_wait3A_210 : memref<10000xi32, #tpu.memory_space<hbm>>) dst(%arg10 : memref<10000xi32, #tpu.memory_space<vmem>>)
      tpu.yield
    }) : () -> ()
    "tpu.region"() ({
      %run_scoped3A = tpu.sem_alloc : memref<!tpu.dma_semaphore, #tpu.memory_space<semaphore_mem>>
      %dma_start3A_207 = tpu.memref_slice %arg6[%mul3A_2] : memref<320000xi32, #tpu.memory_space<hbm>> -> memref<10000xi32, #tpu.memory_space<hbm>>
      %dma_start3A_208 = tpu.memref_slice %arg6[%mul3A_2] : memref<320000xi32, #tpu.memory_space<hbm>> -> memref<10000xi32, #tpu.memory_space<hbm>>
      tpu.enqueue_dma source(%dma_start3A_208 : memref<10000xi32, #tpu.memory_space<hbm>>) target(%arg11 : memref<10000xi32, #tpu.memory_space<vmem>>) target_semaphore(%run_scoped3A : memref<!tpu.dma_semaphore, #tpu.memory_space<semaphore_mem>>)
      %dma_wait3A_209 = tpu.memref_slice %arg6[%mul3A_2] : memref<320000xi32, #tpu.memory_space<hbm>> -> memref<10000xi32, #tpu.memory_space<hbm>>
      %dma_wait3A_210 = tpu.memref_slice %arg6[%mul3A_2] : memref<320000xi32, #tpu.memory_space<hbm>> -> memref<10000xi32, #tpu.memory_space<hbm>>
      tpu.wait_dma2 semaphore(%run_scoped3A : memref<!tpu.dma_semaphore, #tpu.memory_space<semaphore_mem>>) src(%dma_wait3A_210 : memref<10000xi32, #tpu.memory_space<hbm>>) dst(%arg11 : memref<10000xi32, #tpu.memory_space<vmem>>)
      tpu.yield
    }) : () -> ()
    %multiple_of3A = arith.constant 0 : i32
    %multiple_of3A_3 = tpu.assume_multiple %multiple_of3A, 8 : i32
    %dma_start3A = tpu.memref_slice %arg10[%multiple_of3A_3] : memref<10000xi32, #tpu.memory_space<vmem>> -> memref<128xi32, #tpu.memory_space<vmem>>
    %dma_start3A_4 = arith.constant 0 : i32
    %dma_start3A_5 = arith.constant 0 : i32
    %dma_start3A_6 = tpu.memref_slice %arg2[%dma_start3A_4, %dma_start3A_5] : memref<10000x128xf32, #tpu.memory_space<hbm>> -> memref<10000x128xf32, #tpu.memory_space<hbm>>
    tpu.enqueue_indirect_dma source(%dma_start3A_6 : memref<10000x128xf32, #tpu.memory_space<hbm>>) target(%arg13 : memref<128x128xf32, #tpu.memory_space<vmem>>) offsets(%dma_start3A : memref<128xi32, #tpu.memory_space<vmem>>) semaphore(%arg25 : memref<!tpu.dma_semaphore, #tpu.memory_space<semaphore_mem>>)
    %dma_start3A_7 = tpu.memref_slice %arg11[%multiple_of3A_3] : memref<10000xi32, #tpu.memory_space<vmem>> -> memref<128xi32, #tpu.memory_space<vmem>>
    %dma_start3A_8 = arith.constant 0 : i32
    %dma_start3A_9 = arith.constant 0 : i32
    %dma_start3A_10 = tpu.memref_slice %arg3[%dma_start3A_8, %dma_start3A_9] : memref<10000x128xf32, #tpu.memory_space<hbm>> -> memref<10000x128xf32, #tpu.memory_space<hbm>>
    tpu.enqueue_indirect_dma source(%dma_start3A_10 : memref<10000x128xf32, #tpu.memory_space<hbm>>) target(%arg14 : memref<128x128xf32, #tpu.memory_space<vmem>>) offsets(%dma_start3A_7 : memref<128xi32, #tpu.memory_space<vmem>>) semaphore(%arg25 : memref<!tpu.dma_semaphore, #tpu.memory_space<semaphore_mem>>)
    %dma_start3A_11 = tpu.memref_slice %arg10[%multiple_of3A_3] : memref<10000xi32, #tpu.memory_space<vmem>> -> memref<128xi32, #tpu.memory_space<vmem>>
    %dma_start3A_12 = arith.constant 0 : i32
    %dma_start3A_13 = arith.constant 0 : i32
    %dma_start3A_14 = tpu.memref_slice %arg4[%dma_start3A_12, %dma_start3A_13] : memref<10000x16xf32, #tpu.memory_space<hbm>> -> memref<10000x16xf32, #tpu.memory_space<hbm>>
    tpu.enqueue_indirect_dma source(%dma_start3A_14 : memref<10000x16xf32, #tpu.memory_space<hbm>>) target(%arg15 : memref<128x16xf32, #tpu.memory_space<vmem>>) offsets(%dma_start3A_11 : memref<128xi32, #tpu.memory_space<vmem>>) semaphore(%arg25 : memref<!tpu.dma_semaphore, #tpu.memory_space<semaphore_mem>>)
    %dma_start3A_15 = tpu.memref_slice %arg11[%multiple_of3A_3] : memref<10000xi32, #tpu.memory_space<vmem>> -> memref<128xi32, #tpu.memory_space<vmem>>
    %dma_start3A_16 = arith.constant 0 : i32
    %dma_start3A_17 = arith.constant 0 : i32
    %dma_start3A_18 = tpu.memref_slice %arg4[%dma_start3A_16, %dma_start3A_17] : memref<10000x16xf32, #tpu.memory_space<hbm>> -> memref<10000x16xf32, #tpu.memory_space<hbm>>
    tpu.enqueue_indirect_dma source(%dma_start3A_18 : memref<10000x16xf32, #tpu.memory_space<hbm>>) target(%arg16 : memref<128x16xf32, #tpu.memory_space<vmem>>) offsets(%dma_start3A_15 : memref<128xi32, #tpu.memory_space<vmem>>) semaphore(%arg25 : memref<!tpu.dma_semaphore, #tpu.memory_space<semaphore_mem>>)
    %multiple_of3A_19 = arith.constant 128 : i32
    %multiple_of3A_20 = tpu.assume_multiple %multiple_of3A_19, 8 : i32
    %dma_start3A_21 = tpu.memref_slice %arg10[%multiple_of3A_20] : memref<10000xi32, #tpu.memory_space<vmem>> -> memref<128xi32, #tpu.memory_space<vmem>>
    %dma_start3A_22 = arith.constant 0 : i32
    %dma_start3A_23 = arith.constant 0 : i32
    %dma_start3A_24 = tpu.memref_slice %arg2[%dma_start3A_22, %dma_start3A_23] : memref<10000x128xf32, #tpu.memory_space<hbm>> -> memref<10000x128xf32, #tpu.memory_space<hbm>>
    tpu.enqueue_indirect_dma source(%dma_start3A_24 : memref<10000x128xf32, #tpu.memory_space<hbm>>) target(%arg17 : memref<128x128xf32, #tpu.memory_space<vmem>>) offsets(%dma_start3A_21 : memref<128xi32, #tpu.memory_space<vmem>>) semaphore(%arg26 : memref<!tpu.dma_semaphore, #tpu.memory_space<semaphore_mem>>)
    %dma_start3A_25 = tpu.memref_slice %arg11[%multiple_of3A_20] : memref<10000xi32, #tpu.memory_space<vmem>> -> memref<128xi32, #tpu.memory_space<vmem>>
    %dma_start3A_26 = arith.constant 0 : i32
    %dma_start3A_27 = arith.constant 0 : i32
    %dma_start3A_28 = tpu.memref_slice %arg3[%dma_start3A_26, %dma_start3A_27] : memref<10000x128xf32, #tpu.memory_space<hbm>> -> memref<10000x128xf32, #tpu.memory_space<hbm>>
    tpu.enqueue_indirect_dma source(%dma_start3A_28 : memref<10000x128xf32, #tpu.memory_space<hbm>>) target(%arg18 : memref<128x128xf32, #tpu.memory_space<vmem>>) offsets(%dma_start3A_25 : memref<128xi32, #tpu.memory_space<vmem>>) semaphore(%arg26 : memref<!tpu.dma_semaphore, #tpu.memory_space<semaphore_mem>>)
    %dma_start3A_29 = tpu.memref_slice %arg10[%multiple_of3A_20] : memref<10000xi32, #tpu.memory_space<vmem>> -> memref<128xi32, #tpu.memory_space<vmem>>
    %dma_start3A_30 = arith.constant 0 : i32
    %dma_start3A_31 = arith.constant 0 : i32
    %dma_start3A_32 = tpu.memref_slice %arg4[%dma_start3A_30, %dma_start3A_31] : memref<10000x16xf32, #tpu.memory_space<hbm>> -> memref<10000x16xf32, #tpu.memory_space<hbm>>
    tpu.enqueue_indirect_dma source(%dma_start3A_32 : memref<10000x16xf32, #tpu.memory_space<hbm>>) target(%arg19 : memref<128x16xf32, #tpu.memory_space<vmem>>) offsets(%dma_start3A_29 : memref<128xi32, #tpu.memory_space<vmem>>) semaphore(%arg26 : memref<!tpu.dma_semaphore, #tpu.memory_space<semaphore_mem>>)
    %dma_start3A_33 = tpu.memref_slice %arg11[%multiple_of3A_20] : memref<10000xi32, #tpu.memory_space<vmem>> -> memref<128xi32, #tpu.memory_space<vmem>>
    %dma_start3A_34 = arith.constant 0 : i32
    %dma_start3A_35 = arith.constant 0 : i32
    %dma_start3A_36 = tpu.memref_slice %arg4[%dma_start3A_34, %dma_start3A_35] : memref<10000x16xf32, #tpu.memory_space<hbm>> -> memref<10000x16xf32, #tpu.memory_space<hbm>>
    tpu.enqueue_indirect_dma source(%dma_start3A_36 : memref<10000x16xf32, #tpu.memory_space<hbm>>) target(%arg20 : memref<128x16xf32, #tpu.memory_space<vmem>>) offsets(%dma_start3A_33 : memref<128xi32, #tpu.memory_space<vmem>>) semaphore(%arg26 : memref<!tpu.dma_semaphore, #tpu.memory_space<semaphore_mem>>)
    %scan3A = arith.constant 0 : i32
    %scan3A_37 = arith.constant 0 : i32
    %scan3A_38 = arith.constant 26 : i32
    %scan3A_39 = arith.addi %scan3A_37, %scan3A_38 : i32
    %scan3A_40 = arith.constant 1 : i32
    scf.for %scan3A_207 = %scan3A_37 to %scan3A_39 step %scan3A_40  : i32 {
      %dma_wait3A_208 = arith.constant 0 : i32
      %dma_wait3A_209 = arith.constant 0 : i32
      %dma_wait3A_210 = tpu.memref_slice %arg2[%dma_wait3A_208, %dma_wait3A_209] : memref<10000x128xf32, #tpu.memory_space<hbm>> -> memref<128x128xf32, #tpu.memory_space<hbm>>
      %dma_wait3A_211 = arith.constant 0 : i32
      %dma_wait3A_212 = arith.constant 0 : i32
      %dma_wait3A_213 = tpu.memref_slice %arg2[%dma_wait3A_211, %dma_wait3A_212] : memref<10000x128xf32, #tpu.memory_space<hbm>> -> memref<128x128xf32, #tpu.memory_space<hbm>>
      tpu.wait_dma2 semaphore(%arg25 : memref<!tpu.dma_semaphore, #tpu.memory_space<semaphore_mem>>) src(%dma_wait3A_213 : memref<128x128xf32, #tpu.memory_space<hbm>>) dst(%arg13 : memref<128x128xf32, #tpu.memory_space<vmem>>)
      %dma_wait3A_214 = arith.constant 0 : i32
      %dma_wait3A_215 = arith.constant 0 : i32
      %dma_wait3A_216 = tpu.memref_slice %arg3[%dma_wait3A_214, %dma_wait3A_215] : memref<10000x128xf32, #tpu.memory_space<hbm>> -> memref<128x128xf32, #tpu.memory_space<hbm>>
      %dma_wait3A_217 = arith.constant 0 : i32
      %dma_wait3A_218 = arith.constant 0 : i32
      %dma_wait3A_219 = tpu.memref_slice %arg3[%dma_wait3A_217, %dma_wait3A_218] : memref<10000x128xf32, #tpu.memory_space<hbm>> -> memref<128x128xf32, #tpu.memory_space<hbm>>
      tpu.wait_dma2 semaphore(%arg25 : memref<!tpu.dma_semaphore, #tpu.memory_space<semaphore_mem>>) src(%dma_wait3A_219 : memref<128x128xf32, #tpu.memory_space<hbm>>) dst(%arg14 : memref<128x128xf32, #tpu.memory_space<vmem>>)
      %dma_wait3A_220 = arith.constant 0 : i32
      %dma_wait3A_221 = arith.constant 0 : i32
      %dma_wait3A_222 = tpu.memref_slice %arg4[%dma_wait3A_220, %dma_wait3A_221] : memref<10000x16xf32, #tpu.memory_space<hbm>> -> memref<128x16xf32, #tpu.memory_space<hbm>>
      %dma_wait3A_223 = arith.constant 0 : i32
      %dma_wait3A_224 = arith.constant 0 : i32
      %dma_wait3A_225 = tpu.memref_slice %arg4[%dma_wait3A_223, %dma_wait3A_224] : memref<10000x16xf32, #tpu.memory_space<hbm>> -> memref<128x16xf32, #tpu.memory_space<hbm>>
      tpu.wait_dma2 semaphore(%arg25 : memref<!tpu.dma_semaphore, #tpu.memory_space<semaphore_mem>>) src(%dma_wait3A_225 : memref<128x16xf32, #tpu.memory_space<hbm>>) dst(%arg15 : memref<128x16xf32, #tpu.memory_space<vmem>>)
      %dma_wait3A_226 = arith.constant 0 : i32
      %dma_wait3A_227 = arith.constant 0 : i32
      %dma_wait3A_228 = tpu.memref_slice %arg4[%dma_wait3A_226, %dma_wait3A_227] : memref<10000x16xf32, #tpu.memory_space<hbm>> -> memref<128x16xf32, #tpu.memory_space<hbm>>
      %dma_wait3A_229 = arith.constant 0 : i32
      %dma_wait3A_230 = arith.constant 0 : i32
      %dma_wait3A_231 = tpu.memref_slice %arg4[%dma_wait3A_229, %dma_wait3A_230] : memref<10000x16xf32, #tpu.memory_space<hbm>> -> memref<128x16xf32, #tpu.memory_space<hbm>>
      tpu.wait_dma2 semaphore(%arg25 : memref<!tpu.dma_semaphore, #tpu.memory_space<semaphore_mem>>) src(%dma_wait3A_231 : memref<128x16xf32, #tpu.memory_space<hbm>>) dst(%arg16 : memref<128x16xf32, #tpu.memory_space<vmem>>)
      %scan3A_232 = arith.constant 0 : i32
      %scan3A_233 = arith.constant 0 : i32
      %scan3A_234 = arith.constant 128 : i32
      %scan3A_235 = arith.addi %scan3A_233, %scan3A_234 : i32
      %scan3A_236 = arith.constant 1 : i32
      scf.for %scan3A_378 = %scan3A_233 to %scan3A_235 step %scan3A_236  : i32 {
        %get3A_379 = arith.index_cast %scan3A_378 : i32 to index
        %get3A_380 = arith.constant 0 : index
        %get3A_381 = tpu.vector_load %arg15[%get3A_379, %get3A_380] {strides = array<i32>} : memref<128x16xf32, #tpu.memory_space<vmem>>, vector<1x16xf32>,
        %get3A_382 = vector.shape_cast %get3A_381 : vector<1x16xf32> to vector<16xf32>
        %get3A_383 = arith.index_cast %scan3A_378 : i32 to index
        %get3A_384 = arith.constant 0 : index
        %get3A_385 = tpu.vector_load %arg16[%get3A_383, %get3A_384] {strides = array<i32>} : memref<128x16xf32, #tpu.memory_space<vmem>>, vector<1x16xf32>,
        %get3A_386 = vector.shape_cast %get3A_385 : vector<1x16xf32> to vector<16xf32>
        %sub3A = arith.subf %get3A_382, %get3A_386 : vector<16xf32>
        %swap3A = arith.index_cast %scan3A_378 : i32 to index
        %swap3A_387 = arith.constant 0 : index
        %swap3A_388 = tpu.vector_load %arg15[%swap3A, %swap3A_387] {strides = array<i32>} : memref<128x16xf32, #tpu.memory_space<vmem>>, vector<1x16xf32>,
        %swap3A_389 = vector.shape_cast %swap3A_388 : vector<1x16xf32> to vector<16xf32>
        %swap3A_390 = vector.shape_cast %sub3A : vector<16xf32> to vector<1x16xf32>
        tpu.vector_store %arg15[%swap3A, %swap3A_387], %swap3A_390 {strides = array<i32>} : memref<128x16xf32, #tpu.memory_space<vmem>>, vector<1x16xf32>,
        %mul3A_391 = arith.mulf %sub3A, %sub3A : vector<16xf32>
        %slice3A = vector.extract_strided_slice %mul3A_391 {offsets = [0], sizes = [1], strides = [1]} : vector<16xf32> to vector<1xf32>
        %squeeze3A = vector.extract %slice3A[0] : f32 from vector<1xf32>
        %slice3A_392 = vector.extract_strided_slice %mul3A_391 {offsets = [1], sizes = [1], strides = [1]} : vector<16xf32> to vector<1xf32>
        %squeeze3A_393 = vector.extract %slice3A_392[0] : f32 from vector<1xf32>
        %add3A_394 = arith.addf %squeeze3A, %squeeze3A_393 : f32
        %slice3A_395 = vector.extract_strided_slice %mul3A_391 {offsets = [2], sizes = [1], strides = [1]} : vector<16xf32> to vector<1xf32>
        %squeeze3A_396 = vector.extract %slice3A_395[0] : f32 from vector<1xf32>
        %add3A_397 = arith.addf %add3A_394, %squeeze3A_396 : f32
        %get3A_398 = arith.index_cast %scan3A_378 : i32 to index
        %get3A_399 = arith.constant 0 : index
        %get3A_400 = tpu.vector_load %arg13[%get3A_398, %get3A_399] {strides = array<i32>} : memref<128x128xf32, #tpu.memory_space<vmem>>, vector<1x16xf32>,
        %get3A_401 = vector.shape_cast %get3A_400 : vector<1x16xf32> to vector<16xf32>
        %get3A_402 = arith.index_cast %scan3A_378 : i32 to index
        %get3A_403 = arith.constant 0 : index
        %get3A_404 = tpu.vector_load %arg14[%get3A_402, %get3A_403] {strides = array<i32>} : memref<128x128xf32, #tpu.memory_space<vmem>>, vector<1x16xf32>,
        %get3A_405 = vector.shape_cast %get3A_404 : vector<1x16xf32> to vector<16xf32>
        %add3A_406 = arith.addf %get3A_401, %get3A_405 : vector<16xf32>
        %get3A_407 = arith.constant 0 : index
        %get3A_408 = tpu.vector_load %arg12[%get3A_407] {strides = array<i32>} : memref<128xf32, #tpu.memory_space<vmem>>, vector<16xf32>,
        %get3A_409 = vector.shape_cast %get3A_408 : vector<16xf32> to vector<16xf32>
        %mul3A_410 = vector.broadcast %add3A_397 : f32 to vector<16xf32>
        %mul3A_411 = arith.mulf %mul3A_410, %get3A_409 : vector<16xf32>
        %add3A_412 = arith.addf %add3A_406, %mul3A_411 : vector<16xf32>
        %swap3A_413 = arith.index_cast %scan3A_378 : i32 to index
        %swap3A_414 = arith.constant 0 : index
        %swap3A_415 = tpu.vector_load %arg13[%swap3A_413, %swap3A_414] {strides = array<i32>} : memref<128x128xf32, #tpu.memory_space<vmem>>, vector<1x16xf32>,
        %swap3A_416 = vector.shape_cast %swap3A_415 : vector<1x16xf32> to vector<16xf32>
        %swap3A_417 = vector.shape_cast %add3A_412 : vector<16xf32> to vector<1x16xf32>
        tpu.vector_store %arg13[%swap3A_413, %swap3A_414], %swap3A_417 {strides = array<i32>} : memref<128x128xf32, #tpu.memory_space<vmem>>, vector<1x16xf32>,
        %get3A_418 = arith.index_cast %scan3A_378 : i32 to index
        %get3A_419 = arith.constant 16 : index
        %get3A_420 = tpu.vector_load %arg13[%get3A_418, %get3A_419] {strides = array<i32>} : memref<128x128xf32, #tpu.memory_space<vmem>>, vector<1x16xf32>,
        %get3A_421 = vector.shape_cast %get3A_420 : vector<1x16xf32> to vector<16xf32>
        %get3A_422 = arith.index_cast %scan3A_378 : i32 to index
        %get3A_423 = arith.constant 16 : index
        %get3A_424 = tpu.vector_load %arg14[%get3A_422, %get3A_423] {strides = array<i32>} : memref<128x128xf32, #tpu.memory_space<vmem>>, vector<1x16xf32>,
        %get3A_425 = vector.shape_cast %get3A_424 : vector<1x16xf32> to vector<16xf32>
        %add3A_426 = arith.addf %get3A_421, %get3A_425 : vector<16xf32>
        %get3A_427 = arith.constant 16 : index
        %get3A_428 = tpu.vector_load %arg12[%get3A_427] {strides = array<i32>} : memref<128xf32, #tpu.memory_space<vmem>>, vector<16xf32>,
        %get3A_429 = vector.shape_cast %get3A_428 : vector<16xf32> to vector<16xf32>
        %mul3A_430 = vector.broadcast %add3A_397 : f32 to vector<16xf32>
        %mul3A_431 = arith.mulf %mul3A_430, %get3A_429 : vector<16xf32>
        %add3A_432 = arith.addf %add3A_426, %mul3A_431 : vector<16xf32>
        %swap3A_433 = arith.index_cast %scan3A_378 : i32 to index
        %swap3A_434 = arith.constant 16 : index
        %swap3A_435 = tpu.vector_load %arg13[%swap3A_433, %swap3A_434] {strides = array<i32>} : memref<128x128xf32, #tpu.memory_space<vmem>>, vector<1x16xf32>,
        %swap3A_436 = vector.shape_cast %swap3A_435 : vector<1x16xf32> to vector<16xf32>
        %swap3A_437 = vector.shape_cast %add3A_432 : vector<16xf32> to vector<1x16xf32>
        tpu.vector_store %arg13[%swap3A_433, %swap3A_434], %swap3A_437 {strides = array<i32>} : memref<128x128xf32, #tpu.memory_space<vmem>>, vector<1x16xf32>,
        %get3A_438 = arith.index_cast %scan3A_378 : i32 to index
        %get3A_439 = arith.constant 32 : index
        %get3A_440 = tpu.vector_load %arg13[%get3A_438, %get3A_439] {strides = array<i32>} : memref<128x128xf32, #tpu.memory_space<vmem>>, vector<1x16xf32>,
        %get3A_441 = vector.shape_cast %get3A_440 : vector<1x16xf32> to vector<16xf32>
        %get3A_442 = arith.index_cast %scan3A_378 : i32 to index
        %get3A_443 = arith.constant 32 : index
        %get3A_444 = tpu.vector_load %arg14[%get3A_442, %get3A_443] {strides = array<i32>} : memref<128x128xf32, #tpu.memory_space<vmem>>, vector<1x16xf32>,
        %get3A_445 = vector.shape_cast %get3A_444 : vector<1x16xf32> to vector<16xf32>
        %add3A_446 = arith.addf %get3A_441, %get3A_445 : vector<16xf32>
        %get3A_447 = arith.constant 32 : index
        %get3A_448 = tpu.vector_load %arg12[%get3A_447] {strides = array<i32>} : memref<128xf32, #tpu.memory_space<vmem>>, vector<16xf32>,
        %get3A_449 = vector.shape_cast %get3A_448 : vector<16xf32> to vector<16xf32>
        %mul3A_450 = vector.broadcast %add3A_397 : f32 to vector<16xf32>
        %mul3A_451 = arith.mulf %mul3A_450, %get3A_449 : vector<16xf32>
        %add3A_452 = arith.addf %add3A_446, %mul3A_451 : vector<16xf32>
        %swap3A_453 = arith.index_cast %scan3A_378 : i32 to index
        %swap3A_454 = arith.constant 32 : index
        %swap3A_455 = tpu.vector_load %arg13[%swap3A_453, %swap3A_454] {strides = array<i32>} : memref<128x128xf32, #tpu.memory_space<vmem>>, vector<1x16xf32>,
        %swap3A_456 = vector.shape_cast %swap3A_455 : vector<1x16xf32> to vector<16xf32>
        %swap3A_457 = vector.shape_cast %add3A_452 : vector<16xf32> to vector<1x16xf32>
        tpu.vector_store %arg13[%swap3A_453, %swap3A_454], %swap3A_457 {strides = array<i32>} : memref<128x128xf32, #tpu.memory_space<vmem>>, vector<1x16xf32>,
        %get3A_458 = arith.index_cast %scan3A_378 : i32 to index
        %get3A_459 = arith.constant 48 : index
        %get3A_460 = tpu.vector_load %arg13[%get3A_458, %get3A_459] {strides = array<i32>} : memref<128x128xf32, #tpu.memory_space<vmem>>, vector<1x16xf32>,
        %get3A_461 = vector.shape_cast %get3A_460 : vector<1x16xf32> to vector<16xf32>
        %get3A_462 = arith.index_cast %scan3A_378 : i32 to index
        %get3A_463 = arith.constant 48 : index
        %get3A_464 = tpu.vector_load %arg14[%get3A_462, %get3A_463] {strides = array<i32>} : memref<128x128xf32, #tpu.memory_space<vmem>>, vector<1x16xf32>,
        %get3A_465 = vector.shape_cast %get3A_464 : vector<1x16xf32> to vector<16xf32>
        %add3A_466 = arith.addf %get3A_461, %get3A_465 : vector<16xf32>
        %get3A_467 = arith.constant 48 : index
        %get3A_468 = tpu.vector_load %arg12[%get3A_467] {strides = array<i32>} : memref<128xf32, #tpu.memory_space<vmem>>, vector<16xf32>,
        %get3A_469 = vector.shape_cast %get3A_468 : vector<16xf32> to vector<16xf32>
        %mul3A_470 = vector.broadcast %add3A_397 : f32 to vector<16xf32>
        %mul3A_471 = arith.mulf %mul3A_470, %get3A_469 : vector<16xf32>
        %add3A_472 = arith.addf %add3A_466, %mul3A_471 : vector<16xf32>
        %swap3A_473 = arith.index_cast %scan3A_378 : i32 to index
        %swap3A_474 = arith.constant 48 : index
        %swap3A_475 = tpu.vector_load %arg13[%swap3A_473, %swap3A_474] {strides = array<i32>} : memref<128x128xf32, #tpu.memory_space<vmem>>, vector<1x16xf32>,
        %swap3A_476 = vector.shape_cast %swap3A_475 : vector<1x16xf32> to vector<16xf32>
        %swap3A_477 = vector.shape_cast %add3A_472 : vector<16xf32> to vector<1x16xf32>
        tpu.vector_store %arg13[%swap3A_473, %swap3A_474], %swap3A_477 {strides = array<i32>} : memref<128x128xf32, #tpu.memory_space<vmem>>, vector<1x16xf32>,
        %get3A_478 = arith.index_cast %scan3A_378 : i32 to index
        %get3A_479 = arith.constant 64 : index
        %get3A_480 = tpu.vector_load %arg13[%get3A_478, %get3A_479] {strides = array<i32>} : memref<128x128xf32, #tpu.memory_space<vmem>>, vector<1x16xf32>,
        %get3A_481 = vector.shape_cast %get3A_480 : vector<1x16xf32> to vector<16xf32>
        %get3A_482 = arith.index_cast %scan3A_378 : i32 to index
        %get3A_483 = arith.constant 64 : index
        %get3A_484 = tpu.vector_load %arg14[%get3A_482, %get3A_483] {strides = array<i32>} : memref<128x128xf32, #tpu.memory_space<vmem>>, vector<1x16xf32>,
        %get3A_485 = vector.shape_cast %get3A_484 : vector<1x16xf32> to vector<16xf32>
        %add3A_486 = arith.addf %get3A_481, %get3A_485 : vector<16xf32>
        %get3A_487 = arith.constant 64 : index
        %get3A_488 = tpu.vector_load %arg12[%get3A_487] {strides = array<i32>} : memref<128xf32, #tpu.memory_space<vmem>>, vector<16xf32>,
        %get3A_489 = vector.shape_cast %get3A_488 : vector<16xf32> to vector<16xf32>
        %mul3A_490 = vector.broadcast %add3A_397 : f32 to vector<16xf32>
        %mul3A_491 = arith.mulf %mul3A_490, %get3A_489 : vector<16xf32>
        %add3A_492 = arith.addf %add3A_486, %mul3A_491 : vector<16xf32>
        %swap3A_493 = arith.index_cast %scan3A_378 : i32 to index
        %swap3A_494 = arith.constant 64 : index
        %swap3A_495 = tpu.vector_load %arg13[%swap3A_493, %swap3A_494] {strides = array<i32>} : memref<128x128xf32, #tpu.memory_space<vmem>>, vector<1x16xf32>,
        %swap3A_496 = vector.shape_cast %swap3A_495 : vector<1x16xf32> to vector<16xf32>
        %swap3A_497 = vector.shape_cast %add3A_492 : vector<16xf32> to vector<1x16xf32>
        tpu.vector_store %arg13[%swap3A_493, %swap3A_494], %swap3A_497 {strides = array<i32>} : memref<128x128xf32, #tpu.memory_space<vmem>>, vector<1x16xf32>,
        %get3A_498 = arith.index_cast %scan3A_378 : i32 to index
        %get3A_499 = arith.constant 80 : index
        %get3A_500 = tpu.vector_load %arg13[%get3A_498, %get3A_499] {strides = array<i32>} : memref<128x128xf32, #tpu.memory_space<vmem>>, vector<1x16xf32>,
        %get3A_501 = vector.shape_cast %get3A_500 : vector<1x16xf32> to vector<16xf32>
        %get3A_502 = arith.index_cast %scan3A_378 : i32 to index
        %get3A_503 = arith.constant 80 : index
        %get3A_504 = tpu.vector_load %arg14[%get3A_502, %get3A_503] {strides = array<i32>} : memref<128x128xf32, #tpu.memory_space<vmem>>, vector<1x16xf32>,
        %get3A_505 = vector.shape_cast %get3A_504 : vector<1x16xf32> to vector<16xf32>
        %add3A_506 = arith.addf %get3A_501, %get3A_505 : vector<16xf32>
        %get3A_507 = arith.constant 80 : index
        %get3A_508 = tpu.vector_load %arg12[%get3A_507] {strides = array<i32>} : memref<128xf32, #tpu.memory_space<vmem>>, vector<16xf32>,
        %get3A_509 = vector.shape_cast %get3A_508 : vector<16xf32> to vector<16xf32>
        %mul3A_510 = vector.broadcast %add3A_397 : f32 to vector<16xf32>
        %mul3A_511 = arith.mulf %mul3A_510, %get3A_509 : vector<16xf32>
        %add3A_512 = arith.addf %add3A_506, %mul3A_511 : vector<16xf32>
        %swap3A_513 = arith.index_cast %scan3A_378 : i32 to index
        %swap3A_514 = arith.constant 80 : index
        %swap3A_515 = tpu.vector_load %arg13[%swap3A_513, %swap3A_514] {strides = array<i32>} : memref<128x128xf32, #tpu.memory_space<vmem>>, vector<1x16xf32>,
        %swap3A_516 = vector.shape_cast %swap3A_515 : vector<1x16xf32> to vector<16xf32>
        %swap3A_517 = vector.shape_cast %add3A_512 : vector<16xf32> to vector<1x16xf32>
        tpu.vector_store %arg13[%swap3A_513, %swap3A_514], %swap3A_517 {strides = array<i32>} : memref<128x128xf32, #tpu.memory_space<vmem>>, vector<1x16xf32>,
        %get3A_518 = arith.index_cast %scan3A_378 : i32 to index
        %get3A_519 = arith.constant 96 : index
        %get3A_520 = tpu.vector_load %arg13[%get3A_518, %get3A_519] {strides = array<i32>} : memref<128x128xf32, #tpu.memory_space<vmem>>, vector<1x16xf32>,
        %get3A_521 = vector.shape_cast %get3A_520 : vector<1x16xf32> to vector<16xf32>
        %get3A_522 = arith.index_cast %scan3A_378 : i32 to index
        %get3A_523 = arith.constant 96 : index
        %get3A_524 = tpu.vector_load %arg14[%get3A_522, %get3A_523] {strides = array<i32>} : memref<128x128xf32, #tpu.memory_space<vmem>>, vector<1x16xf32>,
        %get3A_525 = vector.shape_cast %get3A_524 : vector<1x16xf32> to vector<16xf32>
        %add3A_526 = arith.addf %get3A_521, %get3A_525 : vector<16xf32>
        %get3A_527 = arith.constant 96 : index
        %get3A_528 = tpu.vector_load %arg12[%get3A_527] {strides = array<i32>} : memref<128xf32, #tpu.memory_space<vmem>>, vector<16xf32>,
        %get3A_529 = vector.shape_cast %get3A_528 : vector<16xf32> to vector<16xf32>
        %mul3A_530 = vector.broadcast %add3A_397 : f32 to vector<16xf32>
        %mul3A_531 = arith.mulf %mul3A_530, %get3A_529 : vector<16xf32>
        %add3A_532 = arith.addf %add3A_526, %mul3A_531 : vector<16xf32>
        %swap3A_533 = arith.index_cast %scan3A_378 : i32 to index
        %swap3A_534 = arith.constant 96 : index
        %swap3A_535 = tpu.vector_load %arg13[%swap3A_533, %swap3A_534] {strides = array<i32>} : memref<128x128xf32, #tpu.memory_space<vmem>>, vector<1x16xf32>,
        %swap3A_536 = vector.shape_cast %swap3A_535 : vector<1x16xf32> to vector<16xf32>
        %swap3A_537 = vector.shape_cast %add3A_532 : vector<16xf32> to vector<1x16xf32>
        tpu.vector_store %arg13[%swap3A_533, %swap3A_534], %swap3A_537 {strides = array<i32>} : memref<128x128xf32, #tpu.memory_space<vmem>>, vector<1x16xf32>,
        %get3A_538 = arith.index_cast %scan3A_378 : i32 to index
        %get3A_539 = arith.constant 112 : index
        %get3A_540 = tpu.vector_load %arg13[%get3A_538, %get3A_539] {strides = array<i32>} : memref<128x128xf32, #tpu.memory_space<vmem>>, vector<1x16xf32>,
        %get3A_541 = vector.shape_cast %get3A_540 : vector<1x16xf32> to vector<16xf32>
        %get3A_542 = arith.index_cast %scan3A_378 : i32 to index
        %get3A_543 = arith.constant 112 : index
        %get3A_544 = tpu.vector_load %arg14[%get3A_542, %get3A_543] {strides = array<i32>} : memref<128x128xf32, #tpu.memory_space<vmem>>, vector<1x16xf32>,
        %get3A_545 = vector.shape_cast %get3A_544 : vector<1x16xf32> to vector<16xf32>
        %add3A_546 = arith.addf %get3A_541, %get3A_545 : vector<16xf32>
        %get3A_547 = arith.constant 112 : index
        %get3A_548 = tpu.vector_load %arg12[%get3A_547] {strides = array<i32>} : memref<128xf32, #tpu.memory_space<vmem>>, vector<16xf32>,
        %get3A_549 = vector.shape_cast %get3A_548 : vector<16xf32> to vector<16xf32>
        %mul3A_550 = vector.broadcast %add3A_397 : f32 to vector<16xf32>
        %mul3A_551 = arith.mulf %mul3A_550, %get3A_549 : vector<16xf32>
        %add3A_552 = arith.addf %add3A_546, %mul3A_551 : vector<16xf32>
        %swap3A_553 = arith.index_cast %scan3A_378 : i32 to index
        %swap3A_554 = arith.constant 112 : index
        %swap3A_555 = tpu.vector_load %arg13[%swap3A_553, %swap3A_554] {strides = array<i32>} : memref<128x128xf32, #tpu.memory_space<vmem>>, vector<1x16xf32>,
        %swap3A_556 = vector.shape_cast %swap3A_555 : vector<1x16xf32> to vector<16xf32>
        %swap3A_557 = vector.shape_cast %add3A_552 : vector<16xf32> to vector<1x16xf32>
        tpu.vector_store %arg13[%swap3A_553, %swap3A_554], %swap3A_557 {strides = array<i32>} : memref<128x128xf32, #tpu.memory_space<vmem>>, vector<1x16xf32>,
      }
      %scan3A_237 = arith.constant 128 : i32
      %mul3A_238 = arith.constant 3 : i32
      %mul3A_239 = arith.muli %mul3A_238, %scan3A_207 : i32
      %mul3A_240 = arith.constant 128 : i32
      %mul3A_241 = arith.muli %mul3A_239, %mul3A_240 : i32
      %add3A_242 = arith.addi %mul3A_2, %mul3A_241 : i32
      %multiple_of3A_243 = tpu.assume_multiple %add3A_242, 8 : i32
      %dma_start3A_244 = arith.constant 0 : i32
      %dma_start3A_245 = tpu.memref_slice %arg8[%multiple_of3A_243, %dma_start3A_244] : memref<320000x128xf32, #tpu.memory_space<hbm>> -> memref<128x128xf32, #tpu.memory_space<hbm>>
      %dma_start3A_246 = arith.constant 0 : i32
      %dma_start3A_247 = tpu.memref_slice %arg8[%multiple_of3A_243, %dma_start3A_246] : memref<320000x128xf32, #tpu.memory_space<hbm>> -> memref<128x128xf32, #tpu.memory_space<hbm>>
      tpu.enqueue_dma source(%arg13 : memref<128x128xf32, #tpu.memory_space<vmem>>) target(%dma_start3A_247 : memref<128x128xf32, #tpu.memory_space<hbm>>) target_semaphore(%arg28 : memref<!tpu.dma_semaphore, #tpu.memory_space<semaphore_mem>>)
      %dma_start3A_248 = arith.constant 0 : i32
      %dma_start3A_249 = tpu.memref_slice %arg9[%multiple_of3A_243, %dma_start3A_248] : memref<320000x16xf32, #tpu.memory_space<hbm>> -> memref<128x16xf32, #tpu.memory_space<hbm>>
      %dma_start3A_250 = arith.constant 0 : i32
      %dma_start3A_251 = tpu.memref_slice %arg9[%multiple_of3A_243, %dma_start3A_250] : memref<320000x16xf32, #tpu.memory_space<hbm>> -> memref<128x16xf32, #tpu.memory_space<hbm>>
      tpu.enqueue_dma source(%arg15 : memref<128x16xf32, #tpu.memory_space<vmem>>) target(%dma_start3A_251 : memref<128x16xf32, #tpu.memory_space<hbm>>) target_semaphore(%arg28 : memref<!tpu.dma_semaphore, #tpu.memory_space<semaphore_mem>>)
      %gt3A = arith.constant 0 : i32
      %gt3A_252 = arith.cmpi sgt, %scan3A_207, %gt3A : i32
      %convert_element_type3A = arith.extui %gt3A_252 : i1 to i32
      %cond3A = arith.constant 0 : i32
      %cond3A_253 = arith.cmpi ne, %convert_element_type3A, %cond3A : i32
      scf.if %cond3A_253 {
        %dma_wait3A_378 = arith.constant 0 : i32
        %dma_wait3A_379 = arith.constant 0 : i32
        %dma_wait3A_380 = tpu.memref_slice %arg8[%dma_wait3A_378, %dma_wait3A_379] : memref<320000x128xf32, #tpu.memory_space<hbm>> -> memref<128x128xf32, #tpu.memory_space<hbm>>
        %dma_wait3A_381 = arith.constant 0 : i32
        %dma_wait3A_382 = arith.constant 0 : i32
        %dma_wait3A_383 = tpu.memref_slice %arg8[%dma_wait3A_381, %dma_wait3A_382] : memref<320000x128xf32, #tpu.memory_space<hbm>> -> memref<128x128xf32, #tpu.memory_space<hbm>>
        tpu.wait_dma2 semaphore(%arg30 : memref<!tpu.dma_semaphore, #tpu.memory_space<semaphore_mem>>) src(%arg21 : memref<128x128xf32, #tpu.memory_space<vmem>>) dst(%dma_wait3A_383 : memref<128x128xf32, #tpu.memory_space<hbm>>)
        %dma_wait3A_384 = arith.constant 0 : i32
        %dma_wait3A_385 = arith.constant 0 : i32
        %dma_wait3A_386 = tpu.memref_slice %arg9[%dma_wait3A_384, %dma_wait3A_385] : memref<320000x16xf32, #tpu.memory_space<hbm>> -> memref<128x16xf32, #tpu.memory_space<hbm>>
        %dma_wait3A_387 = arith.constant 0 : i32
        %dma_wait3A_388 = arith.constant 0 : i32
        %dma_wait3A_389 = tpu.memref_slice %arg9[%dma_wait3A_387, %dma_wait3A_388] : memref<320000x16xf32, #tpu.memory_space<hbm>> -> memref<128x16xf32, #tpu.memory_space<hbm>>
        tpu.wait_dma2 semaphore(%arg30 : memref<!tpu.dma_semaphore, #tpu.memory_space<semaphore_mem>>) src(%arg23 : memref<128x16xf32, #tpu.memory_space<vmem>>) dst(%dma_wait3A_389 : memref<128x16xf32, #tpu.memory_space<hbm>>)
      } else {
      }
      %mul3A_254 = arith.constant 3 : i32
      %mul3A_255 = arith.muli %mul3A_254, %scan3A_207 : i32
      %add3A_256 = arith.constant 2 : i32
      %add3A_257 = arith.addi %mul3A_255, %add3A_256 : i32
      %mul3A_258 = arith.constant 128 : i32
      %mul3A_259 = arith.muli %add3A_257, %mul3A_258 : i32
      %multiple_of3A_260 = tpu.assume_multiple %mul3A_259, 8 : i32
      %dma_start3A_261 = tpu.memref_slice %arg10[%multiple_of3A_260] : memref<10000xi32, #tpu.memory_space<vmem>> -> memref<128xi32, #tpu.memory_space<vmem>>
      %dma_start3A_262 = arith.constant 0 : i32
      %dma_start3A_263 = arith.constant 0 : i32
      %dma_start3A_264 = tpu.memref_slice %arg2[%dma_start3A_262, %dma_start3A_263] : memref<10000x128xf32, #tpu.memory_space<hbm>> -> memref<10000x128xf32, #tpu.memory_space<hbm>>
      tpu.enqueue_indirect_dma source(%dma_start3A_264 : memref<10000x128xf32, #tpu.memory_space<hbm>>) target(%arg21 : memref<128x128xf32, #tpu.memory_space<vmem>>) offsets(%dma_start3A_261 : memref<128xi32, #tpu.memory_space<vmem>>) semaphore(%arg27 : memref<!tpu.dma_semaphore, #tpu.memory_space<semaphore_mem>>)
      %dma_start3A_265 = tpu.memref_slice %arg11[%multiple_of3A_260] : memref<10000xi32, #tpu.memory_space<vmem>> -> memref<128xi32, #tpu.memory_space<vmem>>
      %dma_start3A_266 = arith.constant 0 : i32
      %dma_start3A_267 = arith.constant 0 : i32
      %dma_start3A_268 = tpu.memref_slice %arg3[%dma_start3A_266, %dma_start3A_267] : memref<10000x128xf32, #tpu.memory_space<hbm>> -> memref<10000x128xf32, #tpu.memory_space<hbm>>
      tpu.enqueue_indirect_dma source(%dma_start3A_268 : memref<10000x128xf32, #tpu.memory_space<hbm>>) target(%arg22 : memref<128x128xf32, #tpu.memory_space<vmem>>) offsets(%dma_start3A_265 : memref<128xi32, #tpu.memory_space<vmem>>) semaphore(%arg27 : memref<!tpu.dma_semaphore, #tpu.memory_space<semaphore_mem>>)
      %dma_start3A_269 = tpu.memref_slice %arg10[%multiple_of3A_260] : memref<10000xi32, #tpu.memory_space<vmem>> -> memref<128xi32, #tpu.memory_space<vmem>>
      %dma_start3A_270 = arith.constant 0 : i32
      %dma_start3A_271 = arith.constant 0 : i32
      %dma_start3A_272 = tpu.memref_slice %arg4[%dma_start3A_270, %dma_start3A_271] : memref<10000x16xf32, #tpu.memory_space<hbm>> -> memref<10000x16xf32, #tpu.memory_space<hbm>>
      tpu.enqueue_indirect_dma source(%dma_start3A_272 : memref<10000x16xf32, #tpu.memory_space<hbm>>) target(%arg23 : memref<128x16xf32, #tpu.memory_space<vmem>>) offsets(%dma_start3A_269 : memref<128xi32, #tpu.memory_space<vmem>>) semaphore(%arg27 : memref<!tpu.dma_semaphore, #tpu.memory_space<semaphore_mem>>)
      %dma_start3A_273 = tpu.memref_slice %arg11[%multiple_of3A_260] : memref<10000xi32, #tpu.memory_space<vmem>> -> memref<128xi32, #tpu.memory_space<vmem>>
      %dma_start3A_274 = arith.constant 0 : i32
      %dma_start3A_275 = arith.constant 0 : i32
      %dma_start3A_276 = tpu.memref_slice %arg4[%dma_start3A_274, %dma_start3A_275] : memref<10000x16xf32, #tpu.memory_space<hbm>> -> memref<10000x16xf32, #tpu.memory_space<hbm>>
      tpu.enqueue_indirect_dma source(%dma_start3A_276 : memref<10000x16xf32, #tpu.memory_space<hbm>>) target(%arg24 : memref<128x16xf32, #tpu.memory_space<vmem>>) offsets(%dma_start3A_273 : memref<128xi32, #tpu.memory_space<vmem>>) semaphore(%arg27 : memref<!tpu.dma_semaphore, #tpu.memory_space<semaphore_mem>>)
      %dma_wait3A_277 = arith.constant 0 : i32
      %dma_wait3A_278 = arith.constant 0 : i32
      %dma_wait3A_279 = tpu.memref_slice %arg2[%dma_wait3A_277, %dma_wait3A_278] : memref<10000x128xf32, #tpu.memory_space<hbm>> -> memref<128x128xf32, #tpu.memory_space<hbm>>
      %dma_wait3A_280 = arith.constant 0 : i32
      %dma_wait3A_281 = arith.constant 0 : i32
      %dma_wait3A_282 = tpu.memref_slice %arg2[%dma_wait3A_280, %dma_wait3A_281] : memref<10000x128xf32, #tpu.memory_space<hbm>> -> memref<128x128xf32, #tpu.memory_space<hbm>>
      tpu.wait_dma2 semaphore(%arg26 : memref<!tpu.dma_semaphore, #tpu.memory_space<semaphore_mem>>) src(%dma_wait3A_282 : memref<128x128xf32, #tpu.memory_space<hbm>>) dst(%arg17 : memref<128x128xf32, #tpu.memory_space<vmem>>)
      %dma_wait3A_283 = arith.constant 0 : i32
      %dma_wait3A_284 = arith.constant 0 : i32
      %dma_wait3A_285 = tpu.memref_slice %arg3[%dma_wait3A_283, %dma_wait3A_284] : memref<10000x128xf32, #tpu.memory_space<hbm>> -> memref<128x128xf32, #tpu.memory_space<hbm>>
      %dma_wait3A_286 = arith.constant 0 : i32
      %dma_wait3A_287 = arith.constant 0 : i32
      %dma_wait3A_288 = tpu.memref_slice %arg3[%dma_wait3A_286, %dma_wait3A_287] : memref<10000x128xf32, #tpu.memory_space<hbm>> -> memref<128x128xf32, #tpu.memory_space<hbm>>
      tpu.wait_dma2 semaphore(%arg26 : memref<!tpu.dma_semaphore, #tpu.memory_space<semaphore_mem>>) src(%dma_wait3A_288 : memref<128x128xf32, #tpu.memory_space<hbm>>) dst(%arg18 : memref<128x128xf32, #tpu.memory_space<vmem>>)
      %dma_wait3A_289 = arith.constant 0 : i32
      %dma_wait3A_290 = arith.constant 0 : i32
      %dma_wait3A_291 = tpu.memref_slice %arg4[%dma_wait3A_289, %dma_wait3A_290] : memref<10000x16xf32, #tpu.memory_space<hbm>> -> memref<128x16xf32, #tpu.memory_space<hbm>>
      %dma_wait3A_292 = arith.constant 0 : i32
      %dma_wait3A_293 = arith.constant 0 : i32
      %dma_wait3A_294 = tpu.memref_slice %arg4[%dma_wait3A_292, %dma_wait3A_293] : memref<10000x16xf32, #tpu.memory_space<hbm>> -> memref<128x16xf32, #tpu.memory_space<hbm>>
      tpu.wait_dma2 semaphore(%arg26 : memref<!tpu.dma_semaphore, #tpu.memory_space<semaphore_mem>>) src(%dma_wait3A_294 : memref<128x16xf32, #tpu.memory_space<hbm>>) dst(%arg19 : memref<128x16xf32, #tpu.memory_space<vmem>>)
      %dma_wait3A_295 = arith.constant 0 : i32
      %dma_wait3A_296 = arith.constant 0 : i32
      %dma_wait3A_297 = tpu.memref_slice %arg4[%dma_wait3A_295, %dma_wait3A_296] : memref<10000x16xf32, #tpu.memory_space<hbm>> -> memref<128x16xf32, #tpu.memory_space<hbm>>
      %dma_wait3A_298 = arith.constant 0 : i32
      %dma_wait3A_299 = arith.constant 0 : i32
      %dma_wait3A_300 = tpu.memref_slice %arg4[%dma_wait3A_298, %dma_wait3A_299] : memref<10000x16xf32, #tpu.memory_space<hbm>> -> memref<128x16xf32, #tpu.memory_space<hbm>>
      tpu.wait_dma2 semaphore(%arg26 : memref<!tpu.dma_semaphore, #tpu.memory_space<semaphore_mem>>) src(%dma_wait3A_300 : memref<128x16xf32, #tpu.memory_space<hbm>>) dst(%arg20 : memref<128x16xf32, #tpu.memory_space<vmem>>)
      %scan3A_301 = arith.constant 0 : i32
      %scan3A_302 = arith.constant 0 : i32
      %scan3A_303 = arith.constant 128 : i32
      %scan3A_304 = arith.addi %scan3A_302, %scan3A_303 : i32
      %scan3A_305 = arith.constant 1 : i32
      scf.for %scan3A_378 = %scan3A_302 to %scan3A_304 step %scan3A_305  : i32 {
        %get3A_379 = arith.index_cast %scan3A_378 : i32 to index
        %get3A_380 = arith.constant 0 : index
        %get3A_381 = tpu.vector_load %arg19[%get3A_379, %get3A_380] {strides = array<i32>} : memref<128x16xf32, #tpu.memory_space<vmem>>, vector<1x16xf32>,
        %get3A_382 = vector.shape_cast %get3A_381 : vector<1x16xf32> to vector<16xf32>
        %get3A_383 = arith.index_cast %scan3A_378 : i32 to index
        %get3A_384 = arith.constant 0 : index
        %get3A_385 = tpu.vector_load %arg20[%get3A_383, %get3A_384] {strides = array<i32>} : memref<128x16xf32, #tpu.memory_space<vmem>>, vector<1x16xf32>,
        %get3A_386 = vector.shape_cast %get3A_385 : vector<1x16xf32> to vector<16xf32>
        %sub3A = arith.subf %get3A_382, %get3A_386 : vector<16xf32>
        %swap3A = arith.index_cast %scan3A_378 : i32 to index
        %swap3A_387 = arith.constant 0 : index
        %swap3A_388 = tpu.vector_load %arg19[%swap3A, %swap3A_387] {strides = array<i32>} : memref<128x16xf32, #tpu.memory_space<vmem>>, vector<1x16xf32>,
        %swap3A_389 = vector.shape_cast %swap3A_388 : vector<1x16xf32> to vector<16xf32>
        %swap3A_390 = vector.shape_cast %sub3A : vector<16xf32> to vector<1x16xf32>
        tpu.vector_store %arg19[%swap3A, %swap3A_387], %swap3A_390 {strides = array<i32>} : memref<128x16xf32, #tpu.memory_space<vmem>>, vector<1x16xf32>,
        %mul3A_391 = arith.mulf %sub3A, %sub3A : vector<16xf32>
        %slice3A = vector.extract_strided_slice %mul3A_391 {offsets = [0], sizes = [1], strides = [1]} : vector<16xf32> to vector<1xf32>
        %squeeze3A = vector.extract %slice3A[0] : f32 from vector<1xf32>
        %slice3A_392 = vector.extract_strided_slice %mul3A_391 {offsets = [1], sizes = [1], strides = [1]} : vector<16xf32> to vector<1xf32>
        %squeeze3A_393 = vector.extract %slice3A_392[0] : f32 from vector<1xf32>
        %add3A_394 = arith.addf %squeeze3A, %squeeze3A_393 : f32
        %slice3A_395 = vector.extract_strided_slice %mul3A_391 {offsets = [2], sizes = [1], strides = [1]} : vector<16xf32> to vector<1xf32>
        %squeeze3A_396 = vector.extract %slice3A_395[0] : f32 from vector<1xf32>
        %add3A_397 = arith.addf %add3A_394, %squeeze3A_396 : f32
        %get3A_398 = arith.index_cast %scan3A_378 : i32 to index
        %get3A_399 = arith.constant 0 : index
        %get3A_400 = tpu.vector_load %arg17[%get3A_398, %get3A_399] {strides = array<i32>} : memref<128x128xf32, #tpu.memory_space<vmem>>, vector<1x16xf32>,
        %get3A_401 = vector.shape_cast %get3A_400 : vector<1x16xf32> to vector<16xf32>
        %get3A_402 = arith.index_cast %scan3A_378 : i32 to index
        %get3A_403 = arith.constant 0 : index
        %get3A_404 = tpu.vector_load %arg18[%get3A_402, %get3A_403] {strides = array<i32>} : memref<128x128xf32, #tpu.memory_space<vmem>>, vector<1x16xf32>,
        %get3A_405 = vector.shape_cast %get3A_404 : vector<1x16xf32> to vector<16xf32>
        %add3A_406 = arith.addf %get3A_401, %get3A_405 : vector<16xf32>
        %get3A_407 = arith.constant 0 : index
        %get3A_408 = tpu.vector_load %arg12[%get3A_407] {strides = array<i32>} : memref<128xf32, #tpu.memory_space<vmem>>, vector<16xf32>,
        %get3A_409 = vector.shape_cast %get3A_408 : vector<16xf32> to vector<16xf32>
        %mul3A_410 = vector.broadcast %add3A_397 : f32 to vector<16xf32>
        %mul3A_411 = arith.mulf %mul3A_410, %get3A_409 : vector<16xf32>
        %add3A_412 = arith.addf %add3A_406, %mul3A_411 : vector<16xf32>
        %swap3A_413 = arith.index_cast %scan3A_378 : i32 to index
        %swap3A_414 = arith.constant 0 : index
        %swap3A_415 = tpu.vector_load %arg17[%swap3A_413, %swap3A_414] {strides = array<i32>} : memref<128x128xf32, #tpu.memory_space<vmem>>, vector<1x16xf32>,
        %swap3A_416 = vector.shape_cast %swap3A_415 : vector<1x16xf32> to vector<16xf32>
        %swap3A_417 = vector.shape_cast %add3A_412 : vector<16xf32> to vector<1x16xf32>
        tpu.vector_store %arg17[%swap3A_413, %swap3A_414], %swap3A_417 {strides = array<i32>} : memref<128x128xf32, #tpu.memory_space<vmem>>, vector<1x16xf32>,
        %get3A_418 = arith.index_cast %scan3A_378 : i32 to index
        %get3A_419 = arith.constant 16 : index
        %get3A_420 = tpu.vector_load %arg17[%get3A_418, %get3A_419] {strides = array<i32>} : memref<128x128xf32, #tpu.memory_space<vmem>>, vector<1x16xf32>,
        %get3A_421 = vector.shape_cast %get3A_420 : vector<1x16xf32> to vector<16xf32>
        %get3A_422 = arith.index_cast %scan3A_378 : i32 to index
        %get3A_423 = arith.constant 16 : index
        %get3A_424 = tpu.vector_load %arg18[%get3A_422, %get3A_423] {strides = array<i32>} : memref<128x128xf32, #tpu.memory_space<vmem>>, vector<1x16xf32>,
        %get3A_425 = vector.shape_cast %get3A_424 : vector<1x16xf32> to vector<16xf32>
        %add3A_426 = arith.addf %get3A_421, %get3A_425 : vector<16xf32>
        %get3A_427 = arith.constant 16 : index
        %get3A_428 = tpu.vector_load %arg12[%get3A_427] {strides = array<i32>} : memref<128xf32, #tpu.memory_space<vmem>>, vector<16xf32>,
        %get3A_429 = vector.shape_cast %get3A_428 : vector<16xf32> to vector<16xf32>
        %mul3A_430 = vector.broadcast %add3A_397 : f32 to vector<16xf32>
        %mul3A_431 = arith.mulf %mul3A_430, %get3A_429 : vector<16xf32>
        %add3A_432 = arith.addf %add3A_426, %mul3A_431 : vector<16xf32>
        %swap3A_433 = arith.index_cast %scan3A_378 : i32 to index
        %swap3A_434 = arith.constant 16 : index
        %swap3A_435 = tpu.vector_load %arg17[%swap3A_433, %swap3A_434] {strides = array<i32>} : memref<128x128xf32, #tpu.memory_space<vmem>>, vector<1x16xf32>,
        %swap3A_436 = vector.shape_cast %swap3A_435 : vector<1x16xf32> to vector<16xf32>
        %swap3A_437 = vector.shape_cast %add3A_432 : vector<16xf32> to vector<1x16xf32>
        tpu.vector_store %arg17[%swap3A_433, %swap3A_434], %swap3A_437 {strides = array<i32>} : memref<128x128xf32, #tpu.memory_space<vmem>>, vector<1x16xf32>,
        %get3A_438 = arith.index_cast %scan3A_378 : i32 to index
        %get3A_439 = arith.constant 32 : index
        %get3A_440 = tpu.vector_load %arg17[%get3A_438, %get3A_439] {strides = array<i32>} : memref<128x128xf32, #tpu.memory_space<vmem>>, vector<1x16xf32>,
        %get3A_441 = vector.shape_cast %get3A_440 : vector<1x16xf32> to vector<16xf32>
        %get3A_442 = arith.index_cast %scan3A_378 : i32 to index
        %get3A_443 = arith.constant 32 : index
        %get3A_444 = tpu.vector_load %arg18[%get3A_442, %get3A_443] {strides = array<i32>} : memref<128x128xf32, #tpu.memory_space<vmem>>, vector<1x16xf32>,
        %get3A_445 = vector.shape_cast %get3A_444 : vector<1x16xf32> to vector<16xf32>
        %add3A_446 = arith.addf %get3A_441, %get3A_445 : vector<16xf32>
        %get3A_447 = arith.constant 32 : index
        %get3A_448 = tpu.vector_load %arg12[%get3A_447] {strides = array<i32>} : memref<128xf32, #tpu.memory_space<vmem>>, vector<16xf32>,
        %get3A_449 = vector.shape_cast %get3A_448 : vector<16xf32> to vector<16xf32>
        %mul3A_450 = vector.broadcast %add3A_397 : f32 to vector<16xf32>
        %mul3A_451 = arith.mulf %mul3A_450, %get3A_449 : vector<16xf32>
        %add3A_452 = arith.addf %add3A_446, %mul3A_451 : vector<16xf32>
        %swap3A_453 = arith.index_cast %scan3A_378 : i32 to index
        %swap3A_454 = arith.constant 32 : index
        %swap3A_455 = tpu.vector_load %arg17[%swap3A_453, %swap3A_454] {strides = array<i32>} : memref<128x128xf32, #tpu.memory_space<vmem>>, vector<1x16xf32>,
        %swap3A_456 = vector.shape_cast %swap3A_455 : vector<1x16xf32> to vector<16xf32>
        %swap3A_457 = vector.shape_cast %add3A_452 : vector<16xf32> to vector<1x16xf32>
        tpu.vector_store %arg17[%swap3A_453, %swap3A_454], %swap3A_457 {strides = array<i32>} : memref<128x128xf32, #tpu.memory_space<vmem>>, vector<1x16xf32>,
        %get3A_458 = arith.index_cast %scan3A_378 : i32 to index
        %get3A_459 = arith.constant 48 : index
        %get3A_460 = tpu.vector_load %arg17[%get3A_458, %get3A_459] {strides = array<i32>} : memref<128x128xf32, #tpu.memory_space<vmem>>, vector<1x16xf32>,
        %get3A_461 = vector.shape_cast %get3A_460 : vector<1x16xf32> to vector<16xf32>
        %get3A_462 = arith.index_cast %scan3A_378 : i32 to index
        %get3A_463 = arith.constant 48 : index
        %get3A_464 = tpu.vector_load %arg18[%get3A_462, %get3A_463] {strides = array<i32>} : memref<128x128xf32, #tpu.memory_space<vmem>>, vector<1x16xf32>,
        %get3A_465 = vector.shape_cast %get3A_464 : vector<1x16xf32> to vector<16xf32>
        %add3A_466 = arith.addf %get3A_461, %get3A_465 : vector<16xf32>
        %get3A_467 = arith.constant 48 : index
        %get3A_468 = tpu.vector_load %arg12[%get3A_467] {strides = array<i32>} : memref<128xf32, #tpu.memory_space<vmem>>, vector<16xf32>,
        %get3A_469 = vector.shape_cast %get3A_468 : vector<16xf32> to vector<16xf32>
        %mul3A_470 = vector.broadcast %add3A_397 : f32 to vector<16xf32>
        %mul3A_471 = arith.mulf %mul3A_470, %get3A_469 : vector<16xf32>
        %add3A_472 = arith.addf %add3A_466, %mul3A_471 : vector<16xf32>
        %swap3A_473 = arith.index_cast %scan3A_378 : i32 to index
        %swap3A_474 = arith.constant 48 : index
        %swap3A_475 = tpu.vector_load %arg17[%swap3A_473, %swap3A_474] {strides = array<i32>} : memref<128x128xf32, #tpu.memory_space<vmem>>, vector<1x16xf32>,
        %swap3A_476 = vector.shape_cast %swap3A_475 : vector<1x16xf32> to vector<16xf32>
        %swap3A_477 = vector.shape_cast %add3A_472 : vector<16xf32> to vector<1x16xf32>
        tpu.vector_store %arg17[%swap3A_473, %swap3A_474], %swap3A_477 {strides = array<i32>} : memref<128x128xf32, #tpu.memory_space<vmem>>, vector<1x16xf32>,
        %get3A_478 = arith.index_cast %scan3A_378 : i32 to index
        %get3A_479 = arith.constant 64 : index
        %get3A_480 = tpu.vector_load %arg17[%get3A_478, %get3A_479] {strides = array<i32>} : memref<128x128xf32, #tpu.memory_space<vmem>>, vector<1x16xf32>,
        %get3A_481 = vector.shape_cast %get3A_480 : vector<1x16xf32> to vector<16xf32>
        %get3A_482 = arith.index_cast %scan3A_378 : i32 to index
        %get3A_483 = arith.constant 64 : index
        %get3A_484 = tpu.vector_load %arg18[%get3A_482, %get3A_483] {strides = array<i32>} : memref<128x128xf32, #tpu.memory_space<vmem>>, vector<1x16xf32>,
        %get3A_485 = vector.shape_cast %get3A_484 : vector<1x16xf32> to vector<16xf32>
        %add3A_486 = arith.addf %get3A_481, %get3A_485 : vector<16xf32>
        %get3A_487 = arith.constant 64 : index
        %get3A_488 = tpu.vector_load %arg12[%get3A_487] {strides = array<i32>} : memref<128xf32, #tpu.memory_space<vmem>>, vector<16xf32>,
        %get3A_489 = vector.shape_cast %get3A_488 : vector<16xf32> to vector<16xf32>
        %mul3A_490 = vector.broadcast %add3A_397 : f32 to vector<16xf32>
        %mul3A_491 = arith.mulf %mul3A_490, %get3A_489 : vector<16xf32>
        %add3A_492 = arith.addf %add3A_486, %mul3A_491 : vector<16xf32>
        %swap3A_493 = arith.index_cast %scan3A_378 : i32 to index
        %swap3A_494 = arith.constant 64 : index
        %swap3A_495 = tpu.vector_load %arg17[%swap3A_493, %swap3A_494] {strides = array<i32>} : memref<128x128xf32, #tpu.memory_space<vmem>>, vector<1x16xf32>,
        %swap3A_496 = vector.shape_cast %swap3A_495 : vector<1x16xf32> to vector<16xf32>
        %swap3A_497 = vector.shape_cast %add3A_492 : vector<16xf32> to vector<1x16xf32>
        tpu.vector_store %arg17[%swap3A_493, %swap3A_494], %swap3A_497 {strides = array<i32>} : memref<128x128xf32, #tpu.memory_space<vmem>>, vector<1x16xf32>,
        %get3A_498 = arith.index_cast %scan3A_378 : i32 to index
        %get3A_499 = arith.constant 80 : index
        %get3A_500 = tpu.vector_load %arg17[%get3A_498, %get3A_499] {strides = array<i32>} : memref<128x128xf32, #tpu.memory_space<vmem>>, vector<1x16xf32>,
        %get3A_501 = vector.shape_cast %get3A_500 : vector<1x16xf32> to vector<16xf32>
        %get3A_502 = arith.index_cast %scan3A_378 : i32 to index
        %get3A_503 = arith.constant 80 : index
        %get3A_504 = tpu.vector_load %arg18[%get3A_502, %get3A_503] {strides = array<i32>} : memref<128x128xf32, #tpu.memory_space<vmem>>, vector<1x16xf32>,
        %get3A_505 = vector.shape_cast %get3A_504 : vector<1x16xf32> to vector<16xf32>
        %add3A_506 = arith.addf %get3A_501, %get3A_505 : vector<16xf32>
        %get3A_507 = arith.constant 80 : index
        %get3A_508 = tpu.vector_load %arg12[%get3A_507] {strides = array<i32>} : memref<128xf32, #tpu.memory_space<vmem>>, vector<16xf32>,
        %get3A_509 = vector.shape_cast %get3A_508 : vector<16xf32> to vector<16xf32>
        %mul3A_510 = vector.broadcast %add3A_397 : f32 to vector<16xf32>
        %mul3A_511 = arith.mulf %mul3A_510, %get3A_509 : vector<16xf32>
        %add3A_512 = arith.addf %add3A_506, %mul3A_511 : vector<16xf32>
        %swap3A_513 = arith.index_cast %scan3A_378 : i32 to index
        %swap3A_514 = arith.constant 80 : index
        %swap3A_515 = tpu.vector_load %arg17[%swap3A_513, %swap3A_514] {strides = array<i32>} : memref<128x128xf32, #tpu.memory_space<vmem>>, vector<1x16xf32>,
        %swap3A_516 = vector.shape_cast %swap3A_515 : vector<1x16xf32> to vector<16xf32>
        %swap3A_517 = vector.shape_cast %add3A_512 : vector<16xf32> to vector<1x16xf32>
        tpu.vector_store %arg17[%swap3A_513, %swap3A_514], %swap3A_517 {strides = array<i32>} : memref<128x128xf32, #tpu.memory_space<vmem>>, vector<1x16xf32>,
        %get3A_518 = arith.index_cast %scan3A_378 : i32 to index
        %get3A_519 = arith.constant 96 : index
        %get3A_520 = tpu.vector_load %arg17[%get3A_518, %get3A_519] {strides = array<i32>} : memref<128x128xf32, #tpu.memory_space<vmem>>, vector<1x16xf32>,
        %get3A_521 = vector.shape_cast %get3A_520 : vector<1x16xf32> to vector<16xf32>
        %get3A_522 = arith.index_cast %scan3A_378 : i32 to index
        %get3A_523 = arith.constant 96 : index
        %get3A_524 = tpu.vector_load %arg18[%get3A_522, %get3A_523] {strides = array<i32>} : memref<128x128xf32, #tpu.memory_space<vmem>>, vector<1x16xf32>,
        %get3A_525 = vector.shape_cast %get3A_524 : vector<1x16xf32> to vector<16xf32>
        %add3A_526 = arith.addf %get3A_521, %get3A_525 : vector<16xf32>
        %get3A_527 = arith.constant 96 : index
        %get3A_528 = tpu.vector_load %arg12[%get3A_527] {strides = array<i32>} : memref<128xf32, #tpu.memory_space<vmem>>, vector<16xf32>,
        %get3A_529 = vector.shape_cast %get3A_528 : vector<16xf32> to vector<16xf32>
        %mul3A_530 = vector.broadcast %add3A_397 : f32 to vector<16xf32>
        %mul3A_531 = arith.mulf %mul3A_530, %get3A_529 : vector<16xf32>
        %add3A_532 = arith.addf %add3A_526, %mul3A_531 : vector<16xf32>
        %swap3A_533 = arith.index_cast %scan3A_378 : i32 to index
        %swap3A_534 = arith.constant 96 : index
        %swap3A_535 = tpu.vector_load %arg17[%swap3A_533, %swap3A_534] {strides = array<i32>} : memref<128x128xf32, #tpu.memory_space<vmem>>, vector<1x16xf32>,
        %swap3A_536 = vector.shape_cast %swap3A_535 : vector<1x16xf32> to vector<16xf32>
        %swap3A_537 = vector.shape_cast %add3A_532 : vector<16xf32> to vector<1x16xf32>
        tpu.vector_store %arg17[%swap3A_533, %swap3A_534], %swap3A_537 {strides = array<i32>} : memref<128x128xf32, #tpu.memory_space<vmem>>, vector<1x16xf32>,
        %get3A_538 = arith.index_cast %scan3A_378 : i32 to index
        %get3A_539 = arith.constant 112 : index
        %get3A_540 = tpu.vector_load %arg17[%get3A_538, %get3A_539] {strides = array<i32>} : memref<128x128xf32, #tpu.memory_space<vmem>>, vector<1x16xf32>,
        %get3A_541 = vector.shape_cast %get3A_540 : vector<1x16xf32> to vector<16xf32>
        %get3A_542 = arith.index_cast %scan3A_378 : i32 to index
        %get3A_543 = arith.constant 112 : index
        %get3A_544 = tpu.vector_load %arg18[%get3A_542, %get3A_543] {strides = array<i32>} : memref<128x128xf32, #tpu.memory_space<vmem>>, vector<1x16xf32>,
        %get3A_545 = vector.shape_cast %get3A_544 : vector<1x16xf32> to vector<16xf32>
        %add3A_546 = arith.addf %get3A_541, %get3A_545 : vector<16xf32>
        %get3A_547 = arith.constant 112 : index
        %get3A_548 = tpu.vector_load %arg12[%get3A_547] {strides = array<i32>} : memref<128xf32, #tpu.memory_space<vmem>>, vector<16xf32>,
        %get3A_549 = vector.shape_cast %get3A_548 : vector<16xf32> to vector<16xf32>
        %mul3A_550 = vector.broadcast %add3A_397 : f32 to vector<16xf32>
        %mul3A_551 = arith.mulf %mul3A_550, %get3A_549 : vector<16xf32>
        %add3A_552 = arith.addf %add3A_546, %mul3A_551 : vector<16xf32>
        %swap3A_553 = arith.index_cast %scan3A_378 : i32 to index
        %swap3A_554 = arith.constant 112 : index
        %swap3A_555 = tpu.vector_load %arg17[%swap3A_553, %swap3A_554] {strides = array<i32>} : memref<128x128xf32, #tpu.memory_space<vmem>>, vector<1x16xf32>,
        %swap3A_556 = vector.shape_cast %swap3A_555 : vector<1x16xf32> to vector<16xf32>
        %swap3A_557 = vector.shape_cast %add3A_552 : vector<16xf32> to vector<1x16xf32>
        tpu.vector_store %arg17[%swap3A_553, %swap3A_554], %swap3A_557 {strides = array<i32>} : memref<128x128xf32, #tpu.memory_space<vmem>>, vector<1x16xf32>,
      }
      %scan3A_306 = arith.constant 128 : i32
      %mul3A_307 = arith.constant 3 : i32
      %mul3A_308 = arith.muli %mul3A_307, %scan3A_207 : i32
      %add3A_309 = arith.constant 1 : i32
      %add3A_310 = arith.addi %mul3A_308, %add3A_309 : i32
      %mul3A_311 = arith.constant 128 : i32
      %mul3A_312 = arith.muli %add3A_310, %mul3A_311 : i32
      %add3A_313 = arith.addi %mul3A_2, %mul3A_312 : i32
      %multiple_of3A_314 = tpu.assume_multiple %add3A_313, 8 : i32
      %dma_start3A_315 = arith.constant 0 : i32
      %dma_start3A_316 = tpu.memref_slice %arg8[%multiple_of3A_314, %dma_start3A_315] : memref<320000x128xf32, #tpu.memory_space<hbm>> -> memref<128x128xf32, #tpu.memory_space<hbm>>
      %dma_start3A_317 = arith.constant 0 : i32
      %dma_start3A_318 = tpu.memref_slice %arg8[%multiple_of3A_314, %dma_start3A_317] : memref<320000x128xf32, #tpu.memory_space<hbm>> -> memref<128x128xf32, #tpu.memory_space<hbm>>
      tpu.enqueue_dma source(%arg17 : memref<128x128xf32, #tpu.memory_space<vmem>>) target(%dma_start3A_318 : memref<128x128xf32, #tpu.memory_space<hbm>>) target_semaphore(%arg29 : memref<!tpu.dma_semaphore, #tpu.memory_space<semaphore_mem>>)
      %dma_start3A_319 = arith.constant 0 : i32
      %dma_start3A_320 = tpu.memref_slice %arg9[%multiple_of3A_314, %dma_start3A_319] : memref<320000x16xf32, #tpu.memory_space<hbm>> -> memref<128x16xf32, #tpu.memory_space<hbm>>
      %dma_start3A_321 = arith.constant 0 : i32
      %dma_start3A_322 = tpu.memref_slice %arg9[%multiple_of3A_314, %dma_start3A_321] : memref<320000x16xf32, #tpu.memory_space<hbm>> -> memref<128x16xf32, #tpu.memory_space<hbm>>
      tpu.enqueue_dma source(%arg19 : memref<128x16xf32, #tpu.memory_space<vmem>>) target(%dma_start3A_322 : memref<128x16xf32, #tpu.memory_space<hbm>>) target_semaphore(%arg29 : memref<!tpu.dma_semaphore, #tpu.memory_space<semaphore_mem>>)
      %lt3A = arith.constant 25 : i32
      %lt3A_323 = arith.cmpi slt, %scan3A_207, %lt3A : i32
      %convert_element_type3A_324 = arith.extui %lt3A_323 : i1 to i32
      %cond3A_325 = arith.constant 0 : i32
      %cond3A_326 = arith.cmpi ne, %convert_element_type3A_324, %cond3A_325 : i32
      scf.if %cond3A_326 {
        %dma_wait3A_378 = arith.constant 0 : i32
        %dma_wait3A_379 = arith.constant 0 : i32
        %dma_wait3A_380 = tpu.memref_slice %arg8[%dma_wait3A_378, %dma_wait3A_379] : memref<320000x128xf32, #tpu.memory_space<hbm>> -> memref<128x128xf32, #tpu.memory_space<hbm>>
        %dma_wait3A_381 = arith.constant 0 : i32
        %dma_wait3A_382 = arith.constant 0 : i32
        %dma_wait3A_383 = tpu.memref_slice %arg8[%dma_wait3A_381, %dma_wait3A_382] : memref<320000x128xf32, #tpu.memory_space<hbm>> -> memref<128x128xf32, #tpu.memory_space<hbm>>
        tpu.wait_dma2 semaphore(%arg28 : memref<!tpu.dma_semaphore, #tpu.memory_space<semaphore_mem>>) src(%arg13 : memref<128x128xf32, #tpu.memory_space<vmem>>) dst(%dma_wait3A_383 : memref<128x128xf32, #tpu.memory_space<hbm>>)
        %dma_wait3A_384 = arith.constant 0 : i32
        %dma_wait3A_385 = arith.constant 0 : i32
        %dma_wait3A_386 = tpu.memref_slice %arg9[%dma_wait3A_384, %dma_wait3A_385] : memref<320000x16xf32, #tpu.memory_space<hbm>> -> memref<128x16xf32, #tpu.memory_space<hbm>>
        %dma_wait3A_387 = arith.constant 0 : i32
        %dma_wait3A_388 = arith.constant 0 : i32
        %dma_wait3A_389 = tpu.memref_slice %arg9[%dma_wait3A_387, %dma_wait3A_388] : memref<320000x16xf32, #tpu.memory_space<hbm>> -> memref<128x16xf32, #tpu.memory_space<hbm>>
        tpu.wait_dma2 semaphore(%arg28 : memref<!tpu.dma_semaphore, #tpu.memory_space<semaphore_mem>>) src(%arg15 : memref<128x16xf32, #tpu.memory_space<vmem>>) dst(%dma_wait3A_389 : memref<128x16xf32, #tpu.memory_space<hbm>>)
        %mul3A_390 = arith.constant 3 : i32
        %mul3A_391 = arith.muli %mul3A_390, %scan3A_207 : i32
        %add3A_392 = arith.constant 3 : i32
        %add3A_393 = arith.addi %mul3A_391, %add3A_392 : i32
        %mul3A_394 = arith.constant 128 : i32
        %mul3A_395 = arith.muli %add3A_393, %mul3A_394 : i32
        %multiple_of3A_396 = tpu.assume_multiple %mul3A_395, 8 : i32
        %dma_start3A_397 = tpu.memref_slice %arg10[%multiple_of3A_396] : memref<10000xi32, #tpu.memory_space<vmem>> -> memref<128xi32, #tpu.memory_space<vmem>>
        %dma_start3A_398 = arith.constant 0 : i32
        %dma_start3A_399 = arith.constant 0 : i32
        %dma_start3A_400 = tpu.memref_slice %arg2[%dma_start3A_398, %dma_start3A_399] : memref<10000x128xf32, #tpu.memory_space<hbm>> -> memref<10000x128xf32, #tpu.memory_space<hbm>>
        tpu.enqueue_indirect_dma source(%dma_start3A_400 : memref<10000x128xf32, #tpu.memory_space<hbm>>) target(%arg13 : memref<128x128xf32, #tpu.memory_space<vmem>>) offsets(%dma_start3A_397 : memref<128xi32, #tpu.memory_space<vmem>>) semaphore(%arg25 : memref<!tpu.dma_semaphore, #tpu.memory_space<semaphore_mem>>)
        %dma_start3A_401 = tpu.memref_slice %arg11[%multiple_of3A_396] : memref<10000xi32, #tpu.memory_space<vmem>> -> memref<128xi32, #tpu.memory_space<vmem>>
        %dma_start3A_402 = arith.constant 0 : i32
        %dma_start3A_403 = arith.constant 0 : i32
        %dma_start3A_404 = tpu.memref_slice %arg3[%dma_start3A_402, %dma_start3A_403] : memref<10000x128xf32, #tpu.memory_space<hbm>> -> memref<10000x128xf32, #tpu.memory_space<hbm>>
        tpu.enqueue_indirect_dma source(%dma_start3A_404 : memref<10000x128xf32, #tpu.memory_space<hbm>>) target(%arg14 : memref<128x128xf32, #tpu.memory_space<vmem>>) offsets(%dma_start3A_401 : memref<128xi32, #tpu.memory_space<vmem>>) semaphore(%arg25 : memref<!tpu.dma_semaphore, #tpu.memory_space<semaphore_mem>>)
        %dma_start3A_405 = tpu.memref_slice %arg10[%multiple_of3A_396] : memref<10000xi32, #tpu.memory_space<vmem>> -> memref<128xi32, #tpu.memory_space<vmem>>
        %dma_start3A_406 = arith.constant 0 : i32
        %dma_start3A_407 = arith.constant 0 : i32
        %dma_start3A_408 = tpu.memref_slice %arg4[%dma_start3A_406, %dma_start3A_407] : memref<10000x16xf32, #tpu.memory_space<hbm>> -> memref<10000x16xf32, #tpu.memory_space<hbm>>
        tpu.enqueue_indirect_dma source(%dma_start3A_408 : memref<10000x16xf32, #tpu.memory_space<hbm>>) target(%arg15 : memref<128x16xf32, #tpu.memory_space<vmem>>) offsets(%dma_start3A_405 : memref<128xi32, #tpu.memory_space<vmem>>) semaphore(%arg25 : memref<!tpu.dma_semaphore, #tpu.memory_space<semaphore_mem>>)
        %dma_start3A_409 = tpu.memref_slice %arg11[%multiple_of3A_396] : memref<10000xi32, #tpu.memory_space<vmem>> -> memref<128xi32, #tpu.memory_space<vmem>>
        %dma_start3A_410 = arith.constant 0 : i32
        %dma_start3A_411 = arith.constant 0 : i32
        %dma_start3A_412 = tpu.memref_slice %arg4[%dma_start3A_410, %dma_start3A_411] : memref<10000x16xf32, #tpu.memory_space<hbm>> -> memref<10000x16xf32, #tpu.memory_space<hbm>>
        tpu.enqueue_indirect_dma source(%dma_start3A_412 : memref<10000x16xf32, #tpu.memory_space<hbm>>) target(%arg16 : memref<128x16xf32, #tpu.memory_space<vmem>>) offsets(%dma_start3A_409 : memref<128xi32, #tpu.memory_space<vmem>>) semaphore(%arg25 : memref<!tpu.dma_semaphore, #tpu.memory_space<semaphore_mem>>)
      } else {
      }
      %dma_wait3A_327 = arith.constant 0 : i32
      %dma_wait3A_328 = arith.constant 0 : i32
      %dma_wait3A_329 = tpu.memref_slice %arg2[%dma_wait3A_327, %dma_wait3A_328] : memref<10000x128xf32, #tpu.memory_space<hbm>> -> memref<128x128xf32, #tpu.memory_space<hbm>>
      %dma_wait3A_330 = arith.constant 0 : i32
      %dma_wait3A_331 = arith.constant 0 : i32
      %dma_wait3A_332 = tpu.memref_slice %arg2[%dma_wait3A_330, %dma_wait3A_331] : memref<10000x128xf32, #tpu.memory_space<hbm>> -> memref<128x128xf32, #tpu.memory_space<hbm>>
      tpu.wait_dma2 semaphore(%arg27 : memref<!tpu.dma_semaphore, #tpu.memory_space<semaphore_mem>>) src(%dma_wait3A_332 : memref<128x128xf32, #tpu.memory_space<hbm>>) dst(%arg21 : memref<128x128xf32, #tpu.memory_space<vmem>>)
      %dma_wait3A_333 = arith.constant 0 : i32
      %dma_wait3A_334 = arith.constant 0 : i32
      %dma_wait3A_335 = tpu.memref_slice %arg3[%dma_wait3A_333, %dma_wait3A_334] : memref<10000x128xf32, #tpu.memory_space<hbm>> -> memref<128x128xf32, #tpu.memory_space<hbm>>
      %dma_wait3A_336 = arith.constant 0 : i32
      %dma_wait3A_337 = arith.constant 0 : i32
      %dma_wait3A_338 = tpu.memref_slice %arg3[%dma_wait3A_336, %dma_wait3A_337] : memref<10000x128xf32, #tpu.memory_space<hbm>> -> memref<128x128xf32, #tpu.memory_space<hbm>>
      tpu.wait_dma2 semaphore(%arg27 : memref<!tpu.dma_semaphore, #tpu.memory_space<semaphore_mem>>) src(%dma_wait3A_338 : memref<128x128xf32, #tpu.memory_space<hbm>>) dst(%arg22 : memref<128x128xf32, #tpu.memory_space<vmem>>)
      %dma_wait3A_339 = arith.constant 0 : i32
      %dma_wait3A_340 = arith.constant 0 : i32
      %dma_wait3A_341 = tpu.memref_slice %arg4[%dma_wait3A_339, %dma_wait3A_340] : memref<10000x16xf32, #tpu.memory_space<hbm>> -> memref<128x16xf32, #tpu.memory_space<hbm>>
      %dma_wait3A_342 = arith.constant 0 : i32
      %dma_wait3A_343 = arith.constant 0 : i32
      %dma_wait3A_344 = tpu.memref_slice %arg4[%dma_wait3A_342, %dma_wait3A_343] : memref<10000x16xf32, #tpu.memory_space<hbm>> -> memref<128x16xf32, #tpu.memory_space<hbm>>
      tpu.wait_dma2 semaphore(%arg27 : memref<!tpu.dma_semaphore, #tpu.memory_space<semaphore_mem>>) src(%dma_wait3A_344 : memref<128x16xf32, #tpu.memory_space<hbm>>) dst(%arg23 : memref<128x16xf32, #tpu.memory_space<vmem>>)
      %dma_wait3A_345 = arith.constant 0 : i32
      %dma_wait3A_346 = arith.constant 0 : i32
      %dma_wait3A_347 = tpu.memref_slice %arg4[%dma_wait3A_345, %dma_wait3A_346] : memref<10000x16xf32, #tpu.memory_space<hbm>> -> memref<128x16xf32, #tpu.memory_space<hbm>>
      %dma_wait3A_348 = arith.constant 0 : i32
      %dma_wait3A_349 = arith.constant 0 : i32
      %dma_wait3A_350 = tpu.memref_slice %arg4[%dma_wait3A_348, %dma_wait3A_349] : memref<10000x16xf32, #tpu.memory_space<hbm>> -> memref<128x16xf32, #tpu.memory_space<hbm>>
      tpu.wait_dma2 semaphore(%arg27 : memref<!tpu.dma_semaphore, #tpu.memory_space<semaphore_mem>>) src(%dma_wait3A_350 : memref<128x16xf32, #tpu.memory_space<hbm>>) dst(%arg24 : memref<128x16xf32, #tpu.memory_space<vmem>>)
      %scan3A_351 = arith.constant 0 : i32
      %scan3A_352 = arith.constant 0 : i32
      %scan3A_353 = arith.constant 128 : i32
      %scan3A_354 = arith.addi %scan3A_352, %scan3A_353 : i32
      %scan3A_355 = arith.constant 1 : i32
      scf.for %scan3A_378 = %scan3A_352 to %scan3A_354 step %scan3A_355  : i32 {
        %get3A_379 = arith.index_cast %scan3A_378 : i32 to index
        %get3A_380 = arith.constant 0 : index
        %get3A_381 = tpu.vector_load %arg23[%get3A_379, %get3A_380] {strides = array<i32>} : memref<128x16xf32, #tpu.memory_space<vmem>>, vector<1x16xf32>,
        %get3A_382 = vector.shape_cast %get3A_381 : vector<1x16xf32> to vector<16xf32>
        %get3A_383 = arith.index_cast %scan3A_378 : i32 to index
        %get3A_384 = arith.constant 0 : index
        %get3A_385 = tpu.vector_load %arg24[%get3A_383, %get3A_384] {strides = array<i32>} : memref<128x16xf32, #tpu.memory_space<vmem>>, vector<1x16xf32>,
        %get3A_386 = vector.shape_cast %get3A_385 : vector<1x16xf32> to vector<16xf32>
        %sub3A = arith.subf %get3A_382, %get3A_386 : vector<16xf32>
        %swap3A = arith.index_cast %scan3A_378 : i32 to index
        %swap3A_387 = arith.constant 0 : index
        %swap3A_388 = tpu.vector_load %arg23[%swap3A, %swap3A_387] {strides = array<i32>} : memref<128x16xf32, #tpu.memory_space<vmem>>, vector<1x16xf32>,
        %swap3A_389 = vector.shape_cast %swap3A_388 : vector<1x16xf32> to vector<16xf32>
        %swap3A_390 = vector.shape_cast %sub3A : vector<16xf32> to vector<1x16xf32>
        tpu.vector_store %arg23[%swap3A, %swap3A_387], %swap3A_390 {strides = array<i32>} : memref<128x16xf32, #tpu.memory_space<vmem>>, vector<1x16xf32>,
        %mul3A_391 = arith.mulf %sub3A, %sub3A : vector<16xf32>
        %slice3A = vector.extract_strided_slice %mul3A_391 {offsets = [0], sizes = [1], strides = [1]} : vector<16xf32> to vector<1xf32>
        %squeeze3A = vector.extract %slice3A[0] : f32 from vector<1xf32>
        %slice3A_392 = vector.extract_strided_slice %mul3A_391 {offsets = [1], sizes = [1], strides = [1]} : vector<16xf32> to vector<1xf32>
        %squeeze3A_393 = vector.extract %slice3A_392[0] : f32 from vector<1xf32>
        %add3A_394 = arith.addf %squeeze3A, %squeeze3A_393 : f32
        %slice3A_395 = vector.extract_strided_slice %mul3A_391 {offsets = [2], sizes = [1], strides = [1]} : vector<16xf32> to vector<1xf32>
        %squeeze3A_396 = vector.extract %slice3A_395[0] : f32 from vector<1xf32>
        %add3A_397 = arith.addf %add3A_394, %squeeze3A_396 : f32
        %get3A_398 = arith.index_cast %scan3A_378 : i32 to index
        %get3A_399 = arith.constant 0 : index
        %get3A_400 = tpu.vector_load %arg21[%get3A_398, %get3A_399] {strides = array<i32>} : memref<128x128xf32, #tpu.memory_space<vmem>>, vector<1x16xf32>,
        %get3A_401 = vector.shape_cast %get3A_400 : vector<1x16xf32> to vector<16xf32>
        %get3A_402 = arith.index_cast %scan3A_378 : i32 to index
        %get3A_403 = arith.constant 0 : index
        %get3A_404 = tpu.vector_load %arg22[%get3A_402, %get3A_403] {strides = array<i32>} : memref<128x128xf32, #tpu.memory_space<vmem>>, vector<1x16xf32>,
        %get3A_405 = vector.shape_cast %get3A_404 : vector<1x16xf32> to vector<16xf32>
        %add3A_406 = arith.addf %get3A_401, %get3A_405 : vector<16xf32>
        %get3A_407 = arith.constant 0 : index
        %get3A_408 = tpu.vector_load %arg12[%get3A_407] {strides = array<i32>} : memref<128xf32, #tpu.memory_space<vmem>>, vector<16xf32>,
        %get3A_409 = vector.shape_cast %get3A_408 : vector<16xf32> to vector<16xf32>
        %mul3A_410 = vector.broadcast %add3A_397 : f32 to vector<16xf32>
        %mul3A_411 = arith.mulf %mul3A_410, %get3A_409 : vector<16xf32>
        %add3A_412 = arith.addf %add3A_406, %mul3A_411 : vector<16xf32>
        %swap3A_413 = arith.index_cast %scan3A_378 : i32 to index
        %swap3A_414 = arith.constant 0 : index
        %swap3A_415 = tpu.vector_load %arg21[%swap3A_413, %swap3A_414] {strides = array<i32>} : memref<128x128xf32, #tpu.memory_space<vmem>>, vector<1x16xf32>,
        %swap3A_416 = vector.shape_cast %swap3A_415 : vector<1x16xf32> to vector<16xf32>
        %swap3A_417 = vector.shape_cast %add3A_412 : vector<16xf32> to vector<1x16xf32>
        tpu.vector_store %arg21[%swap3A_413, %swap3A_414], %swap3A_417 {strides = array<i32>} : memref<128x128xf32, #tpu.memory_space<vmem>>, vector<1x16xf32>,
        %get3A_418 = arith.index_cast %scan3A_378 : i32 to index
        %get3A_419 = arith.constant 16 : index
        %get3A_420 = tpu.vector_load %arg21[%get3A_418, %get3A_419] {strides = array<i32>} : memref<128x128xf32, #tpu.memory_space<vmem>>, vector<1x16xf32>,
        %get3A_421 = vector.shape_cast %get3A_420 : vector<1x16xf32> to vector<16xf32>
        %get3A_422 = arith.index_cast %scan3A_378 : i32 to index
        %get3A_423 = arith.constant 16 : index
        %get3A_424 = tpu.vector_load %arg22[%get3A_422, %get3A_423] {strides = array<i32>} : memref<128x128xf32, #tpu.memory_space<vmem>>, vector<1x16xf32>,
        %get3A_425 = vector.shape_cast %get3A_424 : vector<1x16xf32> to vector<16xf32>
        %add3A_426 = arith.addf %get3A_421, %get3A_425 : vector<16xf32>
        %get3A_427 = arith.constant 16 : index
        %get3A_428 = tpu.vector_load %arg12[%get3A_427] {strides = array<i32>} : memref<128xf32, #tpu.memory_space<vmem>>, vector<16xf32>,
        %get3A_429 = vector.shape_cast %get3A_428 : vector<16xf32> to vector<16xf32>
        %mul3A_430 = vector.broadcast %add3A_397 : f32 to vector<16xf32>
        %mul3A_431 = arith.mulf %mul3A_430, %get3A_429 : vector<16xf32>
        %add3A_432 = arith.addf %add3A_426, %mul3A_431 : vector<16xf32>
        %swap3A_433 = arith.index_cast %scan3A_378 : i32 to index
        %swap3A_434 = arith.constant 16 : index
        %swap3A_435 = tpu.vector_load %arg21[%swap3A_433, %swap3A_434] {strides = array<i32>} : memref<128x128xf32, #tpu.memory_space<vmem>>, vector<1x16xf32>,
        %swap3A_436 = vector.shape_cast %swap3A_435 : vector<1x16xf32> to vector<16xf32>
        %swap3A_437 = vector.shape_cast %add3A_432 : vector<16xf32> to vector<1x16xf32>
        tpu.vector_store %arg21[%swap3A_433, %swap3A_434], %swap3A_437 {strides = array<i32>} : memref<128x128xf32, #tpu.memory_space<vmem>>, vector<1x16xf32>,
        %get3A_438 = arith.index_cast %scan3A_378 : i32 to index
        %get3A_439 = arith.constant 32 : index
        %get3A_440 = tpu.vector_load %arg21[%get3A_438, %get3A_439] {strides = array<i32>} : memref<128x128xf32, #tpu.memory_space<vmem>>, vector<1x16xf32>,
        %get3A_441 = vector.shape_cast %get3A_440 : vector<1x16xf32> to vector<16xf32>
        %get3A_442 = arith.index_cast %scan3A_378 : i32 to index
        %get3A_443 = arith.constant 32 : index
        %get3A_444 = tpu.vector_load %arg22[%get3A_442, %get3A_443] {strides = array<i32>} : memref<128x128xf32, #tpu.memory_space<vmem>>, vector<1x16xf32>,
        %get3A_445 = vector.shape_cast %get3A_444 : vector<1x16xf32> to vector<16xf32>
        %add3A_446 = arith.addf %get3A_441, %get3A_445 : vector<16xf32>
        %get3A_447 = arith.constant 32 : index
        %get3A_448 = tpu.vector_load %arg12[%get3A_447] {strides = array<i32>} : memref<128xf32, #tpu.memory_space<vmem>>, vector<16xf32>,
        %get3A_449 = vector.shape_cast %get3A_448 : vector<16xf32> to vector<16xf32>
        %mul3A_450 = vector.broadcast %add3A_397 : f32 to vector<16xf32>
        %mul3A_451 = arith.mulf %mul3A_450, %get3A_449 : vector<16xf32>
        %add3A_452 = arith.addf %add3A_446, %mul3A_451 : vector<16xf32>
        %swap3A_453 = arith.index_cast %scan3A_378 : i32 to index
        %swap3A_454 = arith.constant 32 : index
        %swap3A_455 = tpu.vector_load %arg21[%swap3A_453, %swap3A_454] {strides = array<i32>} : memref<128x128xf32, #tpu.memory_space<vmem>>, vector<1x16xf32>,
        %swap3A_456 = vector.shape_cast %swap3A_455 : vector<1x16xf32> to vector<16xf32>
        %swap3A_457 = vector.shape_cast %add3A_452 : vector<16xf32> to vector<1x16xf32>
        tpu.vector_store %arg21[%swap3A_453, %swap3A_454], %swap3A_457 {strides = array<i32>} : memref<128x128xf32, #tpu.memory_space<vmem>>, vector<1x16xf32>,
        %get3A_458 = arith.index_cast %scan3A_378 : i32 to index
        %get3A_459 = arith.constant 48 : index
        %get3A_460 = tpu.vector_load %arg21[%get3A_458, %get3A_459] {strides = array<i32>} : memref<128x128xf32, #tpu.memory_space<vmem>>, vector<1x16xf32>,
        %get3A_461 = vector.shape_cast %get3A_460 : vector<1x16xf32> to vector<16xf32>
        %get3A_462 = arith.index_cast %scan3A_378 : i32 to index
        %get3A_463 = arith.constant 48 : index
        %get3A_464 = tpu.vector_load %arg22[%get3A_462, %get3A_463] {strides = array<i32>} : memref<128x128xf32, #tpu.memory_space<vmem>>, vector<1x16xf32>,
        %get3A_465 = vector.shape_cast %get3A_464 : vector<1x16xf32> to vector<16xf32>
        %add3A_466 = arith.addf %get3A_461, %get3A_465 : vector<16xf32>
        %get3A_467 = arith.constant 48 : index
        %get3A_468 = tpu.vector_load %arg12[%get3A_467] {strides = array<i32>} : memref<128xf32, #tpu.memory_space<vmem>>, vector<16xf32>,
        %get3A_469 = vector.shape_cast %get3A_468 : vector<16xf32> to vector<16xf32>
        %mul3A_470 = vector.broadcast %add3A_397 : f32 to vector<16xf32>
        %mul3A_471 = arith.mulf %mul3A_470, %get3A_469 : vector<16xf32>
        %add3A_472 = arith.addf %add3A_466, %mul3A_471 : vector<16xf32>
        %swap3A_473 = arith.index_cast %scan3A_378 : i32 to index
        %swap3A_474 = arith.constant 48 : index
        %swap3A_475 = tpu.vector_load %arg21[%swap3A_473, %swap3A_474] {strides = array<i32>} : memref<128x128xf32, #tpu.memory_space<vmem>>, vector<1x16xf32>,
        %swap3A_476 = vector.shape_cast %swap3A_475 : vector<1x16xf32> to vector<16xf32>
        %swap3A_477 = vector.shape_cast %add3A_472 : vector<16xf32> to vector<1x16xf32>
        tpu.vector_store %arg21[%swap3A_473, %swap3A_474], %swap3A_477 {strides = array<i32>} : memref<128x128xf32, #tpu.memory_space<vmem>>, vector<1x16xf32>,
        %get3A_478 = arith.index_cast %scan3A_378 : i32 to index
        %get3A_479 = arith.constant 64 : index
        %get3A_480 = tpu.vector_load %arg21[%get3A_478, %get3A_479] {strides = array<i32>} : memref<128x128xf32, #tpu.memory_space<vmem>>, vector<1x16xf32>,
        %get3A_481 = vector.shape_cast %get3A_480 : vector<1x16xf32> to vector<16xf32>
        %get3A_482 = arith.index_cast %scan3A_378 : i32 to index
        %get3A_483 = arith.constant 64 : index
        %get3A_484 = tpu.vector_load %arg22[%get3A_482, %get3A_483] {strides = array<i32>} : memref<128x128xf32, #tpu.memory_space<vmem>>, vector<1x16xf32>,
        %get3A_485 = vector.shape_cast %get3A_484 : vector<1x16xf32> to vector<16xf32>
        %add3A_486 = arith.addf %get3A_481, %get3A_485 : vector<16xf32>
        %get3A_487 = arith.constant 64 : index
        %get3A_488 = tpu.vector_load %arg12[%get3A_487] {strides = array<i32>} : memref<128xf32, #tpu.memory_space<vmem>>, vector<16xf32>,
        %get3A_489 = vector.shape_cast %get3A_488 : vector<16xf32> to vector<16xf32>
        %mul3A_490 = vector.broadcast %add3A_397 : f32 to vector<16xf32>
        %mul3A_491 = arith.mulf %mul3A_490, %get3A_489 : vector<16xf32>
        %add3A_492 = arith.addf %add3A_486, %mul3A_491 : vector<16xf32>
        %swap3A_493 = arith.index_cast %scan3A_378 : i32 to index
        %swap3A_494 = arith.constant 64 : index
        %swap3A_495 = tpu.vector_load %arg21[%swap3A_493, %swap3A_494] {strides = array<i32>} : memref<128x128xf32, #tpu.memory_space<vmem>>, vector<1x16xf32>,
        %swap3A_496 = vector.shape_cast %swap3A_495 : vector<1x16xf32> to vector<16xf32>
        %swap3A_497 = vector.shape_cast %add3A_492 : vector<16xf32> to vector<1x16xf32>
        tpu.vector_store %arg21[%swap3A_493, %swap3A_494], %swap3A_497 {strides = array<i32>} : memref<128x128xf32, #tpu.memory_space<vmem>>, vector<1x16xf32>,
        %get3A_498 = arith.index_cast %scan3A_378 : i32 to index
        %get3A_499 = arith.constant 80 : index
        %get3A_500 = tpu.vector_load %arg21[%get3A_498, %get3A_499] {strides = array<i32>} : memref<128x128xf32, #tpu.memory_space<vmem>>, vector<1x16xf32>,
        %get3A_501 = vector.shape_cast %get3A_500 : vector<1x16xf32> to vector<16xf32>
        %get3A_502 = arith.index_cast %scan3A_378 : i32 to index
        %get3A_503 = arith.constant 80 : index
        %get3A_504 = tpu.vector_load %arg22[%get3A_502, %get3A_503] {strides = array<i32>} : memref<128x128xf32, #tpu.memory_space<vmem>>, vector<1x16xf32>,
        %get3A_505 = vector.shape_cast %get3A_504 : vector<1x16xf32> to vector<16xf32>
        %add3A_506 = arith.addf %get3A_501, %get3A_505 : vector<16xf32>
        %get3A_507 = arith.constant 80 : index
        %get3A_508 = tpu.vector_load %arg12[%get3A_507] {strides = array<i32>} : memref<128xf32, #tpu.memory_space<vmem>>, vector<16xf32>,
        %get3A_509 = vector.shape_cast %get3A_508 : vector<16xf32> to vector<16xf32>
        %mul3A_510 = vector.broadcast %add3A_397 : f32 to vector<16xf32>
        %mul3A_511 = arith.mulf %mul3A_510, %get3A_509 : vector<16xf32>
        %add3A_512 = arith.addf %add3A_506, %mul3A_511 : vector<16xf32>
        %swap3A_513 = arith.index_cast %scan3A_378 : i32 to index
        %swap3A_514 = arith.constant 80 : index
        %swap3A_515 = tpu.vector_load %arg21[%swap3A_513, %swap3A_514] {strides = array<i32>} : memref<128x128xf32, #tpu.memory_space<vmem>>, vector<1x16xf32>,
        %swap3A_516 = vector.shape_cast %swap3A_515 : vector<1x16xf32> to vector<16xf32>
        %swap3A_517 = vector.shape_cast %add3A_512 : vector<16xf32> to vector<1x16xf32>
        tpu.vector_store %arg21[%swap3A_513, %swap3A_514], %swap3A_517 {strides = array<i32>} : memref<128x128xf32, #tpu.memory_space<vmem>>, vector<1x16xf32>,
        %get3A_518 = arith.index_cast %scan3A_378 : i32 to index
        %get3A_519 = arith.constant 96 : index
        %get3A_520 = tpu.vector_load %arg21[%get3A_518, %get3A_519] {strides = array<i32>} : memref<128x128xf32, #tpu.memory_space<vmem>>, vector<1x16xf32>,
        %get3A_521 = vector.shape_cast %get3A_520 : vector<1x16xf32> to vector<16xf32>
        %get3A_522 = arith.index_cast %scan3A_378 : i32 to index
        %get3A_523 = arith.constant 96 : index
        %get3A_524 = tpu.vector_load %arg22[%get3A_522, %get3A_523] {strides = array<i32>} : memref<128x128xf32, #tpu.memory_space<vmem>>, vector<1x16xf32>,
        %get3A_525 = vector.shape_cast %get3A_524 : vector<1x16xf32> to vector<16xf32>
        %add3A_526 = arith.addf %get3A_521, %get3A_525 : vector<16xf32>
        %get3A_527 = arith.constant 96 : index
        %get3A_528 = tpu.vector_load %arg12[%get3A_527] {strides = array<i32>} : memref<128xf32, #tpu.memory_space<vmem>>, vector<16xf32>,
        %get3A_529 = vector.shape_cast %get3A_528 : vector<16xf32> to vector<16xf32>
        %mul3A_530 = vector.broadcast %add3A_397 : f32 to vector<16xf32>
        %mul3A_531 = arith.mulf %mul3A_530, %get3A_529 : vector<16xf32>
        %add3A_532 = arith.addf %add3A_526, %mul3A_531 : vector<16xf32>
        %swap3A_533 = arith.index_cast %scan3A_378 : i32 to index
        %swap3A_534 = arith.constant 96 : index
        %swap3A_535 = tpu.vector_load %arg21[%swap3A_533, %swap3A_534] {strides = array<i32>} : memref<128x128xf32, #tpu.memory_space<vmem>>, vector<1x16xf32>,
        %swap3A_536 = vector.shape_cast %swap3A_535 : vector<1x16xf32> to vector<16xf32>
        %swap3A_537 = vector.shape_cast %add3A_532 : vector<16xf32> to vector<1x16xf32>
        tpu.vector_store %arg21[%swap3A_533, %swap3A_534], %swap3A_537 {strides = array<i32>} : memref<128x128xf32, #tpu.memory_space<vmem>>, vector<1x16xf32>,
        %get3A_538 = arith.index_cast %scan3A_378 : i32 to index
        %get3A_539 = arith.constant 112 : index
        %get3A_540 = tpu.vector_load %arg21[%get3A_538, %get3A_539] {strides = array<i32>} : memref<128x128xf32, #tpu.memory_space<vmem>>, vector<1x16xf32>,
        %get3A_541 = vector.shape_cast %get3A_540 : vector<1x16xf32> to vector<16xf32>
        %get3A_542 = arith.index_cast %scan3A_378 : i32 to index
        %get3A_543 = arith.constant 112 : index
        %get3A_544 = tpu.vector_load %arg22[%get3A_542, %get3A_543] {strides = array<i32>} : memref<128x128xf32, #tpu.memory_space<vmem>>, vector<1x16xf32>,
        %get3A_545 = vector.shape_cast %get3A_544 : vector<1x16xf32> to vector<16xf32>
        %add3A_546 = arith.addf %get3A_541, %get3A_545 : vector<16xf32>
        %get3A_547 = arith.constant 112 : index
        %get3A_548 = tpu.vector_load %arg12[%get3A_547] {strides = array<i32>} : memref<128xf32, #tpu.memory_space<vmem>>, vector<16xf32>,
        %get3A_549 = vector.shape_cast %get3A_548 : vector<16xf32> to vector<16xf32>
        %mul3A_550 = vector.broadcast %add3A_397 : f32 to vector<16xf32>
        %mul3A_551 = arith.mulf %mul3A_550, %get3A_549 : vector<16xf32>
        %add3A_552 = arith.addf %add3A_546, %mul3A_551 : vector<16xf32>
        %swap3A_553 = arith.index_cast %scan3A_378 : i32 to index
        %swap3A_554 = arith.constant 112 : index
        %swap3A_555 = tpu.vector_load %arg21[%swap3A_553, %swap3A_554] {strides = array<i32>} : memref<128x128xf32, #tpu.memory_space<vmem>>, vector<1x16xf32>,
        %swap3A_556 = vector.shape_cast %swap3A_555 : vector<1x16xf32> to vector<16xf32>
        %swap3A_557 = vector.shape_cast %add3A_552 : vector<16xf32> to vector<1x16xf32>
        tpu.vector_store %arg21[%swap3A_553, %swap3A_554], %swap3A_557 {strides = array<i32>} : memref<128x128xf32, #tpu.memory_space<vmem>>, vector<1x16xf32>,
      }
      %scan3A_356 = arith.constant 128 : i32
      %mul3A_357 = arith.constant 3 : i32
      %mul3A_358 = arith.muli %mul3A_357, %scan3A_207 : i32
      %add3A_359 = arith.constant 2 : i32
      %add3A_360 = arith.addi %mul3A_358, %add3A_359 : i32
      %mul3A_361 = arith.constant 128 : i32
      %mul3A_362 = arith.muli %add3A_360, %mul3A_361 : i32
      %add3A_363 = arith.addi %mul3A_2, %mul3A_362 : i32
      %multiple_of3A_364 = tpu.assume_multiple %add3A_363, 8 : i32
      %dma_start3A_365 = arith.constant 0 : i32
      %dma_start3A_366 = tpu.memref_slice %arg8[%multiple_of3A_364, %dma_start3A_365] : memref<320000x128xf32, #tpu.memory_space<hbm>> -> memref<128x128xf32, #tpu.memory_space<hbm>>
      %dma_start3A_367 = arith.constant 0 : i32
      %dma_start3A_368 = tpu.memref_slice %arg8[%multiple_of3A_364, %dma_start3A_367] : memref<320000x128xf32, #tpu.memory_space<hbm>> -> memref<128x128xf32, #tpu.memory_space<hbm>>
      tpu.enqueue_dma source(%arg21 : memref<128x128xf32, #tpu.memory_space<vmem>>) target(%dma_start3A_368 : memref<128x128xf32, #tpu.memory_space<hbm>>) target_semaphore(%arg30 : memref<!tpu.dma_semaphore, #tpu.memory_space<semaphore_mem>>)
      %dma_start3A_369 = arith.constant 0 : i32
      %dma_start3A_370 = tpu.memref_slice %arg9[%multiple_of3A_364, %dma_start3A_369] : memref<320000x16xf32, #tpu.memory_space<hbm>> -> memref<128x16xf32, #tpu.memory_space<hbm>>
      %dma_start3A_371 = arith.constant 0 : i32
      %dma_start3A_372 = tpu.memref_slice %arg9[%multiple_of3A_364, %dma_start3A_371] : memref<320000x16xf32, #tpu.memory_space<hbm>> -> memref<128x16xf32, #tpu.memory_space<hbm>>
      tpu.enqueue_dma source(%arg23 : memref<128x16xf32, #tpu.memory_space<vmem>>) target(%dma_start3A_372 : memref<128x16xf32, #tpu.memory_space<hbm>>) target_semaphore(%arg30 : memref<!tpu.dma_semaphore, #tpu.memory_space<semaphore_mem>>)
      %lt3A_373 = arith.constant 25 : i32
      %lt3A_374 = arith.cmpi slt, %scan3A_207, %lt3A_373 : i32
      %convert_element_type3A_375 = arith.extui %lt3A_374 : i1 to i32
      %cond3A_376 = arith.constant 0 : i32
      %cond3A_377 = arith.cmpi ne, %convert_element_type3A_375, %cond3A_376 : i32
      scf.if %cond3A_377 {
        %dma_wait3A_378 = arith.constant 0 : i32
        %dma_wait3A_379 = arith.constant 0 : i32
        %dma_wait3A_380 = tpu.memref_slice %arg8[%dma_wait3A_378, %dma_wait3A_379] : memref<320000x128xf32, #tpu.memory_space<hbm>> -> memref<128x128xf32, #tpu.memory_space<hbm>>
        %dma_wait3A_381 = arith.constant 0 : i32
        %dma_wait3A_382 = arith.constant 0 : i32
        %dma_wait3A_383 = tpu.memref_slice %arg8[%dma_wait3A_381, %dma_wait3A_382] : memref<320000x128xf32, #tpu.memory_space<hbm>> -> memref<128x128xf32, #tpu.memory_space<hbm>>
        tpu.wait_dma2 semaphore(%arg29 : memref<!tpu.dma_semaphore, #tpu.memory_space<semaphore_mem>>) src(%arg17 : memref<128x128xf32, #tpu.memory_space<vmem>>) dst(%dma_wait3A_383 : memref<128x128xf32, #tpu.memory_space<hbm>>)
        %dma_wait3A_384 = arith.constant 0 : i32
        %dma_wait3A_385 = arith.constant 0 : i32
        %dma_wait3A_386 = tpu.memref_slice %arg9[%dma_wait3A_384, %dma_wait3A_385] : memref<320000x16xf32, #tpu.memory_space<hbm>> -> memref<128x16xf32, #tpu.memory_space<hbm>>
        %dma_wait3A_387 = arith.constant 0 : i32
        %dma_wait3A_388 = arith.constant 0 : i32
        %dma_wait3A_389 = tpu.memref_slice %arg9[%dma_wait3A_387, %dma_wait3A_388] : memref<320000x16xf32, #tpu.memory_space<hbm>> -> memref<128x16xf32, #tpu.memory_space<hbm>>
        tpu.wait_dma2 semaphore(%arg29 : memref<!tpu.dma_semaphore, #tpu.memory_space<semaphore_mem>>) src(%arg19 : memref<128x16xf32, #tpu.memory_space<vmem>>) dst(%dma_wait3A_389 : memref<128x16xf32, #tpu.memory_space<hbm>>)
        %mul3A_390 = arith.constant 3 : i32
        %mul3A_391 = arith.muli %mul3A_390, %scan3A_207 : i32
        %add3A_392 = arith.constant 4 : i32
        %add3A_393 = arith.addi %mul3A_391, %add3A_392 : i32
        %mul3A_394 = arith.constant 128 : i32
        %mul3A_395 = arith.muli %add3A_393, %mul3A_394 : i32
        %multiple_of3A_396 = tpu.assume_multiple %mul3A_395, 8 : i32
        %dma_start3A_397 = tpu.memref_slice %arg10[%multiple_of3A_396] : memref<10000xi32, #tpu.memory_space<vmem>> -> memref<128xi32, #tpu.memory_space<vmem>>
        %dma_start3A_398 = arith.constant 0 : i32
        %dma_start3A_399 = arith.constant 0 : i32
        %dma_start3A_400 = tpu.memref_slice %arg2[%dma_start3A_398, %dma_start3A_399] : memref<10000x128xf32, #tpu.memory_space<hbm>> -> memref<10000x128xf32, #tpu.memory_space<hbm>>
        tpu.enqueue_indirect_dma source(%dma_start3A_400 : memref<10000x128xf32, #tpu.memory_space<hbm>>) target(%arg17 : memref<128x128xf32, #tpu.memory_space<vmem>>) offsets(%dma_start3A_397 : memref<128xi32, #tpu.memory_space<vmem>>) semaphore(%arg26 : memref<!tpu.dma_semaphore, #tpu.memory_space<semaphore_mem>>)
        %dma_start3A_401 = tpu.memref_slice %arg11[%multiple_of3A_396] : memref<10000xi32, #tpu.memory_space<vmem>> -> memref<128xi32, #tpu.memory_space<vmem>>
        %dma_start3A_402 = arith.constant 0 : i32
        %dma_start3A_403 = arith.constant 0 : i32
        %dma_start3A_404 = tpu.memref_slice %arg3[%dma_start3A_402, %dma_start3A_403] : memref<10000x128xf32, #tpu.memory_space<hbm>> -> memref<10000x128xf32, #tpu.memory_space<hbm>>
        tpu.enqueue_indirect_dma source(%dma_start3A_404 : memref<10000x128xf32, #tpu.memory_space<hbm>>) target(%arg18 : memref<128x128xf32, #tpu.memory_space<vmem>>) offsets(%dma_start3A_401 : memref<128xi32, #tpu.memory_space<vmem>>) semaphore(%arg26 : memref<!tpu.dma_semaphore, #tpu.memory_space<semaphore_mem>>)
        %dma_start3A_405 = tpu.memref_slice %arg10[%multiple_of3A_396] : memref<10000xi32, #tpu.memory_space<vmem>> -> memref<128xi32, #tpu.memory_space<vmem>>
        %dma_start3A_406 = arith.constant 0 : i32
        %dma_start3A_407 = arith.constant 0 : i32
        %dma_start3A_408 = tpu.memref_slice %arg4[%dma_start3A_406, %dma_start3A_407] : memref<10000x16xf32, #tpu.memory_space<hbm>> -> memref<10000x16xf32, #tpu.memory_space<hbm>>
        tpu.enqueue_indirect_dma source(%dma_start3A_408 : memref<10000x16xf32, #tpu.memory_space<hbm>>) target(%arg19 : memref<128x16xf32, #tpu.memory_space<vmem>>) offsets(%dma_start3A_405 : memref<128xi32, #tpu.memory_space<vmem>>) semaphore(%arg26 : memref<!tpu.dma_semaphore, #tpu.memory_space<semaphore_mem>>)
        %dma_start3A_409 = tpu.memref_slice %arg11[%multiple_of3A_396] : memref<10000xi32, #tpu.memory_space<vmem>> -> memref<128xi32, #tpu.memory_space<vmem>>
        %dma_start3A_410 = arith.constant 0 : i32
        %dma_start3A_411 = arith.constant 0 : i32
        %dma_start3A_412 = tpu.memref_slice %arg4[%dma_start3A_410, %dma_start3A_411] : memref<10000x16xf32, #tpu.memory_space<hbm>> -> memref<10000x16xf32, #tpu.memory_space<hbm>>
        tpu.enqueue_indirect_dma source(%dma_start3A_412 : memref<10000x16xf32, #tpu.memory_space<hbm>>) target(%arg20 : memref<128x16xf32, #tpu.memory_space<vmem>>) offsets(%dma_start3A_409 : memref<128xi32, #tpu.memory_space<vmem>>) semaphore(%arg26 : memref<!tpu.dma_semaphore, #tpu.memory_space<semaphore_mem>>)
      } else {
      }
    }
    %scan3A_41 = arith.constant 26 : i32
    %get3A = arith.constant 9984 : index
    %get3A_42 = tpu.vector_load %arg10[%get3A] {strides = array<i32>} : memref<10000xi32, #tpu.memory_space<vmem>>, vector<16xi32>,
    %get3A_43 = vector.shape_cast %get3A_42 : vector<16xi32> to vector<16xi32>
    %get3A_44 = arith.constant 9984 : index
    %get3A_45 = tpu.vector_load %arg11[%get3A_44] {strides = array<i32>} : memref<10000xi32, #tpu.memory_space<vmem>>, vector<16xi32>,
    %get3A_46 = vector.shape_cast %get3A_45 : vector<16xi32> to vector<16xi32>
    %dma_wait3A = arith.constant 0 : i32
    %dma_wait3A_47 = arith.constant 0 : i32
    %dma_wait3A_48 = tpu.memref_slice %arg8[%dma_wait3A, %dma_wait3A_47] : memref<320000x128xf32, #tpu.memory_space<hbm>> -> memref<128x128xf32, #tpu.memory_space<hbm>>
    %dma_wait3A_49 = arith.constant 0 : i32
    %dma_wait3A_50 = arith.constant 0 : i32
    %dma_wait3A_51 = tpu.memref_slice %arg8[%dma_wait3A_49, %dma_wait3A_50] : memref<320000x128xf32, #tpu.memory_space<hbm>> -> memref<128x128xf32, #tpu.memory_space<hbm>>
    tpu.wait_dma2 semaphore(%arg28 : memref<!tpu.dma_semaphore, #tpu.memory_space<semaphore_mem>>) src(%arg13 : memref<128x128xf32, #tpu.memory_space<vmem>>) dst(%dma_wait3A_51 : memref<128x128xf32, #tpu.memory_space<hbm>>)
    %dma_wait3A_52 = arith.constant 0 : i32
    %dma_wait3A_53 = arith.constant 0 : i32
    %dma_wait3A_54 = tpu.memref_slice %arg9[%dma_wait3A_52, %dma_wait3A_53] : memref<320000x16xf32, #tpu.memory_space<hbm>> -> memref<128x16xf32, #tpu.memory_space<hbm>>
    %dma_wait3A_55 = arith.constant 0 : i32
    %dma_wait3A_56 = arith.constant 0 : i32
    %dma_wait3A_57 = tpu.memref_slice %arg9[%dma_wait3A_55, %dma_wait3A_56] : memref<320000x16xf32, #tpu.memory_space<hbm>> -> memref<128x16xf32, #tpu.memory_space<hbm>>
    tpu.wait_dma2 semaphore(%arg28 : memref<!tpu.dma_semaphore, #tpu.memory_space<semaphore_mem>>) src(%arg15 : memref<128x16xf32, #tpu.memory_space<vmem>>) dst(%dma_wait3A_57 : memref<128x16xf32, #tpu.memory_space<hbm>>)
    %dma_start3A_58 = arith.constant 0 : i32
    %dma_start3A_59 = arith.constant 0 : i32
    %dma_start3A_60 = tpu.memref_slice %arg13[%dma_start3A_58, %dma_start3A_59] : memref<128x128xf32, #tpu.memory_space<vmem>> -> memref<16x128xf32, #tpu.memory_space<vmem>>
    %dma_start3A_61 = arith.constant 0 : i32
    %dma_start3A_62 = arith.constant 0 : i32
    %dma_start3A_63 = tpu.memref_slice %arg2[%dma_start3A_61, %dma_start3A_62] : memref<10000x128xf32, #tpu.memory_space<hbm>> -> memref<10000x128xf32, #tpu.memory_space<hbm>>
    tpu.enqueue_indirect_dma source(%dma_start3A_63 : memref<10000x128xf32, #tpu.memory_space<hbm>>) target(%dma_start3A_60 : memref<16x128xf32, #tpu.memory_space<vmem>>) offsets(%get3A_43 : vector<16xi32>) semaphore(%arg25 : memref<!tpu.dma_semaphore, #tpu.memory_space<semaphore_mem>>)
    %dma_start3A_64 = arith.constant 0 : i32
    %dma_start3A_65 = arith.constant 0 : i32
    %dma_start3A_66 = tpu.memref_slice %arg14[%dma_start3A_64, %dma_start3A_65] : memref<128x128xf32, #tpu.memory_space<vmem>> -> memref<16x128xf32, #tpu.memory_space<vmem>>
    %dma_start3A_67 = arith.constant 0 : i32
    %dma_start3A_68 = arith.constant 0 : i32
    %dma_start3A_69 = tpu.memref_slice %arg3[%dma_start3A_67, %dma_start3A_68] : memref<10000x128xf32, #tpu.memory_space<hbm>> -> memref<10000x128xf32, #tpu.memory_space<hbm>>
    tpu.enqueue_indirect_dma source(%dma_start3A_69 : memref<10000x128xf32, #tpu.memory_space<hbm>>) target(%dma_start3A_66 : memref<16x128xf32, #tpu.memory_space<vmem>>) offsets(%get3A_46 : vector<16xi32>) semaphore(%arg25 : memref<!tpu.dma_semaphore, #tpu.memory_space<semaphore_mem>>)
    %dma_start3A_70 = arith.constant 0 : i32
    %dma_start3A_71 = arith.constant 0 : i32
    %dma_start3A_72 = tpu.memref_slice %arg15[%dma_start3A_70, %dma_start3A_71] : memref<128x16xf32, #tpu.memory_space<vmem>> -> memref<16x16xf32, #tpu.memory_space<vmem>>
    %dma_start3A_73 = arith.constant 0 : i32
    %dma_start3A_74 = arith.constant 0 : i32
    %dma_start3A_75 = tpu.memref_slice %arg4[%dma_start3A_73, %dma_start3A_74] : memref<10000x16xf32, #tpu.memory_space<hbm>> -> memref<10000x16xf32, #tpu.memory_space<hbm>>
    tpu.enqueue_indirect_dma source(%dma_start3A_75 : memref<10000x16xf32, #tpu.memory_space<hbm>>) target(%dma_start3A_72 : memref<16x16xf32, #tpu.memory_space<vmem>>) offsets(%get3A_43 : vector<16xi32>) semaphore(%arg25 : memref<!tpu.dma_semaphore, #tpu.memory_space<semaphore_mem>>)
    %dma_start3A_76 = arith.constant 0 : i32
    %dma_start3A_77 = arith.constant 0 : i32
    %dma_start3A_78 = tpu.memref_slice %arg16[%dma_start3A_76, %dma_start3A_77] : memref<128x16xf32, #tpu.memory_space<vmem>> -> memref<16x16xf32, #tpu.memory_space<vmem>>
    %dma_start3A_79 = arith.constant 0 : i32
    %dma_start3A_80 = arith.constant 0 : i32
    %dma_start3A_81 = tpu.memref_slice %arg4[%dma_start3A_79, %dma_start3A_80] : memref<10000x16xf32, #tpu.memory_space<hbm>> -> memref<10000x16xf32, #tpu.memory_space<hbm>>
    tpu.enqueue_indirect_dma source(%dma_start3A_81 : memref<10000x16xf32, #tpu.memory_space<hbm>>) target(%dma_start3A_78 : memref<16x16xf32, #tpu.memory_space<vmem>>) offsets(%get3A_46 : vector<16xi32>) semaphore(%arg25 : memref<!tpu.dma_semaphore, #tpu.memory_space<semaphore_mem>>)
    %dma_wait3A_82 = arith.constant 0 : i32
    %dma_wait3A_83 = arith.constant 0 : i32
    %dma_wait3A_84 = tpu.memref_slice %arg13[%dma_wait3A_82, %dma_wait3A_83] : memref<128x128xf32, #tpu.memory_space<vmem>> -> memref<16x128xf32, #tpu.memory_space<vmem>>
    %dma_wait3A_85 = arith.constant 0 : i32
    %dma_wait3A_86 = arith.constant 0 : i32
    %dma_wait3A_87 = tpu.memref_slice %arg2[%dma_wait3A_85, %dma_wait3A_86] : memref<10000x128xf32, #tpu.memory_space<hbm>> -> memref<16x128xf32, #tpu.memory_space<hbm>>
    %dma_wait3A_88 = arith.constant 0 : i32
    %dma_wait3A_89 = arith.constant 0 : i32
    %dma_wait3A_90 = tpu.memref_slice %arg13[%dma_wait3A_88, %dma_wait3A_89] : memref<128x128xf32, #tpu.memory_space<vmem>> -> memref<16x128xf32, #tpu.memory_space<vmem>>
    %dma_wait3A_91 = arith.constant 0 : i32
    %dma_wait3A_92 = arith.constant 0 : i32
    %dma_wait3A_93 = tpu.memref_slice %arg2[%dma_wait3A_91, %dma_wait3A_92] : memref<10000x128xf32, #tpu.memory_space<hbm>> -> memref<16x128xf32, #tpu.memory_space<hbm>>
    tpu.wait_dma2 semaphore(%arg25 : memref<!tpu.dma_semaphore, #tpu.memory_space<semaphore_mem>>) src(%dma_wait3A_93 : memref<16x128xf32, #tpu.memory_space<hbm>>) dst(%dma_wait3A_90 : memref<16x128xf32, #tpu.memory_space<vmem>>)
    %dma_wait3A_94 = arith.constant 0 : i32
    %dma_wait3A_95 = arith.constant 0 : i32
    %dma_wait3A_96 = tpu.memref_slice %arg14[%dma_wait3A_94, %dma_wait3A_95] : memref<128x128xf32, #tpu.memory_space<vmem>> -> memref<16x128xf32, #tpu.memory_space<vmem>>
    %dma_wait3A_97 = arith.constant 0 : i32
    %dma_wait3A_98 = arith.constant 0 : i32
    %dma_wait3A_99 = tpu.memref_slice %arg3[%dma_wait3A_97, %dma_wait3A_98] : memref<10000x128xf32, #tpu.memory_space<hbm>> -> memref<16x128xf32, #tpu.memory_space<hbm>>
    %dma_wait3A_100 = arith.constant 0 : i32
    %dma_wait3A_101 = arith.constant 0 : i32
    %dma_wait3A_102 = tpu.memref_slice %arg14[%dma_wait3A_100, %dma_wait3A_101] : memref<128x128xf32, #tpu.memory_space<vmem>> -> memref<16x128xf32, #tpu.memory_space<vmem>>
    %dma_wait3A_103 = arith.constant 0 : i32
    %dma_wait3A_104 = arith.constant 0 : i32
    %dma_wait3A_105 = tpu.memref_slice %arg3[%dma_wait3A_103, %dma_wait3A_104] : memref<10000x128xf32, #tpu.memory_space<hbm>> -> memref<16x128xf32, #tpu.memory_space<hbm>>
    tpu.wait_dma2 semaphore(%arg25 : memref<!tpu.dma_semaphore, #tpu.memory_space<semaphore_mem>>) src(%dma_wait3A_105 : memref<16x128xf32, #tpu.memory_space<hbm>>) dst(%dma_wait3A_102 : memref<16x128xf32, #tpu.memory_space<vmem>>)
    %dma_wait3A_106 = arith.constant 0 : i32
    %dma_wait3A_107 = arith.constant 0 : i32
    %dma_wait3A_108 = tpu.memref_slice %arg15[%dma_wait3A_106, %dma_wait3A_107] : memref<128x16xf32, #tpu.memory_space<vmem>> -> memref<16x16xf32, #tpu.memory_space<vmem>>
    %dma_wait3A_109 = arith.constant 0 : i32
    %dma_wait3A_110 = arith.constant 0 : i32
    %dma_wait3A_111 = tpu.memref_slice %arg4[%dma_wait3A_109, %dma_wait3A_110] : memref<10000x16xf32, #tpu.memory_space<hbm>> -> memref<16x16xf32, #tpu.memory_space<hbm>>
    %dma_wait3A_112 = arith.constant 0 : i32
    %dma_wait3A_113 = arith.constant 0 : i32
    %dma_wait3A_114 = tpu.memref_slice %arg15[%dma_wait3A_112, %dma_wait3A_113] : memref<128x16xf32, #tpu.memory_space<vmem>> -> memref<16x16xf32, #tpu.memory_space<vmem>>
    %dma_wait3A_115 = arith.constant 0 : i32
    %dma_wait3A_116 = arith.constant 0 : i32
    %dma_wait3A_117 = tpu.memref_slice %arg4[%dma_wait3A_115, %dma_wait3A_116] : memref<10000x16xf32, #tpu.memory_space<hbm>> -> memref<16x16xf32, #tpu.memory_space<hbm>>
    tpu.wait_dma2 semaphore(%arg25 : memref<!tpu.dma_semaphore, #tpu.memory_space<semaphore_mem>>) src(%dma_wait3A_117 : memref<16x16xf32, #tpu.memory_space<hbm>>) dst(%dma_wait3A_114 : memref<16x16xf32, #tpu.memory_space<vmem>>)
    %dma_wait3A_118 = arith.constant 0 : i32
    %dma_wait3A_119 = arith.constant 0 : i32
    %dma_wait3A_120 = tpu.memref_slice %arg16[%dma_wait3A_118, %dma_wait3A_119] : memref<128x16xf32, #tpu.memory_space<vmem>> -> memref<16x16xf32, #tpu.memory_space<vmem>>
    %dma_wait3A_121 = arith.constant 0 : i32
    %dma_wait3A_122 = arith.constant 0 : i32
    %dma_wait3A_123 = tpu.memref_slice %arg4[%dma_wait3A_121, %dma_wait3A_122] : memref<10000x16xf32, #tpu.memory_space<hbm>> -> memref<16x16xf32, #tpu.memory_space<hbm>>
    %dma_wait3A_124 = arith.constant 0 : i32
    %dma_wait3A_125 = arith.constant 0 : i32
    %dma_wait3A_126 = tpu.memref_slice %arg16[%dma_wait3A_124, %dma_wait3A_125] : memref<128x16xf32, #tpu.memory_space<vmem>> -> memref<16x16xf32, #tpu.memory_space<vmem>>
    %dma_wait3A_127 = arith.constant 0 : i32
    %dma_wait3A_128 = arith.constant 0 : i32
    %dma_wait3A_129 = tpu.memref_slice %arg4[%dma_wait3A_127, %dma_wait3A_128] : memref<10000x16xf32, #tpu.memory_space<hbm>> -> memref<16x16xf32, #tpu.memory_space<hbm>>
    tpu.wait_dma2 semaphore(%arg25 : memref<!tpu.dma_semaphore, #tpu.memory_space<semaphore_mem>>) src(%dma_wait3A_129 : memref<16x16xf32, #tpu.memory_space<hbm>>) dst(%dma_wait3A_126 : memref<16x16xf32, #tpu.memory_space<vmem>>)
    %scan3A_130 = arith.constant 0 : i32
    %scan3A_131 = arith.constant 0 : i32
    %scan3A_132 = arith.constant 16 : i32
    %scan3A_133 = arith.addi %scan3A_131, %scan3A_132 : i32
    %scan3A_134 = arith.constant 1 : i32
    scf.for %scan3A_207 = %scan3A_131 to %scan3A_133 step %scan3A_134  : i32 {
      %get3A_208 = arith.index_cast %scan3A_207 : i32 to index
      %get3A_209 = arith.constant 0 : index
      %get3A_210 = tpu.vector_load %arg15[%get3A_208, %get3A_209] {strides = array<i32>} : memref<128x16xf32, #tpu.memory_space<vmem>>, vector<1x16xf32>,
      %get3A_211 = vector.shape_cast %get3A_210 : vector<1x16xf32> to vector<16xf32>
      %get3A_212 = arith.index_cast %scan3A_207 : i32 to index
      %get3A_213 = arith.constant 0 : index
      %get3A_214 = tpu.vector_load %arg16[%get3A_212, %get3A_213] {strides = array<i32>} : memref<128x16xf32, #tpu.memory_space<vmem>>, vector<1x16xf32>,
      %get3A_215 = vector.shape_cast %get3A_214 : vector<1x16xf32> to vector<16xf32>
      %sub3A = arith.subf %get3A_211, %get3A_215 : vector<16xf32>
      %swap3A = arith.index_cast %scan3A_207 : i32 to index
      %swap3A_216 = arith.constant 0 : index
      %swap3A_217 = tpu.vector_load %arg15[%swap3A, %swap3A_216] {strides = array<i32>} : memref<128x16xf32, #tpu.memory_space<vmem>>, vector<1x16xf32>,
      %swap3A_218 = vector.shape_cast %swap3A_217 : vector<1x16xf32> to vector<16xf32>
      %swap3A_219 = vector.shape_cast %sub3A : vector<16xf32> to vector<1x16xf32>
      tpu.vector_store %arg15[%swap3A, %swap3A_216], %swap3A_219 {strides = array<i32>} : memref<128x16xf32, #tpu.memory_space<vmem>>, vector<1x16xf32>,
      %mul3A_220 = arith.mulf %sub3A, %sub3A : vector<16xf32>
      %slice3A = vector.extract_strided_slice %mul3A_220 {offsets = [0], sizes = [1], strides = [1]} : vector<16xf32> to vector<1xf32>
      %squeeze3A = vector.extract %slice3A[0] : f32 from vector<1xf32>
      %slice3A_221 = vector.extract_strided_slice %mul3A_220 {offsets = [1], sizes = [1], strides = [1]} : vector<16xf32> to vector<1xf32>
      %squeeze3A_222 = vector.extract %slice3A_221[0] : f32 from vector<1xf32>
      %add3A_223 = arith.addf %squeeze3A, %squeeze3A_222 : f32
      %slice3A_224 = vector.extract_strided_slice %mul3A_220 {offsets = [2], sizes = [1], strides = [1]} : vector<16xf32> to vector<1xf32>
      %squeeze3A_225 = vector.extract %slice3A_224[0] : f32 from vector<1xf32>
      %add3A_226 = arith.addf %add3A_223, %squeeze3A_225 : f32
      %get3A_227 = arith.index_cast %scan3A_207 : i32 to index
      %get3A_228 = arith.constant 0 : index
      %get3A_229 = tpu.vector_load %arg13[%get3A_227, %get3A_228] {strides = array<i32>} : memref<128x128xf32, #tpu.memory_space<vmem>>, vector<1x16xf32>,
      %get3A_230 = vector.shape_cast %get3A_229 : vector<1x16xf32> to vector<16xf32>
      %get3A_231 = arith.index_cast %scan3A_207 : i32 to index
      %get3A_232 = arith.constant 0 : index
      %get3A_233 = tpu.vector_load %arg14[%get3A_231, %get3A_232] {strides = array<i32>} : memref<128x128xf32, #tpu.memory_space<vmem>>, vector<1x16xf32>,
      %get3A_234 = vector.shape_cast %get3A_233 : vector<1x16xf32> to vector<16xf32>
      %add3A_235 = arith.addf %get3A_230, %get3A_234 : vector<16xf32>
      %get3A_236 = arith.constant 0 : index
      %get3A_237 = tpu.vector_load %arg12[%get3A_236] {strides = array<i32>} : memref<128xf32, #tpu.memory_space<vmem>>, vector<16xf32>,
      %get3A_238 = vector.shape_cast %get3A_237 : vector<16xf32> to vector<16xf32>
      %mul3A_239 = vector.broadcast %add3A_226 : f32 to vector<16xf32>
      %mul3A_240 = arith.mulf %mul3A_239, %get3A_238 : vector<16xf32>
      %add3A_241 = arith.addf %add3A_235, %mul3A_240 : vector<16xf32>
      %swap3A_242 = arith.index_cast %scan3A_207 : i32 to index
      %swap3A_243 = arith.constant 0 : index
      %swap3A_244 = tpu.vector_load %arg13[%swap3A_242, %swap3A_243] {strides = array<i32>} : memref<128x128xf32, #tpu.memory_space<vmem>>, vector<1x16xf32>,
      %swap3A_245 = vector.shape_cast %swap3A_244 : vector<1x16xf32> to vector<16xf32>
      %swap3A_246 = vector.shape_cast %add3A_241 : vector<16xf32> to vector<1x16xf32>
      tpu.vector_store %arg13[%swap3A_242, %swap3A_243], %swap3A_246 {strides = array<i32>} : memref<128x128xf32, #tpu.memory_space<vmem>>, vector<1x16xf32>,
      %get3A_247 = arith.index_cast %scan3A_207 : i32 to index
      %get3A_248 = arith.constant 16 : index
      %get3A_249 = tpu.vector_load %arg13[%get3A_247, %get3A_248] {strides = array<i32>} : memref<128x128xf32, #tpu.memory_space<vmem>>, vector<1x16xf32>,
      %get3A_250 = vector.shape_cast %get3A_249 : vector<1x16xf32> to vector<16xf32>
      %get3A_251 = arith.index_cast %scan3A_207 : i32 to index
      %get3A_252 = arith.constant 16 : index
      %get3A_253 = tpu.vector_load %arg14[%get3A_251, %get3A_252] {strides = array<i32>} : memref<128x128xf32, #tpu.memory_space<vmem>>, vector<1x16xf32>,
      %get3A_254 = vector.shape_cast %get3A_253 : vector<1x16xf32> to vector<16xf32>
      %add3A_255 = arith.addf %get3A_250, %get3A_254 : vector<16xf32>
      %get3A_256 = arith.constant 16 : index
      %get3A_257 = tpu.vector_load %arg12[%get3A_256] {strides = array<i32>} : memref<128xf32, #tpu.memory_space<vmem>>, vector<16xf32>,
      %get3A_258 = vector.shape_cast %get3A_257 : vector<16xf32> to vector<16xf32>
      %mul3A_259 = vector.broadcast %add3A_226 : f32 to vector<16xf32>
      %mul3A_260 = arith.mulf %mul3A_259, %get3A_258 : vector<16xf32>
      %add3A_261 = arith.addf %add3A_255, %mul3A_260 : vector<16xf32>
      %swap3A_262 = arith.index_cast %scan3A_207 : i32 to index
      %swap3A_263 = arith.constant 16 : index
      %swap3A_264 = tpu.vector_load %arg13[%swap3A_262, %swap3A_263] {strides = array<i32>} : memref<128x128xf32, #tpu.memory_space<vmem>>, vector<1x16xf32>,
      %swap3A_265 = vector.shape_cast %swap3A_264 : vector<1x16xf32> to vector<16xf32>
      %swap3A_266 = vector.shape_cast %add3A_261 : vector<16xf32> to vector<1x16xf32>
      tpu.vector_store %arg13[%swap3A_262, %swap3A_263], %swap3A_266 {strides = array<i32>} : memref<128x128xf32, #tpu.memory_space<vmem>>, vector<1x16xf32>,
      %get3A_267 = arith.index_cast %scan3A_207 : i32 to index
      %get3A_268 = arith.constant 32 : index
      %get3A_269 = tpu.vector_load %arg13[%get3A_267, %get3A_268] {strides = array<i32>} : memref<128x128xf32, #tpu.memory_space<vmem>>, vector<1x16xf32>,
      %get3A_270 = vector.shape_cast %get3A_269 : vector<1x16xf32> to vector<16xf32>
      %get3A_271 = arith.index_cast %scan3A_207 : i32 to index
      %get3A_272 = arith.constant 32 : index
      %get3A_273 = tpu.vector_load %arg14[%get3A_271, %get3A_272] {strides = array<i32>} : memref<128x128xf32, #tpu.memory_space<vmem>>, vector<1x16xf32>,
      %get3A_274 = vector.shape_cast %get3A_273 : vector<1x16xf32> to vector<16xf32>
      %add3A_275 = arith.addf %get3A_270, %get3A_274 : vector<16xf32>
      %get3A_276 = arith.constant 32 : index
      %get3A_277 = tpu.vector_load %arg12[%get3A_276] {strides = array<i32>} : memref<128xf32, #tpu.memory_space<vmem>>, vector<16xf32>,
      %get3A_278 = vector.shape_cast %get3A_277 : vector<16xf32> to vector<16xf32>
      %mul3A_279 = vector.broadcast %add3A_226 : f32 to vector<16xf32>
      %mul3A_280 = arith.mulf %mul3A_279, %get3A_278 : vector<16xf32>
      %add3A_281 = arith.addf %add3A_275, %mul3A_280 : vector<16xf32>
      %swap3A_282 = arith.index_cast %scan3A_207 : i32 to index
      %swap3A_283 = arith.constant 32 : index
      %swap3A_284 = tpu.vector_load %arg13[%swap3A_282, %swap3A_283] {strides = array<i32>} : memref<128x128xf32, #tpu.memory_space<vmem>>, vector<1x16xf32>,
      %swap3A_285 = vector.shape_cast %swap3A_284 : vector<1x16xf32> to vector<16xf32>
      %swap3A_286 = vector.shape_cast %add3A_281 : vector<16xf32> to vector<1x16xf32>
      tpu.vector_store %arg13[%swap3A_282, %swap3A_283], %swap3A_286 {strides = array<i32>} : memref<128x128xf32, #tpu.memory_space<vmem>>, vector<1x16xf32>,
      %get3A_287 = arith.index_cast %scan3A_207 : i32 to index
      %get3A_288 = arith.constant 48 : index
      %get3A_289 = tpu.vector_load %arg13[%get3A_287, %get3A_288] {strides = array<i32>} : memref<128x128xf32, #tpu.memory_space<vmem>>, vector<1x16xf32>,
      %get3A_290 = vector.shape_cast %get3A_289 : vector<1x16xf32> to vector<16xf32>
      %get3A_291 = arith.index_cast %scan3A_207 : i32 to index
      %get3A_292 = arith.constant 48 : index
      %get3A_293 = tpu.vector_load %arg14[%get3A_291, %get3A_292] {strides = array<i32>} : memref<128x128xf32, #tpu.memory_space<vmem>>, vector<1x16xf32>,
      %get3A_294 = vector.shape_cast %get3A_293 : vector<1x16xf32> to vector<16xf32>
      %add3A_295 = arith.addf %get3A_290, %get3A_294 : vector<16xf32>
      %get3A_296 = arith.constant 48 : index
      %get3A_297 = tpu.vector_load %arg12[%get3A_296] {strides = array<i32>} : memref<128xf32, #tpu.memory_space<vmem>>, vector<16xf32>,
      %get3A_298 = vector.shape_cast %get3A_297 : vector<16xf32> to vector<16xf32>
      %mul3A_299 = vector.broadcast %add3A_226 : f32 to vector<16xf32>
      %mul3A_300 = arith.mulf %mul3A_299, %get3A_298 : vector<16xf32>
      %add3A_301 = arith.addf %add3A_295, %mul3A_300 : vector<16xf32>
      %swap3A_302 = arith.index_cast %scan3A_207 : i32 to index
      %swap3A_303 = arith.constant 48 : index
      %swap3A_304 = tpu.vector_load %arg13[%swap3A_302, %swap3A_303] {strides = array<i32>} : memref<128x128xf32, #tpu.memory_space<vmem>>, vector<1x16xf32>,
      %swap3A_305 = vector.shape_cast %swap3A_304 : vector<1x16xf32> to vector<16xf32>
      %swap3A_306 = vector.shape_cast %add3A_301 : vector<16xf32> to vector<1x16xf32>
      tpu.vector_store %arg13[%swap3A_302, %swap3A_303], %swap3A_306 {strides = array<i32>} : memref<128x128xf32, #tpu.memory_space<vmem>>, vector<1x16xf32>,
      %get3A_307 = arith.index_cast %scan3A_207 : i32 to index
      %get3A_308 = arith.constant 64 : index
      %get3A_309 = tpu.vector_load %arg13[%get3A_307, %get3A_308] {strides = array<i32>} : memref<128x128xf32, #tpu.memory_space<vmem>>, vector<1x16xf32>,
      %get3A_310 = vector.shape_cast %get3A_309 : vector<1x16xf32> to vector<16xf32>
      %get3A_311 = arith.index_cast %scan3A_207 : i32 to index
      %get3A_312 = arith.constant 64 : index
      %get3A_313 = tpu.vector_load %arg14[%get3A_311, %get3A_312] {strides = array<i32>} : memref<128x128xf32, #tpu.memory_space<vmem>>, vector<1x16xf32>,
      %get3A_314 = vector.shape_cast %get3A_313 : vector<1x16xf32> to vector<16xf32>
      %add3A_315 = arith.addf %get3A_310, %get3A_314 : vector<16xf32>
      %get3A_316 = arith.constant 64 : index
      %get3A_317 = tpu.vector_load %arg12[%get3A_316] {strides = array<i32>} : memref<128xf32, #tpu.memory_space<vmem>>, vector<16xf32>,
      %get3A_318 = vector.shape_cast %get3A_317 : vector<16xf32> to vector<16xf32>
      %mul3A_319 = vector.broadcast %add3A_226 : f32 to vector<16xf32>
      %mul3A_320 = arith.mulf %mul3A_319, %get3A_318 : vector<16xf32>
      %add3A_321 = arith.addf %add3A_315, %mul3A_320 : vector<16xf32>
      %swap3A_322 = arith.index_cast %scan3A_207 : i32 to index
      %swap3A_323 = arith.constant 64 : index
      %swap3A_324 = tpu.vector_load %arg13[%swap3A_322, %swap3A_323] {strides = array<i32>} : memref<128x128xf32, #tpu.memory_space<vmem>>, vector<1x16xf32>,
      %swap3A_325 = vector.shape_cast %swap3A_324 : vector<1x16xf32> to vector<16xf32>
      %swap3A_326 = vector.shape_cast %add3A_321 : vector<16xf32> to vector<1x16xf32>
      tpu.vector_store %arg13[%swap3A_322, %swap3A_323], %swap3A_326 {strides = array<i32>} : memref<128x128xf32, #tpu.memory_space<vmem>>, vector<1x16xf32>,
      %get3A_327 = arith.index_cast %scan3A_207 : i32 to index
      %get3A_328 = arith.constant 80 : index
      %get3A_329 = tpu.vector_load %arg13[%get3A_327, %get3A_328] {strides = array<i32>} : memref<128x128xf32, #tpu.memory_space<vmem>>, vector<1x16xf32>,
      %get3A_330 = vector.shape_cast %get3A_329 : vector<1x16xf32> to vector<16xf32>
      %get3A_331 = arith.index_cast %scan3A_207 : i32 to index
      %get3A_332 = arith.constant 80 : index
      %get3A_333 = tpu.vector_load %arg14[%get3A_331, %get3A_332] {strides = array<i32>} : memref<128x128xf32, #tpu.memory_space<vmem>>, vector<1x16xf32>,
      %get3A_334 = vector.shape_cast %get3A_333 : vector<1x16xf32> to vector<16xf32>
      %add3A_335 = arith.addf %get3A_330, %get3A_334 : vector<16xf32>
      %get3A_336 = arith.constant 80 : index
      %get3A_337 = tpu.vector_load %arg12[%get3A_336] {strides = array<i32>} : memref<128xf32, #tpu.memory_space<vmem>>, vector<16xf32>,
      %get3A_338 = vector.shape_cast %get3A_337 : vector<16xf32> to vector<16xf32>
      %mul3A_339 = vector.broadcast %add3A_226 : f32 to vector<16xf32>
      %mul3A_340 = arith.mulf %mul3A_339, %get3A_338 : vector<16xf32>
      %add3A_341 = arith.addf %add3A_335, %mul3A_340 : vector<16xf32>
      %swap3A_342 = arith.index_cast %scan3A_207 : i32 to index
      %swap3A_343 = arith.constant 80 : index
      %swap3A_344 = tpu.vector_load %arg13[%swap3A_342, %swap3A_343] {strides = array<i32>} : memref<128x128xf32, #tpu.memory_space<vmem>>, vector<1x16xf32>,
      %swap3A_345 = vector.shape_cast %swap3A_344 : vector<1x16xf32> to vector<16xf32>
      %swap3A_346 = vector.shape_cast %add3A_341 : vector<16xf32> to vector<1x16xf32>
      tpu.vector_store %arg13[%swap3A_342, %swap3A_343], %swap3A_346 {strides = array<i32>} : memref<128x128xf32, #tpu.memory_space<vmem>>, vector<1x16xf32>,
      %get3A_347 = arith.index_cast %scan3A_207 : i32 to index
      %get3A_348 = arith.constant 96 : index
      %get3A_349 = tpu.vector_load %arg13[%get3A_347, %get3A_348] {strides = array<i32>} : memref<128x128xf32, #tpu.memory_space<vmem>>, vector<1x16xf32>,
      %get3A_350 = vector.shape_cast %get3A_349 : vector<1x16xf32> to vector<16xf32>
      %get3A_351 = arith.index_cast %scan3A_207 : i32 to index
      %get3A_352 = arith.constant 96 : index
      %get3A_353 = tpu.vector_load %arg14[%get3A_351, %get3A_352] {strides = array<i32>} : memref<128x128xf32, #tpu.memory_space<vmem>>, vector<1x16xf32>,
      %get3A_354 = vector.shape_cast %get3A_353 : vector<1x16xf32> to vector<16xf32>
      %add3A_355 = arith.addf %get3A_350, %get3A_354 : vector<16xf32>
      %get3A_356 = arith.constant 96 : index
      %get3A_357 = tpu.vector_load %arg12[%get3A_356] {strides = array<i32>} : memref<128xf32, #tpu.memory_space<vmem>>, vector<16xf32>,
      %get3A_358 = vector.shape_cast %get3A_357 : vector<16xf32> to vector<16xf32>
      %mul3A_359 = vector.broadcast %add3A_226 : f32 to vector<16xf32>
      %mul3A_360 = arith.mulf %mul3A_359, %get3A_358 : vector<16xf32>
      %add3A_361 = arith.addf %add3A_355, %mul3A_360 : vector<16xf32>
      %swap3A_362 = arith.index_cast %scan3A_207 : i32 to index
      %swap3A_363 = arith.constant 96 : index
      %swap3A_364 = tpu.vector_load %arg13[%swap3A_362, %swap3A_363] {strides = array<i32>} : memref<128x128xf32, #tpu.memory_space<vmem>>, vector<1x16xf32>,
      %swap3A_365 = vector.shape_cast %swap3A_364 : vector<1x16xf32> to vector<16xf32>
      %swap3A_366 = vector.shape_cast %add3A_361 : vector<16xf32> to vector<1x16xf32>
      tpu.vector_store %arg13[%swap3A_362, %swap3A_363], %swap3A_366 {strides = array<i32>} : memref<128x128xf32, #tpu.memory_space<vmem>>, vector<1x16xf32>,
      %get3A_367 = arith.index_cast %scan3A_207 : i32 to index
      %get3A_368 = arith.constant 112 : index
      %get3A_369 = tpu.vector_load %arg13[%get3A_367, %get3A_368] {strides = array<i32>} : memref<128x128xf32, #tpu.memory_space<vmem>>, vector<1x16xf32>,
      %get3A_370 = vector.shape_cast %get3A_369 : vector<1x16xf32> to vector<16xf32>
      %get3A_371 = arith.index_cast %scan3A_207 : i32 to index
      %get3A_372 = arith.constant 112 : index
      %get3A_373 = tpu.vector_load %arg14[%get3A_371, %get3A_372] {strides = array<i32>} : memref<128x128xf32, #tpu.memory_space<vmem>>, vector<1x16xf32>,
      %get3A_374 = vector.shape_cast %get3A_373 : vector<1x16xf32> to vector<16xf32>
      %add3A_375 = arith.addf %get3A_370, %get3A_374 : vector<16xf32>
      %get3A_376 = arith.constant 112 : index
      %get3A_377 = tpu.vector_load %arg12[%get3A_376] {strides = array<i32>} : memref<128xf32, #tpu.memory_space<vmem>>, vector<16xf32>,
      %get3A_378 = vector.shape_cast %get3A_377 : vector<16xf32> to vector<16xf32>
      %mul3A_379 = vector.broadcast %add3A_226 : f32 to vector<16xf32>
      %mul3A_380 = arith.mulf %mul3A_379, %get3A_378 : vector<16xf32>
      %add3A_381 = arith.addf %add3A_375, %mul3A_380 : vector<16xf32>
      %swap3A_382 = arith.index_cast %scan3A_207 : i32 to index
      %swap3A_383 = arith.constant 112 : index
      %swap3A_384 = tpu.vector_load %arg13[%swap3A_382, %swap3A_383] {strides = array<i32>} : memref<128x128xf32, #tpu.memory_space<vmem>>, vector<1x16xf32>,
      %swap3A_385 = vector.shape_cast %swap3A_384 : vector<1x16xf32> to vector<16xf32>
      %swap3A_386 = vector.shape_cast %add3A_381 : vector<16xf32> to vector<1x16xf32>
      tpu.vector_store %arg13[%swap3A_382, %swap3A_383], %swap3A_386 {strides = array<i32>} : memref<128x128xf32, #tpu.memory_space<vmem>>, vector<1x16xf32>,
    }
    %scan3A_135 = arith.constant 16 : i32
    %add3A_136 = arith.constant 9984 : i32
    %add3A_137 = arith.addi %mul3A_2, %add3A_136 : i32
    %multiple_of3A_138 = tpu.assume_multiple %add3A_137, 8 : i32
    %dma_start3A_139 = arith.constant 0 : i32
    %dma_start3A_140 = arith.constant 0 : i32
    %dma_start3A_141 = tpu.memref_slice %arg13[%dma_start3A_139, %dma_start3A_140] : memref<128x128xf32, #tpu.memory_space<vmem>> -> memref<16x128xf32, #tpu.memory_space<vmem>>
    %dma_start3A_142 = arith.constant 0 : i32
    %dma_start3A_143 = tpu.memref_slice %arg8[%multiple_of3A_138, %dma_start3A_142] : memref<320000x128xf32, #tpu.memory_space<hbm>> -> memref<16x128xf32, #tpu.memory_space<hbm>>
    %dma_start3A_144 = arith.constant 0 : i32
    %dma_start3A_145 = tpu.memref_slice %arg8[%multiple_of3A_138, %dma_start3A_144] : memref<320000x128xf32, #tpu.memory_space<hbm>> -> memref<16x128xf32, #tpu.memory_space<hbm>>
    %dma_start3A_146 = arith.constant 0 : i32
    %dma_start3A_147 = arith.constant 0 : i32
    %dma_start3A_148 = tpu.memref_slice %arg13[%dma_start3A_146, %dma_start3A_147] : memref<128x128xf32, #tpu.memory_space<vmem>> -> memref<16x128xf32, #tpu.memory_space<vmem>>
    tpu.enqueue_dma source(%dma_start3A_148 : memref<16x128xf32, #tpu.memory_space<vmem>>) target(%dma_start3A_145 : memref<16x128xf32, #tpu.memory_space<hbm>>) target_semaphore(%arg28 : memref<!tpu.dma_semaphore, #tpu.memory_space<semaphore_mem>>)
    %dma_start3A_149 = arith.constant 0 : i32
    %dma_start3A_150 = arith.constant 0 : i32
    %dma_start3A_151 = tpu.memref_slice %arg15[%dma_start3A_149, %dma_start3A_150] : memref<128x16xf32, #tpu.memory_space<vmem>> -> memref<16x16xf32, #tpu.memory_space<vmem>>
    %dma_start3A_152 = arith.constant 0 : i32
    %dma_start3A_153 = tpu.memref_slice %arg9[%multiple_of3A_138, %dma_start3A_152] : memref<320000x16xf32, #tpu.memory_space<hbm>> -> memref<16x16xf32, #tpu.memory_space<hbm>>
    %dma_start3A_154 = arith.constant 0 : i32
    %dma_start3A_155 = tpu.memref_slice %arg9[%multiple_of3A_138, %dma_start3A_154] : memref<320000x16xf32, #tpu.memory_space<hbm>> -> memref<16x16xf32, #tpu.memory_space<hbm>>
    %dma_start3A_156 = arith.constant 0 : i32
    %dma_start3A_157 = arith.constant 0 : i32
    %dma_start3A_158 = tpu.memref_slice %arg15[%dma_start3A_156, %dma_start3A_157] : memref<128x16xf32, #tpu.memory_space<vmem>> -> memref<16x16xf32, #tpu.memory_space<vmem>>
    tpu.enqueue_dma source(%dma_start3A_158 : memref<16x16xf32, #tpu.memory_space<vmem>>) target(%dma_start3A_155 : memref<16x16xf32, #tpu.memory_space<hbm>>) target_semaphore(%arg28 : memref<!tpu.dma_semaphore, #tpu.memory_space<semaphore_mem>>)
    %dma_wait3A_159 = arith.constant 0 : i32
    %dma_wait3A_160 = arith.constant 0 : i32
    %dma_wait3A_161 = tpu.memref_slice %arg8[%dma_wait3A_159, %dma_wait3A_160] : memref<320000x128xf32, #tpu.memory_space<hbm>> -> memref<128x128xf32, #tpu.memory_space<hbm>>
    %dma_wait3A_162 = arith.constant 0 : i32
    %dma_wait3A_163 = arith.constant 0 : i32
    %dma_wait3A_164 = tpu.memref_slice %arg8[%dma_wait3A_162, %dma_wait3A_163] : memref<320000x128xf32, #tpu.memory_space<hbm>> -> memref<128x128xf32, #tpu.memory_space<hbm>>
    tpu.wait_dma2 semaphore(%arg29 : memref<!tpu.dma_semaphore, #tpu.memory_space<semaphore_mem>>) src(%arg17 : memref<128x128xf32, #tpu.memory_space<vmem>>) dst(%dma_wait3A_164 : memref<128x128xf32, #tpu.memory_space<hbm>>)
    %dma_wait3A_165 = arith.constant 0 : i32
    %dma_wait3A_166 = arith.constant 0 : i32
    %dma_wait3A_167 = tpu.memref_slice %arg9[%dma_wait3A_165, %dma_wait3A_166] : memref<320000x16xf32, #tpu.memory_space<hbm>> -> memref<128x16xf32, #tpu.memory_space<hbm>>
    %dma_wait3A_168 = arith.constant 0 : i32
    %dma_wait3A_169 = arith.constant 0 : i32
    %dma_wait3A_170 = tpu.memref_slice %arg9[%dma_wait3A_168, %dma_wait3A_169] : memref<320000x16xf32, #tpu.memory_space<hbm>> -> memref<128x16xf32, #tpu.memory_space<hbm>>
    tpu.wait_dma2 semaphore(%arg29 : memref<!tpu.dma_semaphore, #tpu.memory_space<semaphore_mem>>) src(%arg19 : memref<128x16xf32, #tpu.memory_space<vmem>>) dst(%dma_wait3A_170 : memref<128x16xf32, #tpu.memory_space<hbm>>)
    %dma_wait3A_171 = arith.constant 0 : i32
    %dma_wait3A_172 = arith.constant 0 : i32
    %dma_wait3A_173 = tpu.memref_slice %arg8[%dma_wait3A_171, %dma_wait3A_172] : memref<320000x128xf32, #tpu.memory_space<hbm>> -> memref<128x128xf32, #tpu.memory_space<hbm>>
    %dma_wait3A_174 = arith.constant 0 : i32
    %dma_wait3A_175 = arith.constant 0 : i32
    %dma_wait3A_176 = tpu.memref_slice %arg8[%dma_wait3A_174, %dma_wait3A_175] : memref<320000x128xf32, #tpu.memory_space<hbm>> -> memref<128x128xf32, #tpu.memory_space<hbm>>
    tpu.wait_dma2 semaphore(%arg30 : memref<!tpu.dma_semaphore, #tpu.memory_space<semaphore_mem>>) src(%arg21 : memref<128x128xf32, #tpu.memory_space<vmem>>) dst(%dma_wait3A_176 : memref<128x128xf32, #tpu.memory_space<hbm>>)
    %dma_wait3A_177 = arith.constant 0 : i32
    %dma_wait3A_178 = arith.constant 0 : i32
    %dma_wait3A_179 = tpu.memref_slice %arg9[%dma_wait3A_177, %dma_wait3A_178] : memref<320000x16xf32, #tpu.memory_space<hbm>> -> memref<128x16xf32, #tpu.memory_space<hbm>>
    %dma_wait3A_180 = arith.constant 0 : i32
    %dma_wait3A_181 = arith.constant 0 : i32
    %dma_wait3A_182 = tpu.memref_slice %arg9[%dma_wait3A_180, %dma_wait3A_181] : memref<320000x16xf32, #tpu.memory_space<hbm>> -> memref<128x16xf32, #tpu.memory_space<hbm>>
    tpu.wait_dma2 semaphore(%arg30 : memref<!tpu.dma_semaphore, #tpu.memory_space<semaphore_mem>>) src(%arg23 : memref<128x16xf32, #tpu.memory_space<vmem>>) dst(%dma_wait3A_182 : memref<128x16xf32, #tpu.memory_space<hbm>>)
    %dma_wait3A_183 = arith.constant 0 : i32
    %dma_wait3A_184 = arith.constant 0 : i32
    %dma_wait3A_185 = tpu.memref_slice %arg13[%dma_wait3A_183, %dma_wait3A_184] : memref<128x128xf32, #tpu.memory_space<vmem>> -> memref<16x128xf32, #tpu.memory_space<vmem>>
    %dma_wait3A_186 = arith.constant 0 : i32
    %dma_wait3A_187 = arith.constant 0 : i32
    %dma_wait3A_188 = tpu.memref_slice %arg8[%dma_wait3A_186, %dma_wait3A_187] : memref<320000x128xf32, #tpu.memory_space<hbm>> -> memref<16x128xf32, #tpu.memory_space<hbm>>
    %dma_wait3A_189 = arith.constant 0 : i32
    %dma_wait3A_190 = arith.constant 0 : i32
    %dma_wait3A_191 = tpu.memref_slice %arg8[%dma_wait3A_189, %dma_wait3A_190] : memref<320000x128xf32, #tpu.memory_space<hbm>> -> memref<16x128xf32, #tpu.memory_space<hbm>>
    %dma_wait3A_192 = arith.constant 0 : i32
    %dma_wait3A_193 = arith.constant 0 : i32
    %dma_wait3A_194 = tpu.memref_slice %arg13[%dma_wait3A_192, %dma_wait3A_193] : memref<128x128xf32, #tpu.memory_space<vmem>> -> memref<16x128xf32, #tpu.memory_space<vmem>>
    tpu.wait_dma2 semaphore(%arg28 : memref<!tpu.dma_semaphore, #tpu.memory_space<semaphore_mem>>) src(%dma_wait3A_194 : memref<16x128xf32, #tpu.memory_space<vmem>>) dst(%dma_wait3A_191 : memref<16x128xf32, #tpu.memory_space<hbm>>)
    %dma_wait3A_195 = arith.constant 0 : i32
    %dma_wait3A_196 = arith.constant 0 : i32
    %dma_wait3A_197 = tpu.memref_slice %arg15[%dma_wait3A_195, %dma_wait3A_196] : memref<128x16xf32, #tpu.memory_space<vmem>> -> memref<16x16xf32, #tpu.memory_space<vmem>>
    %dma_wait3A_198 = arith.constant 0 : i32
    %dma_wait3A_199 = arith.constant 0 : i32
    %dma_wait3A_200 = tpu.memref_slice %arg9[%dma_wait3A_198, %dma_wait3A_199] : memref<320000x16xf32, #tpu.memory_space<hbm>> -> memref<16x16xf32, #tpu.memory_space<hbm>>
    %dma_wait3A_201 = arith.constant 0 : i32
    %dma_wait3A_202 = arith.constant 0 : i32
    %dma_wait3A_203 = tpu.memref_slice %arg9[%dma_wait3A_201, %dma_wait3A_202] : memref<320000x16xf32, #tpu.memory_space<hbm>> -> memref<16x16xf32, #tpu.memory_space<hbm>>
    %dma_wait3A_204 = arith.constant 0 : i32
    %dma_wait3A_205 = arith.constant 0 : i32
    %dma_wait3A_206 = tpu.memref_slice %arg15[%dma_wait3A_204, %dma_wait3A_205] : memref<128x16xf32, #tpu.memory_space<vmem>> -> memref<16x16xf32, #tpu.memory_space<vmem>>
    tpu.wait_dma2 semaphore(%arg28 : memref<!tpu.dma_semaphore, #tpu.memory_space<semaphore_mem>>) src(%dma_wait3A_206 : memref<16x16xf32, #tpu.memory_space<vmem>>) dst(%dma_wait3A_203 : memref<16x16xf32, #tpu.memory_space<hbm>>)
    return
  }
}

module attributes {stable_mosaic.version = 14 : i64} {
  func.func @_pre_body(%arg0: i32, %arg1: memref<2000x128xf32, #tpu.memory_space<vmem>>, %arg2: memref<128x128xf32, #tpu.memory_space<vmem>>, %arg3: memref<128x128xf32, #tpu.memory_space<vmem>>, %arg4: memref<128x128xf32, #tpu.memory_space<vmem>>, %arg5: memref<2000x128xf32, #tpu.memory_space<vmem>>, %arg6: memref<2000x128xf32, #tpu.memory_space<vmem>>, %arg7: memref<2000x128xf32, #tpu.memory_space<vmem>>) attributes {dimension_semantics = [#tpu.dimension_semantics<arbitrary>], iteration_bounds = array<i64: 5>, scalar_prefetch = 0 : i64, scratch_operands = 0 : i64, tpu.core_type = #tpu.core_type<tc>, window_params = [{transform_indices = @transform_0, window_bounds = array<i64: 2000, 128>}, {pipeline_mode = #tpu.pipeline_mode<synchronous>, transform_indices = @transform_1, window_bounds = array<i64: 128, 128>}, {pipeline_mode = #tpu.pipeline_mode<synchronous>, transform_indices = @transform_2, window_bounds = array<i64: 128, 128>}, {pipeline_mode = #tpu.pipeline_mode<synchronous>, transform_indices = @transform_3, window_bounds = array<i64: 128, 128>}, {transform_indices = @transform_4, window_bounds = array<i64: 2000, 128>}, {transform_indices = @transform_5, window_bounds = array<i64: 2000, 128>}, {transform_indices = @transform_6, window_bounds = array<i64: 2000, 128>}]} {
    %get3A = arith.constant 0 : index
    %get3A_0 = arith.constant 0 : index
    %get3A_1 = vector.load %arg1[%get3A, %get3A_0] : memref<2000x128xf32, #tpu.memory_space<vmem>>, vector<2000x128xf32>
    %get3A_2 = arith.constant 0 : index
    %get3A_3 = arith.constant 0 : index
    %get3A_4 = vector.load %arg2[%get3A_2, %get3A_3] : memref<128x128xf32, #tpu.memory_space<vmem>>, vector<128x128xf32>
    %dot_general3A = arith.constant dense<0.000000e+00> : vector<2000x128xf32>
    %dot_general3A_5 = tpu.matmul %get3A_1, %get3A_4, %dot_general3A {dimension_numbers = #tpu.dot_dimension_numbers<[1], [0], [0], [1], [0, 0, 1, 1], [], []>, transpose_lhs_hint = false} : vector<2000x128xf32>, vector<128x128xf32>, vector<2000x128xf32> -> vector<2000x128xf32>
    %swap3A = arith.constant 0 : index
    %swap3A_6 = arith.constant 0 : index
    %swap3A_7 = vector.load %arg5[%swap3A, %swap3A_6] : memref<2000x128xf32, #tpu.memory_space<vmem>>, vector<2000x128xf32>
    tpu.vector_store %arg5[%swap3A, %swap3A_6], %dot_general3A_5 {strides = array<i32>} : memref<2000x128xf32, #tpu.memory_space<vmem>>, vector<2000x128xf32>,
    %get3A_8 = arith.constant 0 : index
    %get3A_9 = arith.constant 0 : index
    %get3A_10 = vector.load %arg3[%get3A_8, %get3A_9] : memref<128x128xf32, #tpu.memory_space<vmem>>, vector<128x128xf32>
    %dot_general3A_11 = arith.constant dense<0.000000e+00> : vector<2000x128xf32>
    %dot_general3A_12 = tpu.matmul %get3A_1, %get3A_10, %dot_general3A_11 {dimension_numbers = #tpu.dot_dimension_numbers<[1], [0], [0], [1], [0, 0, 1, 1], [], []>, transpose_lhs_hint = false} : vector<2000x128xf32>, vector<128x128xf32>, vector<2000x128xf32> -> vector<2000x128xf32>
    %swap3A_13 = arith.constant 0 : index
    %swap3A_14 = arith.constant 0 : index
    %swap3A_15 = vector.load %arg6[%swap3A_13, %swap3A_14] : memref<2000x128xf32, #tpu.memory_space<vmem>>, vector<2000x128xf32>
    tpu.vector_store %arg6[%swap3A_13, %swap3A_14], %dot_general3A_12 {strides = array<i32>} : memref<2000x128xf32, #tpu.memory_space<vmem>>, vector<2000x128xf32>,
    %get3A_16 = arith.constant 0 : index
    %get3A_17 = arith.constant 0 : index
    %get3A_18 = vector.load %arg4[%get3A_16, %get3A_17] : memref<128x128xf32, #tpu.memory_space<vmem>>, vector<128x128xf32>
    %dot_general3A_19 = arith.constant dense<0.000000e+00> : vector<2000x128xf32>
    %dot_general3A_20 = tpu.matmul %get3A_1, %get3A_18, %dot_general3A_19 {dimension_numbers = #tpu.dot_dimension_numbers<[1], [0], [0], [1], [0, 0, 1, 1], [], []>, transpose_lhs_hint = false} : vector<2000x128xf32>, vector<128x128xf32>, vector<2000x128xf32> -> vector<2000x128xf32>
    %swap3A_21 = arith.constant 0 : index
    %swap3A_22 = arith.constant 0 : index
    %swap3A_23 = vector.load %arg7[%swap3A_21, %swap3A_22] : memref<2000x128xf32, #tpu.memory_space<vmem>>, vector<2000x128xf32>
    tpu.vector_store %arg7[%swap3A_21, %swap3A_22], %dot_general3A_20 {strides = array<i32>} : memref<2000x128xf32, #tpu.memory_space<vmem>>, vector<2000x128xf32>,
    return
  }
  func.func @transform_0(%arg0: i32) -> (i32, i32) {
    %c0_i32 = arith.constant 0 : i32
    %c0_i32_0 = arith.constant 0 : i32
    return %arg0, %c0_i32 : i32, i32
  }
  func.func @transform_1(%arg0: i32) -> (i32, i32) {
    %c0_i32 = arith.constant 0 : i32
    %c0_i32_0 = arith.constant 0 : i32
    %c0_i32_1 = arith.constant 0 : i32
    return %c0_i32, %c0_i32_0 : i32, i32
  }
  func.func @transform_2(%arg0: i32) -> (i32, i32) {
    %c0_i32 = arith.constant 0 : i32
    %c0_i32_0 = arith.constant 0 : i32
    %c0_i32_1 = arith.constant 0 : i32
    return %c0_i32, %c0_i32_0 : i32, i32
  }
  func.func @transform_3(%arg0: i32) -> (i32, i32) {
    %c0_i32 = arith.constant 0 : i32
    %c0_i32_0 = arith.constant 0 : i32
    %c0_i32_1 = arith.constant 0 : i32
    return %c0_i32, %c0_i32_0 : i32, i32
  }
  func.func @transform_4(%arg0: i32) -> (i32, i32) {
    %c0_i32 = arith.constant 0 : i32
    %c0_i32_0 = arith.constant 0 : i32
    return %arg0, %c0_i32 : i32, i32
  }
  func.func @transform_5(%arg0: i32) -> (i32, i32) {
    %c0_i32 = arith.constant 0 : i32
    %c0_i32_0 = arith.constant 0 : i32
    return %arg0, %c0_i32 : i32, i32
  }
  func.func @transform_6(%arg0: i32) -> (i32, i32) {
    %c0_i32 = arith.constant 0 : i32
    %c0_i32_0 = arith.constant 0 : i32
    return %arg0, %c0_i32 : i32, i32
  }
}

module attributes {stable_mosaic.version = 14 : i64} {
  func.func @_edge_body(%arg0: i32, %arg1: memref<2560x128xf32, #tpu.memory_space<vmem>>, %arg2: memref<2560x16xf32, #tpu.memory_space<vmem>>, %arg3: memref<2560x1xf32, #tpu.memory_space<vmem>>, %arg4: memref<128x128xf32, #tpu.memory_space<vmem>>, %arg5: memref<128x128xf32, #tpu.memory_space<vmem>>, %arg6: memref<16x128xf32, #tpu.memory_space<vmem>>, %arg7: memref<8x128xf32, #tpu.memory_space<vmem>>, %arg8: memref<2560x128xf32, #tpu.memory_space<vmem>>, %arg9: memref<1x20x128xf32, #tpu.memory_space<vmem>>) attributes {dimension_semantics = [#tpu.dimension_semantics<arbitrary>], iteration_bounds = array<i64: 125>, scalar_prefetch = 0 : i64, scratch_operands = 0 : i64, tpu.core_type = #tpu.core_type<tc>, window_params = [{transform_indices = @transform_0, window_bounds = array<i64: 2560, 128>}, {transform_indices = @transform_1, window_bounds = array<i64: 2560, 16>}, {transform_indices = @transform_2, window_bounds = array<i64: 2560, 1>}, {pipeline_mode = #tpu.pipeline_mode<synchronous>, transform_indices = @transform_3, window_bounds = array<i64: 128, 128>}, {pipeline_mode = #tpu.pipeline_mode<synchronous>, transform_indices = @transform_4, window_bounds = array<i64: 128, 128>}, {pipeline_mode = #tpu.pipeline_mode<synchronous>, transform_indices = @transform_5, window_bounds = array<i64: 16, 128>}, {pipeline_mode = #tpu.pipeline_mode<synchronous>, transform_indices = @transform_6, window_bounds = array<i64: 8, 128>}, {transform_indices = @transform_7, window_bounds = array<i64: 2560, 128>}, {transform_indices = @transform_8, window_bounds = array<i64: 1, 20, 128>}]} {
    %get3A = arith.constant 0 : index
    %get3A_0 = arith.constant 0 : index
    %get3A_1 = vector.load %arg1[%get3A, %get3A_0] : memref<2560x128xf32, #tpu.memory_space<vmem>>, vector<2560x128xf32>
    %get3A_2 = arith.constant 0 : index
    %get3A_3 = arith.constant 0 : index
    %get3A_4 = vector.load %arg7[%get3A_2, %get3A_3] : memref<8x128xf32, #tpu.memory_space<vmem>>, vector<8x128xf32>
    %slice3A = vector.extract_strided_slice %get3A_4 {offsets = [1, 0], sizes = [1, 128], strides = [1, 1]} : vector<8x128xf32> to vector<1x128xf32>
    %slice3A_5 = vector.extract_strided_slice %get3A_4 {offsets = [2, 0], sizes = [1, 128], strides = [1, 1]} : vector<8x128xf32> to vector<1x128xf32>
    %slice3A_6 = vector.extract_strided_slice %get3A_4 {offsets = [3, 0], sizes = [1, 128], strides = [1, 1]} : vector<8x128xf32> to vector<1x128xf32>
    %slice3A_7 = vector.extract_strided_slice %get3A_4 {offsets = [5, 0], sizes = [1, 128], strides = [1, 1]} : vector<8x128xf32> to vector<1x128xf32>
    %slice3A_8 = vector.extract_strided_slice %get3A_4 {offsets = [6, 0], sizes = [1, 128], strides = [1, 1]} : vector<8x128xf32> to vector<1x128xf32>
    %slice3A_9 = vector.extract_strided_slice %get3A_4 {offsets = [4, 0], sizes = [1, 1], strides = [1, 1]} : vector<8x128xf32> to vector<1x1xf32>
    %squeeze3A = vector.extract %slice3A_9[0, 0] : f32 from vector<1x1xf32>
    %slice3A_10 = vector.extract_strided_slice %get3A_4 {offsets = [4, 1], sizes = [1, 1], strides = [1, 1]} : vector<8x128xf32> to vector<1x1xf32>
    %squeeze3A_11 = vector.extract %slice3A_10[0, 0] : f32 from vector<1x1xf32>
    %get3A_12 = arith.constant 0 : index
    %get3A_13 = arith.constant 0 : index
    %get3A_14 = vector.load %arg2[%get3A_12, %get3A_13] : memref<2560x16xf32, #tpu.memory_space<vmem>>, vector<2560x16xf32>
    %get3A_15 = arith.constant 0 : index
    %get3A_16 = arith.constant 0 : index
    %get3A_17 = vector.load %arg6[%get3A_15, %get3A_16] : memref<16x128xf32, #tpu.memory_space<vmem>>, vector<16x128xf32>
    %dot_general3A = arith.constant dense<0.000000e+00> : vector<2560x128xf32>
    %dot_general3A_18 = tpu.matmul %get3A_14, %get3A_17, %dot_general3A {dimension_numbers = #tpu.dot_dimension_numbers<[1], [0], [0], [1], [0, 0, 1, 1], [], []>, transpose_lhs_hint = false} : vector<2560x16xf32>, vector<16x128xf32>, vector<2560x128xf32> -> vector<2560x128xf32>
    %add3A = arith.addf %get3A_1, %dot_general3A_18 : vector<2560x128xf32>
    %add3A_19 = vector.broadcast %slice3A : vector<1x128xf32> to vector<2560x128xf32>
    %add3A_20 = arith.addf %add3A, %add3A_19 : vector<2560x128xf32>
    %logistic3A = arith.negf %add3A_20 : vector<2560x128xf32>
    %logistic3A_21 = math.exp %logistic3A : vector<2560x128xf32>
    %logistic3A_22 = arith.constant 1.000000e+00 : f32
    %logistic3A_23 = vector.broadcast %logistic3A_22 : f32 to vector<2560x128xf32>
    %logistic3A_24 = arith.addf %logistic3A_23, %logistic3A_21 : vector<2560x128xf32>
    %logistic3A_25 = arith.divf %logistic3A_23, %logistic3A_24 : vector<2560x128xf32>
    %mul3A = arith.mulf %add3A_20, %logistic3A_25 : vector<2560x128xf32>
    %get3A_26 = arith.constant 0 : index
    %get3A_27 = arith.constant 0 : index
    %get3A_28 = vector.load %arg4[%get3A_26, %get3A_27] : memref<128x128xf32, #tpu.memory_space<vmem>>, vector<128x128xf32>
    %dot_general3A_29 = arith.constant dense<0.000000e+00> : vector<2560x128xf32>
    %dot_general3A_30 = tpu.matmul %mul3A, %get3A_28, %dot_general3A_29 {dimension_numbers = #tpu.dot_dimension_numbers<[1], [0], [0], [1], [0, 0, 1, 1], [], []>, transpose_lhs_hint = false} : vector<2560x128xf32>, vector<128x128xf32>, vector<2560x128xf32> -> vector<2560x128xf32>
    %add3A_31 = vector.broadcast %slice3A_5 : vector<1x128xf32> to vector<2560x128xf32>
    %add3A_32 = arith.addf %dot_general3A_30, %add3A_31 : vector<2560x128xf32>
    %logistic3A_33 = arith.negf %add3A_32 : vector<2560x128xf32>
    %logistic3A_34 = math.exp %logistic3A_33 : vector<2560x128xf32>
    %logistic3A_35 = arith.constant 1.000000e+00 : f32
    %logistic3A_36 = vector.broadcast %logistic3A_35 : f32 to vector<2560x128xf32>
    %logistic3A_37 = arith.addf %logistic3A_36, %logistic3A_34 : vector<2560x128xf32>
    %logistic3A_38 = arith.divf %logistic3A_36, %logistic3A_37 : vector<2560x128xf32>
    %mul3A_39 = arith.mulf %add3A_32, %logistic3A_38 : vector<2560x128xf32>
    %mul3A_40 = vector.broadcast %slice3A_7 : vector<1x128xf32> to vector<2560x128xf32>
    %mul3A_41 = arith.mulf %mul3A_39, %mul3A_40 : vector<2560x128xf32>
    %reduce_sum3A = arith.constant dense<0.000000e+00> : vector<2560xf32>
    %reduce_sum3A_42 = vector.multi_reduction <add>, %mul3A_41, %reduce_sum3A [1] : vector<2560x128xf32> to vector<2560xf32>
    %broadcast_in_dim3A = vector.shape_cast %reduce_sum3A_42 : vector<2560xf32> to vector<2560x1xf32>
    %add3A_43 = vector.broadcast %squeeze3A : f32 to vector<2560x1xf32>
    %add3A_44 = arith.addf %broadcast_in_dim3A, %add3A_43 : vector<2560x1xf32>
    %logistic3A_45 = arith.negf %add3A_44 : vector<2560x1xf32>
    %logistic3A_46 = math.exp %logistic3A_45 : vector<2560x1xf32>
    %logistic3A_47 = arith.constant 1.000000e+00 : f32
    %logistic3A_48 = vector.broadcast %logistic3A_47 : f32 to vector<2560x1xf32>
    %logistic3A_49 = arith.addf %logistic3A_48, %logistic3A_46 : vector<2560x1xf32>
    %logistic3A_50 = arith.divf %logistic3A_48, %logistic3A_49 : vector<2560x1xf32>
    %mul3A_51 = vector.broadcast %logistic3A_50 : vector<2560x1xf32> to vector<2560x128xf32>
    %mul3A_52 = arith.mulf %mul3A_39, %mul3A_51 : vector<2560x128xf32>
    %get3A_53 = arith.constant 0 : index
    %get3A_54 = arith.constant 0 : index
    %get3A_55 = vector.load %arg3[%get3A_53, %get3A_54] : memref<2560x1xf32, #tpu.memory_space<vmem>>, vector<2560x1xf32>
    %mul3A_56 = vector.broadcast %get3A_55 : vector<2560x1xf32> to vector<2560x128xf32>
    %mul3A_57 = arith.mulf %mul3A_52, %mul3A_56 : vector<2560x128xf32>
    %swap3A = arith.constant 0 : index
    %swap3A_58 = arith.constant 0 : index
    %swap3A_59 = vector.load %arg8[%swap3A, %swap3A_58] : memref<2560x128xf32, #tpu.memory_space<vmem>>, vector<2560x128xf32>
    tpu.vector_store %arg8[%swap3A, %swap3A_58], %mul3A_57 {strides = array<i32>} : memref<2560x128xf32, #tpu.memory_space<vmem>>, vector<2560x128xf32>,
    %get3A_60 = arith.constant 0 : index
    %get3A_61 = arith.constant 0 : index
    %get3A_62 = vector.load %arg5[%get3A_60, %get3A_61] : memref<128x128xf32, #tpu.memory_space<vmem>>, vector<128x128xf32>
    %dot_general3A_63 = arith.constant dense<0.000000e+00> : vector<2560x128xf32>
    %dot_general3A_64 = tpu.matmul %mul3A_57, %get3A_62, %dot_general3A_63 {dimension_numbers = #tpu.dot_dimension_numbers<[1], [0], [0], [1], [0, 0, 1, 1], [], []>, transpose_lhs_hint = false} : vector<2560x128xf32>, vector<128x128xf32>, vector<2560x128xf32> -> vector<2560x128xf32>
    %add3A_65 = vector.broadcast %slice3A_6 : vector<1x128xf32> to vector<2560x128xf32>
    %add3A_66 = arith.addf %dot_general3A_64, %add3A_65 : vector<2560x128xf32>
    %logistic3A_67 = arith.negf %add3A_66 : vector<2560x128xf32>
    %logistic3A_68 = math.exp %logistic3A_67 : vector<2560x128xf32>
    %logistic3A_69 = arith.constant 1.000000e+00 : f32
    %logistic3A_70 = vector.broadcast %logistic3A_69 : f32 to vector<2560x128xf32>
    %logistic3A_71 = arith.addf %logistic3A_70, %logistic3A_68 : vector<2560x128xf32>
    %logistic3A_72 = arith.divf %logistic3A_70, %logistic3A_71 : vector<2560x128xf32>
    %mul3A_73 = arith.mulf %add3A_66, %logistic3A_72 : vector<2560x128xf32>
    %mul3A_74 = vector.broadcast %slice3A_8 : vector<1x128xf32> to vector<2560x128xf32>
    %mul3A_75 = arith.mulf %mul3A_73, %mul3A_74 : vector<2560x128xf32>
    %reduce_sum3A_76 = arith.constant dense<0.000000e+00> : vector<2560xf32>
    %reduce_sum3A_77 = vector.multi_reduction <add>, %mul3A_75, %reduce_sum3A_76 [1] : vector<2560x128xf32> to vector<2560xf32>
    %broadcast_in_dim3A_78 = vector.shape_cast %reduce_sum3A_77 : vector<2560xf32> to vector<2560x1xf32>
    %add3A_79 = vector.broadcast %squeeze3A_11 : f32 to vector<2560x1xf32>
    %add3A_80 = arith.addf %broadcast_in_dim3A_78, %add3A_79 : vector<2560x1xf32>
    %reshape3A = vector.shape_cast %add3A_80 : vector<2560x1xf32> to vector<1x20x128xf32>
    %swap3A_81 = arith.constant 0 : index
    %swap3A_82 = arith.constant 0 : index
    %swap3A_83 = arith.constant 0 : index
    %swap3A_84 = vector.load %arg9[%swap3A_81, %swap3A_82, %swap3A_83] : memref<1x20x128xf32, #tpu.memory_space<vmem>>, vector<1x20x128xf32>
    tpu.vector_store %arg9[%swap3A_81, %swap3A_82, %swap3A_83], %reshape3A {strides = array<i32>} : memref<1x20x128xf32, #tpu.memory_space<vmem>>, vector<1x20x128xf32>,
    return
  }
  func.func @transform_0(%arg0: i32) -> (i32, i32) {
    %c0_i32 = arith.constant 0 : i32
    %c0_i32_0 = arith.constant 0 : i32
    return %arg0, %c0_i32 : i32, i32
  }
  func.func @transform_1(%arg0: i32) -> (i32, i32) {
    %c0_i32 = arith.constant 0 : i32
    %c0_i32_0 = arith.constant 0 : i32
    return %arg0, %c0_i32 : i32, i32
  }
  func.func @transform_2(%arg0: i32) -> (i32, i32) {
    %c0_i32 = arith.constant 0 : i32
    %c0_i32_0 = arith.constant 0 : i32
    return %arg0, %c0_i32 : i32, i32
  }
  func.func @transform_3(%arg0: i32) -> (i32, i32) {
    %c0_i32 = arith.constant 0 : i32
    %c0_i32_0 = arith.constant 0 : i32
    %c0_i32_1 = arith.constant 0 : i32
    return %c0_i32, %c0_i32_0 : i32, i32
  }
  func.func @transform_4(%arg0: i32) -> (i32, i32) {
    %c0_i32 = arith.constant 0 : i32
    %c0_i32_0 = arith.constant 0 : i32
    %c0_i32_1 = arith.constant 0 : i32
    return %c0_i32, %c0_i32_0 : i32, i32
  }
  func.func @transform_5(%arg0: i32) -> (i32, i32) {
    %c0_i32 = arith.constant 0 : i32
    %c0_i32_0 = arith.constant 0 : i32
    %c0_i32_1 = arith.constant 0 : i32
    return %c0_i32, %c0_i32_0 : i32, i32
  }
  func.func @transform_6(%arg0: i32) -> (i32, i32) {
    %c0_i32 = arith.constant 0 : i32
    %c0_i32_0 = arith.constant 0 : i32
    %c0_i32_1 = arith.constant 0 : i32
    return %c0_i32, %c0_i32_0 : i32, i32
  }
  func.func @transform_7(%arg0: i32) -> (i32, i32) {
    %c0_i32 = arith.constant 0 : i32
    %c0_i32_0 = arith.constant 0 : i32
    return %arg0, %c0_i32 : i32, i32
  }
  func.func @transform_8(%arg0: i32) -> (i32, i32, i32) {
    %c0_i32 = arith.constant 0 : i32
    %c0_i32_0 = arith.constant 0 : i32
    %c0_i32_1 = arith.constant 0 : i32
    return %arg0, %c0_i32, %c0_i32_0 : i32, i32, i32
  }
}

module attributes {stable_mosaic.version = 14 : i64} {
  func.func @_node_body(%arg0: i32, %arg1: memref<2000x128xf32, #tpu.memory_space<vmem>>, %arg2: memref<2000x128xf32, #tpu.memory_space<vmem>>, %arg3: memref<2x2000x128xf32, #tpu.memory_space<vmem>>, %arg4: memref<2x2000x16xf32, #tpu.memory_space<vmem>>, %arg5: memref<2000x16xf32, #tpu.memory_space<vmem>>, %arg6: memref<2000x1xf32, #tpu.memory_space<vmem>>, %arg7: memref<128x128xf32, #tpu.memory_space<vmem>>, %arg8: memref<128x128xf32, #tpu.memory_space<vmem>>, %arg9: memref<2x128xf32, #tpu.memory_space<vmem>>, %arg10: memref<2000x128xf32, #tpu.memory_space<vmem>>, %arg11: memref<2000x3xf32, #tpu.memory_space<vmem>>) attributes {dimension_semantics = [#tpu.dimension_semantics<arbitrary>], iteration_bounds = array<i64: 5>, scalar_prefetch = 0 : i64, scratch_operands = 0 : i64, tpu.core_type = #tpu.core_type<tc>, window_params = [{transform_indices = @transform_0, window_bounds = array<i64: 2000, 128>}, {transform_indices = @transform_1, window_bounds = array<i64: 2000, 128>}, {transform_indices = @transform_2, window_bounds = array<i64: 2, 2000, 128>}, {transform_indices = @transform_3, window_bounds = array<i64: 2, 2000, 16>}, {transform_indices = @transform_4, window_bounds = array<i64: 2000, 16>}, {transform_indices = @transform_5, window_bounds = array<i64: 2000, 1>}, {pipeline_mode = #tpu.pipeline_mode<synchronous>, transform_indices = @transform_6, window_bounds = array<i64: 128, 128>}, {pipeline_mode = #tpu.pipeline_mode<synchronous>, transform_indices = @transform_7, window_bounds = array<i64: 128, 128>}, {pipeline_mode = #tpu.pipeline_mode<synchronous>, transform_indices = @transform_8, window_bounds = array<i64: 2, 128>}, {transform_indices = @transform_9, window_bounds = array<i64: 2000, 128>}, {transform_indices = @transform_10, window_bounds = array<i64: 2000, 3>}]} {
    %get3A = arith.constant 0 : index
    %get3A_0 = arith.constant 0 : index
    %get3A_1 = vector.load %arg9[%get3A, %get3A_0] : memref<2x128xf32, #tpu.memory_space<vmem>>, vector<2x128xf32>
    %slice3A = vector.extract_strided_slice %get3A_1 {offsets = [0, 0], sizes = [1, 128], strides = [1, 1]} : vector<2x128xf32> to vector<1x128xf32>
    %slice3A_2 = vector.extract_strided_slice %get3A_1 {offsets = [1, 0], sizes = [1, 128], strides = [1, 1]} : vector<2x128xf32> to vector<1x128xf32>
    %get3A_3 = arith.constant 0 : index
    %get3A_4 = arith.constant 0 : index
    %get3A_5 = arith.constant 0 : index
    %get3A_6 = vector.load %arg3[%get3A_3, %get3A_4, %get3A_5] : memref<2x2000x128xf32, #tpu.memory_space<vmem>>, vector<2x2000x128xf32>
    %slice3A_7 = vector.extract_strided_slice %get3A_6 {offsets = [0, 0, 0], sizes = [1, 2000, 128], strides = [1, 1, 1]} : vector<2x2000x128xf32> to vector<1x2000x128xf32>
    %squeeze3A = vector.shape_cast %slice3A_7 : vector<1x2000x128xf32> to vector<2000x128xf32>
    %slice3A_8 = vector.extract_strided_slice %get3A_6 {offsets = [1, 0, 0], sizes = [1, 2000, 128], strides = [1, 1, 1]} : vector<2x2000x128xf32> to vector<1x2000x128xf32>
    %squeeze3A_9 = vector.shape_cast %slice3A_8 : vector<1x2000x128xf32> to vector<2000x128xf32>
    %add3A = arith.addf %squeeze3A, %squeeze3A_9 : vector<2000x128xf32>
    %get3A_10 = arith.constant 0 : index
    %get3A_11 = arith.constant 0 : index
    %get3A_12 = arith.constant 0 : index
    %get3A_13 = vector.load %arg4[%get3A_10, %get3A_11, %get3A_12] : memref<2x2000x16xf32, #tpu.memory_space<vmem>>, vector<2x2000x16xf32>
    %slice3A_14 = vector.extract_strided_slice %get3A_13 {offsets = [0, 0, 0], sizes = [1, 2000, 16], strides = [1, 1, 1]} : vector<2x2000x16xf32> to vector<1x2000x16xf32>
    %squeeze3A_15 = vector.shape_cast %slice3A_14 : vector<1x2000x16xf32> to vector<2000x16xf32>
    %slice3A_16 = vector.extract_strided_slice %get3A_13 {offsets = [1, 0, 0], sizes = [1, 2000, 16], strides = [1, 1, 1]} : vector<2x2000x16xf32> to vector<1x2000x16xf32>
    %squeeze3A_17 = vector.shape_cast %slice3A_16 : vector<1x2000x16xf32> to vector<2000x16xf32>
    %add3A_18 = arith.addf %squeeze3A_15, %squeeze3A_17 : vector<2000x16xf32>
    %get3A_19 = arith.constant 0 : index
    %get3A_20 = arith.constant 0 : index
    %get3A_21 = vector.load %arg6[%get3A_19, %get3A_20] : memref<2000x1xf32, #tpu.memory_space<vmem>>, vector<2000x1xf32>
    %get3A_22 = arith.constant 0 : index
    %get3A_23 = arith.constant 0 : index
    %get3A_24 = vector.load %arg2[%get3A_22, %get3A_23] : memref<2000x128xf32, #tpu.memory_space<vmem>>, vector<2000x128xf32>
    %get3A_25 = arith.constant 0 : index
    %get3A_26 = arith.constant 0 : index
    %get3A_27 = vector.load %arg7[%get3A_25, %get3A_26] : memref<128x128xf32, #tpu.memory_space<vmem>>, vector<128x128xf32>
    %dot_general3A = arith.constant dense<0.000000e+00> : vector<2000x128xf32>
    %dot_general3A_28 = tpu.matmul %add3A, %get3A_27, %dot_general3A {dimension_numbers = #tpu.dot_dimension_numbers<[1], [0], [0], [1], [0, 0, 1, 1], [], []>, transpose_lhs_hint = false} : vector<2000x128xf32>, vector<128x128xf32>, vector<2000x128xf32> -> vector<2000x128xf32>
    %add3A_29 = arith.addf %get3A_24, %dot_general3A_28 : vector<2000x128xf32>
    %add3A_30 = vector.broadcast %slice3A : vector<1x128xf32> to vector<2000x128xf32>
    %add3A_31 = arith.addf %add3A_29, %add3A_30 : vector<2000x128xf32>
    %logistic3A = arith.negf %add3A_31 : vector<2000x128xf32>
    %logistic3A_32 = math.exp %logistic3A : vector<2000x128xf32>
    %logistic3A_33 = arith.constant 1.000000e+00 : f32
    %logistic3A_34 = vector.broadcast %logistic3A_33 : f32 to vector<2000x128xf32>
    %logistic3A_35 = arith.addf %logistic3A_34, %logistic3A_32 : vector<2000x128xf32>
    %logistic3A_36 = arith.divf %logistic3A_34, %logistic3A_35 : vector<2000x128xf32>
    %mul3A = arith.mulf %add3A_31, %logistic3A_36 : vector<2000x128xf32>
    %get3A_37 = arith.constant 0 : index
    %get3A_38 = arith.constant 0 : index
    %get3A_39 = vector.load %arg1[%get3A_37, %get3A_38] : memref<2000x128xf32, #tpu.memory_space<vmem>>, vector<2000x128xf32>
    %get3A_40 = arith.constant 0 : index
    %get3A_41 = arith.constant 0 : index
    %get3A_42 = vector.load %arg8[%get3A_40, %get3A_41] : memref<128x128xf32, #tpu.memory_space<vmem>>, vector<128x128xf32>
    %dot_general3A_43 = arith.constant dense<0.000000e+00> : vector<2000x128xf32>
    %dot_general3A_44 = tpu.matmul %mul3A, %get3A_42, %dot_general3A_43 {dimension_numbers = #tpu.dot_dimension_numbers<[1], [0], [0], [1], [0, 0, 1, 1], [], []>, transpose_lhs_hint = false} : vector<2000x128xf32>, vector<128x128xf32>, vector<2000x128xf32> -> vector<2000x128xf32>
    %add3A_45 = arith.addf %get3A_39, %dot_general3A_44 : vector<2000x128xf32>
    %add3A_46 = vector.broadcast %slice3A_2 : vector<1x128xf32> to vector<2000x128xf32>
    %add3A_47 = arith.addf %add3A_45, %add3A_46 : vector<2000x128xf32>
    %mul3A_48 = vector.broadcast %get3A_21 : vector<2000x1xf32> to vector<2000x128xf32>
    %mul3A_49 = arith.mulf %add3A_47, %mul3A_48 : vector<2000x128xf32>
    %swap3A = arith.constant 0 : index
    %swap3A_50 = arith.constant 0 : index
    %swap3A_51 = vector.load %arg10[%swap3A, %swap3A_50] : memref<2000x128xf32, #tpu.memory_space<vmem>>, vector<2000x128xf32>
    tpu.vector_store %arg10[%swap3A, %swap3A_50], %mul3A_49 {strides = array<i32>} : memref<2000x128xf32, #tpu.memory_space<vmem>>, vector<2000x128xf32>,
    %slice3A_52 = vector.extract_strided_slice %add3A_18 {offsets = [0, 3], sizes = [2000, 1], strides = [1, 1]} : vector<2000x16xf32> to vector<2000x1xf32>
    %slice3A_53 = vector.extract_strided_slice %add3A_18 {offsets = [0, 0], sizes = [2000, 3], strides = [1, 1]} : vector<2000x16xf32> to vector<2000x3xf32>
    %div3A = vector.broadcast %slice3A_52 : vector<2000x1xf32> to vector<2000x3xf32>
    %div3A_54 = arith.divf %slice3A_53, %div3A : vector<2000x3xf32>
    %get3A_55 = arith.constant 0 : index
    %get3A_56 = arith.constant 0 : index
    %get3A_57 = vector.load %arg5[%get3A_55, %get3A_56] : memref<2000x16xf32, #tpu.memory_space<vmem>>, vector<2000x16xf32>
    %slice3A_58 = vector.extract_strided_slice %get3A_57 {offsets = [0, 0], sizes = [2000, 3], strides = [1, 1]} : vector<2000x16xf32> to vector<2000x3xf32>
    %add3A_59 = arith.addf %slice3A_58, %div3A_54 : vector<2000x3xf32>
    %mul3A_60 = vector.broadcast %get3A_21 : vector<2000x1xf32> to vector<2000x3xf32>
    %mul3A_61 = arith.mulf %add3A_59, %mul3A_60 : vector<2000x3xf32>
    %swap3A_62 = arith.constant 0 : index
    %swap3A_63 = arith.constant 0 : index
    %swap3A_64 = vector.load %arg11[%swap3A_62, %swap3A_63] : memref<2000x3xf32, #tpu.memory_space<vmem>>, vector<2000x3xf32>
    tpu.vector_store %arg11[%swap3A_62, %swap3A_63], %mul3A_61 {strides = array<i32>} : memref<2000x3xf32, #tpu.memory_space<vmem>>, vector<2000x3xf32>,
    return
  }
  func.func @transform_0(%arg0: i32) -> (i32, i32) {
    %c0_i32 = arith.constant 0 : i32
    %c0_i32_0 = arith.constant 0 : i32
    return %arg0, %c0_i32 : i32, i32
  }
  func.func @transform_1(%arg0: i32) -> (i32, i32) {
    %c0_i32 = arith.constant 0 : i32
    %c0_i32_0 = arith.constant 0 : i32
    return %arg0, %c0_i32 : i32, i32
  }
  func.func @transform_2(%arg0: i32) -> (i32, i32, i32) {
    %c0_i32 = arith.constant 0 : i32
    %c0_i32_0 = arith.constant 0 : i32
    %c0_i32_1 = arith.constant 0 : i32
    return %c0_i32, %arg0, %c0_i32_0 : i32, i32, i32
  }
  func.func @transform_3(%arg0: i32) -> (i32, i32, i32) {
    %c0_i32 = arith.constant 0 : i32
    %c0_i32_0 = arith.constant 0 : i32
    %c0_i32_1 = arith.constant 0 : i32
    return %c0_i32, %arg0, %c0_i32_0 : i32, i32, i32
  }
  func.func @transform_4(%arg0: i32) -> (i32, i32) {
    %c0_i32 = arith.constant 0 : i32
    %c0_i32_0 = arith.constant 0 : i32
    return %arg0, %c0_i32 : i32, i32
  }
  func.func @transform_5(%arg0: i32) -> (i32, i32) {
    %c0_i32 = arith.constant 0 : i32
    %c0_i32_0 = arith.constant 0 : i32
    return %arg0, %c0_i32 : i32, i32
  }
  func.func @transform_6(%arg0: i32) -> (i32, i32) {
    %c0_i32 = arith.constant 0 : i32
    %c0_i32_0 = arith.constant 0 : i32
    %c0_i32_1 = arith.constant 0 : i32
    return %c0_i32, %c0_i32_0 : i32, i32
  }
  func.func @transform_7(%arg0: i32) -> (i32, i32) {
    %c0_i32 = arith.constant 0 : i32
    %c0_i32_0 = arith.constant 0 : i32
    %c0_i32_1 = arith.constant 0 : i32
    return %c0_i32, %c0_i32_0 : i32, i32
  }
  func.func @transform_8(%arg0: i32) -> (i32, i32) {
    %c0_i32 = arith.constant 0 : i32
    %c0_i32_0 = arith.constant 0 : i32
    %c0_i32_1 = arith.constant 0 : i32
    return %c0_i32, %c0_i32_0 : i32, i32
  }
  func.func @transform_9(%arg0: i32) -> (i32, i32) {
    %c0_i32 = arith.constant 0 : i32
    %c0_i32_0 = arith.constant 0 : i32
    return %arg0, %c0_i32 : i32, i32
  }
  func.func @transform_10(%arg0: i32) -> (i32, i32) {
    %c0_i32 = arith.constant 0 : i32
    %c0_i32_0 = arith.constant 0 : i32
    return %arg0, %c0_i32 : i32, i32
  }
}

</mosaic_0001>

<sc_bundles>
// kernel: kernel.10.cloned.1.call-start
scs
__scs_entry_jumppad:
0x0: {  	(pc) =	sbr.rel $0x88, $3  }
0x1: {  	(tag) =	ssettag $0x0;
	lr =	simm.s32 $0x1  }
0x2: {  	[smem:$0x3F8D] =	sst lr;
	_ =	strace $0xD0000000  }
0x3: {  	_ = 	snop  }
0x4: {  	_ = 	snop  }
0x5: {  	_ = 	snop  }
0x6: {  	_ = 	snop  }
0x7: {  	_ = 	snop  }
__scs_overlays_trampoline_lowered:
0x8: {  	[smem:$0x3F9C] =	sst s0  }
0x9: {  	[smem:$0x3F9D] =	sst s1  }
0xa: {  	[smem:$0x3F9E] =	sst s2  }
0xb: {  	[smem:$0x3F9F] =	sst s3  }
0xc: {  	[smem:$0x3FA0] =	sst s4  }
0xd: {  	[smem:$0x3FA1] =	sst s5  }
0xe: {  	[smem:$0x3FA2] =	sst s6  }
0xf: {  	[smem:$0x3FA3] =	sst s7  }
0x10: {  	[smem:$0x3FA4] =	sst s8  }
0x11: {  	[smem:$0x3FA5] =	sst s9;
	s0 =	simm.s32 @!p0 $0x0  }
0x12: {  	s1 =	sld [smem:$0x3F8B];
	s0 =	simm.s32 @p0 $0x1  }
0x13: {  	[smem:$0x3FA6] =	sst s0;
	s0 =	simm.s32 @!p1 $0x0  }
0x14: {  	s2 =	sld [smem:$0x3F8A];
	s0 =	simm.s32 @p1 $0x1  }
0x15: {  	[smem:$0x3FA7] =	sst s0;
	s0 =	simm.s32 @!p2 $0x0  }
0x16: {  	s3 =	sld [smem:$0x3FDB];
	s0 =	simm.s32 @p2 $0x1  }
0x17: {  	s4 =	simm.s32 $0x1BF5;
	[smem:$0x3FA9] =	sst s0  }
0x18: {  	s0 =	sld [smem:$0x3F8C];
	_ =	swait.ge [sflag:s4], $0x0  }
0x19: {  	s7 =	sld [smem:$0x3F8D]  }
0x1a: {  	s8 =	sadd.s32 $0xFFFFE003, lr  }
0x1b: {  	s9 =	sadd.s32 $0xFFFFFEF7, lr;
	s5 =	simm.s32 $0xFFFFFFFF;
	p2 =	slt.u32 s8, $0xFFFFF086  }
0x1c: {  	p1 =	slt.u32 s9, $0xF7A;
	s5 =	simm.s32 @!p2 $0x0  }
0x1d: {  	s5 =	simm.s32 @p1 $0x1;
	p0 =	seq.s32 s7, s2  }
0x1e: {  	s7 =	smul.u32 @!p0 $0xF7A, s2;
	p2 =	seq.s32 @!p0 s5, $0x0  }
0x1f: {  	s9 =	smul.u32 $0xF7A, s1;
	s8 =	simm.s32 @!p0 $0x1BF5;
	p2 =	por !p2, p0  }
0x20: {  	[sflag:s8] =	ssyncset.s32 @!p0 $0xFFFFF086;
	s6 =	sadd.s32 @!p0 s3, s7;
	s7 =	simm.s32 @!p0 $0x108  }
0x21: {  	s3 =	sadd.s32 s3, s9;
	s6 =	sadd.s32 @!p0 $0x88, s6;
	s7 =	simm.s32 @p2 $0x1082  }
0x22: {  	[simem:s7], [sflag:s8] =	dma.local @!p0 [hbm:s6], $0xF7A  }
0x23: {  	s9 =	sor.u32 $0xD0000000, s2;
	s6 =	simm.s32 $0x108;
	_ =	swait.ge @!p0 [sflag:s8], $0x0  }
0x24: {  	s3 =	sadd.s32 $0x88, s3;
	s6 =	simm.s32 @!p1 $0x1082;
	[sflag:s4] =	ssyncset.s32 $0xFFFFF086  }
0x25: {  	[simem:s6], [sflag:s4] =	dma.local [hbm:s3], $0xF7A  }
0x26: {  	[smem:$0x3F8D] =	sst s1;
	(tag) =	ssettag s2;
	_ =	strace s9  }
0x27: {  	s1 =	sld [smem:$0x3F9D]  }
0x28: {  	s2 =	sld [smem:$0x3F9E]  }
0x29: {  	s4 =	sld [smem:$0x3FA0]  }
0x2a: {  	p0 =	seq.s32 s5, $0x0;
	s5 =	sld [smem:$0x3FA1]  }
0x2b: {  	s6 =	sld [smem:$0x3FA2]  }
0x2c: {  	s7 =	sld [smem:$0x3FA3]  }
0x2d: {  	s3 =	simm.s32 $0x108;
	s8 =	sld [smem:$0x3FA4]  }
0x2e: {  	s3 =	simm.s32 @!p0 $0x1082;
	s9 =	sld [smem:$0x3FA5]  }
0x2f: {  	lr =	sadd.s32 s0, s3;
	s0 =	sld [smem:$0x3F9C]  }
0x30: {  	s3 =	sld [smem:$0x3F9F]  }
0x31: {  	[smem:$0x3FA8] =	sst s10  }
0x32: {  	s10 =	sld [smem:$0x3FA6];
	_ =	sdelay $0x3  }
0x33: {  	p0 =	seq.s32 s10, $0x1;
	s10 =	sld [smem:$0x3FA8];
	_ =	sdelay $0x3  }
0x34: {  	[smem:$0x3FA8] =	sst s10  }
0x35: {  	s10 =	sld [smem:$0x3FA7];
	_ =	sdelay $0x3  }
0x36: {  	p1 =	seq.s32 s10, $0x1;
	s10 =	sld [smem:$0x3FA8];
	_ =	sdelay $0x3  }
0x37: {  	[smem:$0x3FA8] =	sst s10  }
0x38: {  	s10 =	sld [smem:$0x3FA9]  }
0x39: {  	_ = 	snop;
	(pc) =	sbr.ind lr, $3  }
0x3a: {  	_ = 	snop  }
0x3b: {  	_ = 	snop  }
0x3c: {  	p2 =	seq.s32 s10, $0x1;
	s10 =	sld [smem:$0x3FA8]  }
0x3d: {  	_ =	shalt  }
0x3e: {  	_ =	shalt  }
0x3f: {  	_ =	shalt  }
0x40: {  	_ =	shalt  }
0x41: {  	_ =	shalt  }
0x42: {  	_ =	shalt  }
0x43: {  	_ =	shalt  }
0x44: {  	_ =	shalt  }
0x45: {  	_ =	shalt  }
0x46: {  	_ =	shalt  }
0x47: {  	_ =	shalt  }
0x48: {  	_ =	shalt  }
0x49: {  	_ =	shalt  }
0x4a: {  	_ =	shalt  }
0x4b: {  	_ =	shalt  }
0x4c: {  	_ =	shalt  }
0x4d: {  	_ =	shalt  }
0x4e: {  	_ =	shalt  }
0x4f: {  	_ =	shalt  }
0x50: {  	_ =	shalt  }
0x51: {  	_ =	shalt  }
0x52: {  	_ =	shalt  }
0x53: {  	_ =	shalt  }
0x54: {  	_ =	shalt  }
0x55: {  	_ =	shalt  }
0x56: {  	_ =	shalt  }
0x57: {  	_ =	shalt  }
0x58: {  	_ =	shalt  }
0x59: {  	_ =	shalt  }
0x5a: {  	_ =	shalt  }
0x5b: {  	_ =	shalt  }
0x5c: {  	_ =	shalt  }
0x5d: {  	_ =	shalt  }
0x5e: {  	_ =	shalt  }
0x5f: {  	_ =	shalt  }
0x60: {  	_ =	shalt  }
0x61: {  	_ =	shalt  }
0x62: {  	_ =	shalt  }
0x63: {  	_ =	shalt  }
0x64: {  	_ =	shalt  }
0x65: {  	_ =	shalt  }
0x66: {  	_ =	shalt  }
0x67: {  	_ =	shalt  }
0x68: {  	_ =	shalt  }
0x69: {  	_ =	shalt  }
0x6a: {  	_ =	shalt  }
0x6b: {  	_ =	shalt  }
0x6c: {  	_ =	shalt  }
0x6d: {  	_ =	shalt  }
0x6e: {  	_ =	shalt  }
0x6f: {  	_ =	shalt  }
0x70: {  	_ =	shalt  }
0x71: {  	_ =	shalt  }
0x72: {  	_ =	shalt  }
0x73: {  	_ =	shalt  }
0x74: {  	_ =	shalt  }
0x75: {  	_ =	shalt  }
0x76: {  	_ =	shalt  }
0x77: {  	_ =	shalt  }
0x78: {  	_ =	shalt  }
0x79: {  	_ =	shalt  }
0x7a: {  	_ =	shalt  }
0x7b: {  	_ =	shalt  }
0x7c: {  	_ =	shalt  }
0x7d: {  	_ =	shalt  }
0x7e: {  	_ =	shalt  }
0x7f: {  	_ =	shalt  }
0x80: {  	_ =	shalt  }
0x81: {  	_ =	shalt  }
0x82: {  	_ =	shalt  }
0x83: {  	_ =	shalt  }
0x84: {  	_ =	shalt  }
0x85: {  	_ =	shalt  }
0x86: {  	_ =	shalt  }
0x87: {  	_ =	shalt  }
.Lfunc_end0:
.L_simem_size_0:
called_computation.1_lowered:
.L_overlay_start_0:
0x88: {  	s2 =	sld [smem:$0x3FD9]  }
0x89: {  	s3 =	sld [smem:$0x3FFE];
	_ =	sdelay $0x1  }
0x8a: {  	s1 =	srdreg.scid  }
0x8b: {  	s0 =	sand.u32 $0x1, s1  }
0x8c: {  	s16 =	sshll.u32 s0, $0xA;
	s2 =	sadd.s32 s3, s2  }
0x8d: {  	s2 =	sadd.s32 s2, s16  }
0x8e: {  	[smem:$0x3FB4] =	sst s2  }
0x8f: {  	_ = 	snop  }
0x90: {  	(tm) =	ssettm $0x1  }
0x91: {  	s17 =	sld [smem:$0x3FFB];
	_ =	sdelay $0x3  }
0x92: {  	_ =	strace s17  }
0x93: {  	s2 =	sld [smem:$0x3FFC];
	_ =	sdelay $0x3  }
0x94: {  	_ =	strace s2  }
0x95: {  	s2 =	sld [smem:$0x3FFD];
	_ =	sdelay $0x3  }
0x96: {  	_ =	strace s2  }
0x97: {  	_ =	strace $0x8FFFFFFF  }
0x98: {  	s18 =	sld [smem:$0x3FDB];
	_ =	sdelay $0x1  }
0x99: {  	s19 =	simm.s32 $_scs_section_size  }
0x9a: {  	s4 =	simm.s32 $_size__tile_overlayer_lowered;
	s5 =	simm.s32 $_tile_overlayer_lowered  }
0x9b: {  	s22 =	simm.s32 $0x1BFF;
	s21 =	sshll.u32 s5, $0x1;
	s2 =	sadd.s32 s19, s18  }
0x9c: {  	s6 =	simm.s32 $0x0;
	s20 =	sshll.u32 s4, $0x1;
	s4 =	sadd.s32 s21, s2  }
0x9d: {  	[timem:s6], [sflag:s22] =	dma.local [hbm:s4], s20  }
0x9e: {  	_ =	swait.ge [sflag:s22], s20  }
0x9f: {  	s3 =	ssub.s32 $0x0, s20;
	[sflag:s22] =	ssyncset.done $0x0  }
0xa0: {  	[sflag:s22] =	ssyncadd.s32 s3;
	_ =	sdelay $0x1  }
0xa1: {  	s23 =	simm.s32 $0x1B8B  }
0xa2: {  	_ =	swait.ge [sflag:s23], $0x1  }
0xa3: {  	[sflag:s23] =	ssyncset.done $0x0  }
0xa4: {  	s25 =	simm.s32 $0x1B8E;
	s24 =	sld [smem:$0x3FFE];
	[sflag:s23] =	ssyncadd.s32 $0xFFFFFFFF  }
0xa5: {  	s26 =	simm.s32 $execute0_lowered;
	[smem:$0x3FD2] =	sst s25  }
0xa6: {  	s4 =	sshll.u32 s26, $0x1;
	_ =	strace $0x80000049;
	[dreg:$0x1] =	wrdreg $0xFFFFFFFF  }
0xa7: {  	s28 =	simm.s32 $_size_execute0_lowered;
	s2 =	sadd.s32 s2, s4;
	[dreg:$0x0] =	wrdreg $0x0  }
0xa8: {  	s4 =	sshll.u32 s28, $0x1;
	[dreg:$0x2] =	wrdreg s2  }
0xa9: {  	[dreg:$0x3] =	wrdreg s4  }
0xaa: {  	[dreg:$0x4] =	wrdreg $0xC0  }
0xab: {  	_ =	task [dreg:s6], $0x5FFFF  }
0xac: {  	[dreg:$0x1] =	wrdreg $0xFFFFFFFF  }
0xad: {  	[dreg:$0x0] =	wrdreg $0x60  }
0xae: {  	[dreg:$0x2] =	wrdreg s24  }
0xaf: {  	[dreg:$0x3] =	wrdreg $0xA0100  }
0xb0: {  	[dreg:$0x4] =	wrdreg $0x1D8900  }
0xb1: {  	[dreg:$0x5] =	wrdreg $0x9  }
0xb2: {  	_ =	task.clear_ibuf [dreg:s6], $0x6FFFF;
	_ =	strace $0x90000049  }
0xb3: {  	s29 =	simm.s32 $0x9;
	_ =	strace $0x8000004B  }
0xb4: {  	_ =	swait.ge [sflag:s29], $0x1  }
0xb5: {  	[sflag:s29] =	ssyncadd.s32 $0xFFFFFFFF  }
0xb6: {  	_ =	strace $0x9000004B  }
0xb7: {  	_ =	sfence  }
0xb8: {  	s30 =	sld [smem:$0x0];
	_ =	sdelay $0x2  }
0xb9: {  	s31 =	sshll.u32 s1, $0xD;
	s1 =	sshrl.u32 s1, $0x2  }
0xba: {  	s3 =	sand.u32 $0x4000, s31;
	s1 =	sadd.s32 s1, s30  }
0xbb: {  	s0 =	sor.u32 s3, s0;
	s1 =	sshll.u32 s1, $0x11  }
0xbc: {  	s0 =	sor.u32 s1, s0  }
0xbd: {  	s0 =	sadd.s32 $0x8F2B, s0  }
0xbe: {  	[sflag:s0] =	ssyncadd.remote.s32 $0x1  }
0xbf: {  	_ =	sfence.sel $0xFFFF  }
0xc0: {  	[dreg:$0x0] =	wrdreg $0xFFFFFFFF;
	(pc) =	sbr.abs _section_cstart, $3  }
0xc1: {  	[dreg:$0x1] =	wrdreg $0xFFFFFFFF  }
0xc2: {  	_ =	task.clear_ibuf [dreg:s6], $0x2FFFF;
	_ =	strace $0x9FFFFFFF  }
0xc3: {  	(tm) =	ssettm $0x7FFFFFFF  }
tec
execute0_lowered:
.L_overlay_start_1:
0x0: {  	(tag) =	ssettag $0x1  }
0x1: {  	s0 =	rddreg [dreg:$0x0]  }
0x2: {  	s1 =	rddreg [dreg:$0x1];
	s4 =	simm.s32 $0x0  }
0x3: {  	s3 =	srdreg.scid;
	s17 =	stileid.u32;
	s28 =	simm.s32 $0xC80  }
0x4: {  	s29 =	simm.s32 $0xE10;
	s30 =	simm.s32 $0xE90;
	s10 =	smul.u32 $0x13880, s17  }
0x5: {  	s31 =	simm.s32 $0x4E90;
	[smem:$0x7FF] =	sst s4;
	s12 =	smul.u32 $0x2710, s17  }
0x6: {  	s3 =	sand.u32 $0x1, s3;
	s6 =	sadd.s32 $0xFD6800, s0;
	s19 =	smul.u32 $0x9C40, s17  }
0x7: {  	s5 =	sadd.s32 $0x10000, s0;
	s7 =	sadd.s32 $0x576400, s0;
	s20 =	smul.u32 $0x4E200, s17  }
0x8: {  	s2 =	rddreg [dreg:$0x2];
	s8 =	smul.u32 $0x138800, s3;
	_ =	strace $0x8000004A  }
0x9: {  	s9 =	smul.u32 $0x27100, s3;
	s13 =	sshll.u32 s3, $0x4;
	s3 =	ssub.s32 $0x2, s3  }
0xa: {  	s13 =	sor.u32 s17, s13;
	s21 =	sshrl.u32 s3, $0x1;
	s17 =	simm.s32 $0x3  }
0xb: {  	s11 =	sadd.s32 s10, s8;
	s8 =	sadd.s32 $0x6000, s0;
	s9 =	sadd.s32 s12, s9  }
0xc: {  	s15 =	smul.u32 $0x27100, s13;
	s3 =	ssub.s32 s3, s21;
	s10 =	sadd.s32 s10, s1  }
0xd: {  	s21 =	sadd.s32 s12, s2;
	s14 =	sshrl.u32 s9, $0x3;
	s9 =	smul.u32 $0x2710, s13  }
0xe: {  	s12 =	simm.s32 $0x9790;
	s11 =	sshrl.u32 s11, $0x3;
	s13 =	smul.u32 $0x4E20, s13  }
0xf: {  	s3 =	smax.u32 s3, $0x1;
	s11 =	sadd.s32 s11, s0;
	s0 =	sadd.s32 s14, s0  }
0x10: {  	s15 =	sadd.s32 s6, s15;
	[dreg:$0xe] =	wrdreg s3;
	s3 =	simm.s32 $0x1  }
0x11: {  	s22 =	sshrl.u32 s9, $0x3;
	[dreg:$0x5] =	wrdreg s15;
	s13 =	sadd.s32 s7, s13  }
0x12: {  	s23 =	sadd.s32 $0x2700, s9;
	s11 =	sadd.s32 $0x4AE00, s11;
	[dreg:$0x6] =	wrdreg s13  }
0x13: {  	s14 =	sadd.s32 $0x100, s9;
	s0 =	sadd.s32 $0x41000, s0;
	[dreg:$0xc] =	wrdreg s11  }
0x14: {  	s16 =	sadd.s32 s5, s22;
	s24 =	sadd.s32 s8, s22;
	[dreg:$0xd] =	wrdreg s0  }
0x15: {  	s25 =	sshrl.u32 s23, $0x3;
	s18 =	sshll.u32 s23, $0x4;
	[dreg:$0x4] =	wrdreg s16  }
0x16: {  	s15 =	sshll.u32 s23, $0x1;
	s0 =	sshrl.u32 s21, $0x3;
	[dreg:$0x7] =	wrdreg s24  }
0x17: {  	s23 =	sshrl.u32 s19, $0x2;
	s26 =	sadd.s32 s5, s25;
	[dreg:$0x11] =	wrdreg s0  }
0x18: {  	s21 =	simm.s32 $0x5690;
	s16 =	sadd.s32 s6, s18;
	[dreg:$0x8] =	wrdreg s26  }
0x19: {  	s11 =	simm.s32 $0x5790;
	s15 =	sadd.s32 s7, s15;
	[dreg:$0x9] =	wrdreg s16  }
0x1a: {  	s19 =	simm.s32 $0x0;
	s13 =	sadd.s32 s8, s25;
	[dreg:$0xa] =	wrdreg s15  }
0x1b: {  	s24 =	sshrl.u32 s20, $0x2;
	s22 =	sadd.s32 s23, s2;
	[dreg:$0xb] =	wrdreg s13  }
0x1c: {  	s25 =	sadd.s32 s24, s1;
	s26 =	sshrl.u32 s10, $0x3;
	s10 =	simm.s32 $0x5710  }
0x1d: {  	v0 =	vimm.f32 $0.0e+00;
	vm0 =	vcmask $0xF0C;
	s13 =	simm.s32 $0x9F90;
	s15 =	simm.s32 $0x80;
	[dreg:$0xf] =	wrdreg s25  }
0x1e: {  	v1 =	vsel vm0, $0x3F800000, v0;
	vm0 =	vmmov $0xffff;
	s16 =	simm.s32 $0x2;
	[dreg:$0x10] =	wrdreg s26;
	s26 =	simm.s32 $0x5  }
.LBB2_1:
0x1f: {  	s0 =	simm.s32 $0x40  }
0x20: {  	[tilespmem:s0+$0xFFFFFFD0] =	vst v0  }
0x21: {  	[tilespmem:s0+$0xFFFFFFE0] =	vst v0  }
0x22: {  	[tilespmem:s0+$0xFFFFFFF0] =	vst v0  }
0x23: {  	[tilespmem:s0+$0x0] =	vst v0  }
0x24: {  	[tilespmem:s0+$0x10] =	vst v0  }
0x25: {  	[tilespmem:s0+$0x20] =	vst v0  }
0x26: {  	[tilespmem:s0+$0x30] =	vst v0  }
0x27: {  	s18 =	simm.s32 $0x0;
	s20 =	simm.s32 $0x40;
	[tilespmem:s0+$0xFFFFFFC0] =	vst v0  }
.LBB2_2:
0x28: {  	p0 =	sne.s32 s20, $0x600;
	[tilespmem:s18+$0xC80] =	vst v0;
	s0 =	sadd.s32 $0x80, s0  }
0x29: {  	[tilespmem:s0+$0xFFFFFFD0] =	vst v0  }
0x2a: {  	[tilespmem:s0+$0xFFFFFFE0] =	vst v0  }
0x2b: {  	[tilespmem:s0+$0xFFFFFFF0] =	vst v0  }
.Ltmp0:
0x2c: {  	[tilespmem:s0+$0x0] =	vst v0;
	(pc) =	sbr.rel @p0 .LBB2_2-.Ltmp0, $4  }
0x2d: {  	[tilespmem:s0+$0x10] =	vst v0  }
0x2e: {  	[tilespmem:s0+$0x20] =	vst v0  }
0x2f: {  	[tilespmem:s0+$0x30] =	vst v0  }
0x30: {  	s18 =	sshra.s32 s20, $0x2;
	s20 =	sadd.s32 $0x40, s20;
	[tilespmem:s0+$0xFFFFFFC0] =	vst v0  }
0x31: {  	[tilespmem:s18+$0xC80] =	vst v0;
	s20 =	rddreg [dreg:$0xf]  }
0x32: {  	[spmem:s20] =	stream.linear.scatter [tilespmem:s4], [sflag:$0x5], $0xC80, $0x38;
	[tilespmem:$0x1FFA0] =	vst v63  }
0x33: {  	_ =	swait.ge [sflag:s26], $0xC80  }
0x34: {  	[sflag:s26] =	ssyncset.done $0x0  }
0x35: {  	s0 =	sadd.s32 $0x0, s22;
	[sflag:s26] =	ssyncadd.s32 $0xFFFFF380  }
0x36: {  	[spmem:s0] =	stream.linear.scatter [tilespmem:s28], [sflag:$0x5], $0x190, $0x38;
	[tilespmem:$0x1FFA0] =	vst v63  }
0x37: {  	_ =	swait.ge [sflag:s26], $0x190  }
0x38: {  	s0 =	simm.s32 $0x640;
	[sflag:s26] =	ssyncset.done $0x0  }
.LBB2_4:
0x39: {  	p0 =	sne.s32 s0, $0x9600;
	[sflag:s26] =	ssyncadd.s32 $0xFFFFFE70;
	s20 =	sadd.s32 $0xC80, s20  }
0x3a: {  	[spmem:s20] =	stream.linear.scatter [tilespmem:s4], [sflag:$0x5], $0xC80, $0x38;
	[tilespmem:$0x1FFA0] =	vst v63  }
0x3b: {  	s18 =	smov.u32 s0;
	s0 =	sadd.s32 $0x640, s0;
	_ =	swait.ge [sflag:s26], $0xC80  }
.Ltmp1:
0x3c: {  	s18 =	sshra.s32 s18, $0x2;
	[sflag:s26] =	ssyncset.done $0x0;
	(pc) =	sbr.rel @p0 .LBB2_4-.Ltmp1, $4  }
0x3d: {  	s18 =	sadd.s32 s18, s22;
	[sflag:s26] =	ssyncadd.s32 $0xFFFFF380  }
0x3e: {  	[spmem:s18] =	stream.linear.scatter [tilespmem:s28], [sflag:$0x5], $0x190, $0x38;
	[tilespmem:$0x1FFA0] =	vst v63  }
0x3f: {  	_ =	swait.ge [sflag:s26], $0x190  }
0x40: {  	[sflag:s26] =	ssyncset.done $0x0  }
0x41: {  	[sflag:s26] =	ssyncadd.s32 $0xFFFFFE70  }
0x42: {  	[bflag:$0x0] =	sbarrier.arrive $0xFFFF  }
0x43: {  	s20 =	simm.s32 $0x0;
	s0 =	rddreg [dreg:$0x4]  }
0x44: {  	[tilespmem:s29], [sflag:$0x1] =	stream.linear.gather [hbm4b:s0+s20], $0x80, $0x38;
	[tilespmem:$0x1FFA0] =	vst v63  }
0x45: {  	s23 =	rddreg [dreg:$0x5]  }
0x46: {  	[tilespmem:s30], [sflag:$0x1] =	stream.linear.gather [hbm4b:s23+s20], $0x4000, $0x38;
	[tilespmem:$0x1FFA0] =	vst v63  }
0x47: {  	s24 =	rddreg [dreg:$0x6]  }
0x48: {  	[tilespmem:s31], [sflag:$0x1] =	stream.linear.gather [hbm4b:s24+s20], $0x800, $0x38;
	[tilespmem:$0x1FFA0] =	vst v63  }
0x49: {  	s25 =	rddreg [dreg:$0x7];
	s0 =	simm.s32 $0x0  }
0x4a: {  	[tilespmem:s21], [sflag:$0x1] =	stream.linear.gather [hbm4b:s25+s20], $0x80, $0x38;
	[tilespmem:$0x1FFA0] =	vst v63  }
.LBB2_6:
0x4b: {  	_ =	swait.ge [sflag:s3], $0x80  }
0x4c: {  	[sflag:s3] =	ssyncset.done $0x0  }
0x4d: {  	[sflag:s3] =	ssyncadd.s32 $0xFFFFFF80  }
0x4e: {  	_ =	swait.ge [sflag:s3], $0x4000  }
0x4f: {  	[sflag:s3] =	ssyncset.done $0x0  }
0x50: {  	[sflag:s3] =	ssyncadd.s32 $0xFFFFC000  }
0x51: {  	_ =	swait.ge [sflag:s3], $0x800  }
0x52: {  	[sflag:s3] =	ssyncset.done $0x0  }
0x53: {  	[sflag:s3] =	ssyncadd.s32 $0xFFFFF800  }
0x54: {  	_ =	swait.ge [sflag:s3], $0x80  }
0x55: {  	p0 =	seq.s32 s0, $0x0;
	[sflag:s3] =	ssyncset.done $0x0  }
0x56: {  	s18 =	simm.s32 @!p0 $0x4;
	[sflag:s3] =	ssyncadd.s32 $0xFFFFFF80  }
0x57: {  	_ =	swait.ge @!p0 [sflag:s18], $0x4000  }
0x58: {  	s21 =	sshll.u32 s0, $0x8;
	[sflag:s18] =	ssyncset.done @!p0 $0x0  }
0x59: {  	s23 =	sadd.s32 s21, s9;
	[sflag:s18] =	ssyncadd.s32 @!p0 $0xFFFFC000  }
0x5a: {  	s23 =	sadd.s32 $0x80, s23;
	_ =	swait.ge @!p0 [sflag:s18], $0x800  }
0x5b: {  	s24 =	sshrl.u32 s23, $0x3;
	[sflag:s18] =	ssyncset.done @!p0 $0x0  }
0x5c: {  	s25 =	sadd.s32 s5, s24;
	[sflag:s18] =	ssyncadd.s32 @!p0 $0xFFFFF800  }
0x5d: {  	[tilespmem:s10], [sflag:$0x2] =	stream.linear.gather [hbm4b:s25+s20], $0x80, $0x38;
	[tilespmem:$0x1FFA0] =	vst v63  }
0x5e: {  	s25 =	sshll.u32 s23, $0x4  }
0x5f: {  	s18 =	sand.u32 $0x1FFFFF00, s25  }
0x60: {  	s23 =	sshll.u32 s23, $0x1;
	s18 =	sadd.s32 s6, s18  }
0x61: {  	[tilespmem:s11], [sflag:$0x2] =	stream.linear.gather [hbm4b:s18+s20], $0x4000, $0x38;
	[tilespmem:$0x1FFA0] =	vst v63  }
0x62: {  	s18 =	sand.u32 $0x1FFFFFE0, s23  }
0x63: {  	s18 =	sadd.s32 s7, s18  }
0x64: {  	[tilespmem:s12], [sflag:$0x2] =	stream.linear.gather [hbm4b:s18+s20], $0x800, $0x38;
	[tilespmem:$0x1FFA0] =	vst v63  }
0x65: {  	s25 =	sadd.s32 s8, s24;
	s24 =	simm.s32 $0x4F10  }
0x66: {  	[tilespmem:s13], [sflag:$0x2] =	stream.linear.gather [hbm4b:s25+s20], $0x80, $0x38;
	[tilespmem:$0x1FFA0] =	vst v63  }
0x67: {  	s23 =	simm.s32 $0x40;
	s18 =	simm.s32 $0x0;
	s25 =	simm.s32 $0x4F10;
	v2 =	vld [tilespmem:s24+$0xFFFFFFB0]  }
.LBB2_7:
0x68: {  	p0 =	sne.s32 s23, $0x1C0;
	v3 =	vld [tilespmem:s18+$0x5690]  }
0x69: {  	v4 =	vld [tilespmem:s24+$0xFFFFFF90]  }
0x6a: {  	v5 =	vld [tilespmem:s24+$0xFFFFFF80]  }
0x6b: {  	v6 =	vld [tilespmem:s24+$0xFFFFFFA0];
	_ =	sdelay $0x1  }
0x6c: {  	v7 =	vbroadcast v3, $0x0;
	v8 =	vbroadcast v3, $0x1  }
0x6d: {  	v9 =	vbroadcast v3, $0x2;
	v10 =	vbroadcast v3, $0x3;
	v11 =	vld [tilespmem:s24+$0xFFFFFFC0]  }
0x6e: {  	v5 =	vmul.f32 v7, v5;
	v4 =	vmul.f32 v4, v8;
	v7 =	vld [tilespmem:s24+$0xFFFFFFD0]  }
0x6f: {  	v2 =	vmul.f32 v2, v10;
	v6 =	vmul.f32 v6, v9;
	v8 =	vld [tilespmem:s24+$0xFFFFFFE0]  }
0x70: {  	v9 =	vbroadcast v3, $0x4;
	v5 =	vadd.f32 v1, v5;
	v4 =	vadd.f32 v1, v4;
	v10 =	vld [tilespmem:s24+$0xFFFFFFF0]  }
0x71: {  	v12 =	vbroadcast v3, $0x5;
	v2 =	vadd.f32 v1, v2;
	v6 =	vadd.f32 v1, v6;
	v13 =	vld [tilespmem:s24+$0x0]  }
0x72: {  	[tilespmem:s24+$0xFFFFFF80] =	vst v5;
	v5 =	vmul.f32 v11, v9;
	v9 =	vbroadcast v3, $0x6;
	v11 =	vld [tilespmem:s24+$0x10]  }
0x73: {  	[tilespmem:s24+$0xFFFFFF90] =	vst v4;
	v4 =	vmul.f32 v7, v12;
	v7 =	vbroadcast v3, $0x7;
	v12 =	vld [tilespmem:s24+$0x20]  }
0x74: {  	[tilespmem:s24+$0xFFFFFFA0] =	vst v6;
	v5 =	vadd.f32 v1, v5;
	v6 =	vmul.f32 v8, v9;
	v8 =	vbroadcast v3, $0x8;
	v9 =	vld [tilespmem:s24+$0x30]  }
0x75: {  	[tilespmem:s24+$0xFFFFFFB0] =	vst v2;
	v2 =	vadd.f32 v1, v4;
	v4 =	vmul.f32 v10, v7;
	v7 =	vbroadcast v3, $0x9;
	v10 =	vld [tilespmem:s24+$0x40]  }
0x76: {  	[tilespmem:s24+$0xFFFFFFC0] =	vst v5;
	v5 =	vadd.f32 v1, v6;
	v6 =	vmul.f32 v13, v8;
	v8 =	vbroadcast v3, $0xA;
	v13 =	vld [tilespmem:s24+$0x50]  }
0x77: {  	[tilespmem:s24+$0xFFFFFFD0] =	vst v2;
	v2 =	vadd.f32 v1, v4;
	v4 =	vmul.f32 v11, v7;
	v7 =	vbroadcast v3, $0xB;
	v11 =	vld [tilespmem:s24+$0x60]  }
0x78: {  	[tilespmem:s24+$0xFFFFFFE0] =	vst v5;
	v5 =	vadd.f32 v1, v6;
	v6 =	vmul.f32 v12, v8;
	v8 =	vbroadcast v3, $0xC;
	v12 =	vld [tilespmem:s24+$0x70]  }
0x79: {  	[tilespmem:s24+$0xFFFFFFF0] =	vst v2;
	v2 =	vadd.f32 v1, v4;
	v4 =	vmul.f32 v9, v7;
	v7 =	vbroadcast v3, $0xD  }
0x7a: {  	[tilespmem:s24+$0x0] =	vst v5;
	v5 =	vadd.f32 v1, v6;
	v6 =	vmul.f32 v10, v8;
	v8 =	vbroadcast v3, $0xE  }
0x7b: {  	v3 =	vbroadcast v3, $0xF;
	[tilespmem:s24+$0x10] =	vst v2;
	v2 =	vadd.f32 v1, v4;
	v4 =	vmul.f32 v13, v7  }
0x7c: {  	[tilespmem:s24+$0x20] =	vst v5;
	v5 =	vadd.f32 v1, v6;
	v6 =	vmul.f32 v11, v8  }
.Ltmp2:
0x7d: {  	[tilespmem:s24+$0x30] =	vst v2;
	v2 =	vadd.f32 v1, v4;
	v3 =	vmul.f32 v12, v3;
	(pc) =	sbr.rel @p0 .LBB2_7-.Ltmp2, $4  }
0x7e: {  	[tilespmem:s24+$0x40] =	vst v5;
	v4 =	vadd.f32 v1, v6  }
0x7f: {  	[tilespmem:s24+$0x50] =	vst v2;
	v3 =	vadd.f32 v1, v3  }
0x80: {  	s24 =	sadd.s32 $0x100, s24;
	[tilespmem:s25+$0x60] =	vst v4  }
0x81: {  	s18 =	sshra.s32 s23, $0x2;
	s23 =	sadd.s32 $0x40, s23;
	v2 =	vld [tilespmem:s24+$0xFFFFFFB0];
	[tilespmem:s25+$0x70] =	vst v3;
	s25 =	smov.u32 s24  }
0x82: {  	v3 =	vld [tilespmem:s18+$0x5690];
	_ =	sdelay $0x1  }
0x83: {  	v4 =	vld [tilespmem:s24+$0xFFFFFF80]  }
0x84: {  	v5 =	vld [tilespmem:s24+$0xFFFFFF90]  }
0x85: {  	v6 =	vld [tilespmem:s24+$0xFFFFFFA0]  }
0x86: {  	v7 =	vbroadcast v3, $0x0  }
0x87: {  	v29 =	vld [tilespmem:s24+$0xFFFFFFE0];
	v8 =	vbroadcast v3, $0x1  }
0x88: {  	v28 =	vld [tilespmem:s24+$0xFFFFFFD0];
	v10 =	vbroadcast v3, $0x2;
	v4 =	vmul.f32 v7, v4  }
0x89: {  	v13 =	vld [tilespmem:s24+$0x0];
	v11 =	vbroadcast v3, $0x3;
	v5 =	vmul.f32 v5, v8  }
0x8a: {  	v12 =	vld [tilespmem:s24+$0xFFFFFFF0];
	v33 =	vbroadcast v3, $0x6;
	v6 =	vmul.f32 v6, v10;
	v4 =	vadd.f32 v1, v4  }
0x8b: {  	v37 =	vld [tilespmem:s24+$0x20];
	v31 =	vbroadcast v3, $0x5;
	v2 =	vmul.f32 v2, v11;
	v5 =	vadd.f32 v1, v5  }
0x8c: {  	v34 =	vld [tilespmem:s24+$0x10];
	v39 =	vbroadcast v3, $0x8;
	v38 =	vmul.f32 v29, v33;
	v6 =	vadd.f32 v1, v6;
	[tilespmem:s24+$0xFFFFFF80] =	vst v4  }
0x8d: {  	v43 =	vld [tilespmem:s24+$0x40];
	v36 =	vbroadcast v3, $0x7;
	v35 =	vmul.f32 v28, v31;
	v2 =	vadd.f32 v1, v2;
	[tilespmem:s24+$0xFFFFFF90] =	vst v5  }
0x8e: {  	v40 =	vld [tilespmem:s24+$0x30];
	v46 =	vbroadcast v3, $0xA;
	v45 =	vmul.f32 v13, v39;
	v44 =	vadd.f32 v1, v38;
	[tilespmem:s24+$0xFFFFFFA0] =	vst v6  }
0x8f: {  	v9 =	vld [tilespmem:s24+$0xFFFFFFC0];
	v42 =	vbroadcast v3, $0x9;
	v41 =	vmul.f32 v12, v36;
	[tilespmem:s24+$0xFFFFFFB0] =	vst v2;
	v2 =	vadd.f32 v1, v35  }
0x90: {  	v47 =	vld [tilespmem:s24+$0x50];
	v53 =	vbroadcast v3, $0xC;
	v52 =	vmul.f32 v37, v46;
	v51 =	vadd.f32 v1, v45;
	[tilespmem:s24+$0xFFFFFFE0] =	vst v44  }
0x91: {  	v50 =	vld [tilespmem:s24+$0x60];
	v49 =	vbroadcast v3, $0xB;
	v48 =	vmul.f32 v34, v42;
	[tilespmem:s24+$0xFFFFFFD0] =	vst v2;
	v2 =	vadd.f32 v1, v41  }
0x92: {  	v54 =	vld [tilespmem:s24+$0x70];
	v30 =	vbroadcast v3, $0x4;
	v58 =	vmul.f32 v43, v53;
	v57 =	vadd.f32 v1, v52;
	[tilespmem:s24+$0x0] =	vst v51  }
0x93: {  	v56 =	vbroadcast v3, $0xD;
	v55 =	vmul.f32 v40, v49;
	[tilespmem:s24+$0xFFFFFFF0] =	vst v2;
	v2 =	vadd.f32 v1, v48  }
0x94: {  	v59 =	vbroadcast v3, $0xE;
	v32 =	vmul.f32 v9, v30;
	v61 =	vadd.f32 v1, v58;
	[tilespmem:s24+$0x20] =	vst v57  }
0x95: {  	v3 =	vbroadcast v3, $0xF;
	v60 =	vmul.f32 v47, v56;
	[tilespmem:s24+$0x10] =	vst v2;
	v2 =	vadd.f32 v1, v55  }
0x96: {  	v62 =	vmul.f32 v50, v59;
	v4 =	vadd.f32 v1, v32;
	[tilespmem:s24+$0x40] =	vst v61  }
0x97: {  	v3 =	vmul.f32 v54, v3;
	[tilespmem:s24+$0x30] =	vst v2;
	v2 =	vadd.f32 v1, v60  }
0x98: {  	v63 =	vadd.f32 v1, v62;
	[tilespmem:s24+$0xFFFFFFC0] =	vst v4  }
0x99: {  	[tilespmem:s24+$0x50] =	vst v2;
	v2 =	vadd.f32 v1, v3  }
0x9a: {  	[tilespmem:s25+$0x60] =	vst v63  }
0x9b: {  	[tilespmem:s25+$0x70] =	vst v2  }
0x9c: {  	[spmem:s1] =	stream.indirect.scatter.add.f32 [tilespmem:s30], [sflag:$0x3], $0x80, s29, s15, $0xb8;
	[tilespmem:$0x1FFA0] =	vst v63  }
0x9d: {  	_ = 	snop  }
0x9e: {  	[spmem:s2] =	stream.indirect.scatter.add.f32 [tilespmem:s31], [sflag:$0x3], $0x10, s29, s15, $0xb8;
	[tilespmem:$0x1FFA0] =	vst v63  }
0x9f: {  	_ =	swait.ge [sflag:s16], $0x80  }
0xa0: {  	[sflag:s16] =	ssyncset.done $0x0  }
0xa1: {  	[sflag:s16] =	ssyncadd.s32 $0xFFFFFF80  }
0xa2: {  	_ =	swait.ge [sflag:s16], $0x4000  }
0xa3: {  	[sflag:s16] =	ssyncset.done $0x0  }
0xa4: {  	[sflag:s16] =	ssyncadd.s32 $0xFFFFC000  }
0xa5: {  	_ =	swait.ge [sflag:s16], $0x800  }
0xa6: {  	[sflag:s16] =	ssyncset.done $0x0  }
0xa7: {  	[sflag:s16] =	ssyncadd.s32 $0xFFFFF800  }
0xa8: {  	_ =	swait.ge [sflag:s16], $0x80  }
0xa9: {  	p0 =	seq.s32 s0, $0x26;
	[sflag:s16] =	ssyncset.done $0x0  }
0xaa: {  	s18 =	simm.s32 @!p0 $0x3;
	[sflag:s16] =	ssyncadd.s32 $0xFFFFFF80  }
0xab: {  	_ =	swait.ge @!p0 [sflag:s18], $0x4000  }
0xac: {  	[sflag:s18] =	ssyncset.done @!p0 $0x0  }
0xad: {  	[sflag:s18] =	ssyncadd.s32 @!p0 $0xFFFFC000  }
0xae: {  	_ =	swait.ge @!p0 [sflag:s18], $0x800  }
0xaf: {  	s21 =	sadd.s32 @!p0 s21, s14;
	[sflag:s18] =	ssyncset.done @!p0 $0x0  }
0xb0: {  	[sflag:s18] =	ssyncadd.s32 @!p0 $0xFFFFF800;
	s18 =	sshrl.u32 @!p0 s21, $0x3  }
0xb1: {  	s24 =	simm.s32 @!p0 $0x0;
	s25 =	simm.s32 @!p0 $0xE10;
	s23 =	sadd.s32 @!p0 s5, s18  }
0xb2: {  	[tilespmem:s25], [sflag:$0x1] =	stream.linear.gather @!p0 [hbm4b:s23+s24], $0x80, $0x38;
	[tilespmem:$0x1FFA0] =	vst v63  }
0xb3: {  	s23 =	sshll.u32 @!p0 s21, $0x4  }
0xb4: {  	s21 =	sshll.u32 @!p0 s21, $0x1;
	s23 =	sand.u32 @!p0 $0x1FFFFF00, s23  }
0xb5: {  	s25 =	simm.s32 @!p0 $0xE90;
	s21 =	sand.u32 @!p0 $0x1FFFFFE0, s21;
	s23 =	sadd.s32 @!p0 s6, s23  }
0xb6: {  	[tilespmem:s25], [sflag:$0x1] =	stream.linear.gather @!p0 [hbm4b:s23+s24], $0x4000, $0x38;
	[tilespmem:$0x1FFA0] =	vst v63  }
0xb7: {  	s21 =	sadd.s32 @!p0 s7, s21;
	s23 =	simm.s32 @!p0 $0x4E90  }
0xb8: {  	[tilespmem:s23], [sflag:$0x1] =	stream.linear.gather @!p0 [hbm4b:s21+s24], $0x800, $0x38;
	[tilespmem:$0x1FFA0] =	vst v63  }
0xb9: {  	s18 =	sadd.s32 @!p0 s8, s18;
	s21 =	simm.s32 @!p0 $0x5690  }
0xba: {  	[tilespmem:s21], [sflag:$0x1] =	stream.linear.gather @!p0 [hbm4b:s18+s24], $0x80, $0x38;
	[tilespmem:$0x1FFA0] =	vst v63  }
0xbb: {  	s21 =	simm.s32 $0x9810  }
0xbc: {  	s23 =	simm.s32 $0x40;
	s18 =	simm.s32 $0x0;
	s24 =	simm.s32 $0x9810;
	v2 =	vld [tilespmem:s21+$0xFFFFFFB0]  }
.LBB2_9:
0xbd: {  	p0 =	sne.s32 s23, $0x1C0;
	v3 =	vld [tilespmem:s18+$0x9F90]  }
0xbe: {  	v4 =	vld [tilespmem:s21+$0xFFFFFF90]  }
0xbf: {  	v5 =	vld [tilespmem:s21+$0xFFFFFF80]  }
0xc0: {  	v6 =	vld [tilespmem:s21+$0xFFFFFFA0];
	_ =	sdelay $0x1  }
0xc1: {  	v7 =	vbroadcast v3, $0x0;
	v8 =	vbroadcast v3, $0x1  }
0xc2: {  	v9 =	vbroadcast v3, $0x2;
	v10 =	vbroadcast v3, $0x3;
	v11 =	vld [tilespmem:s21+$0xFFFFFFC0]  }
0xc3: {  	v5 =	vmul.f32 v7, v5;
	v4 =	vmul.f32 v4, v8;
	v7 =	vld [tilespmem:s21+$0xFFFFFFD0]  }
0xc4: {  	v2 =	vmul.f32 v2, v10;
	v6 =	vmul.f32 v6, v9;
	v8 =	vld [tilespmem:s21+$0xFFFFFFE0]  }
0xc5: {  	v9 =	vbroadcast v3, $0x4;
	v5 =	vadd.f32 v1, v5;
	v4 =	vadd.f32 v1, v4;
	v10 =	vld [tilespmem:s21+$0xFFFFFFF0]  }
0xc6: {  	v12 =	vbroadcast v3, $0x5;
	v2 =	vadd.f32 v1, v2;
	v6 =	vadd.f32 v1, v6;
	v13 =	vld [tilespmem:s21+$0x0]  }
0xc7: {  	[tilespmem:s21+$0xFFFFFF80] =	vst v5;
	v5 =	vmul.f32 v11, v9;
	v9 =	vbroadcast v3, $0x6;
	v11 =	vld [tilespmem:s21+$0x10]  }
0xc8: {  	[tilespmem:s21+$0xFFFFFF90] =	vst v4;
	v4 =	vmul.f32 v7, v12;
	v7 =	vbroadcast v3, $0x7;
	v12 =	vld [tilespmem:s21+$0x20]  }
0xc9: {  	[tilespmem:s21+$0xFFFFFFA0] =	vst v6;
	v5 =	vadd.f32 v1, v5;
	v6 =	vmul.f32 v8, v9;
	v8 =	vbroadcast v3, $0x8;
	v9 =	vld [tilespmem:s21+$0x30]  }
0xca: {  	[tilespmem:s21+$0xFFFFFFB0] =	vst v2;
	v2 =	vadd.f32 v1, v4;
	v4 =	vmul.f32 v10, v7;
	v7 =	vbroadcast v3, $0x9;
	v10 =	vld [tilespmem:s21+$0x40]  }
0xcb: {  	[tilespmem:s21+$0xFFFFFFC0] =	vst v5;
	v5 =	vadd.f32 v1, v6;
	v6 =	vmul.f32 v13, v8;
	v8 =	vbroadcast v3, $0xA;
	v13 =	vld [tilespmem:s21+$0x50]  }
0xcc: {  	[tilespmem:s21+$0xFFFFFFD0] =	vst v2;
	v2 =	vadd.f32 v1, v4;
	v4 =	vmul.f32 v11, v7;
	v7 =	vbroadcast v3, $0xB;
	v11 =	vld [tilespmem:s21+$0x60]  }
0xcd: {  	[tilespmem:s21+$0xFFFFFFE0] =	vst v5;
	v5 =	vadd.f32 v1, v6;
	v6 =	vmul.f32 v12, v8;
	v8 =	vbroadcast v3, $0xC;
	v12 =	vld [tilespmem:s21+$0x70]  }
0xce: {  	[tilespmem:s21+$0xFFFFFFF0] =	vst v2;
	v2 =	vadd.f32 v1, v4;
	v4 =	vmul.f32 v9, v7;
	v7 =	vbroadcast v3, $0xD  }
0xcf: {  	[tilespmem:s21+$0x0] =	vst v5;
	v5 =	vadd.f32 v1, v6;
	v6 =	vmul.f32 v10, v8;
	v8 =	vbroadcast v3, $0xE  }
0xd0: {  	v3 =	vbroadcast v3, $0xF;
	[tilespmem:s21+$0x10] =	vst v2;
	v2 =	vadd.f32 v1, v4;
	v4 =	vmul.f32 v13, v7  }
0xd1: {  	[tilespmem:s21+$0x20] =	vst v5;
	v5 =	vadd.f32 v1, v6;
	v6 =	vmul.f32 v11, v8  }
.Ltmp3:
0xd2: {  	[tilespmem:s21+$0x30] =	vst v2;
	v2 =	vadd.f32 v1, v4;
	v3 =	vmul.f32 v12, v3;
	(pc) =	sbr.rel @p0 .LBB2_9-.Ltmp3, $4  }
0xd3: {  	[tilespmem:s21+$0x40] =	vst v5;
	v4 =	vadd.f32 v1, v6  }
0xd4: {  	[tilespmem:s21+$0x50] =	vst v2;
	v3 =	vadd.f32 v1, v3  }
0xd5: {  	s21 =	sadd.s32 $0x100, s21;
	[tilespmem:s24+$0x60] =	vst v4  }
0xd6: {  	s18 =	sshra.s32 s23, $0x2;
	s23 =	sadd.s32 $0x40, s23;
	v2 =	vld [tilespmem:s21+$0xFFFFFFB0];
	[tilespmem:s24+$0x70] =	vst v3;
	s24 =	smov.u32 s21  }
0xd7: {  	v3 =	vld [tilespmem:s18+$0x9F90];
	_ =	sdelay $0x1  }
0xd8: {  	v4 =	vld [tilespmem:s21+$0xFFFFFF80]  }
0xd9: {  	v5 =	vld [tilespmem:s21+$0xFFFFFF90]  }
0xda: {  	v6 =	vld [tilespmem:s21+$0xFFFFFFA0]  }
0xdb: {  	v7 =	vbroadcast v3, $0x0  }
0xdc: {  	v29 =	vld [tilespmem:s21+$0xFFFFFFE0];
	v8 =	vbroadcast v3, $0x1  }
0xdd: {  	v28 =	vld [tilespmem:s21+$0xFFFFFFD0];
	v10 =	vbroadcast v3, $0x2;
	v4 =	vmul.f32 v7, v4  }
0xde: {  	v13 =	vld [tilespmem:s21+$0x0];
	v11 =	vbroadcast v3, $0x3;
	v5 =	vmul.f32 v5, v8  }
0xdf: {  	v12 =	vld [tilespmem:s21+$0xFFFFFFF0];
	v33 =	vbroadcast v3, $0x6;
	v6 =	vmul.f32 v6, v10;
	v4 =	vadd.f32 v1, v4  }
0xe0: {  	v37 =	vld [tilespmem:s21+$0x20];
	v31 =	vbroadcast v3, $0x5;
	v2 =	vmul.f32 v2, v11;
	v5 =	vadd.f32 v1, v5  }
0xe1: {  	v34 =	vld [tilespmem:s21+$0x10];
	v39 =	vbroadcast v3, $0x8;
	v38 =	vmul.f32 v29, v33;
	v6 =	vadd.f32 v1, v6;
	[tilespmem:s21+$0xFFFFFF80] =	vst v4  }
0xe2: {  	v43 =	vld [tilespmem:s21+$0x40];
	v36 =	vbroadcast v3, $0x7;
	v35 =	vmul.f32 v28, v31;
	v2 =	vadd.f32 v1, v2;
	[tilespmem:s21+$0xFFFFFF90] =	vst v5  }
0xe3: {  	v40 =	vld [tilespmem:s21+$0x30];
	v46 =	vbroadcast v3, $0xA;
	v45 =	vmul.f32 v13, v39;
	v44 =	vadd.f32 v1, v38;
	[tilespmem:s21+$0xFFFFFFA0] =	vst v6  }
0xe4: {  	v9 =	vld [tilespmem:s21+$0xFFFFFFC0];
	v42 =	vbroadcast v3, $0x9;
	v41 =	vmul.f32 v12, v36;
	[tilespmem:s21+$0xFFFFFFB0] =	vst v2;
	v2 =	vadd.f32 v1, v35  }
0xe5: {  	v47 =	vld [tilespmem:s21+$0x50];
	v53 =	vbroadcast v3, $0xC;
	v52 =	vmul.f32 v37, v46;
	v51 =	vadd.f32 v1, v45;
	[tilespmem:s21+$0xFFFFFFE0] =	vst v44  }
0xe6: {  	v50 =	vld [tilespmem:s21+$0x60];
	v49 =	vbroadcast v3, $0xB;
	v48 =	vmul.f32 v34, v42;
	[tilespmem:s21+$0xFFFFFFD0] =	vst v2;
	v2 =	vadd.f32 v1, v41  }
0xe7: {  	v54 =	vld [tilespmem:s21+$0x70];
	v30 =	vbroadcast v3, $0x4;
	v58 =	vmul.f32 v43, v53;
	v57 =	vadd.f32 v1, v52;
	[tilespmem:s21+$0x0] =	vst v51  }
0xe8: {  	v56 =	vbroadcast v3, $0xD;
	v55 =	vmul.f32 v40, v49;
	[tilespmem:s21+$0xFFFFFFF0] =	vst v2;
	v2 =	vadd.f32 v1, v48  }
0xe9: {  	v59 =	vbroadcast v3, $0xE;
	v32 =	vmul.f32 v9, v30;
	v61 =	vadd.f32 v1, v58;
	[tilespmem:s21+$0x20] =	vst v57  }
0xea: {  	v3 =	vbroadcast v3, $0xF;
	v60 =	vmul.f32 v47, v56;
	[tilespmem:s21+$0x10] =	vst v2;
	v2 =	vadd.f32 v1, v55  }
0xeb: {  	v62 =	vmul.f32 v50, v59;
	v4 =	vadd.f32 v1, v32;
	[tilespmem:s21+$0x40] =	vst v61  }
0xec: {  	v3 =	vmul.f32 v54, v3;
	[tilespmem:s21+$0x30] =	vst v2;
	v2 =	vadd.f32 v1, v60  }
0xed: {  	s0 =	sadd.s32 $0x1, s0;
	v63 =	vadd.f32 v1, v62;
	[tilespmem:s21+$0xFFFFFFC0] =	vst v4  }
0xee: {  	p0 =	sne.s32 s0, $0x27;
	[tilespmem:s21+$0x50] =	vst v2;
	v2 =	vadd.f32 v1, v3  }
.Ltmp4:
0xef: {  	[tilespmem:s24+$0x60] =	vst v63;
	(pc) =	sbr.rel @p0 .LBB2_6-.Ltmp4, $4  }
0xf0: {  	[tilespmem:s24+$0x70] =	vst v2  }
0xf1: {  	[spmem:s1] =	stream.indirect.scatter.add.f32 [tilespmem:s11], [sflag:$0x4], $0x80, s10, s15, $0xb8;
	[tilespmem:$0x1FFA0] =	vst v63  }
0xf2: {  	_ = 	snop  }
0xf3: {  	[spmem:s2] =	stream.indirect.scatter.add.f32 [tilespmem:s12], [sflag:$0x4], $0x10, s10, s15, $0xb8;
	[tilespmem:$0x1FFA0] =	vst v63  }
0xf4: {  	_ =	swait.ge [sflag:s17], $0x4000  }
0xf5: {  	[sflag:s17] =	ssyncset.done $0x0  }
0xf6: {  	[sflag:s17] =	ssyncadd.s32 $0xFFFFC000  }
0xf7: {  	_ =	swait.ge [sflag:s17], $0x800  }
0xf8: {  	[sflag:s17] =	ssyncset.done $0x0  }
0xf9: {  	s0 =	rddreg [dreg:$0x8];
	[sflag:s17] =	ssyncadd.s32 $0xFFFFF800  }
0xfa: {  	[tilespmem:s29], [sflag:$0x1] =	stream.linear.gather [hbm4b:s0+s4], $0x10, $0x38;
	[tilespmem:$0x1FFA0] =	vst v63  }
0xfb: {  	s23 =	rddreg [dreg:$0x9]  }
0xfc: {  	[tilespmem:s30], [sflag:$0x1] =	stream.linear.gather [hbm4b:s23+s4], $0x800, $0x38;
	[tilespmem:$0x1FFA0] =	vst v63  }
0xfd: {  	s24 =	rddreg [dreg:$0xa]  }
0xfe: {  	[tilespmem:s31], [sflag:$0x1] =	stream.linear.gather [hbm4b:s24+s4], $0x100, $0x38;
	[tilespmem:$0x1FFA0] =	vst v63  }
0xff: {  	s21 =	simm.s32 $0x5690;
	s25 =	rddreg [dreg:$0xb]  }
0x100: {  	[tilespmem:s21], [sflag:$0x1] =	stream.linear.gather [hbm4b:s25+s4], $0x10, $0x38;
	[tilespmem:$0x1FFA0] =	vst v63  }
0x101: {  	_ =	swait.ge [sflag:s3], $0x10  }
0x102: {  	[sflag:s3] =	ssyncset.done $0x0  }
0x103: {  	[sflag:s3] =	ssyncadd.s32 $0xFFFFFFF0  }
0x104: {  	_ =	swait.ge [sflag:s3], $0x800  }
0x105: {  	[sflag:s3] =	ssyncset.done $0x0  }
0x106: {  	[sflag:s3] =	ssyncadd.s32 $0xFFFFF800  }
0x107: {  	_ =	swait.ge [sflag:s3], $0x100  }
0x108: {  	[sflag:s3] =	ssyncset.done $0x0  }
0x109: {  	[sflag:s3] =	ssyncadd.s32 $0xFFFFFF00  }
0x10a: {  	_ =	swait.ge [sflag:s3], $0x10  }
0x10b: {  	[sflag:s3] =	ssyncset.done $0x0  }
0x10c: {  	[sflag:s3] =	ssyncadd.s32 $0xFFFFFFF0  }
0x10d: {  	v2 =	vld [tilespmem:$0x5690];
	_ =	sdelay $0x2  }
0x10e: {  	v3 =	vld [tilespmem:$0x4E90]  }
0x10f: {  	v4 =	vld [tilespmem:$0x4EA0]  }
0x110: {  	v7 =	vld [tilespmem:$0x4EC0];
	v6 =	vbroadcast v2, $0x0  }
0x111: {  	v5 =	vld [tilespmem:$0x4EB0];
	v8 =	vbroadcast v2, $0x1;
	v29 =	vbroadcast v2, $0x2  }
0x112: {  	v10 =	vld [tilespmem:$0x4EE0];
	v30 =	vbroadcast v2, $0x3;
	v31 =	vbroadcast v2, $0x4  }
0x113: {  	v9 =	vld [tilespmem:$0x4ED0];
	v32 =	vbroadcast v2, $0x5;
	v3 =	vmul.f32 v6, v3  }
0x114: {  	v12 =	vld [tilespmem:$0x4F00];
	v34 =	vbroadcast v2, $0x6;
	v4 =	vmul.f32 v4, v8  }
0x115: {  	v11 =	vld [tilespmem:$0x4EF0];
	v38 =	vbroadcast v2, $0x7;
	v7 =	vmul.f32 v7, v30;
	v3 =	vadd.f32 v1, v3  }
0x116: {  	v35 =	vld [tilespmem:$0x4F20];
	v41 =	vbroadcast v2, $0x8;
	v5 =	vmul.f32 v5, v29;
	v4 =	vadd.f32 v1, v4  }
0x117: {  	v13 =	vld [tilespmem:$0x4F10];
	v45 =	vbroadcast v2, $0x9;
	v37 =	vmul.f32 v10, v32;
	v36 =	vadd.f32 v1, v7;
	[tilespmem:$0x4E90] =	vst v3  }
0x118: {  	v42 =	vld [tilespmem:$0x4F40];
	v48 =	vbroadcast v2, $0xA;
	v33 =	vmul.f32 v9, v31;
	v3 =	vadd.f32 v1, v5;
	[tilespmem:$0x4EA0] =	vst v4  }
0x119: {  	v39 =	vld [tilespmem:$0x4F30];
	v52 =	vbroadcast v2, $0xB;
	v44 =	vmul.f32 v12, v38;
	v43 =	vadd.f32 v1, v37;
	[tilespmem:$0x4EC0] =	vst v36  }
0x11a: {  	v56 =	vld [tilespmem:$0x4F80];
	v55 =	vbroadcast v2, $0xC;
	v40 =	vmul.f32 v11, v34;
	[tilespmem:$0x4EB0] =	vst v3;
	v3 =	vadd.f32 v1, v33  }
0x11b: {  	v46 =	vld [tilespmem:$0x4F50];
	v59 =	vbroadcast v2, $0xD;
	v51 =	vmul.f32 v35, v45;
	v50 =	vadd.f32 v1, v44;
	[tilespmem:$0x4EE0] =	vst v43  }
0x11c: {  	v49 =	vld [tilespmem:$0x4F60];
	v61 =	vbroadcast v2, $0xE;
	v47 =	vmul.f32 v13, v41;
	[tilespmem:$0x4ED0] =	vst v3;
	v3 =	vadd.f32 v1, v40  }
0x11d: {  	v53 =	vld [tilespmem:$0x4F70];
	v2 =	vbroadcast v2, $0xF;
	v58 =	vmul.f32 v42, v52;
	v57 =	vadd.f32 v1, v51;
	[tilespmem:$0x4F00] =	vst v50  }
0x11e: {  	v54 =	vmul.f32 v39, v48;
	[tilespmem:$0x4EF0] =	vst v3;
	v3 =	vadd.f32 v1, v47  }
0x11f: {  	v62 =	vld [tilespmem:$0xE10];
	v2 =	vmul.f32 v56, v2;
	v7 =	vadd.f32 v1, v58;
	[tilespmem:$0x4F20] =	vst v57  }
0x120: {  	v60 =	vmul.f32 v46, v55;
	[tilespmem:$0x4F10] =	vst v3;
	v3 =	vadd.f32 v1, v54  }
0x121: {  	v63 =	vmul.f32 v49, v59;
	v2 =	vadd.f32 v1, v2;
	[tilespmem:$0x4F40] =	vst v7  }
0x122: {  	v5 =	vadd.f32 v1, v60;
	[tilespmem:$0x4F30] =	vst v3;
	v3 =	vmul.f32 v53, v61  }
0x123: {  	v4 =	vadd.f32 v1, v63;
	[tilespmem:$0x4F80] =	vst v2  }
0x124: {  	[tilespmem:$0x4F50] =	vst v5;
	v3 =	vadd.f32 v1, v3  }
0x125: {  	[tilespmem:$0x4F60] =	vst v4  }
0x126: {  	[tilespmem:$0x4F70] =	vst v3  }
0x127: {  	[spmem:s1] =	stream.indirect_vreg.scatter.add.f32 [tilespmem:s30], [sflag:$0x3], $0x80, v62, vm0, $0xb8;
	[tilespmem:$0x1FFA0] =	vst v63  }
0x128: {  	s18 =	simm.s32 $0x4  }
0x129: {  	[spmem:s2] =	stream.indirect_vreg.scatter.add.f32 [tilespmem:s31], [sflag:$0x3], $0x10, v62, vm0, $0xb8;
	[tilespmem:$0x1FFA0] =	vst v63  }
0x12a: {  	_ =	swait.ge [sflag:s18], $0x4000  }
0x12b: {  	[sflag:s18] =	ssyncset.done $0x0  }
0x12c: {  	[sflag:s18] =	ssyncadd.s32 $0xFFFFC000  }
0x12d: {  	_ =	swait.ge [sflag:s18], $0x800  }
0x12e: {  	[sflag:s18] =	ssyncset.done $0x0  }
0x12f: {  	[sflag:s18] =	ssyncadd.s32 $0xFFFFF800  }
0x130: {  	_ =	swait.ge [sflag:s17], $0x800  }
0x131: {  	[sflag:s17] =	ssyncset.done $0x0  }
0x132: {  	[sflag:s17] =	ssyncadd.s32 $0xFFFFF800  }
0x133: {  	_ =	swait.ge [sflag:s17], $0x100  }
0x134: {  	[sflag:s17] =	ssyncset.done $0x0  }
0x135: {  	[sflag:s17] =	ssyncadd.s32 $0xFFFFFF00  }
0x136: {  	s20 =	stileid.u32;
	[bflag:$0x0] =	sbarrier.arrive $0xFFFF  }
0x137: {  	s0 =	sshll.u32 s20, $0x6;
	s18 =	rddreg [dreg:$0xc]  }
0x138: {  	s0 =	sor.u32 $0x1C05, s0;
	s20 =	rddreg [dreg:$0x10]  }
0x139: {  	[hbm:s18], [sflag:s0] =	dma.local [spmem:s20], $0x2710  }
0x13a: {  	_ =	swait.ge [sflag:s26], $0x2710  }
0x13b: {  	[sflag:s26] =	ssyncset.done $0x0;
	s23 =	rddreg [dreg:$0xd]  }
0x13c: {  	s24 =	rddreg [dreg:$0x11];
	[sflag:s26] =	ssyncadd.s32 $0xFFFFD8F0  }
0x13d: {  	[hbm:s23], [sflag:s0] =	dma.local [spmem:s24], $0x4E2  }
0x13e: {  	_ =	swait.ge [sflag:s26], $0x4E2  }
0x13f: {  	s19 =	sadd.s32 $0x1, s19;
	s25 =	rddreg [dreg:$0xe]  }
0x140: {  	p0 =	sne.s32 s19, s25  }
.Ltmp5:
0x141: {  	_ = 	snop;
	(pc) =	sbr.rel @p0 .LBB2_1-.Ltmp5, $3  }
0x142: {  	_ =	sdelay $0x1  }
0x143: {  	[sflag:s26] =	ssyncset.done $0x0  }
0x144: {  	[sflag:s26] =	ssyncadd.s32 $0xFFFFFB1E  }
0x145: {  	_ =	sfence.sel $0x180000  }
0x146: {  	[bflag:$0x0] =	sbarrier.arrive $0xFFFF  }
0x147: {  	_ =	strace $0x9000004A  }
0x148: {  	s0 =	stileid.u32;
	[bflag:$0x2] =	sbarrier.arrive $0xFFFF  }
0x149: {  	p0 =	sne.s32 s0, $0x0;
	s0 =	rddreg [dreg:$0x3]  }
0x14a: {  	s0 =	sadd.s32 @!p0 $0x100000, s0  }
0x14b: {  	[sflag:s0] =	ssyncadd.tile.s32 @!p0 $0x1;
	_ =	shalt  }
.Lfunc_end2:
_tile_overlayer_lowered:
.L_overlay_start_2:
0x14c: {  	(tag) =	ssettag $0x2  }
0x14d: {  	s0 =	rddreg [dreg:$0x0];
	s2 =	stileid.u32  }
0x14e: {  	s1 =	rddreg [dreg:$0x1];
	p0 =	sne.s32 s2, $0x0  }
0x14f: {  	s3 =	rddreg [dreg:$0x2];
	[bflag:$0x3] =	sbarrier.arrive $0xFFFF;
	s2 =	simm.s32 @!p0 $0x1C05  }
0x150: {  	[timem:s3], [sflag:s2] =	dma.local @!p0 [hbm:s0], s1  }
0x151: {  	s0 =	simm.s32 @!p0 $0x5  }
0x152: {  	_ =	swait.ge @!p0 [sflag:s0], s1  }
0x153: {  	s1 =	ssub.s32 @!p0 $0x0, s1;
	[sflag:s0] =	ssyncset.done @!p0 $0x0  }
0x154: {  	[sflag:s0] =	ssyncadd.s32 @!p0 s1  }
0x155: {  	[bflag:$0x3] =	sbarrier.arrive $0xFFFF  }
0x156: {  	_ =	shalt  }

// kernel: kernel.7.cloned.1.call-start
scs
__scs_entry_jumppad:
0x0: {  	(pc) =	sbr.rel $0x88, $3  }
0x1: {  	(tag) =	ssettag $0x0;
	lr =	simm.s32 $0x1  }
0x2: {  	[smem:$0x3F8D] =	sst lr;
	_ =	strace $0xD0000000  }
0x3: {  	_ = 	snop  }
0x4: {  	_ = 	snop  }
0x5: {  	_ = 	snop  }
0x6: {  	_ = 	snop  }
0x7: {  	_ = 	snop  }
__scs_overlays_trampoline_lowered:
0x8: {  	[smem:$0x3F9C] =	sst s0  }
0x9: {  	[smem:$0x3F9D] =	sst s1  }
0xa: {  	[smem:$0x3F9E] =	sst s2  }
0xb: {  	[smem:$0x3F9F] =	sst s3  }
0xc: {  	[smem:$0x3FA0] =	sst s4  }
0xd: {  	[smem:$0x3FA1] =	sst s5  }
0xe: {  	[smem:$0x3FA2] =	sst s6  }
0xf: {  	[smem:$0x3FA3] =	sst s7  }
0x10: {  	[smem:$0x3FA4] =	sst s8  }
0x11: {  	[smem:$0x3FA5] =	sst s9;
	s0 =	simm.s32 @!p0 $0x0  }
0x12: {  	s1 =	sld [smem:$0x3F8B];
	s0 =	simm.s32 @p0 $0x1  }
0x13: {  	[smem:$0x3FA6] =	sst s0;
	s0 =	simm.s32 @!p1 $0x0  }
0x14: {  	s2 =	sld [smem:$0x3F8A];
	s0 =	simm.s32 @p1 $0x1  }
0x15: {  	[smem:$0x3FA7] =	sst s0;
	s0 =	simm.s32 @!p2 $0x0  }
0x16: {  	s3 =	sld [smem:$0x3FDB];
	s0 =	simm.s32 @p2 $0x1  }
0x17: {  	s4 =	simm.s32 $0x1BF5;
	[smem:$0x3FA9] =	sst s0  }
0x18: {  	s0 =	sld [smem:$0x3F8C];
	_ =	swait.ge [sflag:s4], $0x0  }
0x19: {  	s7 =	sld [smem:$0x3F8D]  }
0x1a: {  	s8 =	sadd.s32 $0xFFFFE003, lr  }
0x1b: {  	s9 =	sadd.s32 $0xFFFFFEF7, lr;
	s5 =	simm.s32 $0xFFFFFFFF;
	p2 =	slt.u32 s8, $0xFFFFF086  }
0x1c: {  	p1 =	slt.u32 s9, $0xF7A;
	s5 =	simm.s32 @!p2 $0x0  }
0x1d: {  	s5 =	simm.s32 @p1 $0x1;
	p0 =	seq.s32 s7, s2  }
0x1e: {  	s7 =	smul.u32 @!p0 $0xF7A, s2;
	p2 =	seq.s32 @!p0 s5, $0x0  }
0x1f: {  	s9 =	smul.u32 $0xF7A, s1;
	s8 =	simm.s32 @!p0 $0x1BF5;
	p2 =	por !p2, p0  }
0x20: {  	[sflag:s8] =	ssyncset.s32 @!p0 $0xFFFFF086;
	s6 =	sadd.s32 @!p0 s3, s7;
	s7 =	simm.s32 @!p0 $0x108  }
0x21: {  	s3 =	sadd.s32 s3, s9;
	s6 =	sadd.s32 @!p0 $0x88, s6;
	s7 =	simm.s32 @p2 $0x1082  }
0x22: {  	[simem:s7], [sflag:s8] =	dma.local @!p0 [hbm:s6], $0xF7A  }
0x23: {  	s9 =	sor.u32 $0xD0000000, s2;
	s6 =	simm.s32 $0x108;
	_ =	swait.ge @!p0 [sflag:s8], $0x0  }
0x24: {  	s3 =	sadd.s32 $0x88, s3;
	s6 =	simm.s32 @!p1 $0x1082;
	[sflag:s4] =	ssyncset.s32 $0xFFFFF086  }
0x25: {  	[simem:s6], [sflag:s4] =	dma.local [hbm:s3], $0xF7A  }
0x26: {  	[smem:$0x3F8D] =	sst s1;
	(tag) =	ssettag s2;
	_ =	strace s9  }
0x27: {  	s1 =	sld [smem:$0x3F9D]  }
0x28: {  	s2 =	sld [smem:$0x3F9E]  }
0x29: {  	s4 =	sld [smem:$0x3FA0]  }
0x2a: {  	p0 =	seq.s32 s5, $0x0;
	s5 =	sld [smem:$0x3FA1]  }
0x2b: {  	s6 =	sld [smem:$0x3FA2]  }
0x2c: {  	s7 =	sld [smem:$0x3FA3]  }
0x2d: {  	s3 =	simm.s32 $0x108;
	s8 =	sld [smem:$0x3FA4]  }
0x2e: {  	s3 =	simm.s32 @!p0 $0x1082;
	s9 =	sld [smem:$0x3FA5]  }
0x2f: {  	lr =	sadd.s32 s0, s3;
	s0 =	sld [smem:$0x3F9C]  }
0x30: {  	s3 =	sld [smem:$0x3F9F]  }
0x31: {  	[smem:$0x3FA8] =	sst s10  }
0x32: {  	s10 =	sld [smem:$0x3FA6];
	_ =	sdelay $0x3  }
0x33: {  	p0 =	seq.s32 s10, $0x1;
	s10 =	sld [smem:$0x3FA8];
	_ =	sdelay $0x3  }
0x34: {  	[smem:$0x3FA8] =	sst s10  }
0x35: {  	s10 =	sld [smem:$0x3FA7];
	_ =	sdelay $0x3  }
0x36: {  	p1 =	seq.s32 s10, $0x1;
	s10 =	sld [smem:$0x3FA8];
	_ =	sdelay $0x3  }
0x37: {  	[smem:$0x3FA8] =	sst s10  }
0x38: {  	s10 =	sld [smem:$0x3FA9]  }
0x39: {  	_ = 	snop;
	(pc) =	sbr.ind lr, $3  }
0x3a: {  	_ = 	snop  }
0x3b: {  	_ = 	snop  }
0x3c: {  	p2 =	seq.s32 s10, $0x1;
	s10 =	sld [smem:$0x3FA8]  }
0x3d: {  	_ =	shalt  }
0x3e: {  	_ =	shalt  }
0x3f: {  	_ =	shalt  }
0x40: {  	_ =	shalt  }
0x41: {  	_ =	shalt  }
0x42: {  	_ =	shalt  }
0x43: {  	_ =	shalt  }
0x44: {  	_ =	shalt  }
0x45: {  	_ =	shalt  }
0x46: {  	_ =	shalt  }
0x47: {  	_ =	shalt  }
0x48: {  	_ =	shalt  }
0x49: {  	_ =	shalt  }
0x4a: {  	_ =	shalt  }
0x4b: {  	_ =	shalt  }
0x4c: {  	_ =	shalt  }
0x4d: {  	_ =	shalt  }
0x4e: {  	_ =	shalt  }
0x4f: {  	_ =	shalt  }
0x50: {  	_ =	shalt  }
0x51: {  	_ =	shalt  }
0x52: {  	_ =	shalt  }
0x53: {  	_ =	shalt  }
0x54: {  	_ =	shalt  }
0x55: {  	_ =	shalt  }
0x56: {  	_ =	shalt  }
0x57: {  	_ =	shalt  }
0x58: {  	_ =	shalt  }
0x59: {  	_ =	shalt  }
0x5a: {  	_ =	shalt  }
0x5b: {  	_ =	shalt  }
0x5c: {  	_ =	shalt  }
0x5d: {  	_ =	shalt  }
0x5e: {  	_ =	shalt  }
0x5f: {  	_ =	shalt  }
0x60: {  	_ =	shalt  }
0x61: {  	_ =	shalt  }
0x62: {  	_ =	shalt  }
0x63: {  	_ =	shalt  }
0x64: {  	_ =	shalt  }
0x65: {  	_ =	shalt  }
0x66: {  	_ =	shalt  }
0x67: {  	_ =	shalt  }
0x68: {  	_ =	shalt  }
0x69: {  	_ =	shalt  }
0x6a: {  	_ =	shalt  }
0x6b: {  	_ =	shalt  }
0x6c: {  	_ =	shalt  }
0x6d: {  	_ =	shalt  }
0x6e: {  	_ =	shalt  }
0x6f: {  	_ =	shalt  }
0x70: {  	_ =	shalt  }
0x71: {  	_ =	shalt  }
0x72: {  	_ =	shalt  }
0x73: {  	_ =	shalt  }
0x74: {  	_ =	shalt  }
0x75: {  	_ =	shalt  }
0x76: {  	_ =	shalt  }
0x77: {  	_ =	shalt  }
0x78: {  	_ =	shalt  }
0x79: {  	_ =	shalt  }
0x7a: {  	_ =	shalt  }
0x7b: {  	_ =	shalt  }
0x7c: {  	_ =	shalt  }
0x7d: {  	_ =	shalt  }
0x7e: {  	_ =	shalt  }
0x7f: {  	_ =	shalt  }
0x80: {  	_ =	shalt  }
0x81: {  	_ =	shalt  }
0x82: {  	_ =	shalt  }
0x83: {  	_ =	shalt  }
0x84: {  	_ =	shalt  }
0x85: {  	_ =	shalt  }
0x86: {  	_ =	shalt  }
0x87: {  	_ =	shalt  }
.Lfunc_end0:
.L_simem_size_0:
called_computation_lowered:
.L_overlay_start_0:
0x88: {  	s2 =	sld [smem:$0x3FD9]  }
0x89: {  	s3 =	sld [smem:$0x3FFE];
	_ =	sdelay $0x1  }
0x8a: {  	s1 =	srdreg.scid  }
0x8b: {  	s0 =	sand.u32 $0x1, s1  }
0x8c: {  	s16 =	sshll.u32 s0, $0xA;
	s2 =	sadd.s32 s3, s2  }
0x8d: {  	s2 =	sadd.s32 s2, s16  }
0x8e: {  	[smem:$0x3FB4] =	sst s2  }
0x8f: {  	_ = 	snop  }
0x90: {  	(tm) =	ssettm $0x1  }
0x91: {  	s17 =	sld [smem:$0x3FFB];
	_ =	sdelay $0x3  }
0x92: {  	_ =	strace s17  }
0x93: {  	s2 =	sld [smem:$0x3FFC];
	_ =	sdelay $0x3  }
0x94: {  	_ =	strace s2  }
0x95: {  	s2 =	sld [smem:$0x3FFD];
	_ =	sdelay $0x3  }
0x96: {  	_ =	strace s2  }
0x97: {  	_ =	strace $0x8FFFFFFF  }
0x98: {  	s18 =	sld [smem:$0x3FDB];
	_ =	sdelay $0x1  }
0x99: {  	s19 =	simm.s32 $_scs_section_size  }
0x9a: {  	s4 =	simm.s32 $_size__tile_overlayer_lowered;
	s5 =	simm.s32 $_tile_overlayer_lowered  }
0x9b: {  	s22 =	simm.s32 $0x1BFF;
	s21 =	sshll.u32 s5, $0x1;
	s2 =	sadd.s32 s19, s18  }
0x9c: {  	s6 =	simm.s32 $0x0;
	s20 =	sshll.u32 s4, $0x1;
	s4 =	sadd.s32 s21, s2  }
0x9d: {  	[timem:s6], [sflag:s22] =	dma.local [hbm:s4], s20  }
0x9e: {  	_ =	swait.ge [sflag:s22], s20  }
0x9f: {  	s3 =	ssub.s32 $0x0, s20;
	[sflag:s22] =	ssyncset.done $0x0  }
0xa0: {  	[sflag:s22] =	ssyncadd.s32 s3;
	_ =	sdelay $0x1  }
0xa1: {  	s23 =	simm.s32 $0x1B8B  }
0xa2: {  	_ =	swait.ge [sflag:s23], $0x1  }
0xa3: {  	[sflag:s23] =	ssyncset.done $0x0  }
0xa4: {  	s25 =	simm.s32 $0x1B8E;
	s24 =	sld [smem:$0x3FFE];
	[sflag:s23] =	ssyncadd.s32 $0xFFFFFFFF  }
0xa5: {  	s26 =	simm.s32 $execute0_lowered;
	[smem:$0x3FD2] =	sst s25  }
0xa6: {  	s4 =	sshll.u32 s26, $0x1;
	_ =	strace $0x80000046;
	[dreg:$0x1] =	wrdreg $0xFFFFFFFF  }
0xa7: {  	s28 =	simm.s32 $_size_execute0_lowered;
	s2 =	sadd.s32 s2, s4;
	[dreg:$0x0] =	wrdreg $0x0  }
0xa8: {  	s4 =	sshll.u32 s28, $0x1;
	[dreg:$0x2] =	wrdreg s2  }
0xa9: {  	[dreg:$0x3] =	wrdreg s4  }
0xaa: {  	[dreg:$0x4] =	wrdreg $0xC0  }
0xab: {  	_ =	task [dreg:s6], $0x5FFFF  }
0xac: {  	[dreg:$0x1] =	wrdreg $0xFFFFFFFF  }
0xad: {  	[dreg:$0x0] =	wrdreg $0x60  }
0xae: {  	[dreg:$0x2] =	wrdreg s24  }
0xaf: {  	[dreg:$0x3] =	wrdreg $0x9  }
0xb0: {  	_ =	task.clear_ibuf [dreg:s6], $0x4FFFF;
	_ =	strace $0x90000046  }
0xb1: {  	s29 =	simm.s32 $0x9;
	_ =	strace $0x80000048  }
0xb2: {  	_ =	swait.ge [sflag:s29], $0x1  }
0xb3: {  	[sflag:s29] =	ssyncadd.s32 $0xFFFFFFFF  }
0xb4: {  	_ =	strace $0x90000048  }
0xb5: {  	_ =	sfence  }
0xb6: {  	s30 =	sld [smem:$0x0];
	_ =	sdelay $0x2  }
0xb7: {  	s31 =	sshll.u32 s1, $0xD;
	s1 =	sshrl.u32 s1, $0x2  }
0xb8: {  	s3 =	sand.u32 $0x4000, s31;
	s1 =	sadd.s32 s1, s30  }
0xb9: {  	s0 =	sor.u32 s3, s0;
	s1 =	sshll.u32 s1, $0x11  }
0xba: {  	s0 =	sor.u32 s1, s0  }
0xbb: {  	s0 =	sadd.s32 $0x8F2B, s0  }
0xbc: {  	[sflag:s0] =	ssyncadd.remote.s32 $0x1  }
0xbd: {  	_ =	sfence.sel $0xFFFF  }
0xbe: {  	[dreg:$0x0] =	wrdreg $0xFFFFFFFF;
	(pc) =	sbr.abs _section_cstart, $3  }
0xbf: {  	[dreg:$0x1] =	wrdreg $0xFFFFFFFF  }
0xc0: {  	_ =	task.clear_ibuf [dreg:s6], $0x2FFFF;
	_ =	strace $0x9FFFFFFF  }
0xc1: {  	(tm) =	ssettm $0x7FFFFFFF  }
tec
execute0_lowered:
.L_overlay_start_1:
0x0: {  	(tag) =	ssettag $0x1  }
0x1: {  	s0 =	srdreg.scid  }
0x2: {  	s1 =	rddreg [dreg:$0x0];
	s4 =	stileid.u32  }
0x3: {  	s2 =	simm.s32 $0x0;
	s19 =	simm.s32 $0x80;
	s20 =	simm.s32 $0x4EA0  }
0x4: {  	s23 =	simm.s32 $0x8EA0;
	s22 =	simm.s32 $0xCEA0;
	s28 =	simm.s32 $0x15EA0  }
0x5: {  	s30 =	simm.s32 $0x1;
	s31 =	simm.s32 $0x16EA0;
	s16 =	simm.s32 $0x1F6A0  }
0x6: {  	s21 =	simm.s32 $0x2;
	s11 =	simm.s32 $0x0;
	s0 =	sand.u32 $0x1, s0  }
0x7: {  	[smem:$0x7FF] =	sst s2;
	s5 =	sadd.s32 $0x6D200, s1;
	s3 =	sshll.u32 s0, $0x4  }
0x8: {  	s6 =	sadd.s32 $0x41000, s1;
	s8 =	sadd.s32 $0x6000, s1;
	s3 =	sor.u32 s4, s3  }
0x9: {  	s9 =	sadd.s32 $0x576400, s1;
	s0 =	ssub.s32 $0x2, s0;
	s3 =	smul.u32 $0x2710, s3  }
0xa: {  	_ =	strace $0x80000047;
	[dreg:$0x2] =	wrdreg s8;
	s10 =	sshrl.u32 s0, $0x1  }
0xb: {  	s8 =	sadd.s32 $0x94400, s1;
	s0 =	ssub.s32 s0, s10;
	s7 =	sshrl.u32 s3, $0x3  }
0xc: {  	s4 =	sadd.s32 $0x46000, s1;
	s0 =	smax.u32 s0, $0x1;
	s7 =	sadd.s32 s7, s1  }
0xd: {  	s26 =	sadd.s32 $0x2700, s3;
	[dreg:$0x7] =	wrdreg s0;
	s24 =	sadd.s32 $0x10000, s7  }
0xe: {  	s29 =	sshll.u32 s26, $0x4;
	s25 =	sadd.s32 $0x6200, s7;
	[dreg:$0x3] =	wrdreg s24  }
0xf: {  	s1 =	sshll.u32 s26, $0x1;
	s7 =	sadd.s32 s8, s29;
	[dreg:$0x4] =	wrdreg s25  }
0x10: {  	s12 =	sadd.s32 $0x80, s3;
	s1 =	sadd.s32 s9, s1;
	[dreg:$0x5] =	wrdreg s7  }
0x11: {  	s26 =	simm.s32 $0xD6A0;
	[dreg:$0x6] =	wrdreg s1;
	s24 =	simm.s32 $0xDEA0  }
0x12: {  	vm0 =	vmmov $0xffff;
	s1 =	simm.s32 $0x1EEA0;
	s7 =	simm.s32 $0x3;
	s25 =	simm.s32 $0x5  }
.LBB2_1:
0x13: {  	[dreg:$0x8] =	wrdreg s11  }
0x14: {  	s0 =	rddreg [dreg:$0x2];
	s10 =	simm.s32 $0x4E20;
	s14 =	simm.s32 $0x7  }
0x15: {  	[tilespmem:s10], [sflag:$0x7] =	stream.linear.gather [hbm4b:s0+s2], $0x80, $0x38;
	[tilespmem:$0x1FEA0] =	vst v63  }
0x16: {  	_ =	swait.ge [sflag:s14], $0x80  }
0x17: {  	[sflag:s14] =	ssyncset.done $0x0  }
0x18: {  	s15 =	rddreg [dreg:$0x3];
	[sflag:s14] =	ssyncadd.s32 $0xFFFFFF80  }
0x19: {  	[tilespmem:s2], [sflag:$0x7] =	stream.linear.gather [hbm4b:s15+s2], $0x2710, $0x38;
	[tilespmem:$0x1FEA0] =	vst v63  }
0x1a: {  	_ =	swait.ge [sflag:s14], $0x2710  }
0x1b: {  	[sflag:s14] =	ssyncset.done $0x0  }
0x1c: {  	s18 =	simm.s32 $0x2710;
	s17 =	rddreg [dreg:$0x4];
	[sflag:s14] =	ssyncadd.s32 $0xFFFFD8F0  }
0x1d: {  	[tilespmem:s18], [sflag:$0x7] =	stream.linear.gather [hbm4b:s17+s2], $0x2710, $0x38;
	[tilespmem:$0x1FEA0] =	vst v63  }
0x1e: {  	_ =	swait.ge [sflag:s14], $0x2710  }
0x1f: {  	[sflag:s14] =	ssyncset.done $0x0  }
0x20: {  	[sflag:s14] =	ssyncadd.s32 $0xFFFFD8F0  }
0x21: {  	[tilespmem:s20], [sflag:$0x1] =	stream.indirect.gather [hbm4b:s4+s19], $0x80, s2, s19, $0xb8;
	[tilespmem:$0x1FEA0] =	vst v63  }
0x22: {  	_ = 	snop  }
0x23: {  	[tilespmem:s23], [sflag:$0x1] =	stream.indirect.gather [hbm4b:s5+s19], $0x80, s18, s19, $0xb8;
	[tilespmem:$0x1FEA0] =	vst v63  }
0x24: {  	_ = 	snop  }
0x25: {  	[tilespmem:s22], [sflag:$0x1] =	stream.indirect.gather [hbm4b:s6+s19], $0x10, s2, s19, $0xb8;
	[tilespmem:$0x1FEA0] =	vst v63  }
0x26: {  	_ = 	snop  }
0x27: {  	[tilespmem:s26], [sflag:$0x1] =	stream.indirect.gather [hbm4b:s6+s19], $0x10, s18, s19, $0xb8;
	[tilespmem:$0x1FEA0] =	vst v63  }
0x28: {  	_ = 	snop  }
0x29: {  	[tilespmem:s24], [sflag:$0x2] =	stream.indirect.gather [hbm4b:s4+s19], $0x80, s19, s19, $0xb8;
	[tilespmem:$0x1FEA0] =	vst v63  }
0x2a: {  	s23 =	simm.s32 $0x2790;
	s26 =	simm.s32 $0x11EA0  }
0x2b: {  	[tilespmem:s26], [sflag:$0x2] =	stream.indirect.gather [hbm4b:s5+s19], $0x80, s23, s19, $0xb8;
	[tilespmem:$0x1FEA0] =	vst v63  }
0x2c: {  	_ = 	snop  }
0x2d: {  	[tilespmem:s28], [sflag:$0x2] =	stream.indirect.gather [hbm4b:s6+s19], $0x10, s19, s19, $0xb8;
	[tilespmem:$0x1FEA0] =	vst v63  }
0x2e: {  	s29 =	simm.s32 $0x166A0;
	s13 =	simm.s32 $0x0  }
0x2f: {  	[tilespmem:s29], [sflag:$0x2] =	stream.indirect.gather [hbm4b:s6+s19], $0x10, s23, s19, $0xb8;
	[tilespmem:$0x1FEA0] =	vst v63  }
.LBB2_2:
0x30: {  	_ =	swait.ge [sflag:s30], $0x4000  }
0x31: {  	[sflag:s30] =	ssyncset.done $0x0  }
0x32: {  	[sflag:s30] =	ssyncadd.s32 $0xFFFFC000  }
0x33: {  	_ =	swait.ge [sflag:s30], $0x4000  }
0x34: {  	[sflag:s30] =	ssyncset.done $0x0  }
0x35: {  	[sflag:s30] =	ssyncadd.s32 $0xFFFFC000  }
0x36: {  	_ =	swait.ge [sflag:s30], $0x800  }
0x37: {  	[sflag:s30] =	ssyncset.done $0x0  }
0x38: {  	[sflag:s30] =	ssyncadd.s32 $0xFFFFF800  }
0x39: {  	_ =	swait.ge [sflag:s30], $0x800  }
0x3a: {  	[sflag:s30] =	ssyncset.done $0x0  }
0x3b: {  	s11 =	simm.s32 $0x0;
	[sflag:s30] =	ssyncadd.s32 $0xFFFFF800  }
0x3c: {  	v0 =	vld [tilespmem:s11+$0xCEA0]  }
0x3d: {  	v1 =	vld [tilespmem:s11+$0xD6A0];
	_ =	sdelay $0x4  }
0x3e: {  	v0 =	vsub.f32 v0, v1;
	_ =	sdelay $0x1  }
0x3f: {  	v1 =	vmul.f32 v0, v0;
	_ =	sdelay $0x1  }
0x40: {  	(v2sf) =	vpush v1, $0x0  }
0x41: {  	(v2sf) =	vpush v1, $0x1;
	_ =	sdelay $0x1  }
0x42: {  	(v2sf) =	vpush v1, $0x2;
	_ =	sdelay $0x8  }
0x43: {  	s14 =	simm.s32 $0x8EE0;
	s10 =	simm.s32 $0x4EE0;
	[tilespmem:s11+$0xCEA0] =	vst v0  }
0x44: {  	s17 =	simm.s32 $0x40;
	s18 =	simm.s32 $0x8EE0;
	s15 =	simm.s32 $0x4EE0;
	v0 =	vld [tilespmem:$0x4E20]  }
.LBB2_3:
0x45: {  	s18 =	sadd.s32 $0x80, s18  }
0x46: {  	v1 =	vld [tilespmem:s14+$0xFFFFFFC0];
	s10 =	sadd.s32 $0x80, s10;
	s11 =	spop (v2sf);
	s26 =	smov.u32 s17  }
0x47: {  	p0 =	sne.s32 s17, $0x1FC0;
	s17 =	sadd.s32 $0x40, s17;
	v2 =	vld [tilespmem:s15+$0xFFFFFFC0];
	s23 =	spop (v2sf)  }
0x48: {  	s11 =	sadd.f32 s23, s11  }
0x49: {  	s23 =	spop (v2sf)  }
0x4a: {  	s23 =	sadd.f32 s11, s23;
	_ =	sdelay $0x1  }
0x4b: {  	v1 =	vadd.f32 v1, v2;
	v0 =	vmul.f32 s23, v0;
	_ =	sdelay $0x1  }
0x4c: {  	v0 =	vadd.f32 v0, v1  }
0x4d: {  	s11 =	sshra.s32 s26, $0x2  }
0x4e: {  	[tilespmem:s15+$0xFFFFFFC0] =	vst v0;
	v0 =	vld [tilespmem:s15+$0xFFFFFFD0]  }
0x4f: {  	v1 =	vld [tilespmem:s14+$0xFFFFFFD0]  }
0x50: {  	v2 =	vld [tilespmem:$0x4E30];
	_ =	sdelay $0x4  }
0x51: {  	v0 =	vadd.f32 v1, v0;
	v1 =	vmul.f32 s23, v2;
	_ =	sdelay $0x1  }
0x52: {  	v0 =	vadd.f32 v1, v0;
	_ =	sdelay $0x1  }
0x53: {  	[tilespmem:s15+$0xFFFFFFD0] =	vst v0;
	v0 =	vld [tilespmem:s15+$0xFFFFFFE0]  }
0x54: {  	v1 =	vld [tilespmem:s14+$0xFFFFFFE0]  }
0x55: {  	v2 =	vld [tilespmem:$0x4E40];
	_ =	sdelay $0x4  }
0x56: {  	v0 =	vadd.f32 v1, v0;
	v1 =	vmul.f32 s23, v2;
	_ =	sdelay $0x1  }
0x57: {  	v0 =	vadd.f32 v1, v0;
	_ =	sdelay $0x1  }
0x58: {  	[tilespmem:s15+$0xFFFFFFE0] =	vst v0;
	v0 =	vld [tilespmem:s15+$0xFFFFFFF0]  }
0x59: {  	v1 =	vld [tilespmem:s14+$0xFFFFFFF0]  }
0x5a: {  	v2 =	vld [tilespmem:$0x4E50];
	_ =	sdelay $0x3  }
0x5b: {  	v0 =	vadd.f32 v1, v0  }
0x5c: {  	v1 =	vmul.f32 s23, v2;
	_ =	sdelay $0x1  }
0x5d: {  	v0 =	vadd.f32 v1, v0;
	_ =	sdelay $0x1  }
0x5e: {  	[tilespmem:s15+$0xFFFFFFF0] =	vst v0;
	v0 =	vld [tilespmem:s15+$0x0]  }
0x5f: {  	v1 =	vld [tilespmem:s14+$0x0]  }
0x60: {  	v2 =	vld [tilespmem:$0x4E60];
	_ =	sdelay $0x3  }
0x61: {  	v0 =	vadd.f32 v1, v0  }
0x62: {  	v1 =	vmul.f32 s23, v2;
	_ =	sdelay $0x1  }
0x63: {  	v0 =	vadd.f32 v1, v0;
	_ =	sdelay $0x1  }
0x64: {  	[tilespmem:s15+$0x0] =	vst v0;
	v0 =	vld [tilespmem:s15+$0x10]  }
0x65: {  	v1 =	vld [tilespmem:s14+$0x10]  }
0x66: {  	v2 =	vld [tilespmem:$0x4E70];
	_ =	sdelay $0x4  }
0x67: {  	v0 =	vadd.f32 v1, v0;
	v1 =	vmul.f32 s23, v2;
	_ =	sdelay $0x1  }
0x68: {  	v0 =	vadd.f32 v1, v0;
	_ =	sdelay $0x1  }
0x69: {  	[tilespmem:s15+$0x10] =	vst v0;
	v0 =	vld [tilespmem:s15+$0x20]  }
0x6a: {  	v1 =	vld [tilespmem:s14+$0x20]  }
0x6b: {  	v2 =	vld [tilespmem:$0x4E80];
	_ =	sdelay $0x3  }
0x6c: {  	v0 =	vadd.f32 v1, v0  }
0x6d: {  	v1 =	vmul.f32 s23, v2;
	_ =	sdelay $0x1  }
0x6e: {  	v0 =	vadd.f32 v1, v0;
	_ =	sdelay $0x1  }
0x6f: {  	[tilespmem:s15+$0x20] =	vst v0;
	v0 =	vld [tilespmem:s15+$0x30]  }
0x70: {  	v1 =	vld [tilespmem:$0x4E90]  }
0x71: {  	v2 =	vld [tilespmem:s14+$0x30];
	s14 =	smov.u32 s18;
	_ =	sdelay $0x3  }
0x72: {  	v1 =	vmul.f32 s23, v1  }
0x73: {  	v0 =	vadd.f32 v2, v0;
	_ =	sdelay $0x1  }
0x74: {  	v0 =	vadd.f32 v1, v0;
	_ =	sdelay $0x1  }
0x75: {  	[tilespmem:s15+$0x30] =	vst v0;
	s15 =	smov.u32 s10  }
0x76: {  	v0 =	vld [tilespmem:s11+$0xCEA0]  }
0x77: {  	v1 =	vld [tilespmem:s11+$0xD6A0];
	_ =	sdelay $0x4  }
0x78: {  	v0 =	vsub.f32 v0, v1;
	_ =	sdelay $0x1  }
0x79: {  	[tilespmem:s11+$0xCEA0] =	vst v0;
	v0 =	vmul.f32 v0, v0;
	_ =	sdelay $0x1  }
0x7a: {  	(v2sf) =	vpush v0, $0x0  }
0x7b: {  	(v2sf) =	vpush v0, $0x1;
	_ =	sdelay $0x1  }
0x7c: {  	(v2sf) =	vpush v0, $0x2;
	_ =	sdelay $0x6  }
.Ltmp0:
0x7d: {  	(pc) =	sbr.rel @p0 .LBB2_3-.Ltmp0, $2  }
0x7e: {  	_ =	sdelay $0x2  }
0x7f: {  	v0 =	vld [tilespmem:$0x4E20]  }
0x80: {  	v1 =	vld [tilespmem:s14+$0xFFFFFFC0];
	s10 =	spop (v2sf)  }
0x81: {  	v2 =	vld [tilespmem:s15+$0xFFFFFFC0];
	s11 =	spop (v2sf)  }
0x82: {  	s10 =	sadd.f32 s11, s10  }
0x83: {  	s17 =	spop (v2sf)  }
0x84: {  	s10 =	sadd.f32 s10, s17;
	_ =	sdelay $0x1  }
0x85: {  	v1 =	vadd.f32 v1, v2;
	v0 =	vmul.f32 s10, v0;
	_ =	sdelay $0x1  }
0x86: {  	v0 =	vadd.f32 v0, v1;
	_ =	sdelay $0x1  }
0x87: {  	[tilespmem:s15+$0xFFFFFFC0] =	vst v0;
	v0 =	vld [tilespmem:s15+$0xFFFFFFD0]  }
0x88: {  	v1 =	vld [tilespmem:s14+$0xFFFFFFD0]  }
0x89: {  	v2 =	vld [tilespmem:$0x4E30];
	_ =	sdelay $0x4  }
0x8a: {  	v0 =	vadd.f32 v1, v0;
	v1 =	vmul.f32 s10, v2;
	_ =	sdelay $0x1  }
0x8b: {  	v0 =	vadd.f32 v1, v0;
	_ =	sdelay $0x1  }
0x8c: {  	[tilespmem:s15+$0xFFFFFFD0] =	vst v0;
	v0 =	vld [tilespmem:s15+$0xFFFFFFE0]  }
0x8d: {  	v1 =	vld [tilespmem:s14+$0xFFFFFFE0]  }
0x8e: {  	v2 =	vld [tilespmem:$0x4E40];
	_ =	sdelay $0x4  }
0x8f: {  	v0 =	vadd.f32 v1, v0;
	v1 =	vmul.f32 s10, v2;
	_ =	sdelay $0x1  }
0x90: {  	v0 =	vadd.f32 v1, v0;
	_ =	sdelay $0x1  }
0x91: {  	[tilespmem:s15+$0xFFFFFFE0] =	vst v0;
	v0 =	vld [tilespmem:s15+$0xFFFFFFF0]  }
0x92: {  	v1 =	vld [tilespmem:s14+$0xFFFFFFF0]  }
0x93: {  	v2 =	vld [tilespmem:$0x4E50];
	_ =	sdelay $0x4  }
0x94: {  	v0 =	vadd.f32 v1, v0;
	v1 =	vmul.f32 s10, v2;
	_ =	sdelay $0x1  }
0x95: {  	v0 =	vadd.f32 v1, v0;
	_ =	sdelay $0x1  }
0x96: {  	[tilespmem:s15+$0xFFFFFFF0] =	vst v0;
	v0 =	vld [tilespmem:s15+$0x0]  }
0x97: {  	v1 =	vld [tilespmem:s14+$0x0]  }
0x98: {  	v2 =	vld [tilespmem:$0x4E60];
	_ =	sdelay $0x4  }
0x99: {  	v0 =	vadd.f32 v1, v0;
	v1 =	vmul.f32 s10, v2;
	_ =	sdelay $0x1  }
0x9a: {  	v0 =	vadd.f32 v1, v0;
	_ =	sdelay $0x1  }
0x9b: {  	[tilespmem:s15+$0x0] =	vst v0;
	v0 =	vld [tilespmem:s15+$0x10]  }
0x9c: {  	v1 =	vld [tilespmem:s14+$0x10]  }
0x9d: {  	v2 =	vld [tilespmem:$0x4E70];
	_ =	sdelay $0x4  }
0x9e: {  	v0 =	vadd.f32 v1, v0;
	v1 =	vmul.f32 s10, v2;
	_ =	sdelay $0x1  }
0x9f: {  	v0 =	vadd.f32 v1, v0;
	_ =	sdelay $0x1  }
0xa0: {  	[tilespmem:s15+$0x10] =	vst v0;
	v0 =	vld [tilespmem:s15+$0x20]  }
0xa1: {  	v1 =	vld [tilespmem:s14+$0x20]  }
0xa2: {  	v2 =	vld [tilespmem:$0x4E80];
	_ =	sdelay $0x4  }
0xa3: {  	v0 =	vadd.f32 v1, v0;
	v1 =	vmul.f32 s10, v2;
	_ =	sdelay $0x1  }
0xa4: {  	v0 =	vadd.f32 v1, v0;
	_ =	sdelay $0x1  }
0xa5: {  	[tilespmem:s15+$0x20] =	vst v0;
	v0 =	vld [tilespmem:s15+$0x30]  }
0xa6: {  	v1 =	vld [tilespmem:$0x4E90]  }
0xa7: {  	v2 =	vld [tilespmem:s14+$0x30];
	_ =	sdelay $0x4  }
0xa8: {  	s14 =	smul.u32 $0x180, s13;
	v1 =	vmul.f32 s10, v1;
	v0 =	vadd.f32 v2, v0;
	_ =	sdelay $0x1  }
0xa9: {  	s18 =	sadd.s32 s3, s14;
	v0 =	vadd.f32 v1, v0  }
0xaa: {  	s23 =	sshll.u32 s18, $0x4  }
0xab: {  	s11 =	sadd.s32 s8, s23;
	s10 =	sshll.u32 s18, $0x1;
	[tilespmem:s15+$0x30] =	vst v0  }
0xac: {  	[hbm4b:s11+s2] =	stream.linear.scatter [tilespmem:s20], [sflag:$0x4], $0x4000, $0x38;
	[tilespmem:$0x1FEA0] =	vst v63  }
0xad: {  	p0 =	seq.s32 s13, $0x0;
	s10 =	sadd.s32 s9, s10  }
0xae: {  	[hbm4b:s10+s2] =	stream.linear.scatter [tilespmem:s22], [sflag:$0x4], $0x800, $0x38;
	[tilespmem:$0x1FEA0] =	vst v63  }
0xaf: {  	s10 =	simm.s32 @!p0 $0x6  }
0xb0: {  	_ =	swait.ge @!p0 [sflag:s10], $0x4000  }
0xb1: {  	[sflag:s10] =	ssyncset.done @!p0 $0x0  }
0xb2: {  	[sflag:s10] =	ssyncadd.s32 @!p0 $0xFFFFC000  }
0xb3: {  	_ =	swait.ge @!p0 [sflag:s10], $0x800  }
0xb4: {  	[sflag:s10] =	ssyncset.done @!p0 $0x0  }
0xb5: {  	s15 =	sadd.s32 $0x100, s14;
	[sflag:s10] =	ssyncadd.s32 @!p0 $0xFFFFF800  }
0xb6: {  	[tilespmem:s31], [sflag:$0x3] =	stream.indirect.gather [hbm4b:s4+s19], $0x80, s15, s19, $0xb8;
	[tilespmem:$0x1FEA0] =	vst v63  }
0xb7: {  	s0 =	simm.s32 $0x1AEA0;
	s26 =	sadd.s32 $0x2810, s14  }
0xb8: {  	[tilespmem:s0], [sflag:$0x3] =	stream.indirect.gather [hbm4b:s5+s19], $0x80, s26, s19, $0xb8;
	[tilespmem:$0x1FEA0] =	vst v63  }
0xb9: {  	_ = 	snop  }
0xba: {  	[tilespmem:s1], [sflag:$0x3] =	stream.indirect.gather [hbm4b:s6+s19], $0x10, s15, s19, $0xb8;
	[tilespmem:$0x1FEA0] =	vst v63  }
0xbb: {  	_ = 	snop  }
0xbc: {  	[tilespmem:s16], [sflag:$0x3] =	stream.indirect.gather [hbm4b:s6+s19], $0x10, s26, s19, $0xb8;
	[tilespmem:$0x1FEA0] =	vst v63  }
0xbd: {  	_ =	swait.ge [sflag:s21], $0x4000  }
0xbe: {  	[sflag:s21] =	ssyncset.done $0x0  }
0xbf: {  	[sflag:s21] =	ssyncadd.s32 $0xFFFFC000  }
0xc0: {  	_ =	swait.ge [sflag:s21], $0x4000  }
0xc1: {  	[sflag:s21] =	ssyncset.done $0x0  }
0xc2: {  	[sflag:s21] =	ssyncadd.s32 $0xFFFFC000  }
0xc3: {  	_ =	swait.ge [sflag:s21], $0x800  }
0xc4: {  	[sflag:s21] =	ssyncset.done $0x0  }
0xc5: {  	[sflag:s21] =	ssyncadd.s32 $0xFFFFF800  }
0xc6: {  	_ =	swait.ge [sflag:s21], $0x800  }
0xc7: {  	[sflag:s21] =	ssyncset.done $0x0  }
0xc8: {  	s29 =	simm.s32 $0x0;
	[sflag:s21] =	ssyncadd.s32 $0xFFFFF800  }
0xc9: {  	v0 =	vld [tilespmem:s29+$0x15EA0]  }
0xca: {  	v1 =	vld [tilespmem:s29+$0x166A0];
	_ =	sdelay $0x4  }
0xcb: {  	v0 =	vsub.f32 v0, v1;
	_ =	sdelay $0x1  }
0xcc: {  	v1 =	vmul.f32 v0, v0;
	_ =	sdelay $0x1  }
0xcd: {  	(v2sf) =	vpush v1, $0x0  }
0xce: {  	(v2sf) =	vpush v1, $0x1;
	_ =	sdelay $0x1  }
0xcf: {  	(v2sf) =	vpush v1, $0x2;
	_ =	sdelay $0x8  }
0xd0: {  	s17 =	simm.s32 $0xDEE0;
	s23 =	simm.s32 $0x40;
	[tilespmem:s29+$0x15EA0] =	vst v0  }
0xd1: {  	s18 =	simm.s32 $0x11EE0;
	s11 =	simm.s32 $0x11EE0;
	s10 =	simm.s32 $0xDEE0;
	v0 =	vld [tilespmem:$0x4E20]  }
.LBB2_5:
0xd2: {  	s11 =	sadd.s32 $0x80, s11  }
0xd3: {  	v1 =	vld [tilespmem:s18+$0xFFFFFFC0];
	s17 =	sadd.s32 $0x80, s17;
	s26 =	spop (v2sf);
	s0 =	smov.u32 s23  }
0xd4: {  	p0 =	sne.s32 s23, $0x1FC0;
	s23 =	sadd.s32 $0x40, s23;
	v2 =	vld [tilespmem:s10+$0xFFFFFFC0];
	s29 =	spop (v2sf)  }
0xd5: {  	s26 =	sadd.f32 s29, s26  }
0xd6: {  	s29 =	spop (v2sf)  }
0xd7: {  	s29 =	sadd.f32 s26, s29;
	_ =	sdelay $0x1  }
0xd8: {  	v1 =	vadd.f32 v1, v2;
	v0 =	vmul.f32 s29, v0;
	_ =	sdelay $0x1  }
0xd9: {  	v0 =	vadd.f32 v0, v1  }
0xda: {  	s26 =	sshra.s32 s0, $0x2  }
0xdb: {  	[tilespmem:s10+$0xFFFFFFC0] =	vst v0;
	v0 =	vld [tilespmem:s10+$0xFFFFFFD0]  }
0xdc: {  	v1 =	vld [tilespmem:s18+$0xFFFFFFD0]  }
0xdd: {  	v2 =	vld [tilespmem:$0x4E30];
	_ =	sdelay $0x4  }
0xde: {  	v0 =	vadd.f32 v1, v0;
	v1 =	vmul.f32 s29, v2;
	_ =	sdelay $0x1  }
0xdf: {  	v0 =	vadd.f32 v1, v0;
	_ =	sdelay $0x1  }
0xe0: {  	[tilespmem:s10+$0xFFFFFFD0] =	vst v0;
	v0 =	vld [tilespmem:s10+$0xFFFFFFE0]  }
0xe1: {  	v1 =	vld [tilespmem:s18+$0xFFFFFFE0]  }
0xe2: {  	v2 =	vld [tilespmem:$0x4E40];
	_ =	sdelay $0x4  }
0xe3: {  	v0 =	vadd.f32 v1, v0;
	v1 =	vmul.f32 s29, v2;
	_ =	sdelay $0x1  }
0xe4: {  	v0 =	vadd.f32 v1, v0;
	_ =	sdelay $0x1  }
0xe5: {  	[tilespmem:s10+$0xFFFFFFE0] =	vst v0;
	v0 =	vld [tilespmem:s10+$0xFFFFFFF0]  }
0xe6: {  	v1 =	vld [tilespmem:s18+$0xFFFFFFF0]  }
0xe7: {  	v2 =	vld [tilespmem:$0x4E50];
	_ =	sdelay $0x3  }
0xe8: {  	v0 =	vadd.f32 v1, v0  }
0xe9: {  	v1 =	vmul.f32 s29, v2;
	_ =	sdelay $0x1  }
0xea: {  	v0 =	vadd.f32 v1, v0;
	_ =	sdelay $0x1  }
0xeb: {  	[tilespmem:s10+$0xFFFFFFF0] =	vst v0;
	v0 =	vld [tilespmem:s10+$0x0]  }
0xec: {  	v1 =	vld [tilespmem:s18+$0x0]  }
0xed: {  	v2 =	vld [tilespmem:$0x4E60];
	_ =	sdelay $0x3  }
0xee: {  	v0 =	vadd.f32 v1, v0  }
0xef: {  	v1 =	vmul.f32 s29, v2;
	_ =	sdelay $0x1  }
0xf0: {  	v0 =	vadd.f32 v1, v0;
	_ =	sdelay $0x1  }
0xf1: {  	[tilespmem:s10+$0x0] =	vst v0;
	v0 =	vld [tilespmem:s10+$0x10]  }
0xf2: {  	v1 =	vld [tilespmem:s18+$0x10]  }
0xf3: {  	v2 =	vld [tilespmem:$0x4E70];
	_ =	sdelay $0x4  }
0xf4: {  	v0 =	vadd.f32 v1, v0;
	v1 =	vmul.f32 s29, v2;
	_ =	sdelay $0x1  }
0xf5: {  	v0 =	vadd.f32 v1, v0;
	_ =	sdelay $0x1  }
0xf6: {  	[tilespmem:s10+$0x10] =	vst v0;
	v0 =	vld [tilespmem:s10+$0x20]  }
0xf7: {  	v1 =	vld [tilespmem:s18+$0x20]  }
0xf8: {  	v2 =	vld [tilespmem:$0x4E80];
	_ =	sdelay $0x3  }
0xf9: {  	v0 =	vadd.f32 v1, v0  }
0xfa: {  	v1 =	vmul.f32 s29, v2;
	_ =	sdelay $0x1  }
0xfb: {  	v0 =	vadd.f32 v1, v0;
	_ =	sdelay $0x1  }
0xfc: {  	[tilespmem:s10+$0x20] =	vst v0;
	v0 =	vld [tilespmem:s10+$0x30]  }
0xfd: {  	v1 =	vld [tilespmem:$0x4E90]  }
0xfe: {  	v2 =	vld [tilespmem:s18+$0x30];
	s18 =	smov.u32 s11;
	_ =	sdelay $0x3  }
0xff: {  	v1 =	vmul.f32 s29, v1  }
0x100: {  	v0 =	vadd.f32 v2, v0;
	_ =	sdelay $0x1  }
0x101: {  	v0 =	vadd.f32 v1, v0;
	_ =	sdelay $0x1  }
0x102: {  	[tilespmem:s10+$0x30] =	vst v0;
	s10 =	smov.u32 s17  }
0x103: {  	v0 =	vld [tilespmem:s26+$0x15EA0]  }
0x104: {  	v1 =	vld [tilespmem:s26+$0x166A0];
	_ =	sdelay $0x4  }
0x105: {  	v0 =	vsub.f32 v0, v1;
	_ =	sdelay $0x1  }
0x106: {  	[tilespmem:s26+$0x15EA0] =	vst v0;
	v0 =	vmul.f32 v0, v0;
	_ =	sdelay $0x1  }
0x107: {  	(v2sf) =	vpush v0, $0x0  }
0x108: {  	(v2sf) =	vpush v0, $0x1;
	_ =	sdelay $0x1  }
0x109: {  	(v2sf) =	vpush v0, $0x2;
	_ =	sdelay $0x6  }
.Ltmp1:
0x10a: {  	(pc) =	sbr.rel @p0 .LBB2_5-.Ltmp1, $2  }
0x10b: {  	_ =	sdelay $0x2  }
0x10c: {  	v0 =	vld [tilespmem:$0x4E20]  }
0x10d: {  	v1 =	vld [tilespmem:s18+$0xFFFFFFC0];
	s0 =	spop (v2sf)  }
0x10e: {  	v2 =	vld [tilespmem:s10+$0xFFFFFFC0];
	s11 =	spop (v2sf)  }
0x10f: {  	s0 =	sadd.f32 s11, s0  }
0x110: {  	s17 =	spop (v2sf)  }
0x111: {  	s0 =	sadd.f32 s0, s17;
	_ =	sdelay $0x1  }
0x112: {  	v1 =	vadd.f32 v1, v2;
	v0 =	vmul.f32 s0, v0;
	_ =	sdelay $0x1  }
0x113: {  	v0 =	vadd.f32 v0, v1;
	_ =	sdelay $0x1  }
0x114: {  	[tilespmem:s10+$0xFFFFFFC0] =	vst v0;
	v0 =	vld [tilespmem:s10+$0xFFFFFFD0]  }
0x115: {  	v1 =	vld [tilespmem:s18+$0xFFFFFFD0]  }
0x116: {  	v2 =	vld [tilespmem:$0x4E30];
	_ =	sdelay $0x4  }
0x117: {  	v0 =	vadd.f32 v1, v0;
	v1 =	vmul.f32 s0, v2;
	_ =	sdelay $0x1  }
0x118: {  	v0 =	vadd.f32 v1, v0;
	_ =	sdelay $0x1  }
0x119: {  	[tilespmem:s10+$0xFFFFFFD0] =	vst v0;
	v0 =	vld [tilespmem:s10+$0xFFFFFFE0]  }
0x11a: {  	v1 =	vld [tilespmem:s18+$0xFFFFFFE0]  }
0x11b: {  	v2 =	vld [tilespmem:$0x4E40];
	_ =	sdelay $0x4  }
0x11c: {  	v0 =	vadd.f32 v1, v0;
	v1 =	vmul.f32 s0, v2;
	_ =	sdelay $0x1  }
0x11d: {  	v0 =	vadd.f32 v1, v0;
	_ =	sdelay $0x1  }
0x11e: {  	[tilespmem:s10+$0xFFFFFFE0] =	vst v0;
	v0 =	vld [tilespmem:s10+$0xFFFFFFF0]  }
0x11f: {  	v1 =	vld [tilespmem:s18+$0xFFFFFFF0]  }
0x120: {  	v2 =	vld [tilespmem:$0x4E50];
	_ =	sdelay $0x4  }
0x121: {  	v0 =	vadd.f32 v1, v0;
	v1 =	vmul.f32 s0, v2;
	_ =	sdelay $0x1  }
0x122: {  	v0 =	vadd.f32 v1, v0;
	_ =	sdelay $0x1  }
0x123: {  	[tilespmem:s10+$0xFFFFFFF0] =	vst v0;
	v0 =	vld [tilespmem:s10+$0x0]  }
0x124: {  	v1 =	vld [tilespmem:s18+$0x0]  }
0x125: {  	v2 =	vld [tilespmem:$0x4E60];
	_ =	sdelay $0x4  }
0x126: {  	v0 =	vadd.f32 v1, v0;
	v1 =	vmul.f32 s0, v2;
	_ =	sdelay $0x1  }
0x127: {  	v0 =	vadd.f32 v1, v0;
	_ =	sdelay $0x1  }
0x128: {  	[tilespmem:s10+$0x0] =	vst v0;
	v0 =	vld [tilespmem:s10+$0x10]  }
0x129: {  	v1 =	vld [tilespmem:s18+$0x10]  }
0x12a: {  	v2 =	vld [tilespmem:$0x4E70];
	_ =	sdelay $0x4  }
0x12b: {  	v0 =	vadd.f32 v1, v0;
	v1 =	vmul.f32 s0, v2;
	_ =	sdelay $0x1  }
0x12c: {  	v0 =	vadd.f32 v1, v0;
	_ =	sdelay $0x1  }
0x12d: {  	[tilespmem:s10+$0x10] =	vst v0;
	v0 =	vld [tilespmem:s10+$0x20]  }
0x12e: {  	v1 =	vld [tilespmem:s18+$0x20]  }
0x12f: {  	v2 =	vld [tilespmem:$0x4E80];
	_ =	sdelay $0x4  }
0x130: {  	v0 =	vadd.f32 v1, v0;
	v1 =	vmul.f32 s0, v2;
	_ =	sdelay $0x1  }
0x131: {  	v0 =	vadd.f32 v1, v0;
	_ =	sdelay $0x1  }
0x132: {  	[tilespmem:s10+$0x20] =	vst v0;
	v0 =	vld [tilespmem:s10+$0x30]  }
0x133: {  	v1 =	vld [tilespmem:$0x4E90]  }
0x134: {  	v2 =	vld [tilespmem:s18+$0x30];
	_ =	sdelay $0x4  }
0x135: {  	v1 =	vmul.f32 s0, v1;
	v0 =	vadd.f32 v2, v0  }
0x136: {  	s18 =	sadd.s32 s14, s12  }
0x137: {  	s23 =	sshll.u32 s18, $0x4;
	v0 =	vadd.f32 v1, v0  }
0x138: {  	s11 =	sand.u32 $0x1FFFFF00, s23;
	s0 =	sshll.u32 s18, $0x1  }
0x139: {  	s26 =	sadd.s32 s8, s11;
	s0 =	sand.u32 $0x1FFFFFE0, s0;
	[tilespmem:s10+$0x30] =	vst v0  }
0x13a: {  	[hbm4b:s26+s2] =	stream.linear.scatter [tilespmem:s24], [sflag:$0x5], $0x4000, $0x38;
	[tilespmem:$0x1FEA0] =	vst v63  }
0x13b: {  	p0 =	seq.s32 s13, $0x19;
	s0 =	sadd.s32 s9, s0  }
0x13c: {  	[hbm4b:s0+s2] =	stream.linear.scatter [tilespmem:s28], [sflag:$0x5], $0x800, $0x38;
	[tilespmem:$0x1FEA0] =	vst v63  }
0x13d: {  	s0 =	simm.s32 @!p0 $0x4  }
0x13e: {  	_ =	swait.ge @!p0 [sflag:s0], $0x4000  }
0x13f: {  	[sflag:s0] =	ssyncset.done @!p0 $0x0  }
0x140: {  	[sflag:s0] =	ssyncadd.s32 @!p0 $0xFFFFC000  }
0x141: {  	_ =	swait.ge @!p0 [sflag:s0], $0x800  }
0x142: {  	s11 =	simm.s32 @!p0 $0x4EA0;
	[sflag:s0] =	ssyncset.done @!p0 $0x0  }
0x143: {  	s10 =	simm.s32 @!p0 $0x80;
	[sflag:s0] =	ssyncadd.s32 @!p0 $0xFFFFF800;
	s0 =	sadd.s32 @!p0 $0x180, s14  }
0x144: {  	[tilespmem:s11], [sflag:$0x1] =	stream.indirect.gather @!p0 [hbm4b:s4+s10], $0x80, s0, s10, $0xb8;
	[tilespmem:$0x1FEA0] =	vst v63  }
0x145: {  	s17 =	simm.s32 @!p0 $0x8EA0;
	s11 =	sadd.s32 @!p0 $0x2890, s14  }
0x146: {  	[tilespmem:s17], [sflag:$0x1] =	stream.indirect.gather @!p0 [hbm4b:s5+s10], $0x80, s11, s10, $0xb8;
	[tilespmem:$0x1FEA0] =	vst v63  }
0x147: {  	s17 =	simm.s32 @!p0 $0xCEA0  }
0x148: {  	[tilespmem:s17], [sflag:$0x1] =	stream.indirect.gather @!p0 [hbm4b:s6+s10], $0x10, s0, s10, $0xb8;
	[tilespmem:$0x1FEA0] =	vst v63  }
0x149: {  	s0 =	simm.s32 @!p0 $0xD6A0  }
0x14a: {  	[tilespmem:s0], [sflag:$0x1] =	stream.indirect.gather @!p0 [hbm4b:s6+s10], $0x10, s11, s10, $0xb8;
	[tilespmem:$0x1FEA0] =	vst v63  }
0x14b: {  	_ =	swait.ge [sflag:s7], $0x4000  }
0x14c: {  	[sflag:s7] =	ssyncset.done $0x0  }
0x14d: {  	[sflag:s7] =	ssyncadd.s32 $0xFFFFC000  }
0x14e: {  	_ =	swait.ge [sflag:s7], $0x4000  }
0x14f: {  	[sflag:s7] =	ssyncset.done $0x0  }
0x150: {  	[sflag:s7] =	ssyncadd.s32 $0xFFFFC000  }
0x151: {  	_ =	swait.ge [sflag:s7], $0x800  }
0x152: {  	[sflag:s7] =	ssyncset.done $0x0  }
0x153: {  	[sflag:s7] =	ssyncadd.s32 $0xFFFFF800  }
0x154: {  	_ =	swait.ge [sflag:s7], $0x800  }
0x155: {  	[sflag:s7] =	ssyncset.done $0x0  }
0x156: {  	s29 =	simm.s32 $0x0;
	[sflag:s7] =	ssyncadd.s32 $0xFFFFF800  }
0x157: {  	v0 =	vld [tilespmem:s29+$0x1EEA0]  }
0x158: {  	v1 =	vld [tilespmem:s29+$0x1F6A0];
	_ =	sdelay $0x4  }
0x159: {  	v0 =	vsub.f32 v0, v1;
	_ =	sdelay $0x1  }
0x15a: {  	v1 =	vmul.f32 v0, v0;
	_ =	sdelay $0x1  }
0x15b: {  	(v2sf) =	vpush v1, $0x0  }
0x15c: {  	(v2sf) =	vpush v1, $0x1;
	_ =	sdelay $0x1  }
0x15d: {  	(v2sf) =	vpush v1, $0x2;
	_ =	sdelay $0x8  }
0x15e: {  	s23 =	simm.s32 $0x40;
	s18 =	simm.s32 $0x1AEE0;
	[tilespmem:s29+$0x1EEA0] =	vst v0  }
0x15f: {  	s17 =	simm.s32 $0x16EE0;
	s11 =	simm.s32 $0x1AEE0;
	s10 =	simm.s32 $0x16EE0;
	v0 =	vld [tilespmem:$0x4E20]  }
.LBB2_7:
0x160: {  	s11 =	sadd.s32 $0x80, s11  }
0x161: {  	v1 =	vld [tilespmem:s18+$0xFFFFFFC0];
	s17 =	sadd.s32 $0x80, s17;
	s0 =	spop (v2sf);
	s26 =	smov.u32 s23  }
0x162: {  	p1 =	sne.s32 s23, $0x1FC0;
	s23 =	sadd.s32 $0x40, s23;
	v2 =	vld [tilespmem:s10+$0xFFFFFFC0];
	s29 =	spop (v2sf)  }
0x163: {  	s0 =	sadd.f32 s29, s0  }
0x164: {  	s29 =	spop (v2sf)  }
0x165: {  	s29 =	sadd.f32 s0, s29;
	_ =	sdelay $0x1  }
0x166: {  	v1 =	vadd.f32 v1, v2;
	v0 =	vmul.f32 s29, v0;
	_ =	sdelay $0x1  }
0x167: {  	v0 =	vadd.f32 v0, v1  }
0x168: {  	s26 =	sshra.s32 s26, $0x2  }
0x169: {  	[tilespmem:s10+$0xFFFFFFC0] =	vst v0;
	v0 =	vld [tilespmem:s10+$0xFFFFFFD0]  }
0x16a: {  	v1 =	vld [tilespmem:s18+$0xFFFFFFD0]  }
0x16b: {  	v2 =	vld [tilespmem:$0x4E30];
	_ =	sdelay $0x4  }
0x16c: {  	v0 =	vadd.f32 v1, v0;
	v1 =	vmul.f32 s29, v2;
	_ =	sdelay $0x1  }
0x16d: {  	v0 =	vadd.f32 v1, v0;
	_ =	sdelay $0x1  }
0x16e: {  	[tilespmem:s10+$0xFFFFFFD0] =	vst v0;
	v0 =	vld [tilespmem:s10+$0xFFFFFFE0]  }
0x16f: {  	v1 =	vld [tilespmem:s18+$0xFFFFFFE0]  }
0x170: {  	v2 =	vld [tilespmem:$0x4E40];
	_ =	sdelay $0x4  }
0x171: {  	v0 =	vadd.f32 v1, v0;
	v1 =	vmul.f32 s29, v2;
	_ =	sdelay $0x1  }
0x172: {  	v0 =	vadd.f32 v1, v0;
	_ =	sdelay $0x1  }
0x173: {  	[tilespmem:s10+$0xFFFFFFE0] =	vst v0;
	v0 =	vld [tilespmem:s10+$0xFFFFFFF0]  }
0x174: {  	v1 =	vld [tilespmem:s18+$0xFFFFFFF0]  }
0x175: {  	v2 =	vld [tilespmem:$0x4E50];
	_ =	sdelay $0x3  }
0x176: {  	v0 =	vadd.f32 v1, v0  }
0x177: {  	v1 =	vmul.f32 s29, v2;
	_ =	sdelay $0x1  }
0x178: {  	v0 =	vadd.f32 v1, v0;
	_ =	sdelay $0x1  }
0x179: {  	[tilespmem:s10+$0xFFFFFFF0] =	vst v0;
	v0 =	vld [tilespmem:s10+$0x0]  }
0x17a: {  	v1 =	vld [tilespmem:s18+$0x0]  }
0x17b: {  	v2 =	vld [tilespmem:$0x4E60];
	_ =	sdelay $0x3  }
0x17c: {  	v0 =	vadd.f32 v1, v0  }
0x17d: {  	v1 =	vmul.f32 s29, v2;
	_ =	sdelay $0x1  }
0x17e: {  	v0 =	vadd.f32 v1, v0;
	_ =	sdelay $0x1  }
0x17f: {  	[tilespmem:s10+$0x0] =	vst v0;
	v0 =	vld [tilespmem:s10+$0x10]  }
0x180: {  	v1 =	vld [tilespmem:s18+$0x10]  }
0x181: {  	v2 =	vld [tilespmem:$0x4E70];
	_ =	sdelay $0x4  }
0x182: {  	v0 =	vadd.f32 v1, v0;
	v1 =	vmul.f32 s29, v2;
	_ =	sdelay $0x1  }
0x183: {  	v0 =	vadd.f32 v1, v0;
	_ =	sdelay $0x1  }
0x184: {  	[tilespmem:s10+$0x10] =	vst v0;
	v0 =	vld [tilespmem:s10+$0x20]  }
0x185: {  	v1 =	vld [tilespmem:s18+$0x20]  }
0x186: {  	v2 =	vld [tilespmem:$0x4E80];
	_ =	sdelay $0x3  }
0x187: {  	v0 =	vadd.f32 v1, v0  }
0x188: {  	v1 =	vmul.f32 s29, v2;
	_ =	sdelay $0x1  }
0x189: {  	v0 =	vadd.f32 v1, v0;
	_ =	sdelay $0x1  }
0x18a: {  	[tilespmem:s10+$0x20] =	vst v0;
	v0 =	vld [tilespmem:s10+$0x30]  }
0x18b: {  	v1 =	vld [tilespmem:$0x4E90]  }
0x18c: {  	v2 =	vld [tilespmem:s18+$0x30];
	s18 =	smov.u32 s11;
	_ =	sdelay $0x3  }
0x18d: {  	v1 =	vmul.f32 s29, v1  }
0x18e: {  	v0 =	vadd.f32 v2, v0;
	_ =	sdelay $0x1  }
0x18f: {  	v0 =	vadd.f32 v1, v0;
	_ =	sdelay $0x1  }
0x190: {  	[tilespmem:s10+$0x30] =	vst v0;
	s10 =	smov.u32 s17  }
0x191: {  	v0 =	vld [tilespmem:s26+$0x1EEA0]  }
0x192: {  	v1 =	vld [tilespmem:s26+$0x1F6A0];
	_ =	sdelay $0x4  }
0x193: {  	v0 =	vsub.f32 v0, v1;
	_ =	sdelay $0x1  }
0x194: {  	[tilespmem:s26+$0x1EEA0] =	vst v0;
	v0 =	vmul.f32 v0, v0;
	_ =	sdelay $0x1  }
0x195: {  	(v2sf) =	vpush v0, $0x0  }
0x196: {  	(v2sf) =	vpush v0, $0x1;
	_ =	sdelay $0x1  }
0x197: {  	(v2sf) =	vpush v0, $0x2;
	_ =	sdelay $0x6  }
.Ltmp2:
0x198: {  	(pc) =	sbr.rel @p1 .LBB2_7-.Ltmp2, $2  }
0x199: {  	_ =	sdelay $0x2  }
0x19a: {  	v0 =	vld [tilespmem:$0x4E20]  }
0x19b: {  	v1 =	vld [tilespmem:s18+$0xFFFFFFC0];
	s0 =	spop (v2sf)  }
0x19c: {  	v2 =	vld [tilespmem:s10+$0xFFFFFFC0];
	s11 =	spop (v2sf)  }
0x19d: {  	s0 =	sadd.f32 s11, s0  }
0x19e: {  	s17 =	spop (v2sf)  }
0x19f: {  	s0 =	sadd.f32 s0, s17;
	_ =	sdelay $0x1  }
0x1a0: {  	v1 =	vadd.f32 v1, v2;
	v0 =	vmul.f32 s0, v0;
	_ =	sdelay $0x1  }
0x1a1: {  	v0 =	vadd.f32 v0, v1;
	_ =	sdelay $0x1  }
0x1a2: {  	v37 =	vld [tilespmem:s10+$0xFFFFFFD0];
	[tilespmem:s10+$0xFFFFFFC0] =	vst v0  }
0x1a3: {  	v38 =	vld [tilespmem:s18+$0xFFFFFFD0]  }
0x1a4: {  	v39 =	vld [tilespmem:$0x4E30];
	_ =	sdelay $0x4  }
0x1a5: {  	v0 =	vadd.f32 v38, v37;
	v40 =	vmul.f32 s0, v39;
	_ =	sdelay $0x1  }
0x1a6: {  	v0 =	vadd.f32 v40, v0;
	_ =	sdelay $0x1  }
0x1a7: {  	v41 =	vld [tilespmem:s10+$0xFFFFFFE0];
	[tilespmem:s10+$0xFFFFFFD0] =	vst v0  }
0x1a8: {  	v42 =	vld [tilespmem:s18+$0xFFFFFFE0]  }
0x1a9: {  	v43 =	vld [tilespmem:$0x4E40];
	_ =	sdelay $0x4  }
0x1aa: {  	v0 =	vadd.f32 v42, v41;
	v44 =	vmul.f32 s0, v43;
	_ =	sdelay $0x1  }
0x1ab: {  	v0 =	vadd.f32 v44, v0;
	_ =	sdelay $0x1  }
0x1ac: {  	v45 =	vld [tilespmem:s10+$0xFFFFFFF0];
	[tilespmem:s10+$0xFFFFFFE0] =	vst v0  }
0x1ad: {  	v46 =	vld [tilespmem:s18+$0xFFFFFFF0]  }
0x1ae: {  	v47 =	vld [tilespmem:$0x4E50];
	_ =	sdelay $0x4  }
0x1af: {  	v0 =	vadd.f32 v46, v45;
	v48 =	vmul.f32 s0, v47;
	_ =	sdelay $0x1  }
0x1b0: {  	v0 =	vadd.f32 v48, v0;
	_ =	sdelay $0x1  }
0x1b1: {  	v49 =	vld [tilespmem:s10+$0x0];
	[tilespmem:s10+$0xFFFFFFF0] =	vst v0  }
0x1b2: {  	v50 =	vld [tilespmem:s18+$0x0]  }
0x1b3: {  	v51 =	vld [tilespmem:$0x4E60];
	_ =	sdelay $0x4  }
0x1b4: {  	v0 =	vadd.f32 v50, v49;
	v52 =	vmul.f32 s0, v51;
	_ =	sdelay $0x1  }
0x1b5: {  	v0 =	vadd.f32 v52, v0;
	_ =	sdelay $0x1  }
0x1b6: {  	v53 =	vld [tilespmem:s10+$0x10];
	[tilespmem:s10+$0x0] =	vst v0  }
0x1b7: {  	v54 =	vld [tilespmem:s18+$0x10]  }
0x1b8: {  	v55 =	vld [tilespmem:$0x4E70];
	_ =	sdelay $0x4  }
0x1b9: {  	v0 =	vadd.f32 v54, v53;
	v56 =	vmul.f32 s0, v55;
	_ =	sdelay $0x1  }
0x1ba: {  	v0 =	vadd.f32 v56, v0;
	_ =	sdelay $0x1  }
0x1bb: {  	v57 =	vld [tilespmem:s10+$0x20];
	[tilespmem:s10+$0x10] =	vst v0  }
0x1bc: {  	v58 =	vld [tilespmem:s18+$0x20]  }
0x1bd: {  	v59 =	vld [tilespmem:$0x4E80];
	_ =	sdelay $0x4  }
0x1be: {  	v0 =	vadd.f32 v58, v57;
	v60 =	vmul.f32 s0, v59;
	_ =	sdelay $0x1  }
0x1bf: {  	v0 =	vadd.f32 v60, v0;
	_ =	sdelay $0x1  }
0x1c0: {  	v61 =	vld [tilespmem:s10+$0x30];
	[tilespmem:s10+$0x20] =	vst v0  }
0x1c1: {  	v62 =	vld [tilespmem:$0x4E90]  }
0x1c2: {  	v63 =	vld [tilespmem:s18+$0x30];
	_ =	sdelay $0x4  }
0x1c3: {  	v1 =	vmul.f32 s0, v62;
	v0 =	vadd.f32 v63, v61  }
0x1c4: {  	s23 =	sadd.s32 s3, s15  }
0x1c5: {  	s26 =	sshll.u32 s23, $0x4;
	v0 =	vadd.f32 v1, v0  }
.Ltmp3:
0x1c6: {  	s11 =	sand.u32 $0x1FFFFF00, s26;
	s0 =	sshll.u32 s23, $0x1;
	(pc) =	sbr.rel @p0 .LBB2_10-.Ltmp3, $4  }
0x1c7: {  	s29 =	sadd.s32 s8, s11;
	s0 =	sand.u32 $0x1FFFFFE0, s0;
	[tilespmem:s10+$0x30] =	vst v0  }
0x1c8: {  	[hbm4b:s29+s2] =	stream.linear.scatter [tilespmem:s31], [sflag:$0x6], $0x4000, $0x38;
	[tilespmem:$0x1FEA0] =	vst v63  }
0x1c9: {  	s0 =	sadd.s32 s9, s0  }
0x1ca: {  	[hbm4b:s0+s2] =	stream.linear.scatter [tilespmem:s1], [sflag:$0x6], $0x800, $0x38;
	[tilespmem:$0x1FEA0] =	vst v63  }
0x1cb: {  	_ =	swait.ge [sflag:s25], $0x4000  }
0x1cc: {  	[sflag:s25] =	ssyncset.done $0x0  }
0x1cd: {  	[sflag:s25] =	ssyncadd.s32 $0xFFFFC000  }
0x1ce: {  	_ =	swait.ge [sflag:s25], $0x800  }
0x1cf: {  	[sflag:s25] =	ssyncset.done $0x0  }
0x1d0: {  	s0 =	sadd.s32 $0x200, s14;
	[sflag:s25] =	ssyncadd.s32 $0xFFFFF800  }
0x1d1: {  	[tilespmem:s24], [sflag:$0x2] =	stream.indirect.gather [hbm4b:s4+s19], $0x80, s0, s19, $0xb8;
	[tilespmem:$0x1FEA0] =	vst v63  }
0x1d2: {  	s10 =	sadd.s32 $0x2910, s14;
	s11 =	simm.s32 $0x11EA0  }
0x1d3: {  	[tilespmem:s11], [sflag:$0x2] =	stream.indirect.gather [hbm4b:s5+s19], $0x80, s10, s19, $0xb8;
	[tilespmem:$0x1FEA0] =	vst v63  }
.Ltmp4:
0x1d4: {  	_ = 	snop;
	(pc) =	sbr.rel .LBB2_2-.Ltmp4, $4  }
0x1d5: {  	_ = 	snop  }
0x1d6: {  	[tilespmem:s28], [sflag:$0x2] =	stream.indirect.gather [hbm4b:s6+s19], $0x10, s0, s19, $0xb8;
	[tilespmem:$0x1FEA0] =	vst v63  }
0x1d7: {  	s29 =	simm.s32 $0x166A0;
	s13 =	sadd.s32 $0x1, s13  }
0x1d8: {  	[tilespmem:s29], [sflag:$0x2] =	stream.indirect.gather [hbm4b:s6+s19], $0x10, s10, s19, $0xb8;
	[tilespmem:$0x1FEA0] =	vst v63  }
.LBB2_10:
0x1d9: {  	v0 =	vld [tilespmem:$0x2700]  }
0x1da: {  	s0 =	simm.s32 $0x4  }
0x1db: {  	v1 =	vld [tilespmem:$0x4E10];
	_ =	swait.ge [sflag:s0], $0x4000  }
0x1dc: {  	[sflag:s0] =	ssyncset.done $0x0  }
0x1dd: {  	[sflag:s0] =	ssyncadd.s32 $0xFFFFC000  }
0x1de: {  	_ =	swait.ge [sflag:s0], $0x800  }
0x1df: {  	[sflag:s0] =	ssyncset.done $0x0  }
0x1e0: {  	s18 =	simm.s32 $0x0;
	[sflag:s0] =	ssyncadd.s32 $0xFFFFF800  }
0x1e1: {  	[tilespmem:s20], [sflag:$0x1] =	stream.indirect_vreg.gather [hbm4b:s4+s18], $0x80, v0, vm0, $0xb8;
	[tilespmem:$0x1FEA0] =	vst v63  }
0x1e2: {  	s23 =	simm.s32 $0x8EA0  }
0x1e3: {  	[tilespmem:s23], [sflag:$0x1] =	stream.indirect_vreg.gather [hbm4b:s5+s18], $0x80, v1, vm0, $0xb8;
	[tilespmem:$0x1FEA0] =	vst v63  }
0x1e4: {  	_ = 	snop  }
0x1e5: {  	[tilespmem:s22], [sflag:$0x1] =	stream.indirect_vreg.gather [hbm4b:s6+s18], $0x10, v0, vm0, $0xb8;
	[tilespmem:$0x1FEA0] =	vst v63  }
0x1e6: {  	s26 =	simm.s32 $0xD6A0  }
0x1e7: {  	[tilespmem:s26], [sflag:$0x1] =	stream.indirect_vreg.gather [hbm4b:s6+s18], $0x10, v1, vm0, $0xb8;
	[tilespmem:$0x1FEA0] =	vst v63  }
0x1e8: {  	_ =	swait.ge [sflag:s30], $0x800  }
0x1e9: {  	[sflag:s30] =	ssyncset.done $0x0  }
0x1ea: {  	[sflag:s30] =	ssyncadd.s32 $0xFFFFF800  }
0x1eb: {  	_ =	swait.ge [sflag:s30], $0x800  }
0x1ec: {  	[sflag:s30] =	ssyncset.done $0x0  }
0x1ed: {  	[sflag:s30] =	ssyncadd.s32 $0xFFFFF800  }
0x1ee: {  	_ =	swait.ge [sflag:s30], $0x100  }
0x1ef: {  	[sflag:s30] =	ssyncset.done $0x0  }
0x1f0: {  	[sflag:s30] =	ssyncadd.s32 $0xFFFFFF00  }
0x1f1: {  	_ =	swait.ge [sflag:s30], $0x100  }
0x1f2: {  	[sflag:s30] =	ssyncset.done $0x0  }
0x1f3: {  	s29 =	simm.s32 $0x0;
	[sflag:s30] =	ssyncadd.s32 $0xFFFFFF00  }
0x1f4: {  	v0 =	vld [tilespmem:s29+$0xCEA0]  }
0x1f5: {  	v1 =	vld [tilespmem:s29+$0xD6A0];
	_ =	sdelay $0x4  }
0x1f6: {  	v0 =	vsub.f32 v0, v1;
	_ =	sdelay $0x1  }
0x1f7: {  	v1 =	vmul.f32 v0, v0;
	_ =	sdelay $0x1  }
0x1f8: {  	(v2sf) =	vpush v1, $0x0  }
0x1f9: {  	(v2sf) =	vpush v1, $0x1;
	_ =	sdelay $0x1  }
0x1fa: {  	(v2sf) =	vpush v1, $0x2;
	_ =	sdelay $0x8  }
0x1fb: {  	s13 =	simm.s32 $0x8EE0;
	s14 =	simm.s32 $0x4EE0;
	[tilespmem:s29+$0xCEA0] =	vst v0  }
0x1fc: {  	s15 =	simm.s32 $0x40;
	s11 =	simm.s32 $0x8EE0;
	s10 =	simm.s32 $0x4EE0;
	v0 =	vld [tilespmem:$0x4E20]  }
.LBB2_11:
0x1fd: {  	s11 =	sadd.s32 $0x80, s11  }
0x1fe: {  	v1 =	vld [tilespmem:s13+$0xFFFFFFC0];
	s14 =	sadd.s32 $0x80, s14;
	s0 =	spop (v2sf);
	s17 =	smov.u32 s15  }
0x1ff: {  	p0 =	sne.s32 s15, $0x3C0;
	s15 =	sadd.s32 $0x40, s15;
	v2 =	vld [tilespmem:s10+$0xFFFFFFC0];
	s18 =	spop (v2sf)  }
0x200: {  	s0 =	sadd.f32 s18, s0  }
0x201: {  	s18 =	spop (v2sf)  }
0x202: {  	s18 =	sadd.f32 s0, s18;
	_ =	sdelay $0x1  }
0x203: {  	v1 =	vadd.f32 v1, v2;
	v0 =	vmul.f32 s18, v0;
	_ =	sdelay $0x1  }
0x204: {  	v0 =	vadd.f32 v0, v1  }
0x205: {  	s17 =	sshra.s32 s17, $0x2  }
0x206: {  	[tilespmem:s10+$0xFFFFFFC0] =	vst v0;
	v0 =	vld [tilespmem:s10+$0xFFFFFFD0]  }
0x207: {  	v1 =	vld [tilespmem:s13+$0xFFFFFFD0]  }
0x208: {  	v2 =	vld [tilespmem:$0x4E30];
	_ =	sdelay $0x4  }
0x209: {  	v0 =	vadd.f32 v1, v0;
	v1 =	vmul.f32 s18, v2;
	_ =	sdelay $0x1  }
0x20a: {  	v0 =	vadd.f32 v1, v0;
	_ =	sdelay $0x1  }
0x20b: {  	[tilespmem:s10+$0xFFFFFFD0] =	vst v0;
	v0 =	vld [tilespmem:s10+$0xFFFFFFE0]  }
0x20c: {  	v1 =	vld [tilespmem:s13+$0xFFFFFFE0]  }
0x20d: {  	v2 =	vld [tilespmem:$0x4E40];
	_ =	sdelay $0x4  }
0x20e: {  	v0 =	vadd.f32 v1, v0;
	v1 =	vmul.f32 s18, v2;
	_ =	sdelay $0x1  }
0x20f: {  	v0 =	vadd.f32 v1, v0;
	_ =	sdelay $0x1  }
0x210: {  	[tilespmem:s10+$0xFFFFFFE0] =	vst v0;
	v0 =	vld [tilespmem:s10+$0xFFFFFFF0]  }
0x211: {  	v1 =	vld [tilespmem:s13+$0xFFFFFFF0]  }
0x212: {  	v2 =	vld [tilespmem:$0x4E50];
	_ =	sdelay $0x3  }
0x213: {  	v0 =	vadd.f32 v1, v0  }
0x214: {  	v1 =	vmul.f32 s18, v2;
	_ =	sdelay $0x1  }
0x215: {  	v0 =	vadd.f32 v1, v0;
	_ =	sdelay $0x1  }
0x216: {  	[tilespmem:s10+$0xFFFFFFF0] =	vst v0;
	v0 =	vld [tilespmem:s10+$0x0]  }
0x217: {  	v1 =	vld [tilespmem:s13+$0x0]  }
0x218: {  	v2 =	vld [tilespmem:$0x4E60];
	_ =	sdelay $0x3  }
0x219: {  	v0 =	vadd.f32 v1, v0  }
0x21a: {  	v1 =	vmul.f32 s18, v2;
	_ =	sdelay $0x1  }
0x21b: {  	v0 =	vadd.f32 v1, v0;
	_ =	sdelay $0x1  }
0x21c: {  	[tilespmem:s10+$0x0] =	vst v0;
	v0 =	vld [tilespmem:s10+$0x10]  }
0x21d: {  	v1 =	vld [tilespmem:s13+$0x10]  }
0x21e: {  	v2 =	vld [tilespmem:$0x4E70];
	_ =	sdelay $0x4  }
0x21f: {  	v0 =	vadd.f32 v1, v0;
	v1 =	vmul.f32 s18, v2;
	_ =	sdelay $0x1  }
0x220: {  	v0 =	vadd.f32 v1, v0;
	_ =	sdelay $0x1  }
0x221: {  	[tilespmem:s10+$0x10] =	vst v0;
	v0 =	vld [tilespmem:s10+$0x20]  }
0x222: {  	v1 =	vld [tilespmem:s13+$0x20]  }
0x223: {  	v2 =	vld [tilespmem:$0x4E80];
	_ =	sdelay $0x3  }
0x224: {  	v0 =	vadd.f32 v1, v0  }
0x225: {  	v1 =	vmul.f32 s18, v2;
	_ =	sdelay $0x1  }
0x226: {  	v0 =	vadd.f32 v1, v0;
	_ =	sdelay $0x1  }
0x227: {  	[tilespmem:s10+$0x20] =	vst v0;
	v0 =	vld [tilespmem:s10+$0x30]  }
0x228: {  	v1 =	vld [tilespmem:$0x4E90]  }
0x229: {  	v2 =	vld [tilespmem:s13+$0x30];
	s13 =	smov.u32 s11;
	_ =	sdelay $0x3  }
0x22a: {  	v1 =	vmul.f32 s18, v1  }
0x22b: {  	v0 =	vadd.f32 v2, v0;
	_ =	sdelay $0x1  }
0x22c: {  	v0 =	vadd.f32 v1, v0;
	_ =	sdelay $0x1  }
0x22d: {  	[tilespmem:s10+$0x30] =	vst v0;
	s10 =	smov.u32 s14  }
0x22e: {  	v0 =	vld [tilespmem:s17+$0xCEA0]  }
0x22f: {  	v1 =	vld [tilespmem:s17+$0xD6A0];
	_ =	sdelay $0x4  }
0x230: {  	v0 =	vsub.f32 v0, v1;
	_ =	sdelay $0x1  }
0x231: {  	[tilespmem:s17+$0xCEA0] =	vst v0;
	v0 =	vmul.f32 v0, v0;
	_ =	sdelay $0x1  }
0x232: {  	(v2sf) =	vpush v0, $0x0  }
0x233: {  	(v2sf) =	vpush v0, $0x1;
	_ =	sdelay $0x1  }
0x234: {  	(v2sf) =	vpush v0, $0x2;
	_ =	sdelay $0x6  }
.Ltmp5:
0x235: {  	(pc) =	sbr.rel @p0 .LBB2_11-.Ltmp5, $2  }
0x236: {  	_ =	sdelay $0x2  }
0x237: {  	v0 =	vld [tilespmem:$0x4E20]  }
0x238: {  	v1 =	vld [tilespmem:s13+$0xFFFFFFC0];
	s0 =	spop (v2sf)  }
0x239: {  	v2 =	vld [tilespmem:s10+$0xFFFFFFC0];
	s11 =	spop (v2sf)  }
0x23a: {  	s0 =	sadd.f32 s11, s0  }
0x23b: {  	s29 =	spop (v2sf)  }
0x23c: {  	s0 =	sadd.f32 s0, s29;
	_ =	sdelay $0x1  }
0x23d: {  	v1 =	vadd.f32 v1, v2;
	v0 =	vmul.f32 s0, v0;
	_ =	sdelay $0x1  }
0x23e: {  	v0 =	vadd.f32 v0, v1;
	_ =	sdelay $0x1  }
0x23f: {  	v37 =	vld [tilespmem:s10+$0xFFFFFFD0];
	[tilespmem:s10+$0xFFFFFFC0] =	vst v0  }
0x240: {  	v38 =	vld [tilespmem:s13+$0xFFFFFFD0]  }
0x241: {  	v39 =	vld [tilespmem:$0x4E30];
	_ =	sdelay $0x4  }
0x242: {  	v0 =	vadd.f32 v38, v37;
	v40 =	vmul.f32 s0, v39;
	_ =	sdelay $0x1  }
0x243: {  	v0 =	vadd.f32 v40, v0;
	_ =	sdelay $0x1  }
0x244: {  	v41 =	vld [tilespmem:s10+$0xFFFFFFE0];
	[tilespmem:s10+$0xFFFFFFD0] =	vst v0  }
0x245: {  	v42 =	vld [tilespmem:s13+$0xFFFFFFE0]  }
0x246: {  	v43 =	vld [tilespmem:$0x4E40];
	_ =	sdelay $0x4  }
0x247: {  	v0 =	vadd.f32 v42, v41;
	v44 =	vmul.f32 s0, v43;
	_ =	sdelay $0x1  }
0x248: {  	v0 =	vadd.f32 v44, v0;
	_ =	sdelay $0x1  }
0x249: {  	v45 =	vld [tilespmem:s10+$0xFFFFFFF0];
	[tilespmem:s10+$0xFFFFFFE0] =	vst v0  }
0x24a: {  	v46 =	vld [tilespmem:s13+$0xFFFFFFF0]  }
0x24b: {  	v47 =	vld [tilespmem:$0x4E50];
	_ =	sdelay $0x4  }
0x24c: {  	v0 =	vadd.f32 v46, v45;
	v48 =	vmul.f32 s0, v47;
	_ =	sdelay $0x1  }
0x24d: {  	v0 =	vadd.f32 v48, v0;
	_ =	sdelay $0x1  }
0x24e: {  	v49 =	vld [tilespmem:s10+$0x0];
	[tilespmem:s10+$0xFFFFFFF0] =	vst v0  }
0x24f: {  	v50 =	vld [tilespmem:s13+$0x0]  }
0x250: {  	v51 =	vld [tilespmem:$0x4E60];
	_ =	sdelay $0x4  }
0x251: {  	v0 =	vadd.f32 v50, v49;
	v52 =	vmul.f32 s0, v51;
	_ =	sdelay $0x1  }
0x252: {  	v0 =	vadd.f32 v52, v0;
	_ =	sdelay $0x1  }
0x253: {  	v53 =	vld [tilespmem:s10+$0x10];
	[tilespmem:s10+$0x0] =	vst v0  }
0x254: {  	v54 =	vld [tilespmem:s13+$0x10]  }
0x255: {  	v55 =	vld [tilespmem:$0x4E70];
	_ =	sdelay $0x4  }
0x256: {  	v0 =	vadd.f32 v54, v53;
	v56 =	vmul.f32 s0, v55;
	_ =	sdelay $0x1  }
0x257: {  	v0 =	vadd.f32 v56, v0;
	_ =	sdelay $0x1  }
0x258: {  	v57 =	vld [tilespmem:s10+$0x20];
	[tilespmem:s10+$0x10] =	vst v0  }
0x259: {  	v58 =	vld [tilespmem:s13+$0x20]  }
0x25a: {  	v59 =	vld [tilespmem:$0x4E80];
	_ =	sdelay $0x4  }
0x25b: {  	v0 =	vadd.f32 v58, v57;
	v60 =	vmul.f32 s0, v59;
	_ =	sdelay $0x1  }
0x25c: {  	v0 =	vadd.f32 v60, v0;
	_ =	sdelay $0x1  }
0x25d: {  	v61 =	vld [tilespmem:s10+$0x30];
	[tilespmem:s10+$0x20] =	vst v0  }
0x25e: {  	v62 =	vld [tilespmem:$0x4E90]  }
0x25f: {  	v63 =	vld [tilespmem:s13+$0x30];
	_ =	sdelay $0x4  }
0x260: {  	v1 =	vmul.f32 s0, v62;
	v0 =	vadd.f32 v63, v61;
	_ =	sdelay $0x1  }
0x261: {  	v0 =	vadd.f32 v1, v0;
	_ =	sdelay $0x1  }
0x262: {  	s13 =	rddreg [dreg:$0x5];
	[tilespmem:s10+$0x30] =	vst v0  }
0x263: {  	[hbm4b:s13+s2] =	stream.linear.scatter [tilespmem:s20], [sflag:$0x4], $0x800, $0x38;
	[tilespmem:$0x1FEA0] =	vst v63  }
0x264: {  	s14 =	rddreg [dreg:$0x6]  }
0x265: {  	[hbm4b:s14+s2] =	stream.linear.scatter [tilespmem:s22], [sflag:$0x4], $0x100, $0x38;
	[tilespmem:$0x1FEA0] =	vst v63  }
0x266: {  	_ =	swait.ge [sflag:s25], $0x4000  }
0x267: {  	[sflag:s25] =	ssyncset.done $0x0  }
0x268: {  	[sflag:s25] =	ssyncadd.s32 $0xFFFFC000  }
0x269: {  	_ =	swait.ge [sflag:s25], $0x800  }
0x26a: {  	[sflag:s25] =	ssyncset.done $0x0  }
0x26b: {  	s15 =	simm.s32 $0x6;
	[sflag:s25] =	ssyncadd.s32 $0xFFFFF800  }
0x26c: {  	_ =	swait.ge [sflag:s15], $0x4000  }
0x26d: {  	[sflag:s15] =	ssyncset.done $0x0  }
0x26e: {  	[sflag:s15] =	ssyncadd.s32 $0xFFFFC000  }
0x26f: {  	_ =	swait.ge [sflag:s15], $0x800  }
0x270: {  	[sflag:s15] =	ssyncset.done $0x0  }
0x271: {  	s17 =	simm.s32 $0x4;
	[sflag:s15] =	ssyncadd.s32 $0xFFFFF800  }
0x272: {  	_ =	swait.ge [sflag:s17], $0x800  }
0x273: {  	[sflag:s17] =	ssyncset.done $0x0  }
0x274: {  	[sflag:s17] =	ssyncadd.s32 $0xFFFFF800  }
0x275: {  	_ =	swait.ge [sflag:s17], $0x100  }
0x276: {  	s18 =	rddreg [dreg:$0x8]  }
0x277: {  	s29 =	rddreg [dreg:$0x7];
	s11 =	sadd.s32 $0x1, s18  }
0x278: {  	p0 =	sne.s32 s11, s29  }
.Ltmp6:
0x279: {  	_ = 	snop;
	(pc) =	sbr.rel @p0 .LBB2_1-.Ltmp6, $3  }
0x27a: {  	_ =	sdelay $0x1  }
0x27b: {  	[sflag:s17] =	ssyncset.done $0x0  }
0x27c: {  	[sflag:s17] =	ssyncadd.s32 $0xFFFFFF00  }
0x27d: {  	_ =	sfence.sel $0x180000  }
0x27e: {  	[bflag:$0x0] =	sbarrier.arrive $0xFFFF  }
0x27f: {  	_ =	strace $0x90000047  }
0x280: {  	s0 =	stileid.u32;
	[bflag:$0x2] =	sbarrier.arrive $0xFFFF  }
0x281: {  	p0 =	sne.s32 s0, $0x0;
	s0 =	rddreg [dreg:$0x1]  }
0x282: {  	s0 =	sadd.s32 @!p0 $0x100000, s0  }
0x283: {  	[sflag:s0] =	ssyncadd.tile.s32 @!p0 $0x1;
	_ =	shalt  }
.Lfunc_end2:
_tile_overlayer_lowered:
.L_overlay_start_2:
0x284: {  	(tag) =	ssettag $0x2  }
0x285: {  	s0 =	rddreg [dreg:$0x0];
	s2 =	stileid.u32  }
0x286: {  	s1 =	rddreg [dreg:$0x1];
	p0 =	sne.s32 s2, $0x0  }
0x287: {  	s3 =	rddreg [dreg:$0x2];
	[bflag:$0x3] =	sbarrier.arrive $0xFFFF;
	s2 =	simm.s32 @!p0 $0x1C07  }
0x288: {  	[timem:s3], [sflag:s2] =	dma.local @!p0 [hbm:s0], s1  }
0x289: {  	s0 =	simm.s32 @!p0 $0x7  }
0x28a: {  	_ =	swait.ge @!p0 [sflag:s0], s1  }
0x28b: {  	s1 =	ssub.s32 @!p0 $0x0, s1;
	[sflag:s0] =	ssyncset.done @!p0 $0x0  }
0x28c: {  	[sflag:s0] =	ssyncadd.s32 @!p0 s1  }
0x28d: {  	[bflag:$0x3] =	sbarrier.arrive $0xFFFF  }
0x28e: {  	_ =	shalt  }

</sc_bundles>
